<compile_context>
chip_gen: v7x
topology: tpu7x:2x2x1
jax: 0.10.2.dev20260603
libtpu: 0.0.44.dev20260713+nightly
codegen_flags: <defaults>
</compile_context>

<pallas_src>
import functools

import jax
import jax.numpy as jnp
from jax import lax
from jax.experimental import pallas as pl
from jax.experimental.pallas import tpu as pltpu
from jax.experimental.pallas import tpu_sc as plsc

B = 64
C = 384
H = 32
WD = 32
HW = 1024
E = 16
NSUB = 32
BATCHES_PER_SUB = B // NSUB
SLAB = WD * C
NCHUNK = BATCHES_PER_SUB * H
GROUPS = BATCHES_PER_SUB * C // 16
GPB = C // 16


def _bf16_rne(v):
    u = lax.bitcast_convert_type(v, jnp.uint32)
    u = (u + jnp.uint32(0x7FFF) + ((u >> jnp.uint32(16)) & jnp.uint32(1))) \
        & jnp.uint32(0xFFFF0000)
    return lax.bitcast_convert_type(u, jnp.float32)


def _recip_nw(d):
    r = 1.0 / d
    r = r * (2.0 - d * r)
    r = r * (2.0 - d * r)
    return r


def _rsqrt_nw(v):
    i = lax.bitcast_convert_type(v, jnp.int32)
    i = jnp.int32(0x5F3759DF) - (i >> 1)
    y = lax.bitcast_convert_type(i, jnp.float32)
    for _ in range(4):
        y = y * (1.5 - 0.5 * v * y * y)
    return y


def _sc_router(x_flat, wt_flat):
    mesh = plsc.VectorSubcoreMesh(core_axis_name="c", subcore_axis_name="s")
    f32 = jnp.float32
    i32 = jnp.int32

    out_type = (
        jax.ShapeDtypeStruct((B * E,), f32),
        jax.ShapeDtypeStruct((B * E,), f32),
        jax.ShapeDtypeStruct((B * E,), f32),
        jax.ShapeDtypeStruct((B * E,), i32),
        jax.ShapeDtypeStruct((NSUB * E,), f32),
    )
    scratch = [
        pltpu.VMEM((SLAB,), f32),
        pltpu.VMEM((SLAB,), f32),
        pltpu.VMEM((SLAB,), f32),
        pltpu.VMEM((SLAB,), f32),
        pltpu.VMEM((2 * C * E,), f32),
        pltpu.VMEM((GROUPS * 16,), f32),
        pltpu.VMEM((GROUPS * 16,), f32),
        pltpu.VMEM((BATCHES_PER_SUB * E,), f32),
        pltpu.VMEM((BATCHES_PER_SUB * E,), f32),
        pltpu.VMEM((BATCHES_PER_SUB * E,), f32),
        pltpu.VMEM((BATCHES_PER_SUB * E,), i32),
        pltpu.VMEM((E,), f32),
        pltpu.SemaphoreType.DMA,
        pltpu.SemaphoreType.DMA,
        pltpu.SemaphoreType.DMA,
        pltpu.SemaphoreType.DMA,
    ]

    @functools.partial(pl.kernel, out_type=out_type, mesh=mesh,
                       scratch_types=scratch,
                       compiler_params=pltpu.CompilerParams(
                           needs_layout_passes=False))
    def sck(x_hbm, wt_hbm, probs_o, logits_o, wts_o, idx_o, usage_o,
            buf0, buf1, buf2, buf3, wt_vm, accs, accq,
            ob_probs, ob_logits, ob_wts, ob_idx, ob_usage,
            sem0, sem1, sem2, sem3):
        wid = lax.axis_index("s") * 2 + lax.axis_index("c")
        base_elem = wid * NCHUNK * SLAB

        pltpu.sync_copy(wt_hbm, wt_vm)

        iota = lax.iota(i32, 16)
        zero = jnp.zeros((16,), f32)

        def start(k, buf, sem):
            src = x_hbm.at[pl.ds(base_elem + k * SLAB, SLAB)]
            pltpu.async_copy(src, buf, sem)

        def wait(k, buf, sem):
            src = x_hbm.at[pl.ds(base_elem + k * SLAB, SLAB)]
            pltpu.make_async_copy(src, buf, sem).wait()

        def zbody(g, carry):
            accs[pl.ds(g * 16, 16)] = zero
            accq[pl.ds(g * 16, 16)] = zero
            return carry

        lax.fori_loop(0, GROUPS, zbody, 0)

        def reduce_chunk(kc, buf, sem):
            wait(kc, buf, sem)
            roff = (kc // H) * C

            def cgbody(cg):
                cb = (cg // 8) * 1024 + (cg % 8) * 16
                off = roff + cg * 16
                s_ = [accs[pl.ds(off, 16)], zero, zero, zero]
                q_ = [accq[pl.ds(off, 16)], zero, zero, zero]
                n = 0
                for wt in range(WD // 8):
                    for ws in range(8):
                        v = buf[pl.ds(cb + wt * 3072 + ws * 128, 16)]
                        s_[n % 4] = s_[n % 4] + v
                        q_[n % 4] = q_[n % 4] + v * v
                        n += 1
                accs[pl.ds(off, 16)] = (s_[0] + s_[1]) + (s_[2] + s_[3])
                accq[pl.ds(off, 16)] = (q_[0] + q_[1]) + (q_[2] + q_[3])

            plsc.parallel_loop(0, GPB, 1, unroll=2)(cgbody)

            @pl.when(kc + 4 < NCHUNK)
            def _():
                start(kc + 4, buf, sem)

        start(0, buf0, sem0)
        start(1, buf1, sem1)
        start(2, buf2, sem2)
        start(3, buf3, sem3)

        bufs = (buf0, buf1, buf2, buf3)
        sems = (sem0, sem1, sem2, sem3)

        def chunk_quad(i, carry):
            for j in range(4):
                reduce_chunk(4 * i + j, bufs[j], sems[j])
            return carry

        lax.fori_loop(0, NCHUNK // 4, chunk_quad, 0)

        def statbody(g, carry):
            s = accs[pl.ds(g * 16, 16)]
            s2 = accq[pl.ds(g * 16, 16)]
            mean = s * (1.0 / HW)
            var = (s2 - s * s * (1.0 / HW)) * (1.0 / (HW - 1))
            vc = jnp.maximum(var, 1e-30)
            std = vc * _rsqrt_nw(vc)
            accs[pl.ds(g * 16, 16)] = _bf16_rne(mean)
            accq[pl.ds(g * 16, 16)] = _bf16_rne(std)
            return carry

        lax.fori_loop(0, GROUPS, statbody, 0)

        usage = jnp.zeros((16,), f32)
        for bl in range(BATCHES_PER_SUB):
            def p2body(kg, lins):
                base = (bl * GPB + kg) * 16
                mv = accs[pl.ds(base, 16)]
                sv = accq[pl.ds(base, 16)]
                lins = list(lins)
                for l in range(16):
                    cc = kg * 16 + l
                    wm = wt_vm[pl.ds(cc * E, E)]
                    ws = wt_vm[pl.ds((C + cc) * E, E)]
                    lins[l % 4] = lins[l % 4] + mv[l] * wm + sv[l] * ws
                return tuple(lins)

            lins = plsc.parallel_loop(0, GPB, 1, unroll=2,
                                      carry=(zero,) * 4)(p2body)
            lin = (lins[0] + lins[1]) + (lins[2] + lins[3])

            m1 = jnp.max(lin)
            e1 = jnp.exp(lin - m1)
            p1 = e1 * _recip_nw(zero + jnp.sum(e1))
            lg = jnp.clip(p1, -30.0, 30.0)
            m2 = jnp.max(lg)
            e2 = jnp.exp(lg - m2)
            p2 = e2 * _recip_nw(zero + jnp.sum(e2))
            v1 = jnp.max(p2)
            i1 = jnp.min(jnp.where(p2 == v1, iota, E))
            neg = jnp.where(iota == i1, -1e30, p2)
            v2 = jnp.max(neg)
            i2 = jnp.min(jnp.where(neg == v2, iota, E))
            den = v1 + v2 + 1e-6
            wnum = jnp.where(iota == 0, v1, jnp.where(iota == 1, v2, 0.0))
            wvec = wnum * _recip_nw(zero + den)

            ob_probs[pl.ds(bl * E, E)] = p2
            ob_logits[pl.ds(bl * E, E)] = lg
            ob_wts[pl.ds(bl * E, E)] = wvec
            ob_idx[pl.ds(bl * E, E)] = jnp.where(iota == 0, i1,
                                                 jnp.where(iota == 1, i2, 0))
            usage = usage + jnp.where(iota == i1, 1.0, 0.0) \
                          + jnp.where(iota == i2, 1.0, 0.0)

        ob_usage[...] = usage
        obase = wid * BATCHES_PER_SUB * E
        nout = BATCHES_PER_SUB * E
        pltpu.sync_copy(ob_probs, probs_o.at[pl.ds(obase, nout)])
        pltpu.sync_copy(ob_logits, logits_o.at[pl.ds(obase, nout)])
        pltpu.sync_copy(ob_wts, wts_o.at[pl.ds(obase, nout)])
        pltpu.sync_copy(ob_idx, idx_o.at[pl.ds(obase, nout)])
        pltpu.sync_copy(ob_usage, usage_o.at[pl.ds(wid * E, E)])

    return sck(x_flat, wt_flat)


@jax.jit
def kernel(x, W):
    xp = x.transpose(0, 2, 3, 1).reshape(B, H, WD // 8, 8, C // 128, 128)
    x_flat = xp.transpose(0, 1, 2, 4, 3, 5).reshape(-1)
    wt_flat = W.T.astype(jnp.bfloat16).astype(jnp.float32).reshape(-1)
    probs, logits, wts, idxo, usage = _sc_router(x_flat, wt_flat)
    probs = probs.reshape(B, E)
    logits = logits.reshape(B, E)
    ti = idxo.reshape(B, E)[:, :2]
    routing_weights = wts.reshape(B, E)[:, :2].reshape(B, 2, 1, 1)
    routing_indices = ti.reshape(B, 2, 1, 1)
    expert_usage = jnp.sum(usage.reshape(NSUB, E), axis=0) * (1.0 / (B * 2))
    return (routing_weights, routing_indices, probs, logits, ti, expert_usage)

# --- scband reference (transcript-rebuilt; emitter-appended) ---
"""Pipeline reference for scband-zero-cost-router-65180423685436 (READ-ONLY COPY).

The authoritative reference and input builder live on the scoring server;
editing this copy changes nothing except your own understanding.
"""

import jax, jax.numpy as jnp
import numpy as np

B, C, H, Wd = 64, 384, 32, 32
NUM_EXPERTS = 16
TOP_K = 2
TEMPERATURE = 1.0


def setup_inputs(seed: int = 0) -> dict:
    key = jax.random.key(seed)
    k1, k2 = jax.random.split(key)
    x = jax.random.normal(k1, (B, C, H, Wd), dtype=jnp.float32)
    # nn.Linear(2*C, num_experts, bias=False) with normal init std=0.01
    W = jax.random.normal(k2, (NUM_EXPERTS, 2 * C), dtype=jnp.float32) * 0.01
    return {"x": x, "W": W}


def reference(x, W):
    Bsz = x.shape[0]
    num_experts = W.shape[0]
    # feature-map statistics (torch.std uses unbiased estimator, ddof=1)
    mean = jnp.mean(x, axis=(2, 3))
    std = jnp.std(x, axis=(2, 3), ddof=1)
    stats = jnp.concatenate([mean, std], axis=1)  # [B, 2C]
    # nn.Sequential(Linear(no bias), Softmax(dim=1))
    lin = stats @ W.T
    router_out = jax.nn.softmax(lin, axis=1)
    router_logits = jnp.clip(router_out / TEMPERATURE, -30.0, 30.0)
    router_probs = jax.nn.softmax(router_logits, axis=1)
    topk_probs, topk_indices = jax.lax.top_k(router_probs, TOP_K)
    topk_probs = topk_probs / (jnp.sum(topk_probs, axis=1, keepdims=True) + 1e-06)
    routing_weights = topk_probs.reshape(Bsz, TOP_K, 1, 1)
    routing_indices = topk_indices.reshape(Bsz, TOP_K, 1, 1)
    # expert usage via scatter-add
    flat_idx = topk_indices.reshape(-1)
    expert_usage = jnp.zeros((num_experts,), dtype=jnp.float32).at[flat_idx].add(
        jnp.ones_like(flat_idx, dtype=jnp.float32)
    )
    expert_usage = expert_usage / (Bsz * TOP_K)
    return (routing_weights, routing_indices, router_probs, router_logits, topk_indices, expert_usage)

if __name__ == "__main__":
    import jax
    _d = setup_inputs()
    print(jax.jit(kernel)(*tuple(_d.values())))

</pallas_src>

<mosaic_0001>
#map = affine_map<(d0, d1) -> (0)>
module attributes {stable_mosaic.version = 14 : i64} {
  func.func @sck(%arg0: i32, %arg1: i32, %arg2: memref<25165824xf32, #tpu.memory_space<hbm>>, %arg3: memref<12288xf32, #tpu.memory_space<hbm>>, %arg4: memref<1024xf32, #tpu.memory_space<hbm>>, %arg5: memref<1024xf32, #tpu.memory_space<hbm>>, %arg6: memref<1024xf32, #tpu.memory_space<hbm>>, %arg7: memref<1024xi32, #tpu.memory_space<hbm>>, %arg8: memref<512xf32, #tpu.memory_space<hbm>>, %arg9: memref<12288xf32, #tpu.memory_space<vmem>>, %arg10: memref<12288xf32, #tpu.memory_space<vmem>>, %arg11: memref<12288xf32, #tpu.memory_space<vmem>>, %arg12: memref<12288xf32, #tpu.memory_space<vmem>>, %arg13: memref<12288xf32, #tpu.memory_space<vmem>>, %arg14: memref<768xf32, #tpu.memory_space<vmem>>, %arg15: memref<768xf32, #tpu.memory_space<vmem>>, %arg16: memref<32xf32, #tpu.memory_space<vmem>>, %arg17: memref<32xf32, #tpu.memory_space<vmem>>, %arg18: memref<32xf32, #tpu.memory_space<vmem>>, %arg19: memref<32xi32, #tpu.memory_space<vmem>>, %arg20: memref<16xf32, #tpu.memory_space<vmem>>, %arg21: memref<!tpu.dma_semaphore, #tpu.memory_space<semaphore_mem>>, %arg22: memref<!tpu.dma_semaphore, #tpu.memory_space<semaphore_mem>>, %arg23: memref<!tpu.dma_semaphore, #tpu.memory_space<semaphore_mem>>, %arg24: memref<!tpu.dma_semaphore, #tpu.memory_space<semaphore_mem>>) attributes {dimension_semantics = [#tpu.dimension_semantics<core_parallel>, #tpu.dimension_semantics<subcore_parallel>], iteration_bounds = array<i64: 2, 16>, scalar_prefetch = 0 : i64, scratch_operands = 16 : i64, tpu.core_type = #tpu.core_type<sc_vector_subcore>, window_params = [{transform_indices = #map}, {transform_indices = #map}, {transform_indices = #map}, {transform_indices = #map}, {transform_indices = #map}, {transform_indices = #map}, {transform_indices = #map}]} {
    %mul3A = arith.constant 2 : i32
    %mul3A_0 = arith.muli %arg1, %mul3A : i32
    %add3A = arith.addi %mul3A_0, %arg0 : i32
    %mul3A_1 = arith.constant 64 : i32
    %mul3A_2 = arith.muli %add3A, %mul3A_1 : i32
    %mul3A_3 = arith.constant 12288 : i32
    %mul3A_4 = arith.muli %mul3A_2, %mul3A_3 : i32
    "tpu.region"() ({
      %run_scoped3A = tpu.sem_alloc : memref<!tpu.dma_semaphore, #tpu.memory_space<semaphore_mem>>
      tpu.enqueue_dma source(%arg3 : memref<12288xf32, #tpu.memory_space<hbm>>) target(%arg13 : memref<12288xf32, #tpu.memory_space<vmem>>) target_semaphore(%run_scoped3A : memref<!tpu.dma_semaphore, #tpu.memory_space<semaphore_mem>>)
      tpu.wait_dma2 semaphore(%run_scoped3A : memref<!tpu.dma_semaphore, #tpu.memory_space<semaphore_mem>>) src(%arg3 : memref<12288xf32, #tpu.memory_space<hbm>>) dst(%arg13 : memref<12288xf32, #tpu.memory_space<vmem>>)
      tpu.yield
    }) : () -> ()
    %iota3A = tpu.iota {dimensions = array<i32: 0>} : vector<16xi32>
    %broadcast_in_dim3A = arith.constant 0.000000e+00 : f32
    %broadcast_in_dim3A_5 = vector.broadcast %broadcast_in_dim3A : f32 to vector<16xf32>
    %scan3A = arith.constant 0 : i32
    %scan3A_6 = arith.constant 0 : i32
    %scan3A_7 = arith.constant 48 : i32
    %scan3A_8 = arith.addi %scan3A_6, %scan3A_7 : i32
    %scan3A_9 = arith.constant 1 : i32
    scf.for %scan3A_381 = %scan3A_6 to %scan3A_8 step %scan3A_9  : i32 {
      %mul3A_382 = arith.constant 16 : i32
      %mul3A_383 = arith.muli %scan3A_381, %mul3A_382 : i32
      %swap3A_384 = arith.index_cast %mul3A_383 : i32 to index
      %swap3A_385 = tpu.vector_load %arg14[%swap3A_384] {strides = array<i32>} : memref<768xf32, #tpu.memory_space<vmem>>, vector<16xf32>,
      tpu.vector_store %arg14[%swap3A_384], %broadcast_in_dim3A_5 {strides = array<i32>} : memref<768xf32, #tpu.memory_space<vmem>>, vector<16xf32>,
      %mul3A_386 = arith.constant 16 : i32
      %mul3A_387 = arith.muli %scan3A_381, %mul3A_386 : i32
      %swap3A_388 = arith.index_cast %mul3A_387 : i32 to index
      %swap3A_389 = tpu.vector_load %arg15[%swap3A_388] {strides = array<i32>} : memref<768xf32, #tpu.memory_space<vmem>>, vector<16xf32>,
      tpu.vector_store %arg15[%swap3A_388], %broadcast_in_dim3A_5 {strides = array<i32>} : memref<768xf32, #tpu.memory_space<vmem>>, vector<16xf32>,
    }
    %scan3A_10 = arith.constant 48 : i32
    %add3A_11 = arith.constant 0 : i32
    %add3A_12 = arith.addi %mul3A_4, %add3A_11 : i32
    %dma_start3A = tpu.memref_slice %arg2[%add3A_12] : memref<25165824xf32, #tpu.memory_space<hbm>> -> memref<12288xf32, #tpu.memory_space<hbm>>
    %dma_start3A_13 = tpu.memref_slice %arg2[%add3A_12] : memref<25165824xf32, #tpu.memory_space<hbm>> -> memref<12288xf32, #tpu.memory_space<hbm>>
    tpu.enqueue_dma source(%dma_start3A_13 : memref<12288xf32, #tpu.memory_space<hbm>>) target(%arg9 : memref<12288xf32, #tpu.memory_space<vmem>>) target_semaphore(%arg21 : memref<!tpu.dma_semaphore, #tpu.memory_space<semaphore_mem>>)
    %add3A_14 = arith.constant 12288 : i32
    %add3A_15 = arith.addi %mul3A_4, %add3A_14 : i32
    %dma_start3A_16 = tpu.memref_slice %arg2[%add3A_15] : memref<25165824xf32, #tpu.memory_space<hbm>> -> memref<12288xf32, #tpu.memory_space<hbm>>
    %dma_start3A_17 = tpu.memref_slice %arg2[%add3A_15] : memref<25165824xf32, #tpu.memory_space<hbm>> -> memref<12288xf32, #tpu.memory_space<hbm>>
    tpu.enqueue_dma source(%dma_start3A_17 : memref<12288xf32, #tpu.memory_space<hbm>>) target(%arg10 : memref<12288xf32, #tpu.memory_space<vmem>>) target_semaphore(%arg22 : memref<!tpu.dma_semaphore, #tpu.memory_space<semaphore_mem>>)
    %add3A_18 = arith.constant 24576 : i32
    %add3A_19 = arith.addi %mul3A_4, %add3A_18 : i32
    %dma_start3A_20 = tpu.memref_slice %arg2[%add3A_19] : memref<25165824xf32, #tpu.memory_space<hbm>> -> memref<12288xf32, #tpu.memory_space<hbm>>
    %dma_start3A_21 = tpu.memref_slice %arg2[%add3A_19] : memref<25165824xf32, #tpu.memory_space<hbm>> -> memref<12288xf32, #tpu.memory_space<hbm>>
    tpu.enqueue_dma source(%dma_start3A_21 : memref<12288xf32, #tpu.memory_space<hbm>>) target(%arg11 : memref<12288xf32, #tpu.memory_space<vmem>>) target_semaphore(%arg23 : memref<!tpu.dma_semaphore, #tpu.memory_space<semaphore_mem>>)
    %add3A_22 = arith.constant 36864 : i32
    %add3A_23 = arith.addi %mul3A_4, %add3A_22 : i32
    %dma_start3A_24 = tpu.memref_slice %arg2[%add3A_23] : memref<25165824xf32, #tpu.memory_space<hbm>> -> memref<12288xf32, #tpu.memory_space<hbm>>
    %dma_start3A_25 = tpu.memref_slice %arg2[%add3A_23] : memref<25165824xf32, #tpu.memory_space<hbm>> -> memref<12288xf32, #tpu.memory_space<hbm>>
    tpu.enqueue_dma source(%dma_start3A_25 : memref<12288xf32, #tpu.memory_space<hbm>>) target(%arg12 : memref<12288xf32, #tpu.memory_space<vmem>>) target_semaphore(%arg24 : memref<!tpu.dma_semaphore, #tpu.memory_space<semaphore_mem>>)
    %scan3A_26 = arith.constant 0 : i32
    %scan3A_27 = arith.constant 0 : i32
    %scan3A_28 = arith.constant 16 : i32
    %scan3A_29 = arith.addi %scan3A_27, %scan3A_28 : i32
    %scan3A_30 = arith.constant 1 : i32
    scf.for %scan3A_381 = %scan3A_27 to %scan3A_29 step %scan3A_30  : i32 {
      %mul3A_382 = arith.constant 4 : i32
      %mul3A_383 = arith.muli %mul3A_382, %scan3A_381 : i32
      %add3A_384 = arith.constant 0 : i32
      %add3A_385 = arith.addi %mul3A_383, %add3A_384 : i32
      %mul3A_386 = arith.constant 12288 : i32
      %mul3A_387 = arith.muli %add3A_385, %mul3A_386 : i32
      %add3A_388 = arith.addi %mul3A_4, %mul3A_387 : i32
      %dma_wait3A = tpu.memref_slice %arg2[%add3A_388] : memref<25165824xf32, #tpu.memory_space<hbm>> -> memref<12288xf32, #tpu.memory_space<hbm>>
      %dma_wait3A_389 = tpu.memref_slice %arg2[%add3A_388] : memref<25165824xf32, #tpu.memory_space<hbm>> -> memref<12288xf32, #tpu.memory_space<hbm>>
      tpu.wait_dma2 semaphore(%arg21 : memref<!tpu.dma_semaphore, #tpu.memory_space<semaphore_mem>>) src(%dma_wait3A_389 : memref<12288xf32, #tpu.memory_space<hbm>>) dst(%arg9 : memref<12288xf32, #tpu.memory_space<vmem>>)
      %jit3A_390 = arith.constant 32 : i32
      %div3A_391 = arith.divsi %add3A_385, %jit3A_390 : i32
      %sign3A = arith.constant 0 : i32
      %sign3A_392 = arith.cmpi sgt, %add3A_385, %sign3A : i32
      %sign3A_393 = arith.extui %sign3A_392 : i1 to i32
      %sign3A_394 = arith.constant 0 : i32
      %sign3A_395 = arith.cmpi slt, %add3A_385, %sign3A_394 : i32
      %sign3A_396 = arith.extui %sign3A_395 : i1 to i32
      %sign3A_397 = arith.subi %sign3A_393, %sign3A_396 : i32
      %sign3A_398 = arith.constant 0 : i32
      %sign3A_399 = arith.cmpi sgt, %jit3A_390, %sign3A_398 : i32
      %sign3A_400 = arith.extui %sign3A_399 : i1 to i32
      %sign3A_401 = arith.constant 0 : i32
      %sign3A_402 = arith.cmpi slt, %jit3A_390, %sign3A_401 : i32
      %sign3A_403 = arith.extui %sign3A_402 : i1 to i32
      %sign3A_404 = arith.subi %sign3A_400, %sign3A_403 : i32
      %ne3A = arith.cmpi ne, %sign3A_397, %sign3A_404 : i32
      %rem3A = arith.remsi %add3A_385, %jit3A_390 : i32
      %ne3A_405 = arith.constant 0 : i32
      %ne3A_406 = arith.cmpi ne, %rem3A, %ne3A_405 : i32
      %and3A = arith.andi %ne3A, %ne3A_406 : i1
      %sub3A_407 = arith.constant 1 : i32
      %sub3A_408 = arith.subi %div3A_391, %sub3A_407 : i32
      %select_n3A_409 = arith.select %and3A, %sub3A_408, %div3A_391 : i32
      %mul3A_410 = arith.constant 384 : i32
      %mul3A_411 = arith.muli %select_n3A_409, %mul3A_410 : i32
      %parallel_loop3A_412 = arith.constant 0 : i32
      %parallel_loop3A_413 = arith.constant 24 : i32
      %parallel_loop3A_414 = arith.constant 1 : i32
      scf.for %parallel_loop3A_554 = %parallel_loop3A_412 to %parallel_loop3A_413 step %parallel_loop3A_414  : i32 {
        %parallel_loop3A_555 = arith.constant 8 : i32
        %parallel_loop3A_556 = arith.divsi %parallel_loop3A_554, %parallel_loop3A_555 : i32
        %parallel_loop3A_557 = arith.constant 0 : i32
        %parallel_loop3A_558 = arith.cmpi sgt, %parallel_loop3A_554, %parallel_loop3A_557 : i32
        %parallel_loop3A_559 = arith.extui %parallel_loop3A_558 : i1 to i32
        %parallel_loop3A_560 = arith.constant 0 : i32
        %parallel_loop3A_561 = arith.cmpi slt, %parallel_loop3A_554, %parallel_loop3A_560 : i32
        %parallel_loop3A_562 = arith.extui %parallel_loop3A_561 : i1 to i32
        %parallel_loop3A_563 = arith.subi %parallel_loop3A_559, %parallel_loop3A_562 : i32
        %parallel_loop3A_564 = arith.constant 0 : i32
        %parallel_loop3A_565 = arith.cmpi sgt, %parallel_loop3A_555, %parallel_loop3A_564 : i32
        %parallel_loop3A_566 = arith.extui %parallel_loop3A_565 : i1 to i32
        %parallel_loop3A_567 = arith.constant 0 : i32
        %parallel_loop3A_568 = arith.cmpi slt, %parallel_loop3A_555, %parallel_loop3A_567 : i32
        %parallel_loop3A_569 = arith.extui %parallel_loop3A_568 : i1 to i32
        %parallel_loop3A_570 = arith.subi %parallel_loop3A_566, %parallel_loop3A_569 : i32
        %parallel_loop3A_571 = arith.cmpi ne, %parallel_loop3A_563, %parallel_loop3A_570 : i32
        %parallel_loop3A_572 = arith.remsi %parallel_loop3A_554, %parallel_loop3A_555 : i32
        %parallel_loop3A_573 = arith.constant 0 : i32
        %parallel_loop3A_574 = arith.cmpi ne, %parallel_loop3A_572, %parallel_loop3A_573 : i32
        %parallel_loop3A_575 = arith.andi %parallel_loop3A_571, %parallel_loop3A_574 : i1
        %parallel_loop3A_576 = arith.constant 1 : i32
        %parallel_loop3A_577 = arith.subi %parallel_loop3A_556, %parallel_loop3A_576 : i32
        %parallel_loop3A_578 = arith.select %parallel_loop3A_575, %parallel_loop3A_577, %parallel_loop3A_556 : i32
        %parallel_loop3A_579 = arith.constant 1024 : i32
        %parallel_loop3A_580 = arith.muli %parallel_loop3A_578, %parallel_loop3A_579 : i32
        %parallel_loop3A_581 = arith.constant 8 : i32
        %parallel_loop3A_582 = arith.constant 0 : i32
        %parallel_loop3A_583 = arith.cmpi eq, %parallel_loop3A_581, %parallel_loop3A_582 : i32
        %parallel_loop3A_584 = arith.constant 1 : i32
        %parallel_loop3A_585 = arith.select %parallel_loop3A_583, %parallel_loop3A_584, %parallel_loop3A_581 : i32
        %parallel_loop3A_586 = arith.remsi %parallel_loop3A_554, %parallel_loop3A_585 : i32
        %parallel_loop3A_587 = arith.constant 0 : i32
        %parallel_loop3A_588 = arith.cmpi ne, %parallel_loop3A_586, %parallel_loop3A_587 : i32
        %parallel_loop3A_589 = arith.constant 0 : i32
        %parallel_loop3A_590 = arith.cmpi slt, %parallel_loop3A_586, %parallel_loop3A_589 : i32
        %parallel_loop3A_591 = arith.constant 0 : i32
        %parallel_loop3A_592 = arith.cmpi slt, %parallel_loop3A_585, %parallel_loop3A_591 : i32
        %parallel_loop3A_593 = arith.xori %parallel_loop3A_590, %parallel_loop3A_592 : i1
        %parallel_loop3A_594 = arith.andi %parallel_loop3A_593, %parallel_loop3A_588 : i1
        %parallel_loop3A_595 = arith.addi %parallel_loop3A_586, %parallel_loop3A_585 : i32
        %parallel_loop3A_596 = arith.select %parallel_loop3A_594, %parallel_loop3A_595, %parallel_loop3A_586 : i32
        %parallel_loop3A_597 = arith.constant 16 : i32
        %parallel_loop3A_598 = arith.muli %parallel_loop3A_596, %parallel_loop3A_597 : i32
        %parallel_loop3A_599 = arith.addi %parallel_loop3A_580, %parallel_loop3A_598 : i32
        %parallel_loop3A_600 = arith.constant 16 : i32
        %parallel_loop3A_601 = arith.muli %parallel_loop3A_554, %parallel_loop3A_600 : i32
        %parallel_loop3A_602 = arith.addi %mul3A_411, %parallel_loop3A_601 : i32
        %parallel_loop3A_603 = arith.index_cast %parallel_loop3A_602 : i32 to index
        %parallel_loop3A_604 = tpu.vector_load %arg14[%parallel_loop3A_603] {strides = array<i32>} : memref<768xf32, #tpu.memory_space<vmem>>, vector<16xf32>,
        %parallel_loop3A_605 = arith.index_cast %parallel_loop3A_602 : i32 to index
        %parallel_loop3A_606 = tpu.vector_load %arg15[%parallel_loop3A_605] {strides = array<i32>} : memref<768xf32, #tpu.memory_space<vmem>>, vector<16xf32>,
        %parallel_loop3A_607 = arith.constant 0 : i32
        %parallel_loop3A_608 = arith.addi %parallel_loop3A_599, %parallel_loop3A_607 : i32
        %parallel_loop3A_609 = arith.constant 0 : i32
        %parallel_loop3A_610 = arith.addi %parallel_loop3A_608, %parallel_loop3A_609 : i32
        %parallel_loop3A_611 = arith.index_cast %parallel_loop3A_610 : i32 to index
        %parallel_loop3A_612 = tpu.vector_load %arg9[%parallel_loop3A_611] {strides = array<i32>} : memref<12288xf32, #tpu.memory_space<vmem>>, vector<16xf32>,
        %parallel_loop3A_613 = arith.addf %parallel_loop3A_604, %parallel_loop3A_612 : vector<16xf32>
        %parallel_loop3A_614 = arith.mulf %parallel_loop3A_612, %parallel_loop3A_612 : vector<16xf32>
        %parallel_loop3A_615 = arith.addf %parallel_loop3A_606, %parallel_loop3A_614 : vector<16xf32>
        %parallel_loop3A_616 = arith.constant 0 : i32
        %parallel_loop3A_617 = arith.addi %parallel_loop3A_599, %parallel_loop3A_616 : i32
        %parallel_loop3A_618 = arith.constant 128 : i32
        %parallel_loop3A_619 = arith.addi %parallel_loop3A_617, %parallel_loop3A_618 : i32
        %parallel_loop3A_620 = arith.index_cast %parallel_loop3A_619 : i32 to index
        %parallel_loop3A_621 = tpu.vector_load %arg9[%parallel_loop3A_620] {strides = array<i32>} : memref<12288xf32, #tpu.memory_space<vmem>>, vector<16xf32>,
        %parallel_loop3A_622 = arith.addf %broadcast_in_dim3A_5, %parallel_loop3A_621 : vector<16xf32>
        %parallel_loop3A_623 = arith.mulf %parallel_loop3A_621, %parallel_loop3A_621 : vector<16xf32>
        %parallel_loop3A_624 = arith.addf %broadcast_in_dim3A_5, %parallel_loop3A_623 : vector<16xf32>
        %parallel_loop3A_625 = arith.constant 0 : i32
        %parallel_loop3A_626 = arith.addi %parallel_loop3A_599, %parallel_loop3A_625 : i32
        %parallel_loop3A_627 = arith.constant 256 : i32
        %parallel_loop3A_628 = arith.addi %parallel_loop3A_626, %parallel_loop3A_627 : i32
        %parallel_loop3A_629 = arith.index_cast %parallel_loop3A_628 : i32 to index
        %parallel_loop3A_630 = tpu.vector_load %arg9[%parallel_loop3A_629] {strides = array<i32>} : memref<12288xf32, #tpu.memory_space<vmem>>, vector<16xf32>,
        %parallel_loop3A_631 = arith.addf %broadcast_in_dim3A_5, %parallel_loop3A_630 : vector<16xf32>
        %parallel_loop3A_632 = arith.mulf %parallel_loop3A_630, %parallel_loop3A_630 : vector<16xf32>
        %parallel_loop3A_633 = arith.addf %broadcast_in_dim3A_5, %parallel_loop3A_632 : vector<16xf32>
        %parallel_loop3A_634 = arith.constant 0 : i32
        %parallel_loop3A_635 = arith.addi %parallel_loop3A_599, %parallel_loop3A_634 : i32
        %parallel_loop3A_636 = arith.constant 384 : i32
        %parallel_loop3A_637 = arith.addi %parallel_loop3A_635, %parallel_loop3A_636 : i32
        %parallel_loop3A_638 = arith.index_cast %parallel_loop3A_637 : i32 to index
        %parallel_loop3A_639 = tpu.vector_load %arg9[%parallel_loop3A_638] {strides = array<i32>} : memref<12288xf32, #tpu.memory_space<vmem>>, vector<16xf32>,
        %parallel_loop3A_640 = arith.addf %broadcast_in_dim3A_5, %parallel_loop3A_639 : vector<16xf32>
        %parallel_loop3A_641 = arith.mulf %parallel_loop3A_639, %parallel_loop3A_639 : vector<16xf32>
        %parallel_loop3A_642 = arith.addf %broadcast_in_dim3A_5, %parallel_loop3A_641 : vector<16xf32>
        %parallel_loop3A_643 = arith.constant 0 : i32
        %parallel_loop3A_644 = arith.addi %parallel_loop3A_599, %parallel_loop3A_643 : i32
        %parallel_loop3A_645 = arith.constant 512 : i32
        %parallel_loop3A_646 = arith.addi %parallel_loop3A_644, %parallel_loop3A_645 : i32
        %parallel_loop3A_647 = arith.index_cast %parallel_loop3A_646 : i32 to index
        %parallel_loop3A_648 = tpu.vector_load %arg9[%parallel_loop3A_647] {strides = array<i32>} : memref<12288xf32, #tpu.memory_space<vmem>>, vector<16xf32>,
        %parallel_loop3A_649 = arith.addf %parallel_loop3A_613, %parallel_loop3A_648 : vector<16xf32>
        %parallel_loop3A_650 = arith.mulf %parallel_loop3A_648, %parallel_loop3A_648 : vector<16xf32>
        %parallel_loop3A_651 = arith.addf %parallel_loop3A_615, %parallel_loop3A_650 : vector<16xf32>
        %parallel_loop3A_652 = arith.constant 0 : i32
        %parallel_loop3A_653 = arith.addi %parallel_loop3A_599, %parallel_loop3A_652 : i32
        %parallel_loop3A_654 = arith.constant 640 : i32
        %parallel_loop3A_655 = arith.addi %parallel_loop3A_653, %parallel_loop3A_654 : i32
        %parallel_loop3A_656 = arith.index_cast %parallel_loop3A_655 : i32 to index
        %parallel_loop3A_657 = tpu.vector_load %arg9[%parallel_loop3A_656] {strides = array<i32>} : memref<12288xf32, #tpu.memory_space<vmem>>, vector<16xf32>,
        %parallel_loop3A_658 = arith.addf %parallel_loop3A_622, %parallel_loop3A_657 : vector<16xf32>
        %parallel_loop3A_659 = arith.mulf %parallel_loop3A_657, %parallel_loop3A_657 : vector<16xf32>
        %parallel_loop3A_660 = arith.addf %parallel_loop3A_624, %parallel_loop3A_659 : vector<16xf32>
        %parallel_loop3A_661 = arith.constant 0 : i32
        %parallel_loop3A_662 = arith.addi %parallel_loop3A_599, %parallel_loop3A_661 : i32
        %parallel_loop3A_663 = arith.constant 768 : i32
        %parallel_loop3A_664 = arith.addi %parallel_loop3A_662, %parallel_loop3A_663 : i32
        %parallel_loop3A_665 = arith.index_cast %parallel_loop3A_664 : i32 to index
        %parallel_loop3A_666 = tpu.vector_load %arg9[%parallel_loop3A_665] {strides = array<i32>} : memref<12288xf32, #tpu.memory_space<vmem>>, vector<16xf32>,
        %parallel_loop3A_667 = arith.addf %parallel_loop3A_631, %parallel_loop3A_666 : vector<16xf32>
        %parallel_loop3A_668 = arith.mulf %parallel_loop3A_666, %parallel_loop3A_666 : vector<16xf32>
        %parallel_loop3A_669 = arith.addf %parallel_loop3A_633, %parallel_loop3A_668 : vector<16xf32>
        %parallel_loop3A_670 = arith.constant 0 : i32
        %parallel_loop3A_671 = arith.addi %parallel_loop3A_599, %parallel_loop3A_670 : i32
        %parallel_loop3A_672 = arith.constant 896 : i32
        %parallel_loop3A_673 = arith.addi %parallel_loop3A_671, %parallel_loop3A_672 : i32
        %parallel_loop3A_674 = arith.index_cast %parallel_loop3A_673 : i32 to index
        %parallel_loop3A_675 = tpu.vector_load %arg9[%parallel_loop3A_674] {strides = array<i32>} : memref<12288xf32, #tpu.memory_space<vmem>>, vector<16xf32>,
        %parallel_loop3A_676 = arith.addf %parallel_loop3A_640, %parallel_loop3A_675 : vector<16xf32>
        %parallel_loop3A_677 = arith.mulf %parallel_loop3A_675, %parallel_loop3A_675 : vector<16xf32>
        %parallel_loop3A_678 = arith.addf %parallel_loop3A_642, %parallel_loop3A_677 : vector<16xf32>
        %parallel_loop3A_679 = arith.constant 3072 : i32
        %parallel_loop3A_680 = arith.addi %parallel_loop3A_599, %parallel_loop3A_679 : i32
        %parallel_loop3A_681 = arith.constant 0 : i32
        %parallel_loop3A_682 = arith.addi %parallel_loop3A_680, %parallel_loop3A_681 : i32
        %parallel_loop3A_683 = arith.index_cast %parallel_loop3A_682 : i32 to index
        %parallel_loop3A_684 = tpu.vector_load %arg9[%parallel_loop3A_683] {strides = array<i32>} : memref<12288xf32, #tpu.memory_space<vmem>>, vector<16xf32>,
        %parallel_loop3A_685 = arith.addf %parallel_loop3A_649, %parallel_loop3A_684 : vector<16xf32>
        %parallel_loop3A_686 = arith.mulf %parallel_loop3A_684, %parallel_loop3A_684 : vector<16xf32>
        %parallel_loop3A_687 = arith.addf %parallel_loop3A_651, %parallel_loop3A_686 : vector<16xf32>
        %parallel_loop3A_688 = arith.constant 3072 : i32
        %parallel_loop3A_689 = arith.addi %parallel_loop3A_599, %parallel_loop3A_688 : i32
        %parallel_loop3A_690 = arith.constant 128 : i32
        %parallel_loop3A_691 = arith.addi %parallel_loop3A_689, %parallel_loop3A_690 : i32
        %parallel_loop3A_692 = arith.index_cast %parallel_loop3A_691 : i32 to index
        %parallel_loop3A_693 = tpu.vector_load %arg9[%parallel_loop3A_692] {strides = array<i32>} : memref<12288xf32, #tpu.memory_space<vmem>>, vector<16xf32>,
        %parallel_loop3A_694 = arith.addf %parallel_loop3A_658, %parallel_loop3A_693 : vector<16xf32>
        %parallel_loop3A_695 = arith.mulf %parallel_loop3A_693, %parallel_loop3A_693 : vector<16xf32>
        %parallel_loop3A_696 = arith.addf %parallel_loop3A_660, %parallel_loop3A_695 : vector<16xf32>
        %parallel_loop3A_697 = arith.constant 3072 : i32
        %parallel_loop3A_698 = arith.addi %parallel_loop3A_599, %parallel_loop3A_697 : i32
        %parallel_loop3A_699 = arith.constant 256 : i32
        %parallel_loop3A_700 = arith.addi %parallel_loop3A_698, %parallel_loop3A_699 : i32
        %parallel_loop3A_701 = arith.index_cast %parallel_loop3A_700 : i32 to index
        %parallel_loop3A_702 = tpu.vector_load %arg9[%parallel_loop3A_701] {strides = array<i32>} : memref<12288xf32, #tpu.memory_space<vmem>>, vector<16xf32>,
        %parallel_loop3A_703 = arith.addf %parallel_loop3A_667, %parallel_loop3A_702 : vector<16xf32>
        %parallel_loop3A_704 = arith.mulf %parallel_loop3A_702, %parallel_loop3A_702 : vector<16xf32>
        %parallel_loop3A_705 = arith.addf %parallel_loop3A_669, %parallel_loop3A_704 : vector<16xf32>
        %parallel_loop3A_706 = arith.constant 3072 : i32
        %parallel_loop3A_707 = arith.addi %parallel_loop3A_599, %parallel_loop3A_706 : i32
        %parallel_loop3A_708 = arith.constant 384 : i32
        %parallel_loop3A_709 = arith.addi %parallel_loop3A_707, %parallel_loop3A_708 : i32
        %parallel_loop3A_710 = arith.index_cast %parallel_loop3A_709 : i32 to index
        %parallel_loop3A_711 = tpu.vector_load %arg9[%parallel_loop3A_710] {strides = array<i32>} : memref<12288xf32, #tpu.memory_space<vmem>>, vector<16xf32>,
        %parallel_loop3A_712 = arith.addf %parallel_loop3A_676, %parallel_loop3A_711 : vector<16xf32>
        %parallel_loop3A_713 = arith.mulf %parallel_loop3A_711, %parallel_loop3A_711 : vector<16xf32>
        %parallel_loop3A_714 = arith.addf %parallel_loop3A_678, %parallel_loop3A_713 : vector<16xf32>
        %parallel_loop3A_715 = arith.constant 3072 : i32
        %parallel_loop3A_716 = arith.addi %parallel_loop3A_599, %parallel_loop3A_715 : i32
        %parallel_loop3A_717 = arith.constant 512 : i32
        %parallel_loop3A_718 = arith.addi %parallel_loop3A_716, %parallel_loop3A_717 : i32
        %parallel_loop3A_719 = arith.index_cast %parallel_loop3A_718 : i32 to index
        %parallel_loop3A_720 = tpu.vector_load %arg9[%parallel_loop3A_719] {strides = array<i32>} : memref<12288xf32, #tpu.memory_space<vmem>>, vector<16xf32>,
        %parallel_loop3A_721 = arith.addf %parallel_loop3A_685, %parallel_loop3A_720 : vector<16xf32>
        %parallel_loop3A_722 = arith.mulf %parallel_loop3A_720, %parallel_loop3A_720 : vector<16xf32>
        %parallel_loop3A_723 = arith.addf %parallel_loop3A_687, %parallel_loop3A_722 : vector<16xf32>
        %parallel_loop3A_724 = arith.constant 3072 : i32
        %parallel_loop3A_725 = arith.addi %parallel_loop3A_599, %parallel_loop3A_724 : i32
        %parallel_loop3A_726 = arith.constant 640 : i32
        %parallel_loop3A_727 = arith.addi %parallel_loop3A_725, %parallel_loop3A_726 : i32
        %parallel_loop3A_728 = arith.index_cast %parallel_loop3A_727 : i32 to index
        %parallel_loop3A_729 = tpu.vector_load %arg9[%parallel_loop3A_728] {strides = array<i32>} : memref<12288xf32, #tpu.memory_space<vmem>>, vector<16xf32>,
        %parallel_loop3A_730 = arith.addf %parallel_loop3A_694, %parallel_loop3A_729 : vector<16xf32>
        %parallel_loop3A_731 = arith.mulf %parallel_loop3A_729, %parallel_loop3A_729 : vector<16xf32>
        %parallel_loop3A_732 = arith.addf %parallel_loop3A_696, %parallel_loop3A_731 : vector<16xf32>
        %parallel_loop3A_733 = arith.constant 3072 : i32
        %parallel_loop3A_734 = arith.addi %parallel_loop3A_599, %parallel_loop3A_733 : i32
        %parallel_loop3A_735 = arith.constant 768 : i32
        %parallel_loop3A_736 = arith.addi %parallel_loop3A_734, %parallel_loop3A_735 : i32
        %parallel_loop3A_737 = arith.index_cast %parallel_loop3A_736 : i32 to index
        %parallel_loop3A_738 = tpu.vector_load %arg9[%parallel_loop3A_737] {strides = array<i32>} : memref<12288xf32, #tpu.memory_space<vmem>>, vector<16xf32>,
        %parallel_loop3A_739 = arith.addf %parallel_loop3A_703, %parallel_loop3A_738 : vector<16xf32>
        %parallel_loop3A_740 = arith.mulf %parallel_loop3A_738, %parallel_loop3A_738 : vector<16xf32>
        %parallel_loop3A_741 = arith.addf %parallel_loop3A_705, %parallel_loop3A_740 : vector<16xf32>
        %parallel_loop3A_742 = arith.constant 3072 : i32
        %parallel_loop3A_743 = arith.addi %parallel_loop3A_599, %parallel_loop3A_742 : i32
        %parallel_loop3A_744 = arith.constant 896 : i32
        %parallel_loop3A_745 = arith.addi %parallel_loop3A_743, %parallel_loop3A_744 : i32
        %parallel_loop3A_746 = arith.index_cast %parallel_loop3A_745 : i32 to index
        %parallel_loop3A_747 = tpu.vector_load %arg9[%parallel_loop3A_746] {strides = array<i32>} : memref<12288xf32, #tpu.memory_space<vmem>>, vector<16xf32>,
        %parallel_loop3A_748 = arith.addf %parallel_loop3A_712, %parallel_loop3A_747 : vector<16xf32>
        %parallel_loop3A_749 = arith.mulf %parallel_loop3A_747, %parallel_loop3A_747 : vector<16xf32>
        %parallel_loop3A_750 = arith.addf %parallel_loop3A_714, %parallel_loop3A_749 : vector<16xf32>
        %parallel_loop3A_751 = arith.constant 6144 : i32
        %parallel_loop3A_752 = arith.addi %parallel_loop3A_599, %parallel_loop3A_751 : i32
        %parallel_loop3A_753 = arith.constant 0 : i32
        %parallel_loop3A_754 = arith.addi %parallel_loop3A_752, %parallel_loop3A_753 : i32
        %parallel_loop3A_755 = arith.index_cast %parallel_loop3A_754 : i32 to index
        %parallel_loop3A_756 = tpu.vector_load %arg9[%parallel_loop3A_755] {strides = array<i32>} : memref<12288xf32, #tpu.memory_space<vmem>>, vector<16xf32>,
        %parallel_loop3A_757 = arith.addf %parallel_loop3A_721, %parallel_loop3A_756 : vector<16xf32>
        %parallel_loop3A_758 = arith.mulf %parallel_loop3A_756, %parallel_loop3A_756 : vector<16xf32>
        %parallel_loop3A_759 = arith.addf %parallel_loop3A_723, %parallel_loop3A_758 : vector<16xf32>
        %parallel_loop3A_760 = arith.constant 6144 : i32
        %parallel_loop3A_761 = arith.addi %parallel_loop3A_599, %parallel_loop3A_760 : i32
        %parallel_loop3A_762 = arith.constant 128 : i32
        %parallel_loop3A_763 = arith.addi %parallel_loop3A_761, %parallel_loop3A_762 : i32
        %parallel_loop3A_764 = arith.index_cast %parallel_loop3A_763 : i32 to index
        %parallel_loop3A_765 = tpu.vector_load %arg9[%parallel_loop3A_764] {strides = array<i32>} : memref<12288xf32, #tpu.memory_space<vmem>>, vector<16xf32>,
        %parallel_loop3A_766 = arith.addf %parallel_loop3A_730, %parallel_loop3A_765 : vector<16xf32>
        %parallel_loop3A_767 = arith.mulf %parallel_loop3A_765, %parallel_loop3A_765 : vector<16xf32>
        %parallel_loop3A_768 = arith.addf %parallel_loop3A_732, %parallel_loop3A_767 : vector<16xf32>
        %parallel_loop3A_769 = arith.constant 6144 : i32
        %parallel_loop3A_770 = arith.addi %parallel_loop3A_599, %parallel_loop3A_769 : i32
        %parallel_loop3A_771 = arith.constant 256 : i32
        %parallel_loop3A_772 = arith.addi %parallel_loop3A_770, %parallel_loop3A_771 : i32
        %parallel_loop3A_773 = arith.index_cast %parallel_loop3A_772 : i32 to index
        %parallel_loop3A_774 = tpu.vector_load %arg9[%parallel_loop3A_773] {strides = array<i32>} : memref<12288xf32, #tpu.memory_space<vmem>>, vector<16xf32>,
        %parallel_loop3A_775 = arith.addf %parallel_loop3A_739, %parallel_loop3A_774 : vector<16xf32>
        %parallel_loop3A_776 = arith.mulf %parallel_loop3A_774, %parallel_loop3A_774 : vector<16xf32>
        %parallel_loop3A_777 = arith.addf %parallel_loop3A_741, %parallel_loop3A_776 : vector<16xf32>
        %parallel_loop3A_778 = arith.constant 6144 : i32
        %parallel_loop3A_779 = arith.addi %parallel_loop3A_599, %parallel_loop3A_778 : i32
        %parallel_loop3A_780 = arith.constant 384 : i32
        %parallel_loop3A_781 = arith.addi %parallel_loop3A_779, %parallel_loop3A_780 : i32
        %parallel_loop3A_782 = arith.index_cast %parallel_loop3A_781 : i32 to index
        %parallel_loop3A_783 = tpu.vector_load %arg9[%parallel_loop3A_782] {strides = array<i32>} : memref<12288xf32, #tpu.memory_space<vmem>>, vector<16xf32>,
        %parallel_loop3A_784 = arith.addf %parallel_loop3A_748, %parallel_loop3A_783 : vector<16xf32>
        %parallel_loop3A_785 = arith.mulf %parallel_loop3A_783, %parallel_loop3A_783 : vector<16xf32>
        %parallel_loop3A_786 = arith.addf %parallel_loop3A_750, %parallel_loop3A_785 : vector<16xf32>
        %parallel_loop3A_787 = arith.constant 6144 : i32
        %parallel_loop3A_788 = arith.addi %parallel_loop3A_599, %parallel_loop3A_787 : i32
        %parallel_loop3A_789 = arith.constant 512 : i32
        %parallel_loop3A_790 = arith.addi %parallel_loop3A_788, %parallel_loop3A_789 : i32
        %parallel_loop3A_791 = arith.index_cast %parallel_loop3A_790 : i32 to index
        %parallel_loop3A_792 = tpu.vector_load %arg9[%parallel_loop3A_791] {strides = array<i32>} : memref<12288xf32, #tpu.memory_space<vmem>>, vector<16xf32>,
        %parallel_loop3A_793 = arith.addf %parallel_loop3A_757, %parallel_loop3A_792 : vector<16xf32>
        %parallel_loop3A_794 = arith.mulf %parallel_loop3A_792, %parallel_loop3A_792 : vector<16xf32>
        %parallel_loop3A_795 = arith.addf %parallel_loop3A_759, %parallel_loop3A_794 : vector<16xf32>
        %parallel_loop3A_796 = arith.constant 6144 : i32
        %parallel_loop3A_797 = arith.addi %parallel_loop3A_599, %parallel_loop3A_796 : i32
        %parallel_loop3A_798 = arith.constant 640 : i32
        %parallel_loop3A_799 = arith.addi %parallel_loop3A_797, %parallel_loop3A_798 : i32
        %parallel_loop3A_800 = arith.index_cast %parallel_loop3A_799 : i32 to index
        %parallel_loop3A_801 = tpu.vector_load %arg9[%parallel_loop3A_800] {strides = array<i32>} : memref<12288xf32, #tpu.memory_space<vmem>>, vector<16xf32>,
        %parallel_loop3A_802 = arith.addf %parallel_loop3A_766, %parallel_loop3A_801 : vector<16xf32>
        %parallel_loop3A_803 = arith.mulf %parallel_loop3A_801, %parallel_loop3A_801 : vector<16xf32>
        %parallel_loop3A_804 = arith.addf %parallel_loop3A_768, %parallel_loop3A_803 : vector<16xf32>
        %parallel_loop3A_805 = arith.constant 6144 : i32
        %parallel_loop3A_806 = arith.addi %parallel_loop3A_599, %parallel_loop3A_805 : i32
        %parallel_loop3A_807 = arith.constant 768 : i32
        %parallel_loop3A_808 = arith.addi %parallel_loop3A_806, %parallel_loop3A_807 : i32
        %parallel_loop3A_809 = arith.index_cast %parallel_loop3A_808 : i32 to index
        %parallel_loop3A_810 = tpu.vector_load %arg9[%parallel_loop3A_809] {strides = array<i32>} : memref<12288xf32, #tpu.memory_space<vmem>>, vector<16xf32>,
        %parallel_loop3A_811 = arith.addf %parallel_loop3A_775, %parallel_loop3A_810 : vector<16xf32>
        %parallel_loop3A_812 = arith.mulf %parallel_loop3A_810, %parallel_loop3A_810 : vector<16xf32>
        %parallel_loop3A_813 = arith.addf %parallel_loop3A_777, %parallel_loop3A_812 : vector<16xf32>
        %parallel_loop3A_814 = arith.constant 6144 : i32
        %parallel_loop3A_815 = arith.addi %parallel_loop3A_599, %parallel_loop3A_814 : i32
        %parallel_loop3A_816 = arith.constant 896 : i32
        %parallel_loop3A_817 = arith.addi %parallel_loop3A_815, %parallel_loop3A_816 : i32
        %parallel_loop3A_818 = arith.index_cast %parallel_loop3A_817 : i32 to index
        %parallel_loop3A_819 = tpu.vector_load %arg9[%parallel_loop3A_818] {strides = array<i32>} : memref<12288xf32, #tpu.memory_space<vmem>>, vector<16xf32>,
        %parallel_loop3A_820 = arith.addf %parallel_loop3A_784, %parallel_loop3A_819 : vector<16xf32>
        %parallel_loop3A_821 = arith.mulf %parallel_loop3A_819, %parallel_loop3A_819 : vector<16xf32>
        %parallel_loop3A_822 = arith.addf %parallel_loop3A_786, %parallel_loop3A_821 : vector<16xf32>
        %parallel_loop3A_823 = arith.constant 9216 : i32
        %parallel_loop3A_824 = arith.addi %parallel_loop3A_599, %parallel_loop3A_823 : i32
        %parallel_loop3A_825 = arith.constant 0 : i32
        %parallel_loop3A_826 = arith.addi %parallel_loop3A_824, %parallel_loop3A_825 : i32
        %parallel_loop3A_827 = arith.index_cast %parallel_loop3A_826 : i32 to index
        %parallel_loop3A_828 = tpu.vector_load %arg9[%parallel_loop3A_827] {strides = array<i32>} : memref<12288xf32, #tpu.memory_space<vmem>>, vector<16xf32>,
        %parallel_loop3A_829 = arith.addf %parallel_loop3A_793, %parallel_loop3A_828 : vector<16xf32>
        %parallel_loop3A_830 = arith.mulf %parallel_loop3A_828, %parallel_loop3A_828 : vector<16xf32>
        %parallel_loop3A_831 = arith.addf %parallel_loop3A_795, %parallel_loop3A_830 : vector<16xf32>
        %parallel_loop3A_832 = arith.constant 9216 : i32
        %parallel_loop3A_833 = arith.addi %parallel_loop3A_599, %parallel_loop3A_832 : i32
        %parallel_loop3A_834 = arith.constant 128 : i32
        %parallel_loop3A_835 = arith.addi %parallel_loop3A_833, %parallel_loop3A_834 : i32
        %parallel_loop3A_836 = arith.index_cast %parallel_loop3A_835 : i32 to index
        %parallel_loop3A_837 = tpu.vector_load %arg9[%parallel_loop3A_836] {strides = array<i32>} : memref<12288xf32, #tpu.memory_space<vmem>>, vector<16xf32>,
        %parallel_loop3A_838 = arith.addf %parallel_loop3A_802, %parallel_loop3A_837 : vector<16xf32>
        %parallel_loop3A_839 = arith.mulf %parallel_loop3A_837, %parallel_loop3A_837 : vector<16xf32>
        %parallel_loop3A_840 = arith.addf %parallel_loop3A_804, %parallel_loop3A_839 : vector<16xf32>
        %parallel_loop3A_841 = arith.constant 9216 : i32
        %parallel_loop3A_842 = arith.addi %parallel_loop3A_599, %parallel_loop3A_841 : i32
        %parallel_loop3A_843 = arith.constant 256 : i32
        %parallel_loop3A_844 = arith.addi %parallel_loop3A_842, %parallel_loop3A_843 : i32
        %parallel_loop3A_845 = arith.index_cast %parallel_loop3A_844 : i32 to index
        %parallel_loop3A_846 = tpu.vector_load %arg9[%parallel_loop3A_845] {strides = array<i32>} : memref<12288xf32, #tpu.memory_space<vmem>>, vector<16xf32>,
        %parallel_loop3A_847 = arith.addf %parallel_loop3A_811, %parallel_loop3A_846 : vector<16xf32>
        %parallel_loop3A_848 = arith.mulf %parallel_loop3A_846, %parallel_loop3A_846 : vector<16xf32>
        %parallel_loop3A_849 = arith.addf %parallel_loop3A_813, %parallel_loop3A_848 : vector<16xf32>
        %parallel_loop3A_850 = arith.constant 9216 : i32
        %parallel_loop3A_851 = arith.addi %parallel_loop3A_599, %parallel_loop3A_850 : i32
        %parallel_loop3A_852 = arith.constant 384 : i32
        %parallel_loop3A_853 = arith.addi %parallel_loop3A_851, %parallel_loop3A_852 : i32
        %parallel_loop3A_854 = arith.index_cast %parallel_loop3A_853 : i32 to index
        %parallel_loop3A_855 = tpu.vector_load %arg9[%parallel_loop3A_854] {strides = array<i32>} : memref<12288xf32, #tpu.memory_space<vmem>>, vector<16xf32>,
        %parallel_loop3A_856 = arith.addf %parallel_loop3A_820, %parallel_loop3A_855 : vector<16xf32>
        %parallel_loop3A_857 = arith.mulf %parallel_loop3A_855, %parallel_loop3A_855 : vector<16xf32>
        %parallel_loop3A_858 = arith.addf %parallel_loop3A_822, %parallel_loop3A_857 : vector<16xf32>
        %parallel_loop3A_859 = arith.constant 9216 : i32
        %parallel_loop3A_860 = arith.addi %parallel_loop3A_599, %parallel_loop3A_859 : i32
        %parallel_loop3A_861 = arith.constant 512 : i32
        %parallel_loop3A_862 = arith.addi %parallel_loop3A_860, %parallel_loop3A_861 : i32
        %parallel_loop3A_863 = arith.index_cast %parallel_loop3A_862 : i32 to index
        %parallel_loop3A_864 = tpu.vector_load %arg9[%parallel_loop3A_863] {strides = array<i32>} : memref<12288xf32, #tpu.memory_space<vmem>>, vector<16xf32>,
        %parallel_loop3A_865 = arith.addf %parallel_loop3A_829, %parallel_loop3A_864 : vector<16xf32>
        %parallel_loop3A_866 = arith.mulf %parallel_loop3A_864, %parallel_loop3A_864 : vector<16xf32>
        %parallel_loop3A_867 = arith.addf %parallel_loop3A_831, %parallel_loop3A_866 : vector<16xf32>
        %parallel_loop3A_868 = arith.constant 9216 : i32
        %parallel_loop3A_869 = arith.addi %parallel_loop3A_599, %parallel_loop3A_868 : i32
        %parallel_loop3A_870 = arith.constant 640 : i32
        %parallel_loop3A_871 = arith.addi %parallel_loop3A_869, %parallel_loop3A_870 : i32
        %parallel_loop3A_872 = arith.index_cast %parallel_loop3A_871 : i32 to index
        %parallel_loop3A_873 = tpu.vector_load %arg9[%parallel_loop3A_872] {strides = array<i32>} : memref<12288xf32, #tpu.memory_space<vmem>>, vector<16xf32>,
        %parallel_loop3A_874 = arith.addf %parallel_loop3A_838, %parallel_loop3A_873 : vector<16xf32>
        %parallel_loop3A_875 = arith.mulf %parallel_loop3A_873, %parallel_loop3A_873 : vector<16xf32>
        %parallel_loop3A_876 = arith.addf %parallel_loop3A_840, %parallel_loop3A_875 : vector<16xf32>
        %parallel_loop3A_877 = arith.constant 9216 : i32
        %parallel_loop3A_878 = arith.addi %parallel_loop3A_599, %parallel_loop3A_877 : i32
        %parallel_loop3A_879 = arith.constant 768 : i32
        %parallel_loop3A_880 = arith.addi %parallel_loop3A_878, %parallel_loop3A_879 : i32
        %parallel_loop3A_881 = arith.index_cast %parallel_loop3A_880 : i32 to index
        %parallel_loop3A_882 = tpu.vector_load %arg9[%parallel_loop3A_881] {strides = array<i32>} : memref<12288xf32, #tpu.memory_space<vmem>>, vector<16xf32>,
        %parallel_loop3A_883 = arith.addf %parallel_loop3A_847, %parallel_loop3A_882 : vector<16xf32>
        %parallel_loop3A_884 = arith.mulf %parallel_loop3A_882, %parallel_loop3A_882 : vector<16xf32>
        %parallel_loop3A_885 = arith.addf %parallel_loop3A_849, %parallel_loop3A_884 : vector<16xf32>
        %parallel_loop3A_886 = arith.constant 9216 : i32
        %parallel_loop3A_887 = arith.addi %parallel_loop3A_599, %parallel_loop3A_886 : i32
        %parallel_loop3A_888 = arith.constant 896 : i32
        %parallel_loop3A_889 = arith.addi %parallel_loop3A_887, %parallel_loop3A_888 : i32
        %parallel_loop3A_890 = arith.index_cast %parallel_loop3A_889 : i32 to index
        %parallel_loop3A_891 = tpu.vector_load %arg9[%parallel_loop3A_890] {strides = array<i32>} : memref<12288xf32, #tpu.memory_space<vmem>>, vector<16xf32>,
        %parallel_loop3A_892 = arith.addf %parallel_loop3A_856, %parallel_loop3A_891 : vector<16xf32>
        %parallel_loop3A_893 = arith.mulf %parallel_loop3A_891, %parallel_loop3A_891 : vector<16xf32>
        %parallel_loop3A_894 = arith.addf %parallel_loop3A_858, %parallel_loop3A_893 : vector<16xf32>
        %parallel_loop3A_895 = arith.addf %parallel_loop3A_865, %parallel_loop3A_874 : vector<16xf32>
        %parallel_loop3A_896 = arith.addf %parallel_loop3A_883, %parallel_loop3A_892 : vector<16xf32>
        %parallel_loop3A_897 = arith.addf %parallel_loop3A_895, %parallel_loop3A_896 : vector<16xf32>
        %parallel_loop3A_898 = arith.index_cast %parallel_loop3A_602 : i32 to index
        %parallel_loop3A_899 = tpu.vector_load %arg14[%parallel_loop3A_898] {strides = array<i32>} : memref<768xf32, #tpu.memory_space<vmem>>, vector<16xf32>,
        tpu.vector_store %arg14[%parallel_loop3A_898], %parallel_loop3A_897 {strides = array<i32>} : memref<768xf32, #tpu.memory_space<vmem>>, vector<16xf32>,
        %parallel_loop3A_900 = arith.addf %parallel_loop3A_867, %parallel_loop3A_876 : vector<16xf32>
        %parallel_loop3A_901 = arith.addf %parallel_loop3A_885, %parallel_loop3A_894 : vector<16xf32>
        %parallel_loop3A_902 = arith.addf %parallel_loop3A_900, %parallel_loop3A_901 : vector<16xf32>
        %parallel_loop3A_903 = arith.index_cast %parallel_loop3A_602 : i32 to index
        %parallel_loop3A_904 = tpu.vector_load %arg15[%parallel_loop3A_903] {strides = array<i32>} : memref<768xf32, #tpu.memory_space<vmem>>, vector<16xf32>,
        tpu.vector_store %arg15[%parallel_loop3A_903], %parallel_loop3A_902 {strides = array<i32>} : memref<768xf32, #tpu.memory_space<vmem>>, vector<16xf32>,
      } {sc.loop_unroll_factor = 2 : i64, sc.parallel_access}
      %add3A_415 = arith.constant 4 : i32
      %add3A_416 = arith.addi %add3A_385, %add3A_415 : i32
      %lt3A = arith.constant 64 : i32
      %lt3A_417 = arith.cmpi slt, %add3A_416, %lt3A : i32
      %convert_element_type3A = arith.extui %lt3A_417 : i1 to i32
      %cond3A = arith.constant 0 : i32
      %cond3A_418 = arith.cmpi ne, %convert_element_type3A, %cond3A : i32
      scf.if %cond3A_418 {
        %add3A_554 = arith.constant 4 : i32
        %add3A_555 = arith.addi %add3A_385, %add3A_554 : i32
        %mul3A_556 = arith.constant 12288 : i32
        %mul3A_557 = arith.muli %add3A_555, %mul3A_556 : i32
        %add3A_558 = arith.addi %mul3A_4, %mul3A_557 : i32
        %dma_start3A_559 = tpu.memref_slice %arg2[%add3A_558] : memref<25165824xf32, #tpu.memory_space<hbm>> -> memref<12288xf32, #tpu.memory_space<hbm>>
        %dma_start3A_560 = tpu.memref_slice %arg2[%add3A_558] : memref<25165824xf32, #tpu.memory_space<hbm>> -> memref<12288xf32, #tpu.memory_space<hbm>>
        tpu.enqueue_dma source(%dma_start3A_560 : memref<12288xf32, #tpu.memory_space<hbm>>) target(%arg9 : memref<12288xf32, #tpu.memory_space<vmem>>) target_semaphore(%arg21 : memref<!tpu.dma_semaphore, #tpu.memory_space<semaphore_mem>>)
      } else {
      }
      %mul3A_419 = arith.constant 4 : i32
      %mul3A_420 = arith.muli %mul3A_419, %scan3A_381 : i32
      %add3A_421 = arith.constant 1 : i32
      %add3A_422 = arith.addi %mul3A_420, %add3A_421 : i32
      %mul3A_423 = arith.constant 12288 : i32
      %mul3A_424 = arith.muli %add3A_422, %mul3A_423 : i32
      %add3A_425 = arith.addi %mul3A_4, %mul3A_424 : i32
      %dma_wait3A_426 = tpu.memref_slice %arg2[%add3A_425] : memref<25165824xf32, #tpu.memory_space<hbm>> -> memref<12288xf32, #tpu.memory_space<hbm>>
      %dma_wait3A_427 = tpu.memref_slice %arg2[%add3A_425] : memref<25165824xf32, #tpu.memory_space<hbm>> -> memref<12288xf32, #tpu.memory_space<hbm>>
      tpu.wait_dma2 semaphore(%arg22 : memref<!tpu.dma_semaphore, #tpu.memory_space<semaphore_mem>>) src(%dma_wait3A_427 : memref<12288xf32, #tpu.memory_space<hbm>>) dst(%arg10 : memref<12288xf32, #tpu.memory_space<vmem>>)
      %jit3A_428 = arith.constant 32 : i32
      %div3A_429 = arith.divsi %add3A_422, %jit3A_428 : i32
      %sign3A_430 = arith.constant 0 : i32
      %sign3A_431 = arith.cmpi sgt, %add3A_422, %sign3A_430 : i32
      %sign3A_432 = arith.extui %sign3A_431 : i1 to i32
      %sign3A_433 = arith.constant 0 : i32
      %sign3A_434 = arith.cmpi slt, %add3A_422, %sign3A_433 : i32
      %sign3A_435 = arith.extui %sign3A_434 : i1 to i32
      %sign3A_436 = arith.subi %sign3A_432, %sign3A_435 : i32
      %sign3A_437 = arith.constant 0 : i32
      %sign3A_438 = arith.cmpi sgt, %jit3A_428, %sign3A_437 : i32
      %sign3A_439 = arith.extui %sign3A_438 : i1 to i32
      %sign3A_440 = arith.constant 0 : i32
      %sign3A_441 = arith.cmpi slt, %jit3A_428, %sign3A_440 : i32
      %sign3A_442 = arith.extui %sign3A_441 : i1 to i32
      %sign3A_443 = arith.subi %sign3A_439, %sign3A_442 : i32
      %ne3A_444 = arith.cmpi ne, %sign3A_436, %sign3A_443 : i32
      %rem3A_445 = arith.remsi %add3A_422, %jit3A_428 : i32
      %ne3A_446 = arith.constant 0 : i32
      %ne3A_447 = arith.cmpi ne, %rem3A_445, %ne3A_446 : i32
      %and3A_448 = arith.andi %ne3A_444, %ne3A_447 : i1
      %sub3A_449 = arith.constant 1 : i32
      %sub3A_450 = arith.subi %div3A_429, %sub3A_449 : i32
      %select_n3A_451 = arith.select %and3A_448, %sub3A_450, %div3A_429 : i32
      %mul3A_452 = arith.constant 384 : i32
      %mul3A_453 = arith.muli %select_n3A_451, %mul3A_452 : i32
      %parallel_loop3A_454 = arith.constant 0 : i32
      %parallel_loop3A_455 = arith.constant 24 : i32
      %parallel_loop3A_456 = arith.constant 1 : i32
      scf.for %parallel_loop3A_554 = %parallel_loop3A_454 to %parallel_loop3A_455 step %parallel_loop3A_456  : i32 {
        %parallel_loop3A_555 = arith.constant 8 : i32
        %parallel_loop3A_556 = arith.divsi %parallel_loop3A_554, %parallel_loop3A_555 : i32
        %parallel_loop3A_557 = arith.constant 0 : i32
        %parallel_loop3A_558 = arith.cmpi sgt, %parallel_loop3A_554, %parallel_loop3A_557 : i32
        %parallel_loop3A_559 = arith.extui %parallel_loop3A_558 : i1 to i32
        %parallel_loop3A_560 = arith.constant 0 : i32
        %parallel_loop3A_561 = arith.cmpi slt, %parallel_loop3A_554, %parallel_loop3A_560 : i32
        %parallel_loop3A_562 = arith.extui %parallel_loop3A_561 : i1 to i32
        %parallel_loop3A_563 = arith.subi %parallel_loop3A_559, %parallel_loop3A_562 : i32
        %parallel_loop3A_564 = arith.constant 0 : i32
        %parallel_loop3A_565 = arith.cmpi sgt, %parallel_loop3A_555, %parallel_loop3A_564 : i32
        %parallel_loop3A_566 = arith.extui %parallel_loop3A_565 : i1 to i32
        %parallel_loop3A_567 = arith.constant 0 : i32
        %parallel_loop3A_568 = arith.cmpi slt, %parallel_loop3A_555, %parallel_loop3A_567 : i32
        %parallel_loop3A_569 = arith.extui %parallel_loop3A_568 : i1 to i32
        %parallel_loop3A_570 = arith.subi %parallel_loop3A_566, %parallel_loop3A_569 : i32
        %parallel_loop3A_571 = arith.cmpi ne, %parallel_loop3A_563, %parallel_loop3A_570 : i32
        %parallel_loop3A_572 = arith.remsi %parallel_loop3A_554, %parallel_loop3A_555 : i32
        %parallel_loop3A_573 = arith.constant 0 : i32
        %parallel_loop3A_574 = arith.cmpi ne, %parallel_loop3A_572, %parallel_loop3A_573 : i32
        %parallel_loop3A_575 = arith.andi %parallel_loop3A_571, %parallel_loop3A_574 : i1
        %parallel_loop3A_576 = arith.constant 1 : i32
        %parallel_loop3A_577 = arith.subi %parallel_loop3A_556, %parallel_loop3A_576 : i32
        %parallel_loop3A_578 = arith.select %parallel_loop3A_575, %parallel_loop3A_577, %parallel_loop3A_556 : i32
        %parallel_loop3A_579 = arith.constant 1024 : i32
        %parallel_loop3A_580 = arith.muli %parallel_loop3A_578, %parallel_loop3A_579 : i32
        %parallel_loop3A_581 = arith.constant 8 : i32
        %parallel_loop3A_582 = arith.constant 0 : i32
        %parallel_loop3A_583 = arith.cmpi eq, %parallel_loop3A_581, %parallel_loop3A_582 : i32
        %parallel_loop3A_584 = arith.constant 1 : i32
        %parallel_loop3A_585 = arith.select %parallel_loop3A_583, %parallel_loop3A_584, %parallel_loop3A_581 : i32
        %parallel_loop3A_586 = arith.remsi %parallel_loop3A_554, %parallel_loop3A_585 : i32
        %parallel_loop3A_587 = arith.constant 0 : i32
        %parallel_loop3A_588 = arith.cmpi ne, %parallel_loop3A_586, %parallel_loop3A_587 : i32
        %parallel_loop3A_589 = arith.constant 0 : i32
        %parallel_loop3A_590 = arith.cmpi slt, %parallel_loop3A_586, %parallel_loop3A_589 : i32
        %parallel_loop3A_591 = arith.constant 0 : i32
        %parallel_loop3A_592 = arith.cmpi slt, %parallel_loop3A_585, %parallel_loop3A_591 : i32
        %parallel_loop3A_593 = arith.xori %parallel_loop3A_590, %parallel_loop3A_592 : i1
        %parallel_loop3A_594 = arith.andi %parallel_loop3A_593, %parallel_loop3A_588 : i1
        %parallel_loop3A_595 = arith.addi %parallel_loop3A_586, %parallel_loop3A_585 : i32
        %parallel_loop3A_596 = arith.select %parallel_loop3A_594, %parallel_loop3A_595, %parallel_loop3A_586 : i32
        %parallel_loop3A_597 = arith.constant 16 : i32
        %parallel_loop3A_598 = arith.muli %parallel_loop3A_596, %parallel_loop3A_597 : i32
        %parallel_loop3A_599 = arith.addi %parallel_loop3A_580, %parallel_loop3A_598 : i32
        %parallel_loop3A_600 = arith.constant 16 : i32
        %parallel_loop3A_601 = arith.muli %parallel_loop3A_554, %parallel_loop3A_600 : i32
        %parallel_loop3A_602 = arith.addi %mul3A_453, %parallel_loop3A_601 : i32
        %parallel_loop3A_603 = arith.index_cast %parallel_loop3A_602 : i32 to index
        %parallel_loop3A_604 = tpu.vector_load %arg14[%parallel_loop3A_603] {strides = array<i32>} : memref<768xf32, #tpu.memory_space<vmem>>, vector<16xf32>,
        %parallel_loop3A_605 = arith.index_cast %parallel_loop3A_602 : i32 to index
        %parallel_loop3A_606 = tpu.vector_load %arg15[%parallel_loop3A_605] {strides = array<i32>} : memref<768xf32, #tpu.memory_space<vmem>>, vector<16xf32>,
        %parallel_loop3A_607 = arith.constant 0 : i32
        %parallel_loop3A_608 = arith.addi %parallel_loop3A_599, %parallel_loop3A_607 : i32
        %parallel_loop3A_609 = arith.constant 0 : i32
        %parallel_loop3A_610 = arith.addi %parallel_loop3A_608, %parallel_loop3A_609 : i32
        %parallel_loop3A_611 = arith.index_cast %parallel_loop3A_610 : i32 to index
        %parallel_loop3A_612 = tpu.vector_load %arg10[%parallel_loop3A_611] {strides = array<i32>} : memref<12288xf32, #tpu.memory_space<vmem>>, vector<16xf32>,
        %parallel_loop3A_613 = arith.addf %parallel_loop3A_604, %parallel_loop3A_612 : vector<16xf32>
        %parallel_loop3A_614 = arith.mulf %parallel_loop3A_612, %parallel_loop3A_612 : vector<16xf32>
        %parallel_loop3A_615 = arith.addf %parallel_loop3A_606, %parallel_loop3A_614 : vector<16xf32>
        %parallel_loop3A_616 = arith.constant 0 : i32
        %parallel_loop3A_617 = arith.addi %parallel_loop3A_599, %parallel_loop3A_616 : i32
        %parallel_loop3A_618 = arith.constant 128 : i32
        %parallel_loop3A_619 = arith.addi %parallel_loop3A_617, %parallel_loop3A_618 : i32
        %parallel_loop3A_620 = arith.index_cast %parallel_loop3A_619 : i32 to index
        %parallel_loop3A_621 = tpu.vector_load %arg10[%parallel_loop3A_620] {strides = array<i32>} : memref<12288xf32, #tpu.memory_space<vmem>>, vector<16xf32>,
        %parallel_loop3A_622 = arith.addf %broadcast_in_dim3A_5, %parallel_loop3A_621 : vector<16xf32>
        %parallel_loop3A_623 = arith.mulf %parallel_loop3A_621, %parallel_loop3A_621 : vector<16xf32>
        %parallel_loop3A_624 = arith.addf %broadcast_in_dim3A_5, %parallel_loop3A_623 : vector<16xf32>
        %parallel_loop3A_625 = arith.constant 0 : i32
        %parallel_loop3A_626 = arith.addi %parallel_loop3A_599, %parallel_loop3A_625 : i32
        %parallel_loop3A_627 = arith.constant 256 : i32
        %parallel_loop3A_628 = arith.addi %parallel_loop3A_626, %parallel_loop3A_627 : i32
        %parallel_loop3A_629 = arith.index_cast %parallel_loop3A_628 : i32 to index
        %parallel_loop3A_630 = tpu.vector_load %arg10[%parallel_loop3A_629] {strides = array<i32>} : memref<12288xf32, #tpu.memory_space<vmem>>, vector<16xf32>,
        %parallel_loop3A_631 = arith.addf %broadcast_in_dim3A_5, %parallel_loop3A_630 : vector<16xf32>
        %parallel_loop3A_632 = arith.mulf %parallel_loop3A_630, %parallel_loop3A_630 : vector<16xf32>
        %parallel_loop3A_633 = arith.addf %broadcast_in_dim3A_5, %parallel_loop3A_632 : vector<16xf32>
        %parallel_loop3A_634 = arith.constant 0 : i32
        %parallel_loop3A_635 = arith.addi %parallel_loop3A_599, %parallel_loop3A_634 : i32
        %parallel_loop3A_636 = arith.constant 384 : i32
        %parallel_loop3A_637 = arith.addi %parallel_loop3A_635, %parallel_loop3A_636 : i32
        %parallel_loop3A_638 = arith.index_cast %parallel_loop3A_637 : i32 to index
        %parallel_loop3A_639 = tpu.vector_load %arg10[%parallel_loop3A_638] {strides = array<i32>} : memref<12288xf32, #tpu.memory_space<vmem>>, vector<16xf32>,
        %parallel_loop3A_640 = arith.addf %broadcast_in_dim3A_5, %parallel_loop3A_639 : vector<16xf32>
        %parallel_loop3A_641 = arith.mulf %parallel_loop3A_639, %parallel_loop3A_639 : vector<16xf32>
        %parallel_loop3A_642 = arith.addf %broadcast_in_dim3A_5, %parallel_loop3A_641 : vector<16xf32>
        %parallel_loop3A_643 = arith.constant 0 : i32
        %parallel_loop3A_644 = arith.addi %parallel_loop3A_599, %parallel_loop3A_643 : i32
        %parallel_loop3A_645 = arith.constant 512 : i32
        %parallel_loop3A_646 = arith.addi %parallel_loop3A_644, %parallel_loop3A_645 : i32
        %parallel_loop3A_647 = arith.index_cast %parallel_loop3A_646 : i32 to index
        %parallel_loop3A_648 = tpu.vector_load %arg10[%parallel_loop3A_647] {strides = array<i32>} : memref<12288xf32, #tpu.memory_space<vmem>>, vector<16xf32>,
        %parallel_loop3A_649 = arith.addf %parallel_loop3A_613, %parallel_loop3A_648 : vector<16xf32>
        %parallel_loop3A_650 = arith.mulf %parallel_loop3A_648, %parallel_loop3A_648 : vector<16xf32>
        %parallel_loop3A_651 = arith.addf %parallel_loop3A_615, %parallel_loop3A_650 : vector<16xf32>
        %parallel_loop3A_652 = arith.constant 0 : i32
        %parallel_loop3A_653 = arith.addi %parallel_loop3A_599, %parallel_loop3A_652 : i32
        %parallel_loop3A_654 = arith.constant 640 : i32
        %parallel_loop3A_655 = arith.addi %parallel_loop3A_653, %parallel_loop3A_654 : i32
        %parallel_loop3A_656 = arith.index_cast %parallel_loop3A_655 : i32 to index
        %parallel_loop3A_657 = tpu.vector_load %arg10[%parallel_loop3A_656] {strides = array<i32>} : memref<12288xf32, #tpu.memory_space<vmem>>, vector<16xf32>,
        %parallel_loop3A_658 = arith.addf %parallel_loop3A_622, %parallel_loop3A_657 : vector<16xf32>
        %parallel_loop3A_659 = arith.mulf %parallel_loop3A_657, %parallel_loop3A_657 : vector<16xf32>
        %parallel_loop3A_660 = arith.addf %parallel_loop3A_624, %parallel_loop3A_659 : vector<16xf32>
        %parallel_loop3A_661 = arith.constant 0 : i32
        %parallel_loop3A_662 = arith.addi %parallel_loop3A_599, %parallel_loop3A_661 : i32
        %parallel_loop3A_663 = arith.constant 768 : i32
        %parallel_loop3A_664 = arith.addi %parallel_loop3A_662, %parallel_loop3A_663 : i32
        %parallel_loop3A_665 = arith.index_cast %parallel_loop3A_664 : i32 to index
        %parallel_loop3A_666 = tpu.vector_load %arg10[%parallel_loop3A_665] {strides = array<i32>} : memref<12288xf32, #tpu.memory_space<vmem>>, vector<16xf32>,
        %parallel_loop3A_667 = arith.addf %parallel_loop3A_631, %parallel_loop3A_666 : vector<16xf32>
        %parallel_loop3A_668 = arith.mulf %parallel_loop3A_666, %parallel_loop3A_666 : vector<16xf32>
        %parallel_loop3A_669 = arith.addf %parallel_loop3A_633, %parallel_loop3A_668 : vector<16xf32>
        %parallel_loop3A_670 = arith.constant 0 : i32
        %parallel_loop3A_671 = arith.addi %parallel_loop3A_599, %parallel_loop3A_670 : i32
        %parallel_loop3A_672 = arith.constant 896 : i32
        %parallel_loop3A_673 = arith.addi %parallel_loop3A_671, %parallel_loop3A_672 : i32
        %parallel_loop3A_674 = arith.index_cast %parallel_loop3A_673 : i32 to index
        %parallel_loop3A_675 = tpu.vector_load %arg10[%parallel_loop3A_674] {strides = array<i32>} : memref<12288xf32, #tpu.memory_space<vmem>>, vector<16xf32>,
        %parallel_loop3A_676 = arith.addf %parallel_loop3A_640, %parallel_loop3A_675 : vector<16xf32>
        %parallel_loop3A_677 = arith.mulf %parallel_loop3A_675, %parallel_loop3A_675 : vector<16xf32>
        %parallel_loop3A_678 = arith.addf %parallel_loop3A_642, %parallel_loop3A_677 : vector<16xf32>
        %parallel_loop3A_679 = arith.constant 3072 : i32
        %parallel_loop3A_680 = arith.addi %parallel_loop3A_599, %parallel_loop3A_679 : i32
        %parallel_loop3A_681 = arith.constant 0 : i32
        %parallel_loop3A_682 = arith.addi %parallel_loop3A_680, %parallel_loop3A_681 : i32
        %parallel_loop3A_683 = arith.index_cast %parallel_loop3A_682 : i32 to index
        %parallel_loop3A_684 = tpu.vector_load %arg10[%parallel_loop3A_683] {strides = array<i32>} : memref<12288xf32, #tpu.memory_space<vmem>>, vector<16xf32>,
        %parallel_loop3A_685 = arith.addf %parallel_loop3A_649, %parallel_loop3A_684 : vector<16xf32>
        %parallel_loop3A_686 = arith.mulf %parallel_loop3A_684, %parallel_loop3A_684 : vector<16xf32>
        %parallel_loop3A_687 = arith.addf %parallel_loop3A_651, %parallel_loop3A_686 : vector<16xf32>
        %parallel_loop3A_688 = arith.constant 3072 : i32
        %parallel_loop3A_689 = arith.addi %parallel_loop3A_599, %parallel_loop3A_688 : i32
        %parallel_loop3A_690 = arith.constant 128 : i32
        %parallel_loop3A_691 = arith.addi %parallel_loop3A_689, %parallel_loop3A_690 : i32
        %parallel_loop3A_692 = arith.index_cast %parallel_loop3A_691 : i32 to index
        %parallel_loop3A_693 = tpu.vector_load %arg10[%parallel_loop3A_692] {strides = array<i32>} : memref<12288xf32, #tpu.memory_space<vmem>>, vector<16xf32>,
        %parallel_loop3A_694 = arith.addf %parallel_loop3A_658, %parallel_loop3A_693 : vector<16xf32>
        %parallel_loop3A_695 = arith.mulf %parallel_loop3A_693, %parallel_loop3A_693 : vector<16xf32>
        %parallel_loop3A_696 = arith.addf %parallel_loop3A_660, %parallel_loop3A_695 : vector<16xf32>
        %parallel_loop3A_697 = arith.constant 3072 : i32
        %parallel_loop3A_698 = arith.addi %parallel_loop3A_599, %parallel_loop3A_697 : i32
        %parallel_loop3A_699 = arith.constant 256 : i32
        %parallel_loop3A_700 = arith.addi %parallel_loop3A_698, %parallel_loop3A_699 : i32
        %parallel_loop3A_701 = arith.index_cast %parallel_loop3A_700 : i32 to index
        %parallel_loop3A_702 = tpu.vector_load %arg10[%parallel_loop3A_701] {strides = array<i32>} : memref<12288xf32, #tpu.memory_space<vmem>>, vector<16xf32>,
        %parallel_loop3A_703 = arith.addf %parallel_loop3A_667, %parallel_loop3A_702 : vector<16xf32>
        %parallel_loop3A_704 = arith.mulf %parallel_loop3A_702, %parallel_loop3A_702 : vector<16xf32>
        %parallel_loop3A_705 = arith.addf %parallel_loop3A_669, %parallel_loop3A_704 : vector<16xf32>
        %parallel_loop3A_706 = arith.constant 3072 : i32
        %parallel_loop3A_707 = arith.addi %parallel_loop3A_599, %parallel_loop3A_706 : i32
        %parallel_loop3A_708 = arith.constant 384 : i32
        %parallel_loop3A_709 = arith.addi %parallel_loop3A_707, %parallel_loop3A_708 : i32
        %parallel_loop3A_710 = arith.index_cast %parallel_loop3A_709 : i32 to index
        %parallel_loop3A_711 = tpu.vector_load %arg10[%parallel_loop3A_710] {strides = array<i32>} : memref<12288xf32, #tpu.memory_space<vmem>>, vector<16xf32>,
        %parallel_loop3A_712 = arith.addf %parallel_loop3A_676, %parallel_loop3A_711 : vector<16xf32>
        %parallel_loop3A_713 = arith.mulf %parallel_loop3A_711, %parallel_loop3A_711 : vector<16xf32>
        %parallel_loop3A_714 = arith.addf %parallel_loop3A_678, %parallel_loop3A_713 : vector<16xf32>
        %parallel_loop3A_715 = arith.constant 3072 : i32
        %parallel_loop3A_716 = arith.addi %parallel_loop3A_599, %parallel_loop3A_715 : i32
        %parallel_loop3A_717 = arith.constant 512 : i32
        %parallel_loop3A_718 = arith.addi %parallel_loop3A_716, %parallel_loop3A_717 : i32
        %parallel_loop3A_719 = arith.index_cast %parallel_loop3A_718 : i32 to index
        %parallel_loop3A_720 = tpu.vector_load %arg10[%parallel_loop3A_719] {strides = array<i32>} : memref<12288xf32, #tpu.memory_space<vmem>>, vector<16xf32>,
        %parallel_loop3A_721 = arith.addf %parallel_loop3A_685, %parallel_loop3A_720 : vector<16xf32>
        %parallel_loop3A_722 = arith.mulf %parallel_loop3A_720, %parallel_loop3A_720 : vector<16xf32>
        %parallel_loop3A_723 = arith.addf %parallel_loop3A_687, %parallel_loop3A_722 : vector<16xf32>
        %parallel_loop3A_724 = arith.constant 3072 : i32
        %parallel_loop3A_725 = arith.addi %parallel_loop3A_599, %parallel_loop3A_724 : i32
        %parallel_loop3A_726 = arith.constant 640 : i32
        %parallel_loop3A_727 = arith.addi %parallel_loop3A_725, %parallel_loop3A_726 : i32
        %parallel_loop3A_728 = arith.index_cast %parallel_loop3A_727 : i32 to index
        %parallel_loop3A_729 = tpu.vector_load %arg10[%parallel_loop3A_728] {strides = array<i32>} : memref<12288xf32, #tpu.memory_space<vmem>>, vector<16xf32>,
        %parallel_loop3A_730 = arith.addf %parallel_loop3A_694, %parallel_loop3A_729 : vector<16xf32>
        %parallel_loop3A_731 = arith.mulf %parallel_loop3A_729, %parallel_loop3A_729 : vector<16xf32>
        %parallel_loop3A_732 = arith.addf %parallel_loop3A_696, %parallel_loop3A_731 : vector<16xf32>
        %parallel_loop3A_733 = arith.constant 3072 : i32
        %parallel_loop3A_734 = arith.addi %parallel_loop3A_599, %parallel_loop3A_733 : i32
        %parallel_loop3A_735 = arith.constant 768 : i32
        %parallel_loop3A_736 = arith.addi %parallel_loop3A_734, %parallel_loop3A_735 : i32
        %parallel_loop3A_737 = arith.index_cast %parallel_loop3A_736 : i32 to index
        %parallel_loop3A_738 = tpu.vector_load %arg10[%parallel_loop3A_737] {strides = array<i32>} : memref<12288xf32, #tpu.memory_space<vmem>>, vector<16xf32>,
        %parallel_loop3A_739 = arith.addf %parallel_loop3A_703, %parallel_loop3A_738 : vector<16xf32>
        %parallel_loop3A_740 = arith.mulf %parallel_loop3A_738, %parallel_loop3A_738 : vector<16xf32>
        %parallel_loop3A_741 = arith.addf %parallel_loop3A_705, %parallel_loop3A_740 : vector<16xf32>
        %parallel_loop3A_742 = arith.constant 3072 : i32
        %parallel_loop3A_743 = arith.addi %parallel_loop3A_599, %parallel_loop3A_742 : i32
        %parallel_loop3A_744 = arith.constant 896 : i32
        %parallel_loop3A_745 = arith.addi %parallel_loop3A_743, %parallel_loop3A_744 : i32
        %parallel_loop3A_746 = arith.index_cast %parallel_loop3A_745 : i32 to index
        %parallel_loop3A_747 = tpu.vector_load %arg10[%parallel_loop3A_746] {strides = array<i32>} : memref<12288xf32, #tpu.memory_space<vmem>>, vector<16xf32>,
        %parallel_loop3A_748 = arith.addf %parallel_loop3A_712, %parallel_loop3A_747 : vector<16xf32>
        %parallel_loop3A_749 = arith.mulf %parallel_loop3A_747, %parallel_loop3A_747 : vector<16xf32>
        %parallel_loop3A_750 = arith.addf %parallel_loop3A_714, %parallel_loop3A_749 : vector<16xf32>
        %parallel_loop3A_751 = arith.constant 6144 : i32
        %parallel_loop3A_752 = arith.addi %parallel_loop3A_599, %parallel_loop3A_751 : i32
        %parallel_loop3A_753 = arith.constant 0 : i32
        %parallel_loop3A_754 = arith.addi %parallel_loop3A_752, %parallel_loop3A_753 : i32
        %parallel_loop3A_755 = arith.index_cast %parallel_loop3A_754 : i32 to index
        %parallel_loop3A_756 = tpu.vector_load %arg10[%parallel_loop3A_755] {strides = array<i32>} : memref<12288xf32, #tpu.memory_space<vmem>>, vector<16xf32>,
        %parallel_loop3A_757 = arith.addf %parallel_loop3A_721, %parallel_loop3A_756 : vector<16xf32>
        %parallel_loop3A_758 = arith.mulf %parallel_loop3A_756, %parallel_loop3A_756 : vector<16xf32>
        %parallel_loop3A_759 = arith.addf %parallel_loop3A_723, %parallel_loop3A_758 : vector<16xf32>
        %parallel_loop3A_760 = arith.constant 6144 : i32
        %parallel_loop3A_761 = arith.addi %parallel_loop3A_599, %parallel_loop3A_760 : i32
        %parallel_loop3A_762 = arith.constant 128 : i32
        %parallel_loop3A_763 = arith.addi %parallel_loop3A_761, %parallel_loop3A_762 : i32
        %parallel_loop3A_764 = arith.index_cast %parallel_loop3A_763 : i32 to index
        %parallel_loop3A_765 = tpu.vector_load %arg10[%parallel_loop3A_764] {strides = array<i32>} : memref<12288xf32, #tpu.memory_space<vmem>>, vector<16xf32>,
        %parallel_loop3A_766 = arith.addf %parallel_loop3A_730, %parallel_loop3A_765 : vector<16xf32>
        %parallel_loop3A_767 = arith.mulf %parallel_loop3A_765, %parallel_loop3A_765 : vector<16xf32>
        %parallel_loop3A_768 = arith.addf %parallel_loop3A_732, %parallel_loop3A_767 : vector<16xf32>
        %parallel_loop3A_769 = arith.constant 6144 : i32
        %parallel_loop3A_770 = arith.addi %parallel_loop3A_599, %parallel_loop3A_769 : i32
        %parallel_loop3A_771 = arith.constant 256 : i32
        %parallel_loop3A_772 = arith.addi %parallel_loop3A_770, %parallel_loop3A_771 : i32
        %parallel_loop3A_773 = arith.index_cast %parallel_loop3A_772 : i32 to index
        %parallel_loop3A_774 = tpu.vector_load %arg10[%parallel_loop3A_773] {strides = array<i32>} : memref<12288xf32, #tpu.memory_space<vmem>>, vector<16xf32>,
        %parallel_loop3A_775 = arith.addf %parallel_loop3A_739, %parallel_loop3A_774 : vector<16xf32>
        %parallel_loop3A_776 = arith.mulf %parallel_loop3A_774, %parallel_loop3A_774 : vector<16xf32>
        %parallel_loop3A_777 = arith.addf %parallel_loop3A_741, %parallel_loop3A_776 : vector<16xf32>
        %parallel_loop3A_778 = arith.constant 6144 : i32
        %parallel_loop3A_779 = arith.addi %parallel_loop3A_599, %parallel_loop3A_778 : i32
        %parallel_loop3A_780 = arith.constant 384 : i32
        %parallel_loop3A_781 = arith.addi %parallel_loop3A_779, %parallel_loop3A_780 : i32
        %parallel_loop3A_782 = arith.index_cast %parallel_loop3A_781 : i32 to index
        %parallel_loop3A_783 = tpu.vector_load %arg10[%parallel_loop3A_782] {strides = array<i32>} : memref<12288xf32, #tpu.memory_space<vmem>>, vector<16xf32>,
        %parallel_loop3A_784 = arith.addf %parallel_loop3A_748, %parallel_loop3A_783 : vector<16xf32>
        %parallel_loop3A_785 = arith.mulf %parallel_loop3A_783, %parallel_loop3A_783 : vector<16xf32>
        %parallel_loop3A_786 = arith.addf %parallel_loop3A_750, %parallel_loop3A_785 : vector<16xf32>
        %parallel_loop3A_787 = arith.constant 6144 : i32
        %parallel_loop3A_788 = arith.addi %parallel_loop3A_599, %parallel_loop3A_787 : i32
        %parallel_loop3A_789 = arith.constant 512 : i32
        %parallel_loop3A_790 = arith.addi %parallel_loop3A_788, %parallel_loop3A_789 : i32
        %parallel_loop3A_791 = arith.index_cast %parallel_loop3A_790 : i32 to index
        %parallel_loop3A_792 = tpu.vector_load %arg10[%parallel_loop3A_791] {strides = array<i32>} : memref<12288xf32, #tpu.memory_space<vmem>>, vector<16xf32>,
        %parallel_loop3A_793 = arith.addf %parallel_loop3A_757, %parallel_loop3A_792 : vector<16xf32>
        %parallel_loop3A_794 = arith.mulf %parallel_loop3A_792, %parallel_loop3A_792 : vector<16xf32>
        %parallel_loop3A_795 = arith.addf %parallel_loop3A_759, %parallel_loop3A_794 : vector<16xf32>
        %parallel_loop3A_796 = arith.constant 6144 : i32
        %parallel_loop3A_797 = arith.addi %parallel_loop3A_599, %parallel_loop3A_796 : i32
        %parallel_loop3A_798 = arith.constant 640 : i32
        %parallel_loop3A_799 = arith.addi %parallel_loop3A_797, %parallel_loop3A_798 : i32
        %parallel_loop3A_800 = arith.index_cast %parallel_loop3A_799 : i32 to index
        %parallel_loop3A_801 = tpu.vector_load %arg10[%parallel_loop3A_800] {strides = array<i32>} : memref<12288xf32, #tpu.memory_space<vmem>>, vector<16xf32>,
        %parallel_loop3A_802 = arith.addf %parallel_loop3A_766, %parallel_loop3A_801 : vector<16xf32>
        %parallel_loop3A_803 = arith.mulf %parallel_loop3A_801, %parallel_loop3A_801 : vector<16xf32>
        %parallel_loop3A_804 = arith.addf %parallel_loop3A_768, %parallel_loop3A_803 : vector<16xf32>
        %parallel_loop3A_805 = arith.constant 6144 : i32
        %parallel_loop3A_806 = arith.addi %parallel_loop3A_599, %parallel_loop3A_805 : i32
        %parallel_loop3A_807 = arith.constant 768 : i32
        %parallel_loop3A_808 = arith.addi %parallel_loop3A_806, %parallel_loop3A_807 : i32
        %parallel_loop3A_809 = arith.index_cast %parallel_loop3A_808 : i32 to index
        %parallel_loop3A_810 = tpu.vector_load %arg10[%parallel_loop3A_809] {strides = array<i32>} : memref<12288xf32, #tpu.memory_space<vmem>>, vector<16xf32>,
        %parallel_loop3A_811 = arith.addf %parallel_loop3A_775, %parallel_loop3A_810 : vector<16xf32>
        %parallel_loop3A_812 = arith.mulf %parallel_loop3A_810, %parallel_loop3A_810 : vector<16xf32>
        %parallel_loop3A_813 = arith.addf %parallel_loop3A_777, %parallel_loop3A_812 : vector<16xf32>
        %parallel_loop3A_814 = arith.constant 6144 : i32
        %parallel_loop3A_815 = arith.addi %parallel_loop3A_599, %parallel_loop3A_814 : i32
        %parallel_loop3A_816 = arith.constant 896 : i32
        %parallel_loop3A_817 = arith.addi %parallel_loop3A_815, %parallel_loop3A_816 : i32
        %parallel_loop3A_818 = arith.index_cast %parallel_loop3A_817 : i32 to index
        %parallel_loop3A_819 = tpu.vector_load %arg10[%parallel_loop3A_818] {strides = array<i32>} : memref<12288xf32, #tpu.memory_space<vmem>>, vector<16xf32>,
        %parallel_loop3A_820 = arith.addf %parallel_loop3A_784, %parallel_loop3A_819 : vector<16xf32>
        %parallel_loop3A_821 = arith.mulf %parallel_loop3A_819, %parallel_loop3A_819 : vector<16xf32>
        %parallel_loop3A_822 = arith.addf %parallel_loop3A_786, %parallel_loop3A_821 : vector<16xf32>
        %parallel_loop3A_823 = arith.constant 9216 : i32
        %parallel_loop3A_824 = arith.addi %parallel_loop3A_599, %parallel_loop3A_823 : i32
        %parallel_loop3A_825 = arith.constant 0 : i32
        %parallel_loop3A_826 = arith.addi %parallel_loop3A_824, %parallel_loop3A_825 : i32
        %parallel_loop3A_827 = arith.index_cast %parallel_loop3A_826 : i32 to index
        %parallel_loop3A_828 = tpu.vector_load %arg10[%parallel_loop3A_827] {strides = array<i32>} : memref<12288xf32, #tpu.memory_space<vmem>>, vector<16xf32>,
        %parallel_loop3A_829 = arith.addf %parallel_loop3A_793, %parallel_loop3A_828 : vector<16xf32>
        %parallel_loop3A_830 = arith.mulf %parallel_loop3A_828, %parallel_loop3A_828 : vector<16xf32>
        %parallel_loop3A_831 = arith.addf %parallel_loop3A_795, %parallel_loop3A_830 : vector<16xf32>
        %parallel_loop3A_832 = arith.constant 9216 : i32
        %parallel_loop3A_833 = arith.addi %parallel_loop3A_599, %parallel_loop3A_832 : i32
        %parallel_loop3A_834 = arith.constant 128 : i32
        %parallel_loop3A_835 = arith.addi %parallel_loop3A_833, %parallel_loop3A_834 : i32
        %parallel_loop3A_836 = arith.index_cast %parallel_loop3A_835 : i32 to index
        %parallel_loop3A_837 = tpu.vector_load %arg10[%parallel_loop3A_836] {strides = array<i32>} : memref<12288xf32, #tpu.memory_space<vmem>>, vector<16xf32>,
        %parallel_loop3A_838 = arith.addf %parallel_loop3A_802, %parallel_loop3A_837 : vector<16xf32>
        %parallel_loop3A_839 = arith.mulf %parallel_loop3A_837, %parallel_loop3A_837 : vector<16xf32>
        %parallel_loop3A_840 = arith.addf %parallel_loop3A_804, %parallel_loop3A_839 : vector<16xf32>
        %parallel_loop3A_841 = arith.constant 9216 : i32
        %parallel_loop3A_842 = arith.addi %parallel_loop3A_599, %parallel_loop3A_841 : i32
        %parallel_loop3A_843 = arith.constant 256 : i32
        %parallel_loop3A_844 = arith.addi %parallel_loop3A_842, %parallel_loop3A_843 : i32
        %parallel_loop3A_845 = arith.index_cast %parallel_loop3A_844 : i32 to index
        %parallel_loop3A_846 = tpu.vector_load %arg10[%parallel_loop3A_845] {strides = array<i32>} : memref<12288xf32, #tpu.memory_space<vmem>>, vector<16xf32>,
        %parallel_loop3A_847 = arith.addf %parallel_loop3A_811, %parallel_loop3A_846 : vector<16xf32>
        %parallel_loop3A_848 = arith.mulf %parallel_loop3A_846, %parallel_loop3A_846 : vector<16xf32>
        %parallel_loop3A_849 = arith.addf %parallel_loop3A_813, %parallel_loop3A_848 : vector<16xf32>
        %parallel_loop3A_850 = arith.constant 9216 : i32
        %parallel_loop3A_851 = arith.addi %parallel_loop3A_599, %parallel_loop3A_850 : i32
        %parallel_loop3A_852 = arith.constant 384 : i32
        %parallel_loop3A_853 = arith.addi %parallel_loop3A_851, %parallel_loop3A_852 : i32
        %parallel_loop3A_854 = arith.index_cast %parallel_loop3A_853 : i32 to index
        %parallel_loop3A_855 = tpu.vector_load %arg10[%parallel_loop3A_854] {strides = array<i32>} : memref<12288xf32, #tpu.memory_space<vmem>>, vector<16xf32>,
        %parallel_loop3A_856 = arith.addf %parallel_loop3A_820, %parallel_loop3A_855 : vector<16xf32>
        %parallel_loop3A_857 = arith.mulf %parallel_loop3A_855, %parallel_loop3A_855 : vector<16xf32>
        %parallel_loop3A_858 = arith.addf %parallel_loop3A_822, %parallel_loop3A_857 : vector<16xf32>
        %parallel_loop3A_859 = arith.constant 9216 : i32
        %parallel_loop3A_860 = arith.addi %parallel_loop3A_599, %parallel_loop3A_859 : i32
        %parallel_loop3A_861 = arith.constant 512 : i32
        %parallel_loop3A_862 = arith.addi %parallel_loop3A_860, %parallel_loop3A_861 : i32
        %parallel_loop3A_863 = arith.index_cast %parallel_loop3A_862 : i32 to index
        %parallel_loop3A_864 = tpu.vector_load %arg10[%parallel_loop3A_863] {strides = array<i32>} : memref<12288xf32, #tpu.memory_space<vmem>>, vector<16xf32>,
        %parallel_loop3A_865 = arith.addf %parallel_loop3A_829, %parallel_loop3A_864 : vector<16xf32>
        %parallel_loop3A_866 = arith.mulf %parallel_loop3A_864, %parallel_loop3A_864 : vector<16xf32>
        %parallel_loop3A_867 = arith.addf %parallel_loop3A_831, %parallel_loop3A_866 : vector<16xf32>
        %parallel_loop3A_868 = arith.constant 9216 : i32
        %parallel_loop3A_869 = arith.addi %parallel_loop3A_599, %parallel_loop3A_868 : i32
        %parallel_loop3A_870 = arith.constant 640 : i32
        %parallel_loop3A_871 = arith.addi %parallel_loop3A_869, %parallel_loop3A_870 : i32
        %parallel_loop3A_872 = arith.index_cast %parallel_loop3A_871 : i32 to index
        %parallel_loop3A_873 = tpu.vector_load %arg10[%parallel_loop3A_872] {strides = array<i32>} : memref<12288xf32, #tpu.memory_space<vmem>>, vector<16xf32>,
        %parallel_loop3A_874 = arith.addf %parallel_loop3A_838, %parallel_loop3A_873 : vector<16xf32>
        %parallel_loop3A_875 = arith.mulf %parallel_loop3A_873, %parallel_loop3A_873 : vector<16xf32>
        %parallel_loop3A_876 = arith.addf %parallel_loop3A_840, %parallel_loop3A_875 : vector<16xf32>
        %parallel_loop3A_877 = arith.constant 9216 : i32
        %parallel_loop3A_878 = arith.addi %parallel_loop3A_599, %parallel_loop3A_877 : i32
        %parallel_loop3A_879 = arith.constant 768 : i32
        %parallel_loop3A_880 = arith.addi %parallel_loop3A_878, %parallel_loop3A_879 : i32
        %parallel_loop3A_881 = arith.index_cast %parallel_loop3A_880 : i32 to index
        %parallel_loop3A_882 = tpu.vector_load %arg10[%parallel_loop3A_881] {strides = array<i32>} : memref<12288xf32, #tpu.memory_space<vmem>>, vector<16xf32>,
        %parallel_loop3A_883 = arith.addf %parallel_loop3A_847, %parallel_loop3A_882 : vector<16xf32>
        %parallel_loop3A_884 = arith.mulf %parallel_loop3A_882, %parallel_loop3A_882 : vector<16xf32>
        %parallel_loop3A_885 = arith.addf %parallel_loop3A_849, %parallel_loop3A_884 : vector<16xf32>
        %parallel_loop3A_886 = arith.constant 9216 : i32
        %parallel_loop3A_887 = arith.addi %parallel_loop3A_599, %parallel_loop3A_886 : i32
        %parallel_loop3A_888 = arith.constant 896 : i32
        %parallel_loop3A_889 = arith.addi %parallel_loop3A_887, %parallel_loop3A_888 : i32
        %parallel_loop3A_890 = arith.index_cast %parallel_loop3A_889 : i32 to index
        %parallel_loop3A_891 = tpu.vector_load %arg10[%parallel_loop3A_890] {strides = array<i32>} : memref<12288xf32, #tpu.memory_space<vmem>>, vector<16xf32>,
        %parallel_loop3A_892 = arith.addf %parallel_loop3A_856, %parallel_loop3A_891 : vector<16xf32>
        %parallel_loop3A_893 = arith.mulf %parallel_loop3A_891, %parallel_loop3A_891 : vector<16xf32>
        %parallel_loop3A_894 = arith.addf %parallel_loop3A_858, %parallel_loop3A_893 : vector<16xf32>
        %parallel_loop3A_895 = arith.addf %parallel_loop3A_865, %parallel_loop3A_874 : vector<16xf32>
        %parallel_loop3A_896 = arith.addf %parallel_loop3A_883, %parallel_loop3A_892 : vector<16xf32>
        %parallel_loop3A_897 = arith.addf %parallel_loop3A_895, %parallel_loop3A_896 : vector<16xf32>
        %parallel_loop3A_898 = arith.index_cast %parallel_loop3A_602 : i32 to index
        %parallel_loop3A_899 = tpu.vector_load %arg14[%parallel_loop3A_898] {strides = array<i32>} : memref<768xf32, #tpu.memory_space<vmem>>, vector<16xf32>,
        tpu.vector_store %arg14[%parallel_loop3A_898], %parallel_loop3A_897 {strides = array<i32>} : memref<768xf32, #tpu.memory_space<vmem>>, vector<16xf32>,
        %parallel_loop3A_900 = arith.addf %parallel_loop3A_867, %parallel_loop3A_876 : vector<16xf32>
        %parallel_loop3A_901 = arith.addf %parallel_loop3A_885, %parallel_loop3A_894 : vector<16xf32>
        %parallel_loop3A_902 = arith.addf %parallel_loop3A_900, %parallel_loop3A_901 : vector<16xf32>
        %parallel_loop3A_903 = arith.index_cast %parallel_loop3A_602 : i32 to index
        %parallel_loop3A_904 = tpu.vector_load %arg15[%parallel_loop3A_903] {strides = array<i32>} : memref<768xf32, #tpu.memory_space<vmem>>, vector<16xf32>,
        tpu.vector_store %arg15[%parallel_loop3A_903], %parallel_loop3A_902 {strides = array<i32>} : memref<768xf32, #tpu.memory_space<vmem>>, vector<16xf32>,
      } {sc.loop_unroll_factor = 2 : i64, sc.parallel_access}
      %add3A_457 = arith.constant 4 : i32
      %add3A_458 = arith.addi %add3A_422, %add3A_457 : i32
      %lt3A_459 = arith.constant 64 : i32
      %lt3A_460 = arith.cmpi slt, %add3A_458, %lt3A_459 : i32
      %convert_element_type3A_461 = arith.extui %lt3A_460 : i1 to i32
      %cond3A_462 = arith.constant 0 : i32
      %cond3A_463 = arith.cmpi ne, %convert_element_type3A_461, %cond3A_462 : i32
      scf.if %cond3A_463 {
        %add3A_554 = arith.constant 4 : i32
        %add3A_555 = arith.addi %add3A_422, %add3A_554 : i32
        %mul3A_556 = arith.constant 12288 : i32
        %mul3A_557 = arith.muli %add3A_555, %mul3A_556 : i32
        %add3A_558 = arith.addi %mul3A_4, %mul3A_557 : i32
        %dma_start3A_559 = tpu.memref_slice %arg2[%add3A_558] : memref<25165824xf32, #tpu.memory_space<hbm>> -> memref<12288xf32, #tpu.memory_space<hbm>>
        %dma_start3A_560 = tpu.memref_slice %arg2[%add3A_558] : memref<25165824xf32, #tpu.memory_space<hbm>> -> memref<12288xf32, #tpu.memory_space<hbm>>
        tpu.enqueue_dma source(%dma_start3A_560 : memref<12288xf32, #tpu.memory_space<hbm>>) target(%arg10 : memref<12288xf32, #tpu.memory_space<vmem>>) target_semaphore(%arg22 : memref<!tpu.dma_semaphore, #tpu.memory_space<semaphore_mem>>)
      } else {
      }
      %mul3A_464 = arith.constant 4 : i32
      %mul3A_465 = arith.muli %mul3A_464, %scan3A_381 : i32
      %add3A_466 = arith.constant 2 : i32
      %add3A_467 = arith.addi %mul3A_465, %add3A_466 : i32
      %mul3A_468 = arith.constant 12288 : i32
      %mul3A_469 = arith.muli %add3A_467, %mul3A_468 : i32
      %add3A_470 = arith.addi %mul3A_4, %mul3A_469 : i32
      %dma_wait3A_471 = tpu.memref_slice %arg2[%add3A_470] : memref<25165824xf32, #tpu.memory_space<hbm>> -> memref<12288xf32, #tpu.memory_space<hbm>>
      %dma_wait3A_472 = tpu.memref_slice %arg2[%add3A_470] : memref<25165824xf32, #tpu.memory_space<hbm>> -> memref<12288xf32, #tpu.memory_space<hbm>>
      tpu.wait_dma2 semaphore(%arg23 : memref<!tpu.dma_semaphore, #tpu.memory_space<semaphore_mem>>) src(%dma_wait3A_472 : memref<12288xf32, #tpu.memory_space<hbm>>) dst(%arg11 : memref<12288xf32, #tpu.memory_space<vmem>>)
      %jit3A_473 = arith.constant 32 : i32
      %div3A_474 = arith.divsi %add3A_467, %jit3A_473 : i32
      %sign3A_475 = arith.constant 0 : i32
      %sign3A_476 = arith.cmpi sgt, %add3A_467, %sign3A_475 : i32
      %sign3A_477 = arith.extui %sign3A_476 : i1 to i32
      %sign3A_478 = arith.constant 0 : i32
      %sign3A_479 = arith.cmpi slt, %add3A_467, %sign3A_478 : i32
      %sign3A_480 = arith.extui %sign3A_479 : i1 to i32
      %sign3A_481 = arith.subi %sign3A_477, %sign3A_480 : i32
      %sign3A_482 = arith.constant 0 : i32
      %sign3A_483 = arith.cmpi sgt, %jit3A_473, %sign3A_482 : i32
      %sign3A_484 = arith.extui %sign3A_483 : i1 to i32
      %sign3A_485 = arith.constant 0 : i32
      %sign3A_486 = arith.cmpi slt, %jit3A_473, %sign3A_485 : i32
      %sign3A_487 = arith.extui %sign3A_486 : i1 to i32
      %sign3A_488 = arith.subi %sign3A_484, %sign3A_487 : i32
      %ne3A_489 = arith.cmpi ne, %sign3A_481, %sign3A_488 : i32
      %rem3A_490 = arith.remsi %add3A_467, %jit3A_473 : i32
      %ne3A_491 = arith.constant 0 : i32
      %ne3A_492 = arith.cmpi ne, %rem3A_490, %ne3A_491 : i32
      %and3A_493 = arith.andi %ne3A_489, %ne3A_492 : i1
      %sub3A_494 = arith.constant 1 : i32
      %sub3A_495 = arith.subi %div3A_474, %sub3A_494 : i32
      %select_n3A_496 = arith.select %and3A_493, %sub3A_495, %div3A_474 : i32
      %mul3A_497 = arith.constant 384 : i32
      %mul3A_498 = arith.muli %select_n3A_496, %mul3A_497 : i32
      %parallel_loop3A_499 = arith.constant 0 : i32
      %parallel_loop3A_500 = arith.constant 24 : i32
      %parallel_loop3A_501 = arith.constant 1 : i32
      scf.for %parallel_loop3A_554 = %parallel_loop3A_499 to %parallel_loop3A_500 step %parallel_loop3A_501  : i32 {
        %parallel_loop3A_555 = arith.constant 8 : i32
        %parallel_loop3A_556 = arith.divsi %parallel_loop3A_554, %parallel_loop3A_555 : i32
        %parallel_loop3A_557 = arith.constant 0 : i32
        %parallel_loop3A_558 = arith.cmpi sgt, %parallel_loop3A_554, %parallel_loop3A_557 : i32
        %parallel_loop3A_559 = arith.extui %parallel_loop3A_558 : i1 to i32
        %parallel_loop3A_560 = arith.constant 0 : i32
        %parallel_loop3A_561 = arith.cmpi slt, %parallel_loop3A_554, %parallel_loop3A_560 : i32
        %parallel_loop3A_562 = arith.extui %parallel_loop3A_561 : i1 to i32
        %parallel_loop3A_563 = arith.subi %parallel_loop3A_559, %parallel_loop3A_562 : i32
        %parallel_loop3A_564 = arith.constant 0 : i32
        %parallel_loop3A_565 = arith.cmpi sgt, %parallel_loop3A_555, %parallel_loop3A_564 : i32
        %parallel_loop3A_566 = arith.extui %parallel_loop3A_565 : i1 to i32
        %parallel_loop3A_567 = arith.constant 0 : i32
        %parallel_loop3A_568 = arith.cmpi slt, %parallel_loop3A_555, %parallel_loop3A_567 : i32
        %parallel_loop3A_569 = arith.extui %parallel_loop3A_568 : i1 to i32
        %parallel_loop3A_570 = arith.subi %parallel_loop3A_566, %parallel_loop3A_569 : i32
        %parallel_loop3A_571 = arith.cmpi ne, %parallel_loop3A_563, %parallel_loop3A_570 : i32
        %parallel_loop3A_572 = arith.remsi %parallel_loop3A_554, %parallel_loop3A_555 : i32
        %parallel_loop3A_573 = arith.constant 0 : i32
        %parallel_loop3A_574 = arith.cmpi ne, %parallel_loop3A_572, %parallel_loop3A_573 : i32
        %parallel_loop3A_575 = arith.andi %parallel_loop3A_571, %parallel_loop3A_574 : i1
        %parallel_loop3A_576 = arith.constant 1 : i32
        %parallel_loop3A_577 = arith.subi %parallel_loop3A_556, %parallel_loop3A_576 : i32
        %parallel_loop3A_578 = arith.select %parallel_loop3A_575, %parallel_loop3A_577, %parallel_loop3A_556 : i32
        %parallel_loop3A_579 = arith.constant 1024 : i32
        %parallel_loop3A_580 = arith.muli %parallel_loop3A_578, %parallel_loop3A_579 : i32
        %parallel_loop3A_581 = arith.constant 8 : i32
        %parallel_loop3A_582 = arith.constant 0 : i32
        %parallel_loop3A_583 = arith.cmpi eq, %parallel_loop3A_581, %parallel_loop3A_582 : i32
        %parallel_loop3A_584 = arith.constant 1 : i32
        %parallel_loop3A_585 = arith.select %parallel_loop3A_583, %parallel_loop3A_584, %parallel_loop3A_581 : i32
        %parallel_loop3A_586 = arith.remsi %parallel_loop3A_554, %parallel_loop3A_585 : i32
        %parallel_loop3A_587 = arith.constant 0 : i32
        %parallel_loop3A_588 = arith.cmpi ne, %parallel_loop3A_586, %parallel_loop3A_587 : i32
        %parallel_loop3A_589 = arith.constant 0 : i32
        %parallel_loop3A_590 = arith.cmpi slt, %parallel_loop3A_586, %parallel_loop3A_589 : i32
        %parallel_loop3A_591 = arith.constant 0 : i32
        %parallel_loop3A_592 = arith.cmpi slt, %parallel_loop3A_585, %parallel_loop3A_591 : i32
        %parallel_loop3A_593 = arith.xori %parallel_loop3A_590, %parallel_loop3A_592 : i1
        %parallel_loop3A_594 = arith.andi %parallel_loop3A_593, %parallel_loop3A_588 : i1
        %parallel_loop3A_595 = arith.addi %parallel_loop3A_586, %parallel_loop3A_585 : i32
        %parallel_loop3A_596 = arith.select %parallel_loop3A_594, %parallel_loop3A_595, %parallel_loop3A_586 : i32
        %parallel_loop3A_597 = arith.constant 16 : i32
        %parallel_loop3A_598 = arith.muli %parallel_loop3A_596, %parallel_loop3A_597 : i32
        %parallel_loop3A_599 = arith.addi %parallel_loop3A_580, %parallel_loop3A_598 : i32
        %parallel_loop3A_600 = arith.constant 16 : i32
        %parallel_loop3A_601 = arith.muli %parallel_loop3A_554, %parallel_loop3A_600 : i32
        %parallel_loop3A_602 = arith.addi %mul3A_498, %parallel_loop3A_601 : i32
        %parallel_loop3A_603 = arith.index_cast %parallel_loop3A_602 : i32 to index
        %parallel_loop3A_604 = tpu.vector_load %arg14[%parallel_loop3A_603] {strides = array<i32>} : memref<768xf32, #tpu.memory_space<vmem>>, vector<16xf32>,
        %parallel_loop3A_605 = arith.index_cast %parallel_loop3A_602 : i32 to index
        %parallel_loop3A_606 = tpu.vector_load %arg15[%parallel_loop3A_605] {strides = array<i32>} : memref<768xf32, #tpu.memory_space<vmem>>, vector<16xf32>,
        %parallel_loop3A_607 = arith.constant 0 : i32
        %parallel_loop3A_608 = arith.addi %parallel_loop3A_599, %parallel_loop3A_607 : i32
        %parallel_loop3A_609 = arith.constant 0 : i32
        %parallel_loop3A_610 = arith.addi %parallel_loop3A_608, %parallel_loop3A_609 : i32
        %parallel_loop3A_611 = arith.index_cast %parallel_loop3A_610 : i32 to index
        %parallel_loop3A_612 = tpu.vector_load %arg11[%parallel_loop3A_611] {strides = array<i32>} : memref<12288xf32, #tpu.memory_space<vmem>>, vector<16xf32>,
        %parallel_loop3A_613 = arith.addf %parallel_loop3A_604, %parallel_loop3A_612 : vector<16xf32>
        %parallel_loop3A_614 = arith.mulf %parallel_loop3A_612, %parallel_loop3A_612 : vector<16xf32>
        %parallel_loop3A_615 = arith.addf %parallel_loop3A_606, %parallel_loop3A_614 : vector<16xf32>
        %parallel_loop3A_616 = arith.constant 0 : i32
        %parallel_loop3A_617 = arith.addi %parallel_loop3A_599, %parallel_loop3A_616 : i32
        %parallel_loop3A_618 = arith.constant 128 : i32
        %parallel_loop3A_619 = arith.addi %parallel_loop3A_617, %parallel_loop3A_618 : i32
        %parallel_loop3A_620 = arith.index_cast %parallel_loop3A_619 : i32 to index
        %parallel_loop3A_621 = tpu.vector_load %arg11[%parallel_loop3A_620] {strides = array<i32>} : memref<12288xf32, #tpu.memory_space<vmem>>, vector<16xf32>,
        %parallel_loop3A_622 = arith.addf %broadcast_in_dim3A_5, %parallel_loop3A_621 : vector<16xf32>
        %parallel_loop3A_623 = arith.mulf %parallel_loop3A_621, %parallel_loop3A_621 : vector<16xf32>
        %parallel_loop3A_624 = arith.addf %broadcast_in_dim3A_5, %parallel_loop3A_623 : vector<16xf32>
        %parallel_loop3A_625 = arith.constant 0 : i32
        %parallel_loop3A_626 = arith.addi %parallel_loop3A_599, %parallel_loop3A_625 : i32
        %parallel_loop3A_627 = arith.constant 256 : i32
        %parallel_loop3A_628 = arith.addi %parallel_loop3A_626, %parallel_loop3A_627 : i32
        %parallel_loop3A_629 = arith.index_cast %parallel_loop3A_628 : i32 to index
        %parallel_loop3A_630 = tpu.vector_load %arg11[%parallel_loop3A_629] {strides = array<i32>} : memref<12288xf32, #tpu.memory_space<vmem>>, vector<16xf32>,
        %parallel_loop3A_631 = arith.addf %broadcast_in_dim3A_5, %parallel_loop3A_630 : vector<16xf32>
        %parallel_loop3A_632 = arith.mulf %parallel_loop3A_630, %parallel_loop3A_630 : vector<16xf32>
        %parallel_loop3A_633 = arith.addf %broadcast_in_dim3A_5, %parallel_loop3A_632 : vector<16xf32>
        %parallel_loop3A_634 = arith.constant 0 : i32
        %parallel_loop3A_635 = arith.addi %parallel_loop3A_599, %parallel_loop3A_634 : i32
        %parallel_loop3A_636 = arith.constant 384 : i32
        %parallel_loop3A_637 = arith.addi %parallel_loop3A_635, %parallel_loop3A_636 : i32
        %parallel_loop3A_638 = arith.index_cast %parallel_loop3A_637 : i32 to index
        %parallel_loop3A_639 = tpu.vector_load %arg11[%parallel_loop3A_638] {strides = array<i32>} : memref<12288xf32, #tpu.memory_space<vmem>>, vector<16xf32>,
        %parallel_loop3A_640 = arith.addf %broadcast_in_dim3A_5, %parallel_loop3A_639 : vector<16xf32>
        %parallel_loop3A_641 = arith.mulf %parallel_loop3A_639, %parallel_loop3A_639 : vector<16xf32>
        %parallel_loop3A_642 = arith.addf %broadcast_in_dim3A_5, %parallel_loop3A_641 : vector<16xf32>
        %parallel_loop3A_643 = arith.constant 0 : i32
        %parallel_loop3A_644 = arith.addi %parallel_loop3A_599, %parallel_loop3A_643 : i32
        %parallel_loop3A_645 = arith.constant 512 : i32
        %parallel_loop3A_646 = arith.addi %parallel_loop3A_644, %parallel_loop3A_645 : i32
        %parallel_loop3A_647 = arith.index_cast %parallel_loop3A_646 : i32 to index
        %parallel_loop3A_648 = tpu.vector_load %arg11[%parallel_loop3A_647] {strides = array<i32>} : memref<12288xf32, #tpu.memory_space<vmem>>, vector<16xf32>,
        %parallel_loop3A_649 = arith.addf %parallel_loop3A_613, %parallel_loop3A_648 : vector<16xf32>
        %parallel_loop3A_650 = arith.mulf %parallel_loop3A_648, %parallel_loop3A_648 : vector<16xf32>
        %parallel_loop3A_651 = arith.addf %parallel_loop3A_615, %parallel_loop3A_650 : vector<16xf32>
        %parallel_loop3A_652 = arith.constant 0 : i32
        %parallel_loop3A_653 = arith.addi %parallel_loop3A_599, %parallel_loop3A_652 : i32
        %parallel_loop3A_654 = arith.constant 640 : i32
        %parallel_loop3A_655 = arith.addi %parallel_loop3A_653, %parallel_loop3A_654 : i32
        %parallel_loop3A_656 = arith.index_cast %parallel_loop3A_655 : i32 to index
        %parallel_loop3A_657 = tpu.vector_load %arg11[%parallel_loop3A_656] {strides = array<i32>} : memref<12288xf32, #tpu.memory_space<vmem>>, vector<16xf32>,
        %parallel_loop3A_658 = arith.addf %parallel_loop3A_622, %parallel_loop3A_657 : vector<16xf32>
        %parallel_loop3A_659 = arith.mulf %parallel_loop3A_657, %parallel_loop3A_657 : vector<16xf32>
        %parallel_loop3A_660 = arith.addf %parallel_loop3A_624, %parallel_loop3A_659 : vector<16xf32>
        %parallel_loop3A_661 = arith.constant 0 : i32
        %parallel_loop3A_662 = arith.addi %parallel_loop3A_599, %parallel_loop3A_661 : i32
        %parallel_loop3A_663 = arith.constant 768 : i32
        %parallel_loop3A_664 = arith.addi %parallel_loop3A_662, %parallel_loop3A_663 : i32
        %parallel_loop3A_665 = arith.index_cast %parallel_loop3A_664 : i32 to index
        %parallel_loop3A_666 = tpu.vector_load %arg11[%parallel_loop3A_665] {strides = array<i32>} : memref<12288xf32, #tpu.memory_space<vmem>>, vector<16xf32>,
        %parallel_loop3A_667 = arith.addf %parallel_loop3A_631, %parallel_loop3A_666 : vector<16xf32>
        %parallel_loop3A_668 = arith.mulf %parallel_loop3A_666, %parallel_loop3A_666 : vector<16xf32>
        %parallel_loop3A_669 = arith.addf %parallel_loop3A_633, %parallel_loop3A_668 : vector<16xf32>
        %parallel_loop3A_670 = arith.constant 0 : i32
        %parallel_loop3A_671 = arith.addi %parallel_loop3A_599, %parallel_loop3A_670 : i32
        %parallel_loop3A_672 = arith.constant 896 : i32
        %parallel_loop3A_673 = arith.addi %parallel_loop3A_671, %parallel_loop3A_672 : i32
        %parallel_loop3A_674 = arith.index_cast %parallel_loop3A_673 : i32 to index
        %parallel_loop3A_675 = tpu.vector_load %arg11[%parallel_loop3A_674] {strides = array<i32>} : memref<12288xf32, #tpu.memory_space<vmem>>, vector<16xf32>,
        %parallel_loop3A_676 = arith.addf %parallel_loop3A_640, %parallel_loop3A_675 : vector<16xf32>
        %parallel_loop3A_677 = arith.mulf %parallel_loop3A_675, %parallel_loop3A_675 : vector<16xf32>
        %parallel_loop3A_678 = arith.addf %parallel_loop3A_642, %parallel_loop3A_677 : vector<16xf32>
        %parallel_loop3A_679 = arith.constant 3072 : i32
        %parallel_loop3A_680 = arith.addi %parallel_loop3A_599, %parallel_loop3A_679 : i32
        %parallel_loop3A_681 = arith.constant 0 : i32
        %parallel_loop3A_682 = arith.addi %parallel_loop3A_680, %parallel_loop3A_681 : i32
        %parallel_loop3A_683 = arith.index_cast %parallel_loop3A_682 : i32 to index
        %parallel_loop3A_684 = tpu.vector_load %arg11[%parallel_loop3A_683] {strides = array<i32>} : memref<12288xf32, #tpu.memory_space<vmem>>, vector<16xf32>,
        %parallel_loop3A_685 = arith.addf %parallel_loop3A_649, %parallel_loop3A_684 : vector<16xf32>
        %parallel_loop3A_686 = arith.mulf %parallel_loop3A_684, %parallel_loop3A_684 : vector<16xf32>
        %parallel_loop3A_687 = arith.addf %parallel_loop3A_651, %parallel_loop3A_686 : vector<16xf32>
        %parallel_loop3A_688 = arith.constant 3072 : i32
        %parallel_loop3A_689 = arith.addi %parallel_loop3A_599, %parallel_loop3A_688 : i32
        %parallel_loop3A_690 = arith.constant 128 : i32
        %parallel_loop3A_691 = arith.addi %parallel_loop3A_689, %parallel_loop3A_690 : i32
        %parallel_loop3A_692 = arith.index_cast %parallel_loop3A_691 : i32 to index
        %parallel_loop3A_693 = tpu.vector_load %arg11[%parallel_loop3A_692] {strides = array<i32>} : memref<12288xf32, #tpu.memory_space<vmem>>, vector<16xf32>,
        %parallel_loop3A_694 = arith.addf %parallel_loop3A_658, %parallel_loop3A_693 : vector<16xf32>
        %parallel_loop3A_695 = arith.mulf %parallel_loop3A_693, %parallel_loop3A_693 : vector<16xf32>
        %parallel_loop3A_696 = arith.addf %parallel_loop3A_660, %parallel_loop3A_695 : vector<16xf32>
        %parallel_loop3A_697 = arith.constant 3072 : i32
        %parallel_loop3A_698 = arith.addi %parallel_loop3A_599, %parallel_loop3A_697 : i32
        %parallel_loop3A_699 = arith.constant 256 : i32
        %parallel_loop3A_700 = arith.addi %parallel_loop3A_698, %parallel_loop3A_699 : i32
        %parallel_loop3A_701 = arith.index_cast %parallel_loop3A_700 : i32 to index
        %parallel_loop3A_702 = tpu.vector_load %arg11[%parallel_loop3A_701] {strides = array<i32>} : memref<12288xf32, #tpu.memory_space<vmem>>, vector<16xf32>,
        %parallel_loop3A_703 = arith.addf %parallel_loop3A_667, %parallel_loop3A_702 : vector<16xf32>
        %parallel_loop3A_704 = arith.mulf %parallel_loop3A_702, %parallel_loop3A_702 : vector<16xf32>
        %parallel_loop3A_705 = arith.addf %parallel_loop3A_669, %parallel_loop3A_704 : vector<16xf32>
        %parallel_loop3A_706 = arith.constant 3072 : i32
        %parallel_loop3A_707 = arith.addi %parallel_loop3A_599, %parallel_loop3A_706 : i32
        %parallel_loop3A_708 = arith.constant 384 : i32
        %parallel_loop3A_709 = arith.addi %parallel_loop3A_707, %parallel_loop3A_708 : i32
        %parallel_loop3A_710 = arith.index_cast %parallel_loop3A_709 : i32 to index
        %parallel_loop3A_711 = tpu.vector_load %arg11[%parallel_loop3A_710] {strides = array<i32>} : memref<12288xf32, #tpu.memory_space<vmem>>, vector<16xf32>,
        %parallel_loop3A_712 = arith.addf %parallel_loop3A_676, %parallel_loop3A_711 : vector<16xf32>
        %parallel_loop3A_713 = arith.mulf %parallel_loop3A_711, %parallel_loop3A_711 : vector<16xf32>
        %parallel_loop3A_714 = arith.addf %parallel_loop3A_678, %parallel_loop3A_713 : vector<16xf32>
        %parallel_loop3A_715 = arith.constant 3072 : i32
        %parallel_loop3A_716 = arith.addi %parallel_loop3A_599, %parallel_loop3A_715 : i32
        %parallel_loop3A_717 = arith.constant 512 : i32
        %parallel_loop3A_718 = arith.addi %parallel_loop3A_716, %parallel_loop3A_717 : i32
        %parallel_loop3A_719 = arith.index_cast %parallel_loop3A_718 : i32 to index
        %parallel_loop3A_720 = tpu.vector_load %arg11[%parallel_loop3A_719] {strides = array<i32>} : memref<12288xf32, #tpu.memory_space<vmem>>, vector<16xf32>,
        %parallel_loop3A_721 = arith.addf %parallel_loop3A_685, %parallel_loop3A_720 : vector<16xf32>
        %parallel_loop3A_722 = arith.mulf %parallel_loop3A_720, %parallel_loop3A_720 : vector<16xf32>
        %parallel_loop3A_723 = arith.addf %parallel_loop3A_687, %parallel_loop3A_722 : vector<16xf32>
        %parallel_loop3A_724 = arith.constant 3072 : i32
        %parallel_loop3A_725 = arith.addi %parallel_loop3A_599, %parallel_loop3A_724 : i32
        %parallel_loop3A_726 = arith.constant 640 : i32
        %parallel_loop3A_727 = arith.addi %parallel_loop3A_725, %parallel_loop3A_726 : i32
        %parallel_loop3A_728 = arith.index_cast %parallel_loop3A_727 : i32 to index
        %parallel_loop3A_729 = tpu.vector_load %arg11[%parallel_loop3A_728] {strides = array<i32>} : memref<12288xf32, #tpu.memory_space<vmem>>, vector<16xf32>,
        %parallel_loop3A_730 = arith.addf %parallel_loop3A_694, %parallel_loop3A_729 : vector<16xf32>
        %parallel_loop3A_731 = arith.mulf %parallel_loop3A_729, %parallel_loop3A_729 : vector<16xf32>
        %parallel_loop3A_732 = arith.addf %parallel_loop3A_696, %parallel_loop3A_731 : vector<16xf32>
        %parallel_loop3A_733 = arith.constant 3072 : i32
        %parallel_loop3A_734 = arith.addi %parallel_loop3A_599, %parallel_loop3A_733 : i32
        %parallel_loop3A_735 = arith.constant 768 : i32
        %parallel_loop3A_736 = arith.addi %parallel_loop3A_734, %parallel_loop3A_735 : i32
        %parallel_loop3A_737 = arith.index_cast %parallel_loop3A_736 : i32 to index
        %parallel_loop3A_738 = tpu.vector_load %arg11[%parallel_loop3A_737] {strides = array<i32>} : memref<12288xf32, #tpu.memory_space<vmem>>, vector<16xf32>,
        %parallel_loop3A_739 = arith.addf %parallel_loop3A_703, %parallel_loop3A_738 : vector<16xf32>
        %parallel_loop3A_740 = arith.mulf %parallel_loop3A_738, %parallel_loop3A_738 : vector<16xf32>
        %parallel_loop3A_741 = arith.addf %parallel_loop3A_705, %parallel_loop3A_740 : vector<16xf32>
        %parallel_loop3A_742 = arith.constant 3072 : i32
        %parallel_loop3A_743 = arith.addi %parallel_loop3A_599, %parallel_loop3A_742 : i32
        %parallel_loop3A_744 = arith.constant 896 : i32
        %parallel_loop3A_745 = arith.addi %parallel_loop3A_743, %parallel_loop3A_744 : i32
        %parallel_loop3A_746 = arith.index_cast %parallel_loop3A_745 : i32 to index
        %parallel_loop3A_747 = tpu.vector_load %arg11[%parallel_loop3A_746] {strides = array<i32>} : memref<12288xf32, #tpu.memory_space<vmem>>, vector<16xf32>,
        %parallel_loop3A_748 = arith.addf %parallel_loop3A_712, %parallel_loop3A_747 : vector<16xf32>
        %parallel_loop3A_749 = arith.mulf %parallel_loop3A_747, %parallel_loop3A_747 : vector<16xf32>
        %parallel_loop3A_750 = arith.addf %parallel_loop3A_714, %parallel_loop3A_749 : vector<16xf32>
        %parallel_loop3A_751 = arith.constant 6144 : i32
        %parallel_loop3A_752 = arith.addi %parallel_loop3A_599, %parallel_loop3A_751 : i32
        %parallel_loop3A_753 = arith.constant 0 : i32
        %parallel_loop3A_754 = arith.addi %parallel_loop3A_752, %parallel_loop3A_753 : i32
        %parallel_loop3A_755 = arith.index_cast %parallel_loop3A_754 : i32 to index
        %parallel_loop3A_756 = tpu.vector_load %arg11[%parallel_loop3A_755] {strides = array<i32>} : memref<12288xf32, #tpu.memory_space<vmem>>, vector<16xf32>,
        %parallel_loop3A_757 = arith.addf %parallel_loop3A_721, %parallel_loop3A_756 : vector<16xf32>
        %parallel_loop3A_758 = arith.mulf %parallel_loop3A_756, %parallel_loop3A_756 : vector<16xf32>
        %parallel_loop3A_759 = arith.addf %parallel_loop3A_723, %parallel_loop3A_758 : vector<16xf32>
        %parallel_loop3A_760 = arith.constant 6144 : i32
        %parallel_loop3A_761 = arith.addi %parallel_loop3A_599, %parallel_loop3A_760 : i32
        %parallel_loop3A_762 = arith.constant 128 : i32
        %parallel_loop3A_763 = arith.addi %parallel_loop3A_761, %parallel_loop3A_762 : i32
        %parallel_loop3A_764 = arith.index_cast %parallel_loop3A_763 : i32 to index
        %parallel_loop3A_765 = tpu.vector_load %arg11[%parallel_loop3A_764] {strides = array<i32>} : memref<12288xf32, #tpu.memory_space<vmem>>, vector<16xf32>,
        %parallel_loop3A_766 = arith.addf %parallel_loop3A_730, %parallel_loop3A_765 : vector<16xf32>
        %parallel_loop3A_767 = arith.mulf %parallel_loop3A_765, %parallel_loop3A_765 : vector<16xf32>
        %parallel_loop3A_768 = arith.addf %parallel_loop3A_732, %parallel_loop3A_767 : vector<16xf32>
        %parallel_loop3A_769 = arith.constant 6144 : i32
        %parallel_loop3A_770 = arith.addi %parallel_loop3A_599, %parallel_loop3A_769 : i32
        %parallel_loop3A_771 = arith.constant 256 : i32
        %parallel_loop3A_772 = arith.addi %parallel_loop3A_770, %parallel_loop3A_771 : i32
        %parallel_loop3A_773 = arith.index_cast %parallel_loop3A_772 : i32 to index
        %parallel_loop3A_774 = tpu.vector_load %arg11[%parallel_loop3A_773] {strides = array<i32>} : memref<12288xf32, #tpu.memory_space<vmem>>, vector<16xf32>,
        %parallel_loop3A_775 = arith.addf %parallel_loop3A_739, %parallel_loop3A_774 : vector<16xf32>
        %parallel_loop3A_776 = arith.mulf %parallel_loop3A_774, %parallel_loop3A_774 : vector<16xf32>
        %parallel_loop3A_777 = arith.addf %parallel_loop3A_741, %parallel_loop3A_776 : vector<16xf32>
        %parallel_loop3A_778 = arith.constant 6144 : i32
        %parallel_loop3A_779 = arith.addi %parallel_loop3A_599, %parallel_loop3A_778 : i32
        %parallel_loop3A_780 = arith.constant 384 : i32
        %parallel_loop3A_781 = arith.addi %parallel_loop3A_779, %parallel_loop3A_780 : i32
        %parallel_loop3A_782 = arith.index_cast %parallel_loop3A_781 : i32 to index
        %parallel_loop3A_783 = tpu.vector_load %arg11[%parallel_loop3A_782] {strides = array<i32>} : memref<12288xf32, #tpu.memory_space<vmem>>, vector<16xf32>,
        %parallel_loop3A_784 = arith.addf %parallel_loop3A_748, %parallel_loop3A_783 : vector<16xf32>
        %parallel_loop3A_785 = arith.mulf %parallel_loop3A_783, %parallel_loop3A_783 : vector<16xf32>
        %parallel_loop3A_786 = arith.addf %parallel_loop3A_750, %parallel_loop3A_785 : vector<16xf32>
        %parallel_loop3A_787 = arith.constant 6144 : i32
        %parallel_loop3A_788 = arith.addi %parallel_loop3A_599, %parallel_loop3A_787 : i32
        %parallel_loop3A_789 = arith.constant 512 : i32
        %parallel_loop3A_790 = arith.addi %parallel_loop3A_788, %parallel_loop3A_789 : i32
        %parallel_loop3A_791 = arith.index_cast %parallel_loop3A_790 : i32 to index
        %parallel_loop3A_792 = tpu.vector_load %arg11[%parallel_loop3A_791] {strides = array<i32>} : memref<12288xf32, #tpu.memory_space<vmem>>, vector<16xf32>,
        %parallel_loop3A_793 = arith.addf %parallel_loop3A_757, %parallel_loop3A_792 : vector<16xf32>
        %parallel_loop3A_794 = arith.mulf %parallel_loop3A_792, %parallel_loop3A_792 : vector<16xf32>
        %parallel_loop3A_795 = arith.addf %parallel_loop3A_759, %parallel_loop3A_794 : vector<16xf32>
        %parallel_loop3A_796 = arith.constant 6144 : i32
        %parallel_loop3A_797 = arith.addi %parallel_loop3A_599, %parallel_loop3A_796 : i32
        %parallel_loop3A_798 = arith.constant 640 : i32
        %parallel_loop3A_799 = arith.addi %parallel_loop3A_797, %parallel_loop3A_798 : i32
        %parallel_loop3A_800 = arith.index_cast %parallel_loop3A_799 : i32 to index
        %parallel_loop3A_801 = tpu.vector_load %arg11[%parallel_loop3A_800] {strides = array<i32>} : memref<12288xf32, #tpu.memory_space<vmem>>, vector<16xf32>,
        %parallel_loop3A_802 = arith.addf %parallel_loop3A_766, %parallel_loop3A_801 : vector<16xf32>
        %parallel_loop3A_803 = arith.mulf %parallel_loop3A_801, %parallel_loop3A_801 : vector<16xf32>
        %parallel_loop3A_804 = arith.addf %parallel_loop3A_768, %parallel_loop3A_803 : vector<16xf32>
        %parallel_loop3A_805 = arith.constant 6144 : i32
        %parallel_loop3A_806 = arith.addi %parallel_loop3A_599, %parallel_loop3A_805 : i32
        %parallel_loop3A_807 = arith.constant 768 : i32
        %parallel_loop3A_808 = arith.addi %parallel_loop3A_806, %parallel_loop3A_807 : i32
        %parallel_loop3A_809 = arith.index_cast %parallel_loop3A_808 : i32 to index
        %parallel_loop3A_810 = tpu.vector_load %arg11[%parallel_loop3A_809] {strides = array<i32>} : memref<12288xf32, #tpu.memory_space<vmem>>, vector<16xf32>,
        %parallel_loop3A_811 = arith.addf %parallel_loop3A_775, %parallel_loop3A_810 : vector<16xf32>
        %parallel_loop3A_812 = arith.mulf %parallel_loop3A_810, %parallel_loop3A_810 : vector<16xf32>
        %parallel_loop3A_813 = arith.addf %parallel_loop3A_777, %parallel_loop3A_812 : vector<16xf32>
        %parallel_loop3A_814 = arith.constant 6144 : i32
        %parallel_loop3A_815 = arith.addi %parallel_loop3A_599, %parallel_loop3A_814 : i32
        %parallel_loop3A_816 = arith.constant 896 : i32
        %parallel_loop3A_817 = arith.addi %parallel_loop3A_815, %parallel_loop3A_816 : i32
        %parallel_loop3A_818 = arith.index_cast %parallel_loop3A_817 : i32 to index
        %parallel_loop3A_819 = tpu.vector_load %arg11[%parallel_loop3A_818] {strides = array<i32>} : memref<12288xf32, #tpu.memory_space<vmem>>, vector<16xf32>,
        %parallel_loop3A_820 = arith.addf %parallel_loop3A_784, %parallel_loop3A_819 : vector<16xf32>
        %parallel_loop3A_821 = arith.mulf %parallel_loop3A_819, %parallel_loop3A_819 : vector<16xf32>
        %parallel_loop3A_822 = arith.addf %parallel_loop3A_786, %parallel_loop3A_821 : vector<16xf32>
        %parallel_loop3A_823 = arith.constant 9216 : i32
        %parallel_loop3A_824 = arith.addi %parallel_loop3A_599, %parallel_loop3A_823 : i32
        %parallel_loop3A_825 = arith.constant 0 : i32
        %parallel_loop3A_826 = arith.addi %parallel_loop3A_824, %parallel_loop3A_825 : i32
        %parallel_loop3A_827 = arith.index_cast %parallel_loop3A_826 : i32 to index
        %parallel_loop3A_828 = tpu.vector_load %arg11[%parallel_loop3A_827] {strides = array<i32>} : memref<12288xf32, #tpu.memory_space<vmem>>, vector<16xf32>,
        %parallel_loop3A_829 = arith.addf %parallel_loop3A_793, %parallel_loop3A_828 : vector<16xf32>
        %parallel_loop3A_830 = arith.mulf %parallel_loop3A_828, %parallel_loop3A_828 : vector<16xf32>
        %parallel_loop3A_831 = arith.addf %parallel_loop3A_795, %parallel_loop3A_830 : vector<16xf32>
        %parallel_loop3A_832 = arith.constant 9216 : i32
        %parallel_loop3A_833 = arith.addi %parallel_loop3A_599, %parallel_loop3A_832 : i32
        %parallel_loop3A_834 = arith.constant 128 : i32
        %parallel_loop3A_835 = arith.addi %parallel_loop3A_833, %parallel_loop3A_834 : i32
        %parallel_loop3A_836 = arith.index_cast %parallel_loop3A_835 : i32 to index
        %parallel_loop3A_837 = tpu.vector_load %arg11[%parallel_loop3A_836] {strides = array<i32>} : memref<12288xf32, #tpu.memory_space<vmem>>, vector<16xf32>,
        %parallel_loop3A_838 = arith.addf %parallel_loop3A_802, %parallel_loop3A_837 : vector<16xf32>
        %parallel_loop3A_839 = arith.mulf %parallel_loop3A_837, %parallel_loop3A_837 : vector<16xf32>
        %parallel_loop3A_840 = arith.addf %parallel_loop3A_804, %parallel_loop3A_839 : vector<16xf32>
        %parallel_loop3A_841 = arith.constant 9216 : i32
        %parallel_loop3A_842 = arith.addi %parallel_loop3A_599, %parallel_loop3A_841 : i32
        %parallel_loop3A_843 = arith.constant 256 : i32
        %parallel_loop3A_844 = arith.addi %parallel_loop3A_842, %parallel_loop3A_843 : i32
        %parallel_loop3A_845 = arith.index_cast %parallel_loop3A_844 : i32 to index
        %parallel_loop3A_846 = tpu.vector_load %arg11[%parallel_loop3A_845] {strides = array<i32>} : memref<12288xf32, #tpu.memory_space<vmem>>, vector<16xf32>,
        %parallel_loop3A_847 = arith.addf %parallel_loop3A_811, %parallel_loop3A_846 : vector<16xf32>
        %parallel_loop3A_848 = arith.mulf %parallel_loop3A_846, %parallel_loop3A_846 : vector<16xf32>
        %parallel_loop3A_849 = arith.addf %parallel_loop3A_813, %parallel_loop3A_848 : vector<16xf32>
        %parallel_loop3A_850 = arith.constant 9216 : i32
        %parallel_loop3A_851 = arith.addi %parallel_loop3A_599, %parallel_loop3A_850 : i32
        %parallel_loop3A_852 = arith.constant 384 : i32
        %parallel_loop3A_853 = arith.addi %parallel_loop3A_851, %parallel_loop3A_852 : i32
        %parallel_loop3A_854 = arith.index_cast %parallel_loop3A_853 : i32 to index
        %parallel_loop3A_855 = tpu.vector_load %arg11[%parallel_loop3A_854] {strides = array<i32>} : memref<12288xf32, #tpu.memory_space<vmem>>, vector<16xf32>,
        %parallel_loop3A_856 = arith.addf %parallel_loop3A_820, %parallel_loop3A_855 : vector<16xf32>
        %parallel_loop3A_857 = arith.mulf %parallel_loop3A_855, %parallel_loop3A_855 : vector<16xf32>
        %parallel_loop3A_858 = arith.addf %parallel_loop3A_822, %parallel_loop3A_857 : vector<16xf32>
        %parallel_loop3A_859 = arith.constant 9216 : i32
        %parallel_loop3A_860 = arith.addi %parallel_loop3A_599, %parallel_loop3A_859 : i32
        %parallel_loop3A_861 = arith.constant 512 : i32
        %parallel_loop3A_862 = arith.addi %parallel_loop3A_860, %parallel_loop3A_861 : i32
        %parallel_loop3A_863 = arith.index_cast %parallel_loop3A_862 : i32 to index
        %parallel_loop3A_864 = tpu.vector_load %arg11[%parallel_loop3A_863] {strides = array<i32>} : memref<12288xf32, #tpu.memory_space<vmem>>, vector<16xf32>,
        %parallel_loop3A_865 = arith.addf %parallel_loop3A_829, %parallel_loop3A_864 : vector<16xf32>
        %parallel_loop3A_866 = arith.mulf %parallel_loop3A_864, %parallel_loop3A_864 : vector<16xf32>
        %parallel_loop3A_867 = arith.addf %parallel_loop3A_831, %parallel_loop3A_866 : vector<16xf32>
        %parallel_loop3A_868 = arith.constant 9216 : i32
        %parallel_loop3A_869 = arith.addi %parallel_loop3A_599, %parallel_loop3A_868 : i32
        %parallel_loop3A_870 = arith.constant 640 : i32
        %parallel_loop3A_871 = arith.addi %parallel_loop3A_869, %parallel_loop3A_870 : i32
        %parallel_loop3A_872 = arith.index_cast %parallel_loop3A_871 : i32 to index
        %parallel_loop3A_873 = tpu.vector_load %arg11[%parallel_loop3A_872] {strides = array<i32>} : memref<12288xf32, #tpu.memory_space<vmem>>, vector<16xf32>,
        %parallel_loop3A_874 = arith.addf %parallel_loop3A_838, %parallel_loop3A_873 : vector<16xf32>
        %parallel_loop3A_875 = arith.mulf %parallel_loop3A_873, %parallel_loop3A_873 : vector<16xf32>
        %parallel_loop3A_876 = arith.addf %parallel_loop3A_840, %parallel_loop3A_875 : vector<16xf32>
        %parallel_loop3A_877 = arith.constant 9216 : i32
        %parallel_loop3A_878 = arith.addi %parallel_loop3A_599, %parallel_loop3A_877 : i32
        %parallel_loop3A_879 = arith.constant 768 : i32
        %parallel_loop3A_880 = arith.addi %parallel_loop3A_878, %parallel_loop3A_879 : i32
        %parallel_loop3A_881 = arith.index_cast %parallel_loop3A_880 : i32 to index
        %parallel_loop3A_882 = tpu.vector_load %arg11[%parallel_loop3A_881] {strides = array<i32>} : memref<12288xf32, #tpu.memory_space<vmem>>, vector<16xf32>,
        %parallel_loop3A_883 = arith.addf %parallel_loop3A_847, %parallel_loop3A_882 : vector<16xf32>
        %parallel_loop3A_884 = arith.mulf %parallel_loop3A_882, %parallel_loop3A_882 : vector<16xf32>
        %parallel_loop3A_885 = arith.addf %parallel_loop3A_849, %parallel_loop3A_884 : vector<16xf32>
        %parallel_loop3A_886 = arith.constant 9216 : i32
        %parallel_loop3A_887 = arith.addi %parallel_loop3A_599, %parallel_loop3A_886 : i32
        %parallel_loop3A_888 = arith.constant 896 : i32
        %parallel_loop3A_889 = arith.addi %parallel_loop3A_887, %parallel_loop3A_888 : i32
        %parallel_loop3A_890 = arith.index_cast %parallel_loop3A_889 : i32 to index
        %parallel_loop3A_891 = tpu.vector_load %arg11[%parallel_loop3A_890] {strides = array<i32>} : memref<12288xf32, #tpu.memory_space<vmem>>, vector<16xf32>,
        %parallel_loop3A_892 = arith.addf %parallel_loop3A_856, %parallel_loop3A_891 : vector<16xf32>
        %parallel_loop3A_893 = arith.mulf %parallel_loop3A_891, %parallel_loop3A_891 : vector<16xf32>
        %parallel_loop3A_894 = arith.addf %parallel_loop3A_858, %parallel_loop3A_893 : vector<16xf32>
        %parallel_loop3A_895 = arith.addf %parallel_loop3A_865, %parallel_loop3A_874 : vector<16xf32>
        %parallel_loop3A_896 = arith.addf %parallel_loop3A_883, %parallel_loop3A_892 : vector<16xf32>
        %parallel_loop3A_897 = arith.addf %parallel_loop3A_895, %parallel_loop3A_896 : vector<16xf32>
        %parallel_loop3A_898 = arith.index_cast %parallel_loop3A_602 : i32 to index
        %parallel_loop3A_899 = tpu.vector_load %arg14[%parallel_loop3A_898] {strides = array<i32>} : memref<768xf32, #tpu.memory_space<vmem>>, vector<16xf32>,
        tpu.vector_store %arg14[%parallel_loop3A_898], %parallel_loop3A_897 {strides = array<i32>} : memref<768xf32, #tpu.memory_space<vmem>>, vector<16xf32>,
        %parallel_loop3A_900 = arith.addf %parallel_loop3A_867, %parallel_loop3A_876 : vector<16xf32>
        %parallel_loop3A_901 = arith.addf %parallel_loop3A_885, %parallel_loop3A_894 : vector<16xf32>
        %parallel_loop3A_902 = arith.addf %parallel_loop3A_900, %parallel_loop3A_901 : vector<16xf32>
        %parallel_loop3A_903 = arith.index_cast %parallel_loop3A_602 : i32 to index
        %parallel_loop3A_904 = tpu.vector_load %arg15[%parallel_loop3A_903] {strides = array<i32>} : memref<768xf32, #tpu.memory_space<vmem>>, vector<16xf32>,
        tpu.vector_store %arg15[%parallel_loop3A_903], %parallel_loop3A_902 {strides = array<i32>} : memref<768xf32, #tpu.memory_space<vmem>>, vector<16xf32>,
      } {sc.loop_unroll_factor = 2 : i64, sc.parallel_access}
      %add3A_502 = arith.constant 4 : i32
      %add3A_503 = arith.addi %add3A_467, %add3A_502 : i32
      %lt3A_504 = arith.constant 64 : i32
      %lt3A_505 = arith.cmpi slt, %add3A_503, %lt3A_504 : i32
      %convert_element_type3A_506 = arith.extui %lt3A_505 : i1 to i32
      %cond3A_507 = arith.constant 0 : i32
      %cond3A_508 = arith.cmpi ne, %convert_element_type3A_506, %cond3A_507 : i32
      scf.if %cond3A_508 {
        %add3A_554 = arith.constant 4 : i32
        %add3A_555 = arith.addi %add3A_467, %add3A_554 : i32
        %mul3A_556 = arith.constant 12288 : i32
        %mul3A_557 = arith.muli %add3A_555, %mul3A_556 : i32
        %add3A_558 = arith.addi %mul3A_4, %mul3A_557 : i32
        %dma_start3A_559 = tpu.memref_slice %arg2[%add3A_558] : memref<25165824xf32, #tpu.memory_space<hbm>> -> memref<12288xf32, #tpu.memory_space<hbm>>
        %dma_start3A_560 = tpu.memref_slice %arg2[%add3A_558] : memref<25165824xf32, #tpu.memory_space<hbm>> -> memref<12288xf32, #tpu.memory_space<hbm>>
        tpu.enqueue_dma source(%dma_start3A_560 : memref<12288xf32, #tpu.memory_space<hbm>>) target(%arg11 : memref<12288xf32, #tpu.memory_space<vmem>>) target_semaphore(%arg23 : memref<!tpu.dma_semaphore, #tpu.memory_space<semaphore_mem>>)
      } else {
      }
      %mul3A_509 = arith.constant 4 : i32
      %mul3A_510 = arith.muli %mul3A_509, %scan3A_381 : i32
      %add3A_511 = arith.constant 3 : i32
      %add3A_512 = arith.addi %mul3A_510, %add3A_511 : i32
      %mul3A_513 = arith.constant 12288 : i32
      %mul3A_514 = arith.muli %add3A_512, %mul3A_513 : i32
      %add3A_515 = arith.addi %mul3A_4, %mul3A_514 : i32
      %dma_wait3A_516 = tpu.memref_slice %arg2[%add3A_515] : memref<25165824xf32, #tpu.memory_space<hbm>> -> memref<12288xf32, #tpu.memory_space<hbm>>
      %dma_wait3A_517 = tpu.memref_slice %arg2[%add3A_515] : memref<25165824xf32, #tpu.memory_space<hbm>> -> memref<12288xf32, #tpu.memory_space<hbm>>
      tpu.wait_dma2 semaphore(%arg24 : memref<!tpu.dma_semaphore, #tpu.memory_space<semaphore_mem>>) src(%dma_wait3A_517 : memref<12288xf32, #tpu.memory_space<hbm>>) dst(%arg12 : memref<12288xf32, #tpu.memory_space<vmem>>)
      %jit3A_518 = arith.constant 32 : i32
      %div3A_519 = arith.divsi %add3A_512, %jit3A_518 : i32
      %sign3A_520 = arith.constant 0 : i32
      %sign3A_521 = arith.cmpi sgt, %add3A_512, %sign3A_520 : i32
      %sign3A_522 = arith.extui %sign3A_521 : i1 to i32
      %sign3A_523 = arith.constant 0 : i32
      %sign3A_524 = arith.cmpi slt, %add3A_512, %sign3A_523 : i32
      %sign3A_525 = arith.extui %sign3A_524 : i1 to i32
      %sign3A_526 = arith.subi %sign3A_522, %sign3A_525 : i32
      %sign3A_527 = arith.constant 0 : i32
      %sign3A_528 = arith.cmpi sgt, %jit3A_518, %sign3A_527 : i32
      %sign3A_529 = arith.extui %sign3A_528 : i1 to i32
      %sign3A_530 = arith.constant 0 : i32
      %sign3A_531 = arith.cmpi slt, %jit3A_518, %sign3A_530 : i32
      %sign3A_532 = arith.extui %sign3A_531 : i1 to i32
      %sign3A_533 = arith.subi %sign3A_529, %sign3A_532 : i32
      %ne3A_534 = arith.cmpi ne, %sign3A_526, %sign3A_533 : i32
      %rem3A_535 = arith.remsi %add3A_512, %jit3A_518 : i32
      %ne3A_536 = arith.constant 0 : i32
      %ne3A_537 = arith.cmpi ne, %rem3A_535, %ne3A_536 : i32
      %and3A_538 = arith.andi %ne3A_534, %ne3A_537 : i1
      %sub3A_539 = arith.constant 1 : i32
      %sub3A_540 = arith.subi %div3A_519, %sub3A_539 : i32
      %select_n3A_541 = arith.select %and3A_538, %sub3A_540, %div3A_519 : i32
      %mul3A_542 = arith.constant 384 : i32
      %mul3A_543 = arith.muli %select_n3A_541, %mul3A_542 : i32
      %parallel_loop3A_544 = arith.constant 0 : i32
      %parallel_loop3A_545 = arith.constant 24 : i32
      %parallel_loop3A_546 = arith.constant 1 : i32
      scf.for %parallel_loop3A_554 = %parallel_loop3A_544 to %parallel_loop3A_545 step %parallel_loop3A_546  : i32 {
        %parallel_loop3A_555 = arith.constant 8 : i32
        %parallel_loop3A_556 = arith.divsi %parallel_loop3A_554, %parallel_loop3A_555 : i32
        %parallel_loop3A_557 = arith.constant 0 : i32
        %parallel_loop3A_558 = arith.cmpi sgt, %parallel_loop3A_554, %parallel_loop3A_557 : i32
        %parallel_loop3A_559 = arith.extui %parallel_loop3A_558 : i1 to i32
        %parallel_loop3A_560 = arith.constant 0 : i32
        %parallel_loop3A_561 = arith.cmpi slt, %parallel_loop3A_554, %parallel_loop3A_560 : i32
        %parallel_loop3A_562 = arith.extui %parallel_loop3A_561 : i1 to i32
        %parallel_loop3A_563 = arith.subi %parallel_loop3A_559, %parallel_loop3A_562 : i32
        %parallel_loop3A_564 = arith.constant 0 : i32
        %parallel_loop3A_565 = arith.cmpi sgt, %parallel_loop3A_555, %parallel_loop3A_564 : i32
        %parallel_loop3A_566 = arith.extui %parallel_loop3A_565 : i1 to i32
        %parallel_loop3A_567 = arith.constant 0 : i32
        %parallel_loop3A_568 = arith.cmpi slt, %parallel_loop3A_555, %parallel_loop3A_567 : i32
        %parallel_loop3A_569 = arith.extui %parallel_loop3A_568 : i1 to i32
        %parallel_loop3A_570 = arith.subi %parallel_loop3A_566, %parallel_loop3A_569 : i32
        %parallel_loop3A_571 = arith.cmpi ne, %parallel_loop3A_563, %parallel_loop3A_570 : i32
        %parallel_loop3A_572 = arith.remsi %parallel_loop3A_554, %parallel_loop3A_555 : i32
        %parallel_loop3A_573 = arith.constant 0 : i32
        %parallel_loop3A_574 = arith.cmpi ne, %parallel_loop3A_572, %parallel_loop3A_573 : i32
        %parallel_loop3A_575 = arith.andi %parallel_loop3A_571, %parallel_loop3A_574 : i1
        %parallel_loop3A_576 = arith.constant 1 : i32
        %parallel_loop3A_577 = arith.subi %parallel_loop3A_556, %parallel_loop3A_576 : i32
        %parallel_loop3A_578 = arith.select %parallel_loop3A_575, %parallel_loop3A_577, %parallel_loop3A_556 : i32
        %parallel_loop3A_579 = arith.constant 1024 : i32
        %parallel_loop3A_580 = arith.muli %parallel_loop3A_578, %parallel_loop3A_579 : i32
        %parallel_loop3A_581 = arith.constant 8 : i32
        %parallel_loop3A_582 = arith.constant 0 : i32
        %parallel_loop3A_583 = arith.cmpi eq, %parallel_loop3A_581, %parallel_loop3A_582 : i32
        %parallel_loop3A_584 = arith.constant 1 : i32
        %parallel_loop3A_585 = arith.select %parallel_loop3A_583, %parallel_loop3A_584, %parallel_loop3A_581 : i32
        %parallel_loop3A_586 = arith.remsi %parallel_loop3A_554, %parallel_loop3A_585 : i32
        %parallel_loop3A_587 = arith.constant 0 : i32
        %parallel_loop3A_588 = arith.cmpi ne, %parallel_loop3A_586, %parallel_loop3A_587 : i32
        %parallel_loop3A_589 = arith.constant 0 : i32
        %parallel_loop3A_590 = arith.cmpi slt, %parallel_loop3A_586, %parallel_loop3A_589 : i32
        %parallel_loop3A_591 = arith.constant 0 : i32
        %parallel_loop3A_592 = arith.cmpi slt, %parallel_loop3A_585, %parallel_loop3A_591 : i32
        %parallel_loop3A_593 = arith.xori %parallel_loop3A_590, %parallel_loop3A_592 : i1
        %parallel_loop3A_594 = arith.andi %parallel_loop3A_593, %parallel_loop3A_588 : i1
        %parallel_loop3A_595 = arith.addi %parallel_loop3A_586, %parallel_loop3A_585 : i32
        %parallel_loop3A_596 = arith.select %parallel_loop3A_594, %parallel_loop3A_595, %parallel_loop3A_586 : i32
        %parallel_loop3A_597 = arith.constant 16 : i32
        %parallel_loop3A_598 = arith.muli %parallel_loop3A_596, %parallel_loop3A_597 : i32
        %parallel_loop3A_599 = arith.addi %parallel_loop3A_580, %parallel_loop3A_598 : i32
        %parallel_loop3A_600 = arith.constant 16 : i32
        %parallel_loop3A_601 = arith.muli %parallel_loop3A_554, %parallel_loop3A_600 : i32
        %parallel_loop3A_602 = arith.addi %mul3A_543, %parallel_loop3A_601 : i32
        %parallel_loop3A_603 = arith.index_cast %parallel_loop3A_602 : i32 to index
        %parallel_loop3A_604 = tpu.vector_load %arg14[%parallel_loop3A_603] {strides = array<i32>} : memref<768xf32, #tpu.memory_space<vmem>>, vector<16xf32>,
        %parallel_loop3A_605 = arith.index_cast %parallel_loop3A_602 : i32 to index
        %parallel_loop3A_606 = tpu.vector_load %arg15[%parallel_loop3A_605] {strides = array<i32>} : memref<768xf32, #tpu.memory_space<vmem>>, vector<16xf32>,
        %parallel_loop3A_607 = arith.constant 0 : i32
        %parallel_loop3A_608 = arith.addi %parallel_loop3A_599, %parallel_loop3A_607 : i32
        %parallel_loop3A_609 = arith.constant 0 : i32
        %parallel_loop3A_610 = arith.addi %parallel_loop3A_608, %parallel_loop3A_609 : i32
        %parallel_loop3A_611 = arith.index_cast %parallel_loop3A_610 : i32 to index
        %parallel_loop3A_612 = tpu.vector_load %arg12[%parallel_loop3A_611] {strides = array<i32>} : memref<12288xf32, #tpu.memory_space<vmem>>, vector<16xf32>,
        %parallel_loop3A_613 = arith.addf %parallel_loop3A_604, %parallel_loop3A_612 : vector<16xf32>
        %parallel_loop3A_614 = arith.mulf %parallel_loop3A_612, %parallel_loop3A_612 : vector<16xf32>
        %parallel_loop3A_615 = arith.addf %parallel_loop3A_606, %parallel_loop3A_614 : vector<16xf32>
        %parallel_loop3A_616 = arith.constant 0 : i32
        %parallel_loop3A_617 = arith.addi %parallel_loop3A_599, %parallel_loop3A_616 : i32
        %parallel_loop3A_618 = arith.constant 128 : i32
        %parallel_loop3A_619 = arith.addi %parallel_loop3A_617, %parallel_loop3A_618 : i32
        %parallel_loop3A_620 = arith.index_cast %parallel_loop3A_619 : i32 to index
        %parallel_loop3A_621 = tpu.vector_load %arg12[%parallel_loop3A_620] {strides = array<i32>} : memref<12288xf32, #tpu.memory_space<vmem>>, vector<16xf32>,
        %parallel_loop3A_622 = arith.addf %broadcast_in_dim3A_5, %parallel_loop3A_621 : vector<16xf32>
        %parallel_loop3A_623 = arith.mulf %parallel_loop3A_621, %parallel_loop3A_621 : vector<16xf32>
        %parallel_loop3A_624 = arith.addf %broadcast_in_dim3A_5, %parallel_loop3A_623 : vector<16xf32>
        %parallel_loop3A_625 = arith.constant 0 : i32
        %parallel_loop3A_626 = arith.addi %parallel_loop3A_599, %parallel_loop3A_625 : i32
        %parallel_loop3A_627 = arith.constant 256 : i32
        %parallel_loop3A_628 = arith.addi %parallel_loop3A_626, %parallel_loop3A_627 : i32
        %parallel_loop3A_629 = arith.index_cast %parallel_loop3A_628 : i32 to index
        %parallel_loop3A_630 = tpu.vector_load %arg12[%parallel_loop3A_629] {strides = array<i32>} : memref<12288xf32, #tpu.memory_space<vmem>>, vector<16xf32>,
        %parallel_loop3A_631 = arith.addf %broadcast_in_dim3A_5, %parallel_loop3A_630 : vector<16xf32>
        %parallel_loop3A_632 = arith.mulf %parallel_loop3A_630, %parallel_loop3A_630 : vector<16xf32>
        %parallel_loop3A_633 = arith.addf %broadcast_in_dim3A_5, %parallel_loop3A_632 : vector<16xf32>
        %parallel_loop3A_634 = arith.constant 0 : i32
        %parallel_loop3A_635 = arith.addi %parallel_loop3A_599, %parallel_loop3A_634 : i32
        %parallel_loop3A_636 = arith.constant 384 : i32
        %parallel_loop3A_637 = arith.addi %parallel_loop3A_635, %parallel_loop3A_636 : i32
        %parallel_loop3A_638 = arith.index_cast %parallel_loop3A_637 : i32 to index
        %parallel_loop3A_639 = tpu.vector_load %arg12[%parallel_loop3A_638] {strides = array<i32>} : memref<12288xf32, #tpu.memory_space<vmem>>, vector<16xf32>,
        %parallel_loop3A_640 = arith.addf %broadcast_in_dim3A_5, %parallel_loop3A_639 : vector<16xf32>
        %parallel_loop3A_641 = arith.mulf %parallel_loop3A_639, %parallel_loop3A_639 : vector<16xf32>
        %parallel_loop3A_642 = arith.addf %broadcast_in_dim3A_5, %parallel_loop3A_641 : vector<16xf32>
        %parallel_loop3A_643 = arith.constant 0 : i32
        %parallel_loop3A_644 = arith.addi %parallel_loop3A_599, %parallel_loop3A_643 : i32
        %parallel_loop3A_645 = arith.constant 512 : i32
        %parallel_loop3A_646 = arith.addi %parallel_loop3A_644, %parallel_loop3A_645 : i32
        %parallel_loop3A_647 = arith.index_cast %parallel_loop3A_646 : i32 to index
        %parallel_loop3A_648 = tpu.vector_load %arg12[%parallel_loop3A_647] {strides = array<i32>} : memref<12288xf32, #tpu.memory_space<vmem>>, vector<16xf32>,
        %parallel_loop3A_649 = arith.addf %parallel_loop3A_613, %parallel_loop3A_648 : vector<16xf32>
        %parallel_loop3A_650 = arith.mulf %parallel_loop3A_648, %parallel_loop3A_648 : vector<16xf32>
        %parallel_loop3A_651 = arith.addf %parallel_loop3A_615, %parallel_loop3A_650 : vector<16xf32>
        %parallel_loop3A_652 = arith.constant 0 : i32
        %parallel_loop3A_653 = arith.addi %parallel_loop3A_599, %parallel_loop3A_652 : i32
        %parallel_loop3A_654 = arith.constant 640 : i32
        %parallel_loop3A_655 = arith.addi %parallel_loop3A_653, %parallel_loop3A_654 : i32
        %parallel_loop3A_656 = arith.index_cast %parallel_loop3A_655 : i32 to index
        %parallel_loop3A_657 = tpu.vector_load %arg12[%parallel_loop3A_656] {strides = array<i32>} : memref<12288xf32, #tpu.memory_space<vmem>>, vector<16xf32>,
        %parallel_loop3A_658 = arith.addf %parallel_loop3A_622, %parallel_loop3A_657 : vector<16xf32>
        %parallel_loop3A_659 = arith.mulf %parallel_loop3A_657, %parallel_loop3A_657 : vector<16xf32>
        %parallel_loop3A_660 = arith.addf %parallel_loop3A_624, %parallel_loop3A_659 : vector<16xf32>
        %parallel_loop3A_661 = arith.constant 0 : i32
        %parallel_loop3A_662 = arith.addi %parallel_loop3A_599, %parallel_loop3A_661 : i32
        %parallel_loop3A_663 = arith.constant 768 : i32
        %parallel_loop3A_664 = arith.addi %parallel_loop3A_662, %parallel_loop3A_663 : i32
        %parallel_loop3A_665 = arith.index_cast %parallel_loop3A_664 : i32 to index
        %parallel_loop3A_666 = tpu.vector_load %arg12[%parallel_loop3A_665] {strides = array<i32>} : memref<12288xf32, #tpu.memory_space<vmem>>, vector<16xf32>,
        %parallel_loop3A_667 = arith.addf %parallel_loop3A_631, %parallel_loop3A_666 : vector<16xf32>
        %parallel_loop3A_668 = arith.mulf %parallel_loop3A_666, %parallel_loop3A_666 : vector<16xf32>
        %parallel_loop3A_669 = arith.addf %parallel_loop3A_633, %parallel_loop3A_668 : vector<16xf32>
        %parallel_loop3A_670 = arith.constant 0 : i32
        %parallel_loop3A_671 = arith.addi %parallel_loop3A_599, %parallel_loop3A_670 : i32
        %parallel_loop3A_672 = arith.constant 896 : i32
        %parallel_loop3A_673 = arith.addi %parallel_loop3A_671, %parallel_loop3A_672 : i32
        %parallel_loop3A_674 = arith.index_cast %parallel_loop3A_673 : i32 to index
        %parallel_loop3A_675 = tpu.vector_load %arg12[%parallel_loop3A_674] {strides = array<i32>} : memref<12288xf32, #tpu.memory_space<vmem>>, vector<16xf32>,
        %parallel_loop3A_676 = arith.addf %parallel_loop3A_640, %parallel_loop3A_675 : vector<16xf32>
        %parallel_loop3A_677 = arith.mulf %parallel_loop3A_675, %parallel_loop3A_675 : vector<16xf32>
        %parallel_loop3A_678 = arith.addf %parallel_loop3A_642, %parallel_loop3A_677 : vector<16xf32>
        %parallel_loop3A_679 = arith.constant 3072 : i32
        %parallel_loop3A_680 = arith.addi %parallel_loop3A_599, %parallel_loop3A_679 : i32
        %parallel_loop3A_681 = arith.constant 0 : i32
        %parallel_loop3A_682 = arith.addi %parallel_loop3A_680, %parallel_loop3A_681 : i32
        %parallel_loop3A_683 = arith.index_cast %parallel_loop3A_682 : i32 to index
        %parallel_loop3A_684 = tpu.vector_load %arg12[%parallel_loop3A_683] {strides = array<i32>} : memref<12288xf32, #tpu.memory_space<vmem>>, vector<16xf32>,
        %parallel_loop3A_685 = arith.addf %parallel_loop3A_649, %parallel_loop3A_684 : vector<16xf32>
        %parallel_loop3A_686 = arith.mulf %parallel_loop3A_684, %parallel_loop3A_684 : vector<16xf32>
        %parallel_loop3A_687 = arith.addf %parallel_loop3A_651, %parallel_loop3A_686 : vector<16xf32>
        %parallel_loop3A_688 = arith.constant 3072 : i32
        %parallel_loop3A_689 = arith.addi %parallel_loop3A_599, %parallel_loop3A_688 : i32
        %parallel_loop3A_690 = arith.constant 128 : i32
        %parallel_loop3A_691 = arith.addi %parallel_loop3A_689, %parallel_loop3A_690 : i32
        %parallel_loop3A_692 = arith.index_cast %parallel_loop3A_691 : i32 to index
        %parallel_loop3A_693 = tpu.vector_load %arg12[%parallel_loop3A_692] {strides = array<i32>} : memref<12288xf32, #tpu.memory_space<vmem>>, vector<16xf32>,
        %parallel_loop3A_694 = arith.addf %parallel_loop3A_658, %parallel_loop3A_693 : vector<16xf32>
        %parallel_loop3A_695 = arith.mulf %parallel_loop3A_693, %parallel_loop3A_693 : vector<16xf32>
        %parallel_loop3A_696 = arith.addf %parallel_loop3A_660, %parallel_loop3A_695 : vector<16xf32>
        %parallel_loop3A_697 = arith.constant 3072 : i32
        %parallel_loop3A_698 = arith.addi %parallel_loop3A_599, %parallel_loop3A_697 : i32
        %parallel_loop3A_699 = arith.constant 256 : i32
        %parallel_loop3A_700 = arith.addi %parallel_loop3A_698, %parallel_loop3A_699 : i32
        %parallel_loop3A_701 = arith.index_cast %parallel_loop3A_700 : i32 to index
        %parallel_loop3A_702 = tpu.vector_load %arg12[%parallel_loop3A_701] {strides = array<i32>} : memref<12288xf32, #tpu.memory_space<vmem>>, vector<16xf32>,
        %parallel_loop3A_703 = arith.addf %parallel_loop3A_667, %parallel_loop3A_702 : vector<16xf32>
        %parallel_loop3A_704 = arith.mulf %parallel_loop3A_702, %parallel_loop3A_702 : vector<16xf32>
        %parallel_loop3A_705 = arith.addf %parallel_loop3A_669, %parallel_loop3A_704 : vector<16xf32>
        %parallel_loop3A_706 = arith.constant 3072 : i32
        %parallel_loop3A_707 = arith.addi %parallel_loop3A_599, %parallel_loop3A_706 : i32
        %parallel_loop3A_708 = arith.constant 384 : i32
        %parallel_loop3A_709 = arith.addi %parallel_loop3A_707, %parallel_loop3A_708 : i32
        %parallel_loop3A_710 = arith.index_cast %parallel_loop3A_709 : i32 to index
        %parallel_loop3A_711 = tpu.vector_load %arg12[%parallel_loop3A_710] {strides = array<i32>} : memref<12288xf32, #tpu.memory_space<vmem>>, vector<16xf32>,
        %parallel_loop3A_712 = arith.addf %parallel_loop3A_676, %parallel_loop3A_711 : vector<16xf32>
        %parallel_loop3A_713 = arith.mulf %parallel_loop3A_711, %parallel_loop3A_711 : vector<16xf32>
        %parallel_loop3A_714 = arith.addf %parallel_loop3A_678, %parallel_loop3A_713 : vector<16xf32>
        %parallel_loop3A_715 = arith.constant 3072 : i32
        %parallel_loop3A_716 = arith.addi %parallel_loop3A_599, %parallel_loop3A_715 : i32
        %parallel_loop3A_717 = arith.constant 512 : i32
        %parallel_loop3A_718 = arith.addi %parallel_loop3A_716, %parallel_loop3A_717 : i32
        %parallel_loop3A_719 = arith.index_cast %parallel_loop3A_718 : i32 to index
        %parallel_loop3A_720 = tpu.vector_load %arg12[%parallel_loop3A_719] {strides = array<i32>} : memref<12288xf32, #tpu.memory_space<vmem>>, vector<16xf32>,
        %parallel_loop3A_721 = arith.addf %parallel_loop3A_685, %parallel_loop3A_720 : vector<16xf32>
        %parallel_loop3A_722 = arith.mulf %parallel_loop3A_720, %parallel_loop3A_720 : vector<16xf32>
        %parallel_loop3A_723 = arith.addf %parallel_loop3A_687, %parallel_loop3A_722 : vector<16xf32>
        %parallel_loop3A_724 = arith.constant 3072 : i32
        %parallel_loop3A_725 = arith.addi %parallel_loop3A_599, %parallel_loop3A_724 : i32
        %parallel_loop3A_726 = arith.constant 640 : i32
        %parallel_loop3A_727 = arith.addi %parallel_loop3A_725, %parallel_loop3A_726 : i32
        %parallel_loop3A_728 = arith.index_cast %parallel_loop3A_727 : i32 to index
        %parallel_loop3A_729 = tpu.vector_load %arg12[%parallel_loop3A_728] {strides = array<i32>} : memref<12288xf32, #tpu.memory_space<vmem>>, vector<16xf32>,
        %parallel_loop3A_730 = arith.addf %parallel_loop3A_694, %parallel_loop3A_729 : vector<16xf32>
        %parallel_loop3A_731 = arith.mulf %parallel_loop3A_729, %parallel_loop3A_729 : vector<16xf32>
        %parallel_loop3A_732 = arith.addf %parallel_loop3A_696, %parallel_loop3A_731 : vector<16xf32>
        %parallel_loop3A_733 = arith.constant 3072 : i32
        %parallel_loop3A_734 = arith.addi %parallel_loop3A_599, %parallel_loop3A_733 : i32
        %parallel_loop3A_735 = arith.constant 768 : i32
        %parallel_loop3A_736 = arith.addi %parallel_loop3A_734, %parallel_loop3A_735 : i32
        %parallel_loop3A_737 = arith.index_cast %parallel_loop3A_736 : i32 to index
        %parallel_loop3A_738 = tpu.vector_load %arg12[%parallel_loop3A_737] {strides = array<i32>} : memref<12288xf32, #tpu.memory_space<vmem>>, vector<16xf32>,
        %parallel_loop3A_739 = arith.addf %parallel_loop3A_703, %parallel_loop3A_738 : vector<16xf32>
        %parallel_loop3A_740 = arith.mulf %parallel_loop3A_738, %parallel_loop3A_738 : vector<16xf32>
        %parallel_loop3A_741 = arith.addf %parallel_loop3A_705, %parallel_loop3A_740 : vector<16xf32>
        %parallel_loop3A_742 = arith.constant 3072 : i32
        %parallel_loop3A_743 = arith.addi %parallel_loop3A_599, %parallel_loop3A_742 : i32
        %parallel_loop3A_744 = arith.constant 896 : i32
        %parallel_loop3A_745 = arith.addi %parallel_loop3A_743, %parallel_loop3A_744 : i32
        %parallel_loop3A_746 = arith.index_cast %parallel_loop3A_745 : i32 to index
        %parallel_loop3A_747 = tpu.vector_load %arg12[%parallel_loop3A_746] {strides = array<i32>} : memref<12288xf32, #tpu.memory_space<vmem>>, vector<16xf32>,
        %parallel_loop3A_748 = arith.addf %parallel_loop3A_712, %parallel_loop3A_747 : vector<16xf32>
        %parallel_loop3A_749 = arith.mulf %parallel_loop3A_747, %parallel_loop3A_747 : vector<16xf32>
        %parallel_loop3A_750 = arith.addf %parallel_loop3A_714, %parallel_loop3A_749 : vector<16xf32>
        %parallel_loop3A_751 = arith.constant 6144 : i32
        %parallel_loop3A_752 = arith.addi %parallel_loop3A_599, %parallel_loop3A_751 : i32
        %parallel_loop3A_753 = arith.constant 0 : i32
        %parallel_loop3A_754 = arith.addi %parallel_loop3A_752, %parallel_loop3A_753 : i32
        %parallel_loop3A_755 = arith.index_cast %parallel_loop3A_754 : i32 to index
        %parallel_loop3A_756 = tpu.vector_load %arg12[%parallel_loop3A_755] {strides = array<i32>} : memref<12288xf32, #tpu.memory_space<vmem>>, vector<16xf32>,
        %parallel_loop3A_757 = arith.addf %parallel_loop3A_721, %parallel_loop3A_756 : vector<16xf32>
        %parallel_loop3A_758 = arith.mulf %parallel_loop3A_756, %parallel_loop3A_756 : vector<16xf32>
        %parallel_loop3A_759 = arith.addf %parallel_loop3A_723, %parallel_loop3A_758 : vector<16xf32>
        %parallel_loop3A_760 = arith.constant 6144 : i32
        %parallel_loop3A_761 = arith.addi %parallel_loop3A_599, %parallel_loop3A_760 : i32
        %parallel_loop3A_762 = arith.constant 128 : i32
        %parallel_loop3A_763 = arith.addi %parallel_loop3A_761, %parallel_loop3A_762 : i32
        %parallel_loop3A_764 = arith.index_cast %parallel_loop3A_763 : i32 to index
        %parallel_loop3A_765 = tpu.vector_load %arg12[%parallel_loop3A_764] {strides = array<i32>} : memref<12288xf32, #tpu.memory_space<vmem>>, vector<16xf32>,
        %parallel_loop3A_766 = arith.addf %parallel_loop3A_730, %parallel_loop3A_765 : vector<16xf32>
        %parallel_loop3A_767 = arith.mulf %parallel_loop3A_765, %parallel_loop3A_765 : vector<16xf32>
        %parallel_loop3A_768 = arith.addf %parallel_loop3A_732, %parallel_loop3A_767 : vector<16xf32>
        %parallel_loop3A_769 = arith.constant 6144 : i32
        %parallel_loop3A_770 = arith.addi %parallel_loop3A_599, %parallel_loop3A_769 : i32
        %parallel_loop3A_771 = arith.constant 256 : i32
        %parallel_loop3A_772 = arith.addi %parallel_loop3A_770, %parallel_loop3A_771 : i32
        %parallel_loop3A_773 = arith.index_cast %parallel_loop3A_772 : i32 to index
        %parallel_loop3A_774 = tpu.vector_load %arg12[%parallel_loop3A_773] {strides = array<i32>} : memref<12288xf32, #tpu.memory_space<vmem>>, vector<16xf32>,
        %parallel_loop3A_775 = arith.addf %parallel_loop3A_739, %parallel_loop3A_774 : vector<16xf32>
        %parallel_loop3A_776 = arith.mulf %parallel_loop3A_774, %parallel_loop3A_774 : vector<16xf32>
        %parallel_loop3A_777 = arith.addf %parallel_loop3A_741, %parallel_loop3A_776 : vector<16xf32>
        %parallel_loop3A_778 = arith.constant 6144 : i32
        %parallel_loop3A_779 = arith.addi %parallel_loop3A_599, %parallel_loop3A_778 : i32
        %parallel_loop3A_780 = arith.constant 384 : i32
        %parallel_loop3A_781 = arith.addi %parallel_loop3A_779, %parallel_loop3A_780 : i32
        %parallel_loop3A_782 = arith.index_cast %parallel_loop3A_781 : i32 to index
        %parallel_loop3A_783 = tpu.vector_load %arg12[%parallel_loop3A_782] {strides = array<i32>} : memref<12288xf32, #tpu.memory_space<vmem>>, vector<16xf32>,
        %parallel_loop3A_784 = arith.addf %parallel_loop3A_748, %parallel_loop3A_783 : vector<16xf32>
        %parallel_loop3A_785 = arith.mulf %parallel_loop3A_783, %parallel_loop3A_783 : vector<16xf32>
        %parallel_loop3A_786 = arith.addf %parallel_loop3A_750, %parallel_loop3A_785 : vector<16xf32>
        %parallel_loop3A_787 = arith.constant 6144 : i32
        %parallel_loop3A_788 = arith.addi %parallel_loop3A_599, %parallel_loop3A_787 : i32
        %parallel_loop3A_789 = arith.constant 512 : i32
        %parallel_loop3A_790 = arith.addi %parallel_loop3A_788, %parallel_loop3A_789 : i32
        %parallel_loop3A_791 = arith.index_cast %parallel_loop3A_790 : i32 to index
        %parallel_loop3A_792 = tpu.vector_load %arg12[%parallel_loop3A_791] {strides = array<i32>} : memref<12288xf32, #tpu.memory_space<vmem>>, vector<16xf32>,
        %parallel_loop3A_793 = arith.addf %parallel_loop3A_757, %parallel_loop3A_792 : vector<16xf32>
        %parallel_loop3A_794 = arith.mulf %parallel_loop3A_792, %parallel_loop3A_792 : vector<16xf32>
        %parallel_loop3A_795 = arith.addf %parallel_loop3A_759, %parallel_loop3A_794 : vector<16xf32>
        %parallel_loop3A_796 = arith.constant 6144 : i32
        %parallel_loop3A_797 = arith.addi %parallel_loop3A_599, %parallel_loop3A_796 : i32
        %parallel_loop3A_798 = arith.constant 640 : i32
        %parallel_loop3A_799 = arith.addi %parallel_loop3A_797, %parallel_loop3A_798 : i32
        %parallel_loop3A_800 = arith.index_cast %parallel_loop3A_799 : i32 to index
        %parallel_loop3A_801 = tpu.vector_load %arg12[%parallel_loop3A_800] {strides = array<i32>} : memref<12288xf32, #tpu.memory_space<vmem>>, vector<16xf32>,
        %parallel_loop3A_802 = arith.addf %parallel_loop3A_766, %parallel_loop3A_801 : vector<16xf32>
        %parallel_loop3A_803 = arith.mulf %parallel_loop3A_801, %parallel_loop3A_801 : vector<16xf32>
        %parallel_loop3A_804 = arith.addf %parallel_loop3A_768, %parallel_loop3A_803 : vector<16xf32>
        %parallel_loop3A_805 = arith.constant 6144 : i32
        %parallel_loop3A_806 = arith.addi %parallel_loop3A_599, %parallel_loop3A_805 : i32
        %parallel_loop3A_807 = arith.constant 768 : i32
        %parallel_loop3A_808 = arith.addi %parallel_loop3A_806, %parallel_loop3A_807 : i32
        %parallel_loop3A_809 = arith.index_cast %parallel_loop3A_808 : i32 to index
        %parallel_loop3A_810 = tpu.vector_load %arg12[%parallel_loop3A_809] {strides = array<i32>} : memref<12288xf32, #tpu.memory_space<vmem>>, vector<16xf32>,
        %parallel_loop3A_811 = arith.addf %parallel_loop3A_775, %parallel_loop3A_810 : vector<16xf32>
        %parallel_loop3A_812 = arith.mulf %parallel_loop3A_810, %parallel_loop3A_810 : vector<16xf32>
        %parallel_loop3A_813 = arith.addf %parallel_loop3A_777, %parallel_loop3A_812 : vector<16xf32>
        %parallel_loop3A_814 = arith.constant 6144 : i32
        %parallel_loop3A_815 = arith.addi %parallel_loop3A_599, %parallel_loop3A_814 : i32
        %parallel_loop3A_816 = arith.constant 896 : i32
        %parallel_loop3A_817 = arith.addi %parallel_loop3A_815, %parallel_loop3A_816 : i32
        %parallel_loop3A_818 = arith.index_cast %parallel_loop3A_817 : i32 to index
        %parallel_loop3A_819 = tpu.vector_load %arg12[%parallel_loop3A_818] {strides = array<i32>} : memref<12288xf32, #tpu.memory_space<vmem>>, vector<16xf32>,
        %parallel_loop3A_820 = arith.addf %parallel_loop3A_784, %parallel_loop3A_819 : vector<16xf32>
        %parallel_loop3A_821 = arith.mulf %parallel_loop3A_819, %parallel_loop3A_819 : vector<16xf32>
        %parallel_loop3A_822 = arith.addf %parallel_loop3A_786, %parallel_loop3A_821 : vector<16xf32>
        %parallel_loop3A_823 = arith.constant 9216 : i32
        %parallel_loop3A_824 = arith.addi %parallel_loop3A_599, %parallel_loop3A_823 : i32
        %parallel_loop3A_825 = arith.constant 0 : i32
        %parallel_loop3A_826 = arith.addi %parallel_loop3A_824, %parallel_loop3A_825 : i32
        %parallel_loop3A_827 = arith.index_cast %parallel_loop3A_826 : i32 to index
        %parallel_loop3A_828 = tpu.vector_load %arg12[%parallel_loop3A_827] {strides = array<i32>} : memref<12288xf32, #tpu.memory_space<vmem>>, vector<16xf32>,
        %parallel_loop3A_829 = arith.addf %parallel_loop3A_793, %parallel_loop3A_828 : vector<16xf32>
        %parallel_loop3A_830 = arith.mulf %parallel_loop3A_828, %parallel_loop3A_828 : vector<16xf32>
        %parallel_loop3A_831 = arith.addf %parallel_loop3A_795, %parallel_loop3A_830 : vector<16xf32>
        %parallel_loop3A_832 = arith.constant 9216 : i32
        %parallel_loop3A_833 = arith.addi %parallel_loop3A_599, %parallel_loop3A_832 : i32
        %parallel_loop3A_834 = arith.constant 128 : i32
        %parallel_loop3A_835 = arith.addi %parallel_loop3A_833, %parallel_loop3A_834 : i32
        %parallel_loop3A_836 = arith.index_cast %parallel_loop3A_835 : i32 to index
        %parallel_loop3A_837 = tpu.vector_load %arg12[%parallel_loop3A_836] {strides = array<i32>} : memref<12288xf32, #tpu.memory_space<vmem>>, vector<16xf32>,
        %parallel_loop3A_838 = arith.addf %parallel_loop3A_802, %parallel_loop3A_837 : vector<16xf32>
        %parallel_loop3A_839 = arith.mulf %parallel_loop3A_837, %parallel_loop3A_837 : vector<16xf32>
        %parallel_loop3A_840 = arith.addf %parallel_loop3A_804, %parallel_loop3A_839 : vector<16xf32>
        %parallel_loop3A_841 = arith.constant 9216 : i32
        %parallel_loop3A_842 = arith.addi %parallel_loop3A_599, %parallel_loop3A_841 : i32
        %parallel_loop3A_843 = arith.constant 256 : i32
        %parallel_loop3A_844 = arith.addi %parallel_loop3A_842, %parallel_loop3A_843 : i32
        %parallel_loop3A_845 = arith.index_cast %parallel_loop3A_844 : i32 to index
        %parallel_loop3A_846 = tpu.vector_load %arg12[%parallel_loop3A_845] {strides = array<i32>} : memref<12288xf32, #tpu.memory_space<vmem>>, vector<16xf32>,
        %parallel_loop3A_847 = arith.addf %parallel_loop3A_811, %parallel_loop3A_846 : vector<16xf32>
        %parallel_loop3A_848 = arith.mulf %parallel_loop3A_846, %parallel_loop3A_846 : vector<16xf32>
        %parallel_loop3A_849 = arith.addf %parallel_loop3A_813, %parallel_loop3A_848 : vector<16xf32>
        %parallel_loop3A_850 = arith.constant 9216 : i32
        %parallel_loop3A_851 = arith.addi %parallel_loop3A_599, %parallel_loop3A_850 : i32
        %parallel_loop3A_852 = arith.constant 384 : i32
        %parallel_loop3A_853 = arith.addi %parallel_loop3A_851, %parallel_loop3A_852 : i32
        %parallel_loop3A_854 = arith.index_cast %parallel_loop3A_853 : i32 to index
        %parallel_loop3A_855 = tpu.vector_load %arg12[%parallel_loop3A_854] {strides = array<i32>} : memref<12288xf32, #tpu.memory_space<vmem>>, vector<16xf32>,
        %parallel_loop3A_856 = arith.addf %parallel_loop3A_820, %parallel_loop3A_855 : vector<16xf32>
        %parallel_loop3A_857 = arith.mulf %parallel_loop3A_855, %parallel_loop3A_855 : vector<16xf32>
        %parallel_loop3A_858 = arith.addf %parallel_loop3A_822, %parallel_loop3A_857 : vector<16xf32>
        %parallel_loop3A_859 = arith.constant 9216 : i32
        %parallel_loop3A_860 = arith.addi %parallel_loop3A_599, %parallel_loop3A_859 : i32
        %parallel_loop3A_861 = arith.constant 512 : i32
        %parallel_loop3A_862 = arith.addi %parallel_loop3A_860, %parallel_loop3A_861 : i32
        %parallel_loop3A_863 = arith.index_cast %parallel_loop3A_862 : i32 to index
        %parallel_loop3A_864 = tpu.vector_load %arg12[%parallel_loop3A_863] {strides = array<i32>} : memref<12288xf32, #tpu.memory_space<vmem>>, vector<16xf32>,
        %parallel_loop3A_865 = arith.addf %parallel_loop3A_829, %parallel_loop3A_864 : vector<16xf32>
        %parallel_loop3A_866 = arith.mulf %parallel_loop3A_864, %parallel_loop3A_864 : vector<16xf32>
        %parallel_loop3A_867 = arith.addf %parallel_loop3A_831, %parallel_loop3A_866 : vector<16xf32>
        %parallel_loop3A_868 = arith.constant 9216 : i32
        %parallel_loop3A_869 = arith.addi %parallel_loop3A_599, %parallel_loop3A_868 : i32
        %parallel_loop3A_870 = arith.constant 640 : i32
        %parallel_loop3A_871 = arith.addi %parallel_loop3A_869, %parallel_loop3A_870 : i32
        %parallel_loop3A_872 = arith.index_cast %parallel_loop3A_871 : i32 to index
        %parallel_loop3A_873 = tpu.vector_load %arg12[%parallel_loop3A_872] {strides = array<i32>} : memref<12288xf32, #tpu.memory_space<vmem>>, vector<16xf32>,
        %parallel_loop3A_874 = arith.addf %parallel_loop3A_838, %parallel_loop3A_873 : vector<16xf32>
        %parallel_loop3A_875 = arith.mulf %parallel_loop3A_873, %parallel_loop3A_873 : vector<16xf32>
        %parallel_loop3A_876 = arith.addf %parallel_loop3A_840, %parallel_loop3A_875 : vector<16xf32>
        %parallel_loop3A_877 = arith.constant 9216 : i32
        %parallel_loop3A_878 = arith.addi %parallel_loop3A_599, %parallel_loop3A_877 : i32
        %parallel_loop3A_879 = arith.constant 768 : i32
        %parallel_loop3A_880 = arith.addi %parallel_loop3A_878, %parallel_loop3A_879 : i32
        %parallel_loop3A_881 = arith.index_cast %parallel_loop3A_880 : i32 to index
        %parallel_loop3A_882 = tpu.vector_load %arg12[%parallel_loop3A_881] {strides = array<i32>} : memref<12288xf32, #tpu.memory_space<vmem>>, vector<16xf32>,
        %parallel_loop3A_883 = arith.addf %parallel_loop3A_847, %parallel_loop3A_882 : vector<16xf32>
        %parallel_loop3A_884 = arith.mulf %parallel_loop3A_882, %parallel_loop3A_882 : vector<16xf32>
        %parallel_loop3A_885 = arith.addf %parallel_loop3A_849, %parallel_loop3A_884 : vector<16xf32>
        %parallel_loop3A_886 = arith.constant 9216 : i32
        %parallel_loop3A_887 = arith.addi %parallel_loop3A_599, %parallel_loop3A_886 : i32
        %parallel_loop3A_888 = arith.constant 896 : i32
        %parallel_loop3A_889 = arith.addi %parallel_loop3A_887, %parallel_loop3A_888 : i32
        %parallel_loop3A_890 = arith.index_cast %parallel_loop3A_889 : i32 to index
        %parallel_loop3A_891 = tpu.vector_load %arg12[%parallel_loop3A_890] {strides = array<i32>} : memref<12288xf32, #tpu.memory_space<vmem>>, vector<16xf32>,
        %parallel_loop3A_892 = arith.addf %parallel_loop3A_856, %parallel_loop3A_891 : vector<16xf32>
        %parallel_loop3A_893 = arith.mulf %parallel_loop3A_891, %parallel_loop3A_891 : vector<16xf32>
        %parallel_loop3A_894 = arith.addf %parallel_loop3A_858, %parallel_loop3A_893 : vector<16xf32>
        %parallel_loop3A_895 = arith.addf %parallel_loop3A_865, %parallel_loop3A_874 : vector<16xf32>
        %parallel_loop3A_896 = arith.addf %parallel_loop3A_883, %parallel_loop3A_892 : vector<16xf32>
        %parallel_loop3A_897 = arith.addf %parallel_loop3A_895, %parallel_loop3A_896 : vector<16xf32>
        %parallel_loop3A_898 = arith.index_cast %parallel_loop3A_602 : i32 to index
        %parallel_loop3A_899 = tpu.vector_load %arg14[%parallel_loop3A_898] {strides = array<i32>} : memref<768xf32, #tpu.memory_space<vmem>>, vector<16xf32>,
        tpu.vector_store %arg14[%parallel_loop3A_898], %parallel_loop3A_897 {strides = array<i32>} : memref<768xf32, #tpu.memory_space<vmem>>, vector<16xf32>,
        %parallel_loop3A_900 = arith.addf %parallel_loop3A_867, %parallel_loop3A_876 : vector<16xf32>
        %parallel_loop3A_901 = arith.addf %parallel_loop3A_885, %parallel_loop3A_894 : vector<16xf32>
        %parallel_loop3A_902 = arith.addf %parallel_loop3A_900, %parallel_loop3A_901 : vector<16xf32>
        %parallel_loop3A_903 = arith.index_cast %parallel_loop3A_602 : i32 to index
        %parallel_loop3A_904 = tpu.vector_load %arg15[%parallel_loop3A_903] {strides = array<i32>} : memref<768xf32, #tpu.memory_space<vmem>>, vector<16xf32>,
        tpu.vector_store %arg15[%parallel_loop3A_903], %parallel_loop3A_902 {strides = array<i32>} : memref<768xf32, #tpu.memory_space<vmem>>, vector<16xf32>,
      } {sc.loop_unroll_factor = 2 : i64, sc.parallel_access}
      %add3A_547 = arith.constant 4 : i32
      %add3A_548 = arith.addi %add3A_512, %add3A_547 : i32
      %lt3A_549 = arith.constant 64 : i32
      %lt3A_550 = arith.cmpi slt, %add3A_548, %lt3A_549 : i32
      %convert_element_type3A_551 = arith.extui %lt3A_550 : i1 to i32
      %cond3A_552 = arith.constant 0 : i32
      %cond3A_553 = arith.cmpi ne, %convert_element_type3A_551, %cond3A_552 : i32
      scf.if %cond3A_553 {
        %add3A_554 = arith.constant 4 : i32
        %add3A_555 = arith.addi %add3A_512, %add3A_554 : i32
        %mul3A_556 = arith.constant 12288 : i32
        %mul3A_557 = arith.muli %add3A_555, %mul3A_556 : i32
        %add3A_558 = arith.addi %mul3A_4, %mul3A_557 : i32
        %dma_start3A_559 = tpu.memref_slice %arg2[%add3A_558] : memref<25165824xf32, #tpu.memory_space<hbm>> -> memref<12288xf32, #tpu.memory_space<hbm>>
        %dma_start3A_560 = tpu.memref_slice %arg2[%add3A_558] : memref<25165824xf32, #tpu.memory_space<hbm>> -> memref<12288xf32, #tpu.memory_space<hbm>>
        tpu.enqueue_dma source(%dma_start3A_560 : memref<12288xf32, #tpu.memory_space<hbm>>) target(%arg12 : memref<12288xf32, #tpu.memory_space<vmem>>) target_semaphore(%arg24 : memref<!tpu.dma_semaphore, #tpu.memory_space<semaphore_mem>>)
      } else {
      }
    }
    %scan3A_31 = arith.constant 16 : i32
    %scan3A_32 = arith.constant 0 : i32
    %scan3A_33 = arith.constant 0 : i32
    %scan3A_34 = arith.constant 48 : i32
    %scan3A_35 = arith.addi %scan3A_33, %scan3A_34 : i32
    %scan3A_36 = arith.constant 1 : i32
    scf.for %scan3A_381 = %scan3A_33 to %scan3A_35 step %scan3A_36  : i32 {
      %mul3A_382 = arith.constant 16 : i32
      %mul3A_383 = arith.muli %scan3A_381, %mul3A_382 : i32
      %get3A = arith.index_cast %mul3A_383 : i32 to index
      %get3A_384 = tpu.vector_load %arg14[%get3A] {strides = array<i32>} : memref<768xf32, #tpu.memory_space<vmem>>, vector<16xf32>,
      %mul3A_385 = arith.constant 16 : i32
      %mul3A_386 = arith.muli %scan3A_381, %mul3A_385 : i32
      %get3A_387 = arith.index_cast %mul3A_386 : i32 to index
      %get3A_388 = tpu.vector_load %arg15[%get3A_387] {strides = array<i32>} : memref<768xf32, #tpu.memory_space<vmem>>, vector<16xf32>,
      %mul3A_389 = arith.constant 9.765625E-4 : f32
      %mul3A_390 = vector.broadcast %mul3A_389 : f32 to vector<16xf32>
      %mul3A_391 = arith.mulf %get3A_384, %mul3A_390 : vector<16xf32>
      %mul3A_392 = arith.mulf %get3A_384, %get3A_384 : vector<16xf32>
      %mul3A_393 = arith.constant 9.765625E-4 : f32
      %mul3A_394 = vector.broadcast %mul3A_393 : f32 to vector<16xf32>
      %mul3A_395 = arith.mulf %mul3A_392, %mul3A_394 : vector<16xf32>
      %sub3A_396 = arith.subf %get3A_388, %mul3A_395 : vector<16xf32>
      %mul3A_397 = arith.constant 9.77517105E-4 : f32
      %mul3A_398 = vector.broadcast %mul3A_397 : f32 to vector<16xf32>
      %mul3A_399 = arith.mulf %sub3A_396, %mul3A_398 : vector<16xf32>
      %max3A_400 = arith.constant 1.000000e-30 : f32
      %max3A_401 = vector.broadcast %max3A_400 : f32 to vector<16xf32>
      %max3A_402 = arith.maximumf %mul3A_399, %max3A_401 : vector<16xf32>
      %bitcast_convert_type3A = tpu.bitcast %max3A_402 : vector<16xf32> -> vector<16xi32>
      %shift_right_arithmetic3A = arith.constant 1 : i32
      %shift_right_arithmetic3A_403 = vector.broadcast %shift_right_arithmetic3A : i32 to vector<16xi32>
      %shift_right_arithmetic3A_404 = arith.shrsi %bitcast_convert_type3A, %shift_right_arithmetic3A_403 : vector<16xi32>
      %sub3A_405 = arith.constant 1597463007 : i32
      %sub3A_406 = vector.broadcast %sub3A_405 : i32 to vector<16xi32>
      %sub3A_407 = arith.subi %sub3A_406, %shift_right_arithmetic3A_404 : vector<16xi32>
      %bitcast_convert_type3A_408 = tpu.bitcast %sub3A_407 : vector<16xi32> -> vector<16xf32>
      %mul3A_409 = arith.constant 5.000000e-01 : f32
      %mul3A_410 = vector.broadcast %mul3A_409 : f32 to vector<16xf32>
      %mul3A_411 = arith.mulf %mul3A_410, %max3A_402 : vector<16xf32>
      %mul3A_412 = arith.mulf %mul3A_411, %bitcast_convert_type3A_408 : vector<16xf32>
      %mul3A_413 = arith.mulf %mul3A_412, %bitcast_convert_type3A_408 : vector<16xf32>
      %sub3A_414 = arith.constant 1.500000e+00 : f32
      %sub3A_415 = vector.broadcast %sub3A_414 : f32 to vector<16xf32>
      %sub3A_416 = arith.subf %sub3A_415, %mul3A_413 : vector<16xf32>
      %mul3A_417 = arith.mulf %bitcast_convert_type3A_408, %sub3A_416 : vector<16xf32>
      %mul3A_418 = arith.constant 5.000000e-01 : f32
      %mul3A_419 = vector.broadcast %mul3A_418 : f32 to vector<16xf32>
      %mul3A_420 = arith.mulf %mul3A_419, %max3A_402 : vector<16xf32>
      %mul3A_421 = arith.mulf %mul3A_420, %mul3A_417 : vector<16xf32>
      %mul3A_422 = arith.mulf %mul3A_421, %mul3A_417 : vector<16xf32>
      %sub3A_423 = arith.constant 1.500000e+00 : f32
      %sub3A_424 = vector.broadcast %sub3A_423 : f32 to vector<16xf32>
      %sub3A_425 = arith.subf %sub3A_424, %mul3A_422 : vector<16xf32>
      %mul3A_426 = arith.mulf %mul3A_417, %sub3A_425 : vector<16xf32>
      %mul3A_427 = arith.constant 5.000000e-01 : f32
      %mul3A_428 = vector.broadcast %mul3A_427 : f32 to vector<16xf32>
      %mul3A_429 = arith.mulf %mul3A_428, %max3A_402 : vector<16xf32>
      %mul3A_430 = arith.mulf %mul3A_429, %mul3A_426 : vector<16xf32>
      %mul3A_431 = arith.mulf %mul3A_430, %mul3A_426 : vector<16xf32>
      %sub3A_432 = arith.constant 1.500000e+00 : f32
      %sub3A_433 = vector.broadcast %sub3A_432 : f32 to vector<16xf32>
      %sub3A_434 = arith.subf %sub3A_433, %mul3A_431 : vector<16xf32>
      %mul3A_435 = arith.mulf %mul3A_426, %sub3A_434 : vector<16xf32>
      %mul3A_436 = arith.constant 5.000000e-01 : f32
      %mul3A_437 = vector.broadcast %mul3A_436 : f32 to vector<16xf32>
      %mul3A_438 = arith.mulf %mul3A_437, %max3A_402 : vector<16xf32>
      %mul3A_439 = arith.mulf %mul3A_438, %mul3A_435 : vector<16xf32>
      %mul3A_440 = arith.mulf %mul3A_439, %mul3A_435 : vector<16xf32>
      %sub3A_441 = arith.constant 1.500000e+00 : f32
      %sub3A_442 = vector.broadcast %sub3A_441 : f32 to vector<16xf32>
      %sub3A_443 = arith.subf %sub3A_442, %mul3A_440 : vector<16xf32>
      %mul3A_444 = arith.mulf %mul3A_435, %sub3A_443 : vector<16xf32>
      %mul3A_445 = arith.mulf %max3A_402, %mul3A_444 : vector<16xf32>
      %bitcast_convert_type3A_446 = tpu.bitcast %mul3A_391 : vector<16xf32> -> vector<16xi32>
      %add3A_447 = arith.constant 32767 : i32
      %add3A_448 = vector.broadcast %add3A_447 : i32 to vector<16xi32>
      %add3A_449 = arith.addi %bitcast_convert_type3A_446, %add3A_448 : vector<16xi32>
      %shift_right_logical3A = arith.constant 16 : i32
      %shift_right_logical3A_450 = vector.broadcast %shift_right_logical3A : i32 to vector<16xi32>
      %shift_right_logical3A_451 = arith.shrui %bitcast_convert_type3A_446, %shift_right_logical3A_450 : vector<16xi32>
      %and3A = arith.constant 1 : i32
      %and3A_452 = vector.broadcast %and3A : i32 to vector<16xi32>
      %and3A_453 = arith.andi %shift_right_logical3A_451, %and3A_452 : vector<16xi32>
      %add3A_454 = arith.addi %add3A_449, %and3A_453 : vector<16xi32>
      %and3A_455 = arith.constant -65536 : i32
      %and3A_456 = vector.broadcast %and3A_455 : i32 to vector<16xi32>
      %and3A_457 = arith.andi %add3A_454, %and3A_456 : vector<16xi32>
      %bitcast_convert_type3A_458 = tpu.bitcast %and3A_457 : vector<16xi32> -> vector<16xf32>
      %mul3A_459 = arith.constant 16 : i32
      %mul3A_460 = arith.muli %scan3A_381, %mul3A_459 : i32
      %swap3A_461 = arith.index_cast %mul3A_460 : i32 to index
      %swap3A_462 = tpu.vector_load %arg14[%swap3A_461] {strides = array<i32>} : memref<768xf32, #tpu.memory_space<vmem>>, vector<16xf32>,
      tpu.vector_store %arg14[%swap3A_461], %bitcast_convert_type3A_458 {strides = array<i32>} : memref<768xf32, #tpu.memory_space<vmem>>, vector<16xf32>,
      %bitcast_convert_type3A_463 = tpu.bitcast %mul3A_445 : vector<16xf32> -> vector<16xi32>
      %add3A_464 = arith.constant 32767 : i32
      %add3A_465 = vector.broadcast %add3A_464 : i32 to vector<16xi32>
      %add3A_466 = arith.addi %bitcast_convert_type3A_463, %add3A_465 : vector<16xi32>
      %shift_right_logical3A_467 = arith.constant 16 : i32
      %shift_right_logical3A_468 = vector.broadcast %shift_right_logical3A_467 : i32 to vector<16xi32>
      %shift_right_logical3A_469 = arith.shrui %bitcast_convert_type3A_463, %shift_right_logical3A_468 : vector<16xi32>
      %and3A_470 = arith.constant 1 : i32
      %and3A_471 = vector.broadcast %and3A_470 : i32 to vector<16xi32>
      %and3A_472 = arith.andi %shift_right_logical3A_469, %and3A_471 : vector<16xi32>
      %add3A_473 = arith.addi %add3A_466, %and3A_472 : vector<16xi32>
      %and3A_474 = arith.constant -65536 : i32
      %and3A_475 = vector.broadcast %and3A_474 : i32 to vector<16xi32>
      %and3A_476 = arith.andi %add3A_473, %and3A_475 : vector<16xi32>
      %bitcast_convert_type3A_477 = tpu.bitcast %and3A_476 : vector<16xi32> -> vector<16xf32>
      %mul3A_478 = arith.constant 16 : i32
      %mul3A_479 = arith.muli %scan3A_381, %mul3A_478 : i32
      %swap3A_480 = arith.index_cast %mul3A_479 : i32 to index
      %swap3A_481 = tpu.vector_load %arg15[%swap3A_480] {strides = array<i32>} : memref<768xf32, #tpu.memory_space<vmem>>, vector<16xf32>,
      tpu.vector_store %arg15[%swap3A_480], %bitcast_convert_type3A_477 {strides = array<i32>} : memref<768xf32, #tpu.memory_space<vmem>>, vector<16xf32>,
    }
    %scan3A_37 = arith.constant 48 : i32
    %broadcast_in_dim3A_38 = arith.constant 0.000000e+00 : f32
    %broadcast_in_dim3A_39 = vector.broadcast %broadcast_in_dim3A_38 : f32 to vector<16xf32>
    %parallel_loop3A = arith.constant 0 : i32
    %parallel_loop3A_40 = arith.constant 24 : i32
    %parallel_loop3A_41 = arith.constant 1 : i32
    %parallel_loop3A_42:4 = scf.for %parallel_loop3A_381 = %parallel_loop3A to %parallel_loop3A_40 step %parallel_loop3A_41 iter_args(%parallel_loop3A_382 = %broadcast_in_dim3A_5, %parallel_loop3A_383 = %broadcast_in_dim3A_5, %parallel_loop3A_384 = %broadcast_in_dim3A_5, %parallel_loop3A_385 = %broadcast_in_dim3A_5) -> (vector<16xf32>, vector<16xf32>, vector<16xf32>, vector<16xf32>)  : i32 {
      %parallel_loop3A_386 = arith.constant 0 : i32
      %parallel_loop3A_387 = arith.addi %parallel_loop3A_386, %parallel_loop3A_381 : i32
      %parallel_loop3A_388 = arith.constant 16 : i32
      %parallel_loop3A_389 = arith.muli %parallel_loop3A_387, %parallel_loop3A_388 : i32
      %parallel_loop3A_390 = arith.index_cast %parallel_loop3A_389 : i32 to index
      %parallel_loop3A_391 = tpu.vector_load %arg14[%parallel_loop3A_390] {strides = array<i32>} : memref<768xf32, #tpu.memory_space<vmem>>, vector<16xf32>,
      %parallel_loop3A_392 = arith.index_cast %parallel_loop3A_389 : i32 to index
      %parallel_loop3A_393 = tpu.vector_load %arg15[%parallel_loop3A_392] {strides = array<i32>} : memref<768xf32, #tpu.memory_space<vmem>>, vector<16xf32>,
      %parallel_loop3A_394 = arith.constant 16 : i32
      %parallel_loop3A_395 = arith.muli %parallel_loop3A_381, %parallel_loop3A_394 : i32
      %parallel_loop3A_396 = arith.constant 0 : i32
      %parallel_loop3A_397 = arith.addi %parallel_loop3A_395, %parallel_loop3A_396 : i32
      %parallel_loop3A_398 = arith.constant 16 : i32
      %parallel_loop3A_399 = arith.muli %parallel_loop3A_397, %parallel_loop3A_398 : i32
      %parallel_loop3A_400 = arith.index_cast %parallel_loop3A_399 : i32 to index
      %parallel_loop3A_401 = tpu.vector_load %arg13[%parallel_loop3A_400] {strides = array<i32>} : memref<12288xf32, #tpu.memory_space<vmem>>, vector<16xf32>,
      %parallel_loop3A_402 = arith.constant 384 : i32
      %parallel_loop3A_403 = arith.addi %parallel_loop3A_402, %parallel_loop3A_397 : i32
      %parallel_loop3A_404 = arith.constant 16 : i32
      %parallel_loop3A_405 = arith.muli %parallel_loop3A_403, %parallel_loop3A_404 : i32
      %parallel_loop3A_406 = arith.index_cast %parallel_loop3A_405 : i32 to index
      %parallel_loop3A_407 = tpu.vector_load %arg13[%parallel_loop3A_406] {strides = array<i32>} : memref<12288xf32, #tpu.memory_space<vmem>>, vector<16xf32>,
      %parallel_loop3A_408 = vector.extract_strided_slice %parallel_loop3A_391 {offsets = [0], sizes = [1], strides = [1]} : vector<16xf32> to vector<1xf32>
      %parallel_loop3A_409 = vector.extract %parallel_loop3A_408[0] : f32 from vector<1xf32>
      %parallel_loop3A_410 = vector.broadcast %parallel_loop3A_409 : f32 to vector<16xf32>
      %parallel_loop3A_411 = arith.mulf %parallel_loop3A_410, %parallel_loop3A_401 : vector<16xf32>
      %parallel_loop3A_412 = arith.addf %parallel_loop3A_382, %parallel_loop3A_411 : vector<16xf32>
      %parallel_loop3A_413 = vector.extract_strided_slice %parallel_loop3A_393 {offsets = [0], sizes = [1], strides = [1]} : vector<16xf32> to vector<1xf32>
      %parallel_loop3A_414 = vector.extract %parallel_loop3A_413[0] : f32 from vector<1xf32>
      %parallel_loop3A_415 = vector.broadcast %parallel_loop3A_414 : f32 to vector<16xf32>
      %parallel_loop3A_416 = arith.mulf %parallel_loop3A_415, %parallel_loop3A_407 : vector<16xf32>
      %parallel_loop3A_417 = arith.addf %parallel_loop3A_412, %parallel_loop3A_416 : vector<16xf32>
      %parallel_loop3A_418 = arith.constant 16 : i32
      %parallel_loop3A_419 = arith.muli %parallel_loop3A_381, %parallel_loop3A_418 : i32
      %parallel_loop3A_420 = arith.constant 1 : i32
      %parallel_loop3A_421 = arith.addi %parallel_loop3A_419, %parallel_loop3A_420 : i32
      %parallel_loop3A_422 = arith.constant 16 : i32
      %parallel_loop3A_423 = arith.muli %parallel_loop3A_421, %parallel_loop3A_422 : i32
      %parallel_loop3A_424 = arith.index_cast %parallel_loop3A_423 : i32 to index
      %parallel_loop3A_425 = tpu.vector_load %arg13[%parallel_loop3A_424] {strides = array<i32>} : memref<12288xf32, #tpu.memory_space<vmem>>, vector<16xf32>,
      %parallel_loop3A_426 = arith.constant 384 : i32
      %parallel_loop3A_427 = arith.addi %parallel_loop3A_426, %parallel_loop3A_421 : i32
      %parallel_loop3A_428 = arith.constant 16 : i32
      %parallel_loop3A_429 = arith.muli %parallel_loop3A_427, %parallel_loop3A_428 : i32
      %parallel_loop3A_430 = arith.index_cast %parallel_loop3A_429 : i32 to index
      %parallel_loop3A_431 = tpu.vector_load %arg13[%parallel_loop3A_430] {strides = array<i32>} : memref<12288xf32, #tpu.memory_space<vmem>>, vector<16xf32>,
      %parallel_loop3A_432 = vector.extract_strided_slice %parallel_loop3A_391 {offsets = [1], sizes = [1], strides = [1]} : vector<16xf32> to vector<1xf32>
      %parallel_loop3A_433 = vector.extract %parallel_loop3A_432[0] : f32 from vector<1xf32>
      %parallel_loop3A_434 = vector.broadcast %parallel_loop3A_433 : f32 to vector<16xf32>
      %parallel_loop3A_435 = arith.mulf %parallel_loop3A_434, %parallel_loop3A_425 : vector<16xf32>
      %parallel_loop3A_436 = arith.addf %parallel_loop3A_383, %parallel_loop3A_435 : vector<16xf32>
      %parallel_loop3A_437 = vector.extract_strided_slice %parallel_loop3A_393 {offsets = [1], sizes = [1], strides = [1]} : vector<16xf32> to vector<1xf32>
      %parallel_loop3A_438 = vector.extract %parallel_loop3A_437[0] : f32 from vector<1xf32>
      %parallel_loop3A_439 = vector.broadcast %parallel_loop3A_438 : f32 to vector<16xf32>
      %parallel_loop3A_440 = arith.mulf %parallel_loop3A_439, %parallel_loop3A_431 : vector<16xf32>
      %parallel_loop3A_441 = arith.addf %parallel_loop3A_436, %parallel_loop3A_440 : vector<16xf32>
      %parallel_loop3A_442 = arith.constant 16 : i32
      %parallel_loop3A_443 = arith.muli %parallel_loop3A_381, %parallel_loop3A_442 : i32
      %parallel_loop3A_444 = arith.constant 2 : i32
      %parallel_loop3A_445 = arith.addi %parallel_loop3A_443, %parallel_loop3A_444 : i32
      %parallel_loop3A_446 = arith.constant 16 : i32
      %parallel_loop3A_447 = arith.muli %parallel_loop3A_445, %parallel_loop3A_446 : i32
      %parallel_loop3A_448 = arith.index_cast %parallel_loop3A_447 : i32 to index
      %parallel_loop3A_449 = tpu.vector_load %arg13[%parallel_loop3A_448] {strides = array<i32>} : memref<12288xf32, #tpu.memory_space<vmem>>, vector<16xf32>,
      %parallel_loop3A_450 = arith.constant 384 : i32
      %parallel_loop3A_451 = arith.addi %parallel_loop3A_450, %parallel_loop3A_445 : i32
      %parallel_loop3A_452 = arith.constant 16 : i32
      %parallel_loop3A_453 = arith.muli %parallel_loop3A_451, %parallel_loop3A_452 : i32
      %parallel_loop3A_454 = arith.index_cast %parallel_loop3A_453 : i32 to index
      %parallel_loop3A_455 = tpu.vector_load %arg13[%parallel_loop3A_454] {strides = array<i32>} : memref<12288xf32, #tpu.memory_space<vmem>>, vector<16xf32>,
      %parallel_loop3A_456 = vector.extract_strided_slice %parallel_loop3A_391 {offsets = [2], sizes = [1], strides = [1]} : vector<16xf32> to vector<1xf32>
      %parallel_loop3A_457 = vector.extract %parallel_loop3A_456[0] : f32 from vector<1xf32>
      %parallel_loop3A_458 = vector.broadcast %parallel_loop3A_457 : f32 to vector<16xf32>
      %parallel_loop3A_459 = arith.mulf %parallel_loop3A_458, %parallel_loop3A_449 : vector<16xf32>
      %parallel_loop3A_460 = arith.addf %parallel_loop3A_384, %parallel_loop3A_459 : vector<16xf32>
      %parallel_loop3A_461 = vector.extract_strided_slice %parallel_loop3A_393 {offsets = [2], sizes = [1], strides = [1]} : vector<16xf32> to vector<1xf32>
      %parallel_loop3A_462 = vector.extract %parallel_loop3A_461[0] : f32 from vector<1xf32>
      %parallel_loop3A_463 = vector.broadcast %parallel_loop3A_462 : f32 to vector<16xf32>
      %parallel_loop3A_464 = arith.mulf %parallel_loop3A_463, %parallel_loop3A_455 : vector<16xf32>
      %parallel_loop3A_465 = arith.addf %parallel_loop3A_460, %parallel_loop3A_464 : vector<16xf32>
      %parallel_loop3A_466 = arith.constant 16 : i32
      %parallel_loop3A_467 = arith.muli %parallel_loop3A_381, %parallel_loop3A_466 : i32
      %parallel_loop3A_468 = arith.constant 3 : i32
      %parallel_loop3A_469 = arith.addi %parallel_loop3A_467, %parallel_loop3A_468 : i32
      %parallel_loop3A_470 = arith.constant 16 : i32
      %parallel_loop3A_471 = arith.muli %parallel_loop3A_469, %parallel_loop3A_470 : i32
      %parallel_loop3A_472 = arith.index_cast %parallel_loop3A_471 : i32 to index
      %parallel_loop3A_473 = tpu.vector_load %arg13[%parallel_loop3A_472] {strides = array<i32>} : memref<12288xf32, #tpu.memory_space<vmem>>, vector<16xf32>,
      %parallel_loop3A_474 = arith.constant 384 : i32
      %parallel_loop3A_475 = arith.addi %parallel_loop3A_474, %parallel_loop3A_469 : i32
      %parallel_loop3A_476 = arith.constant 16 : i32
      %parallel_loop3A_477 = arith.muli %parallel_loop3A_475, %parallel_loop3A_476 : i32
      %parallel_loop3A_478 = arith.index_cast %parallel_loop3A_477 : i32 to index
      %parallel_loop3A_479 = tpu.vector_load %arg13[%parallel_loop3A_478] {strides = array<i32>} : memref<12288xf32, #tpu.memory_space<vmem>>, vector<16xf32>,
      %parallel_loop3A_480 = vector.extract_strided_slice %parallel_loop3A_391 {offsets = [3], sizes = [1], strides = [1]} : vector<16xf32> to vector<1xf32>
      %parallel_loop3A_481 = vector.extract %parallel_loop3A_480[0] : f32 from vector<1xf32>
      %parallel_loop3A_482 = vector.broadcast %parallel_loop3A_481 : f32 to vector<16xf32>
      %parallel_loop3A_483 = arith.mulf %parallel_loop3A_482, %parallel_loop3A_473 : vector<16xf32>
      %parallel_loop3A_484 = arith.addf %parallel_loop3A_385, %parallel_loop3A_483 : vector<16xf32>
      %parallel_loop3A_485 = vector.extract_strided_slice %parallel_loop3A_393 {offsets = [3], sizes = [1], strides = [1]} : vector<16xf32> to vector<1xf32>
      %parallel_loop3A_486 = vector.extract %parallel_loop3A_485[0] : f32 from vector<1xf32>
      %parallel_loop3A_487 = vector.broadcast %parallel_loop3A_486 : f32 to vector<16xf32>
      %parallel_loop3A_488 = arith.mulf %parallel_loop3A_487, %parallel_loop3A_479 : vector<16xf32>
      %parallel_loop3A_489 = arith.addf %parallel_loop3A_484, %parallel_loop3A_488 : vector<16xf32>
      %parallel_loop3A_490 = arith.constant 16 : i32
      %parallel_loop3A_491 = arith.muli %parallel_loop3A_381, %parallel_loop3A_490 : i32
      %parallel_loop3A_492 = arith.constant 4 : i32
      %parallel_loop3A_493 = arith.addi %parallel_loop3A_491, %parallel_loop3A_492 : i32
      %parallel_loop3A_494 = arith.constant 16 : i32
      %parallel_loop3A_495 = arith.muli %parallel_loop3A_493, %parallel_loop3A_494 : i32
      %parallel_loop3A_496 = arith.index_cast %parallel_loop3A_495 : i32 to index
      %parallel_loop3A_497 = tpu.vector_load %arg13[%parallel_loop3A_496] {strides = array<i32>} : memref<12288xf32, #tpu.memory_space<vmem>>, vector<16xf32>,
      %parallel_loop3A_498 = arith.constant 384 : i32
      %parallel_loop3A_499 = arith.addi %parallel_loop3A_498, %parallel_loop3A_493 : i32
      %parallel_loop3A_500 = arith.constant 16 : i32
      %parallel_loop3A_501 = arith.muli %parallel_loop3A_499, %parallel_loop3A_500 : i32
      %parallel_loop3A_502 = arith.index_cast %parallel_loop3A_501 : i32 to index
      %parallel_loop3A_503 = tpu.vector_load %arg13[%parallel_loop3A_502] {strides = array<i32>} : memref<12288xf32, #tpu.memory_space<vmem>>, vector<16xf32>,
      %parallel_loop3A_504 = vector.extract_strided_slice %parallel_loop3A_391 {offsets = [4], sizes = [1], strides = [1]} : vector<16xf32> to vector<1xf32>
      %parallel_loop3A_505 = vector.extract %parallel_loop3A_504[0] : f32 from vector<1xf32>
      %parallel_loop3A_506 = vector.broadcast %parallel_loop3A_505 : f32 to vector<16xf32>
      %parallel_loop3A_507 = arith.mulf %parallel_loop3A_506, %parallel_loop3A_497 : vector<16xf32>
      %parallel_loop3A_508 = arith.addf %parallel_loop3A_417, %parallel_loop3A_507 : vector<16xf32>
      %parallel_loop3A_509 = vector.extract_strided_slice %parallel_loop3A_393 {offsets = [4], sizes = [1], strides = [1]} : vector<16xf32> to vector<1xf32>
      %parallel_loop3A_510 = vector.extract %parallel_loop3A_509[0] : f32 from vector<1xf32>
      %parallel_loop3A_511 = vector.broadcast %parallel_loop3A_510 : f32 to vector<16xf32>
      %parallel_loop3A_512 = arith.mulf %parallel_loop3A_511, %parallel_loop3A_503 : vector<16xf32>
      %parallel_loop3A_513 = arith.addf %parallel_loop3A_508, %parallel_loop3A_512 : vector<16xf32>
      %parallel_loop3A_514 = arith.constant 16 : i32
      %parallel_loop3A_515 = arith.muli %parallel_loop3A_381, %parallel_loop3A_514 : i32
      %parallel_loop3A_516 = arith.constant 5 : i32
      %parallel_loop3A_517 = arith.addi %parallel_loop3A_515, %parallel_loop3A_516 : i32
      %parallel_loop3A_518 = arith.constant 16 : i32
      %parallel_loop3A_519 = arith.muli %parallel_loop3A_517, %parallel_loop3A_518 : i32
      %parallel_loop3A_520 = arith.index_cast %parallel_loop3A_519 : i32 to index
      %parallel_loop3A_521 = tpu.vector_load %arg13[%parallel_loop3A_520] {strides = array<i32>} : memref<12288xf32, #tpu.memory_space<vmem>>, vector<16xf32>,
      %parallel_loop3A_522 = arith.constant 384 : i32
      %parallel_loop3A_523 = arith.addi %parallel_loop3A_522, %parallel_loop3A_517 : i32
      %parallel_loop3A_524 = arith.constant 16 : i32
      %parallel_loop3A_525 = arith.muli %parallel_loop3A_523, %parallel_loop3A_524 : i32
      %parallel_loop3A_526 = arith.index_cast %parallel_loop3A_525 : i32 to index
      %parallel_loop3A_527 = tpu.vector_load %arg13[%parallel_loop3A_526] {strides = array<i32>} : memref<12288xf32, #tpu.memory_space<vmem>>, vector<16xf32>,
      %parallel_loop3A_528 = vector.extract_strided_slice %parallel_loop3A_391 {offsets = [5], sizes = [1], strides = [1]} : vector<16xf32> to vector<1xf32>
      %parallel_loop3A_529 = vector.extract %parallel_loop3A_528[0] : f32 from vector<1xf32>
      %parallel_loop3A_530 = vector.broadcast %parallel_loop3A_529 : f32 to vector<16xf32>
      %parallel_loop3A_531 = arith.mulf %parallel_loop3A_530, %parallel_loop3A_521 : vector<16xf32>
      %parallel_loop3A_532 = arith.addf %parallel_loop3A_441, %parallel_loop3A_531 : vector<16xf32>
      %parallel_loop3A_533 = vector.extract_strided_slice %parallel_loop3A_393 {offsets = [5], sizes = [1], strides = [1]} : vector<16xf32> to vector<1xf32>
      %parallel_loop3A_534 = vector.extract %parallel_loop3A_533[0] : f32 from vector<1xf32>
      %parallel_loop3A_535 = vector.broadcast %parallel_loop3A_534 : f32 to vector<16xf32>
      %parallel_loop3A_536 = arith.mulf %parallel_loop3A_535, %parallel_loop3A_527 : vector<16xf32>
      %parallel_loop3A_537 = arith.addf %parallel_loop3A_532, %parallel_loop3A_536 : vector<16xf32>
      %parallel_loop3A_538 = arith.constant 16 : i32
      %parallel_loop3A_539 = arith.muli %parallel_loop3A_381, %parallel_loop3A_538 : i32
      %parallel_loop3A_540 = arith.constant 6 : i32
      %parallel_loop3A_541 = arith.addi %parallel_loop3A_539, %parallel_loop3A_540 : i32
      %parallel_loop3A_542 = arith.constant 16 : i32
      %parallel_loop3A_543 = arith.muli %parallel_loop3A_541, %parallel_loop3A_542 : i32
      %parallel_loop3A_544 = arith.index_cast %parallel_loop3A_543 : i32 to index
      %parallel_loop3A_545 = tpu.vector_load %arg13[%parallel_loop3A_544] {strides = array<i32>} : memref<12288xf32, #tpu.memory_space<vmem>>, vector<16xf32>,
      %parallel_loop3A_546 = arith.constant 384 : i32
      %parallel_loop3A_547 = arith.addi %parallel_loop3A_546, %parallel_loop3A_541 : i32
      %parallel_loop3A_548 = arith.constant 16 : i32
      %parallel_loop3A_549 = arith.muli %parallel_loop3A_547, %parallel_loop3A_548 : i32
      %parallel_loop3A_550 = arith.index_cast %parallel_loop3A_549 : i32 to index
      %parallel_loop3A_551 = tpu.vector_load %arg13[%parallel_loop3A_550] {strides = array<i32>} : memref<12288xf32, #tpu.memory_space<vmem>>, vector<16xf32>,
      %parallel_loop3A_552 = vector.extract_strided_slice %parallel_loop3A_391 {offsets = [6], sizes = [1], strides = [1]} : vector<16xf32> to vector<1xf32>
      %parallel_loop3A_553 = vector.extract %parallel_loop3A_552[0] : f32 from vector<1xf32>
      %parallel_loop3A_554 = vector.broadcast %parallel_loop3A_553 : f32 to vector<16xf32>
      %parallel_loop3A_555 = arith.mulf %parallel_loop3A_554, %parallel_loop3A_545 : vector<16xf32>
      %parallel_loop3A_556 = arith.addf %parallel_loop3A_465, %parallel_loop3A_555 : vector<16xf32>
      %parallel_loop3A_557 = vector.extract_strided_slice %parallel_loop3A_393 {offsets = [6], sizes = [1], strides = [1]} : vector<16xf32> to vector<1xf32>
      %parallel_loop3A_558 = vector.extract %parallel_loop3A_557[0] : f32 from vector<1xf32>
      %parallel_loop3A_559 = vector.broadcast %parallel_loop3A_558 : f32 to vector<16xf32>
      %parallel_loop3A_560 = arith.mulf %parallel_loop3A_559, %parallel_loop3A_551 : vector<16xf32>
      %parallel_loop3A_561 = arith.addf %parallel_loop3A_556, %parallel_loop3A_560 : vector<16xf32>
      %parallel_loop3A_562 = arith.constant 16 : i32
      %parallel_loop3A_563 = arith.muli %parallel_loop3A_381, %parallel_loop3A_562 : i32
      %parallel_loop3A_564 = arith.constant 7 : i32
      %parallel_loop3A_565 = arith.addi %parallel_loop3A_563, %parallel_loop3A_564 : i32
      %parallel_loop3A_566 = arith.constant 16 : i32
      %parallel_loop3A_567 = arith.muli %parallel_loop3A_565, %parallel_loop3A_566 : i32
      %parallel_loop3A_568 = arith.index_cast %parallel_loop3A_567 : i32 to index
      %parallel_loop3A_569 = tpu.vector_load %arg13[%parallel_loop3A_568] {strides = array<i32>} : memref<12288xf32, #tpu.memory_space<vmem>>, vector<16xf32>,
      %parallel_loop3A_570 = arith.constant 384 : i32
      %parallel_loop3A_571 = arith.addi %parallel_loop3A_570, %parallel_loop3A_565 : i32
      %parallel_loop3A_572 = arith.constant 16 : i32
      %parallel_loop3A_573 = arith.muli %parallel_loop3A_571, %parallel_loop3A_572 : i32
      %parallel_loop3A_574 = arith.index_cast %parallel_loop3A_573 : i32 to index
      %parallel_loop3A_575 = tpu.vector_load %arg13[%parallel_loop3A_574] {strides = array<i32>} : memref<12288xf32, #tpu.memory_space<vmem>>, vector<16xf32>,
      %parallel_loop3A_576 = vector.extract_strided_slice %parallel_loop3A_391 {offsets = [7], sizes = [1], strides = [1]} : vector<16xf32> to vector<1xf32>
      %parallel_loop3A_577 = vector.extract %parallel_loop3A_576[0] : f32 from vector<1xf32>
      %parallel_loop3A_578 = vector.broadcast %parallel_loop3A_577 : f32 to vector<16xf32>
      %parallel_loop3A_579 = arith.mulf %parallel_loop3A_578, %parallel_loop3A_569 : vector<16xf32>
      %parallel_loop3A_580 = arith.addf %parallel_loop3A_489, %parallel_loop3A_579 : vector<16xf32>
      %parallel_loop3A_581 = vector.extract_strided_slice %parallel_loop3A_393 {offsets = [7], sizes = [1], strides = [1]} : vector<16xf32> to vector<1xf32>
      %parallel_loop3A_582 = vector.extract %parallel_loop3A_581[0] : f32 from vector<1xf32>
      %parallel_loop3A_583 = vector.broadcast %parallel_loop3A_582 : f32 to vector<16xf32>
      %parallel_loop3A_584 = arith.mulf %parallel_loop3A_583, %parallel_loop3A_575 : vector<16xf32>
      %parallel_loop3A_585 = arith.addf %parallel_loop3A_580, %parallel_loop3A_584 : vector<16xf32>
      %parallel_loop3A_586 = arith.constant 16 : i32
      %parallel_loop3A_587 = arith.muli %parallel_loop3A_381, %parallel_loop3A_586 : i32
      %parallel_loop3A_588 = arith.constant 8 : i32
      %parallel_loop3A_589 = arith.addi %parallel_loop3A_587, %parallel_loop3A_588 : i32
      %parallel_loop3A_590 = arith.constant 16 : i32
      %parallel_loop3A_591 = arith.muli %parallel_loop3A_589, %parallel_loop3A_590 : i32
      %parallel_loop3A_592 = arith.index_cast %parallel_loop3A_591 : i32 to index
      %parallel_loop3A_593 = tpu.vector_load %arg13[%parallel_loop3A_592] {strides = array<i32>} : memref<12288xf32, #tpu.memory_space<vmem>>, vector<16xf32>,
      %parallel_loop3A_594 = arith.constant 384 : i32
      %parallel_loop3A_595 = arith.addi %parallel_loop3A_594, %parallel_loop3A_589 : i32
      %parallel_loop3A_596 = arith.constant 16 : i32
      %parallel_loop3A_597 = arith.muli %parallel_loop3A_595, %parallel_loop3A_596 : i32
      %parallel_loop3A_598 = arith.index_cast %parallel_loop3A_597 : i32 to index
      %parallel_loop3A_599 = tpu.vector_load %arg13[%parallel_loop3A_598] {strides = array<i32>} : memref<12288xf32, #tpu.memory_space<vmem>>, vector<16xf32>,
      %parallel_loop3A_600 = vector.extract_strided_slice %parallel_loop3A_391 {offsets = [8], sizes = [1], strides = [1]} : vector<16xf32> to vector<1xf32>
      %parallel_loop3A_601 = vector.extract %parallel_loop3A_600[0] : f32 from vector<1xf32>
      %parallel_loop3A_602 = vector.broadcast %parallel_loop3A_601 : f32 to vector<16xf32>
      %parallel_loop3A_603 = arith.mulf %parallel_loop3A_602, %parallel_loop3A_593 : vector<16xf32>
      %parallel_loop3A_604 = arith.addf %parallel_loop3A_513, %parallel_loop3A_603 : vector<16xf32>
      %parallel_loop3A_605 = vector.extract_strided_slice %parallel_loop3A_393 {offsets = [8], sizes = [1], strides = [1]} : vector<16xf32> to vector<1xf32>
      %parallel_loop3A_606 = vector.extract %parallel_loop3A_605[0] : f32 from vector<1xf32>
      %parallel_loop3A_607 = vector.broadcast %parallel_loop3A_606 : f32 to vector<16xf32>
      %parallel_loop3A_608 = arith.mulf %parallel_loop3A_607, %parallel_loop3A_599 : vector<16xf32>
      %parallel_loop3A_609 = arith.addf %parallel_loop3A_604, %parallel_loop3A_608 : vector<16xf32>
      %parallel_loop3A_610 = arith.constant 16 : i32
      %parallel_loop3A_611 = arith.muli %parallel_loop3A_381, %parallel_loop3A_610 : i32
      %parallel_loop3A_612 = arith.constant 9 : i32
      %parallel_loop3A_613 = arith.addi %parallel_loop3A_611, %parallel_loop3A_612 : i32
      %parallel_loop3A_614 = arith.constant 16 : i32
      %parallel_loop3A_615 = arith.muli %parallel_loop3A_613, %parallel_loop3A_614 : i32
      %parallel_loop3A_616 = arith.index_cast %parallel_loop3A_615 : i32 to index
      %parallel_loop3A_617 = tpu.vector_load %arg13[%parallel_loop3A_616] {strides = array<i32>} : memref<12288xf32, #tpu.memory_space<vmem>>, vector<16xf32>,
      %parallel_loop3A_618 = arith.constant 384 : i32
      %parallel_loop3A_619 = arith.addi %parallel_loop3A_618, %parallel_loop3A_613 : i32
      %parallel_loop3A_620 = arith.constant 16 : i32
      %parallel_loop3A_621 = arith.muli %parallel_loop3A_619, %parallel_loop3A_620 : i32
      %parallel_loop3A_622 = arith.index_cast %parallel_loop3A_621 : i32 to index
      %parallel_loop3A_623 = tpu.vector_load %arg13[%parallel_loop3A_622] {strides = array<i32>} : memref<12288xf32, #tpu.memory_space<vmem>>, vector<16xf32>,
      %parallel_loop3A_624 = vector.extract_strided_slice %parallel_loop3A_391 {offsets = [9], sizes = [1], strides = [1]} : vector<16xf32> to vector<1xf32>
      %parallel_loop3A_625 = vector.extract %parallel_loop3A_624[0] : f32 from vector<1xf32>
      %parallel_loop3A_626 = vector.broadcast %parallel_loop3A_625 : f32 to vector<16xf32>
      %parallel_loop3A_627 = arith.mulf %parallel_loop3A_626, %parallel_loop3A_617 : vector<16xf32>
      %parallel_loop3A_628 = arith.addf %parallel_loop3A_537, %parallel_loop3A_627 : vector<16xf32>
      %parallel_loop3A_629 = vector.extract_strided_slice %parallel_loop3A_393 {offsets = [9], sizes = [1], strides = [1]} : vector<16xf32> to vector<1xf32>
      %parallel_loop3A_630 = vector.extract %parallel_loop3A_629[0] : f32 from vector<1xf32>
      %parallel_loop3A_631 = vector.broadcast %parallel_loop3A_630 : f32 to vector<16xf32>
      %parallel_loop3A_632 = arith.mulf %parallel_loop3A_631, %parallel_loop3A_623 : vector<16xf32>
      %parallel_loop3A_633 = arith.addf %parallel_loop3A_628, %parallel_loop3A_632 : vector<16xf32>
      %parallel_loop3A_634 = arith.constant 16 : i32
      %parallel_loop3A_635 = arith.muli %parallel_loop3A_381, %parallel_loop3A_634 : i32
      %parallel_loop3A_636 = arith.constant 10 : i32
      %parallel_loop3A_637 = arith.addi %parallel_loop3A_635, %parallel_loop3A_636 : i32
      %parallel_loop3A_638 = arith.constant 16 : i32
      %parallel_loop3A_639 = arith.muli %parallel_loop3A_637, %parallel_loop3A_638 : i32
      %parallel_loop3A_640 = arith.index_cast %parallel_loop3A_639 : i32 to index
      %parallel_loop3A_641 = tpu.vector_load %arg13[%parallel_loop3A_640] {strides = array<i32>} : memref<12288xf32, #tpu.memory_space<vmem>>, vector<16xf32>,
      %parallel_loop3A_642 = arith.constant 384 : i32
      %parallel_loop3A_643 = arith.addi %parallel_loop3A_642, %parallel_loop3A_637 : i32
      %parallel_loop3A_644 = arith.constant 16 : i32
      %parallel_loop3A_645 = arith.muli %parallel_loop3A_643, %parallel_loop3A_644 : i32
      %parallel_loop3A_646 = arith.index_cast %parallel_loop3A_645 : i32 to index
      %parallel_loop3A_647 = tpu.vector_load %arg13[%parallel_loop3A_646] {strides = array<i32>} : memref<12288xf32, #tpu.memory_space<vmem>>, vector<16xf32>,
      %parallel_loop3A_648 = vector.extract_strided_slice %parallel_loop3A_391 {offsets = [10], sizes = [1], strides = [1]} : vector<16xf32> to vector<1xf32>
      %parallel_loop3A_649 = vector.extract %parallel_loop3A_648[0] : f32 from vector<1xf32>
      %parallel_loop3A_650 = vector.broadcast %parallel_loop3A_649 : f32 to vector<16xf32>
      %parallel_loop3A_651 = arith.mulf %parallel_loop3A_650, %parallel_loop3A_641 : vector<16xf32>
      %parallel_loop3A_652 = arith.addf %parallel_loop3A_561, %parallel_loop3A_651 : vector<16xf32>
      %parallel_loop3A_653 = vector.extract_strided_slice %parallel_loop3A_393 {offsets = [10], sizes = [1], strides = [1]} : vector<16xf32> to vector<1xf32>
      %parallel_loop3A_654 = vector.extract %parallel_loop3A_653[0] : f32 from vector<1xf32>
      %parallel_loop3A_655 = vector.broadcast %parallel_loop3A_654 : f32 to vector<16xf32>
      %parallel_loop3A_656 = arith.mulf %parallel_loop3A_655, %parallel_loop3A_647 : vector<16xf32>
      %parallel_loop3A_657 = arith.addf %parallel_loop3A_652, %parallel_loop3A_656 : vector<16xf32>
      %parallel_loop3A_658 = arith.constant 16 : i32
      %parallel_loop3A_659 = arith.muli %parallel_loop3A_381, %parallel_loop3A_658 : i32
      %parallel_loop3A_660 = arith.constant 11 : i32
      %parallel_loop3A_661 = arith.addi %parallel_loop3A_659, %parallel_loop3A_660 : i32
      %parallel_loop3A_662 = arith.constant 16 : i32
      %parallel_loop3A_663 = arith.muli %parallel_loop3A_661, %parallel_loop3A_662 : i32
      %parallel_loop3A_664 = arith.index_cast %parallel_loop3A_663 : i32 to index
      %parallel_loop3A_665 = tpu.vector_load %arg13[%parallel_loop3A_664] {strides = array<i32>} : memref<12288xf32, #tpu.memory_space<vmem>>, vector<16xf32>,
      %parallel_loop3A_666 = arith.constant 384 : i32
      %parallel_loop3A_667 = arith.addi %parallel_loop3A_666, %parallel_loop3A_661 : i32
      %parallel_loop3A_668 = arith.constant 16 : i32
      %parallel_loop3A_669 = arith.muli %parallel_loop3A_667, %parallel_loop3A_668 : i32
      %parallel_loop3A_670 = arith.index_cast %parallel_loop3A_669 : i32 to index
      %parallel_loop3A_671 = tpu.vector_load %arg13[%parallel_loop3A_670] {strides = array<i32>} : memref<12288xf32, #tpu.memory_space<vmem>>, vector<16xf32>,
      %parallel_loop3A_672 = vector.extract_strided_slice %parallel_loop3A_391 {offsets = [11], sizes = [1], strides = [1]} : vector<16xf32> to vector<1xf32>
      %parallel_loop3A_673 = vector.extract %parallel_loop3A_672[0] : f32 from vector<1xf32>
      %parallel_loop3A_674 = vector.broadcast %parallel_loop3A_673 : f32 to vector<16xf32>
      %parallel_loop3A_675 = arith.mulf %parallel_loop3A_674, %parallel_loop3A_665 : vector<16xf32>
      %parallel_loop3A_676 = arith.addf %parallel_loop3A_585, %parallel_loop3A_675 : vector<16xf32>
      %parallel_loop3A_677 = vector.extract_strided_slice %parallel_loop3A_393 {offsets = [11], sizes = [1], strides = [1]} : vector<16xf32> to vector<1xf32>
      %parallel_loop3A_678 = vector.extract %parallel_loop3A_677[0] : f32 from vector<1xf32>
      %parallel_loop3A_679 = vector.broadcast %parallel_loop3A_678 : f32 to vector<16xf32>
      %parallel_loop3A_680 = arith.mulf %parallel_loop3A_679, %parallel_loop3A_671 : vector<16xf32>
      %parallel_loop3A_681 = arith.addf %parallel_loop3A_676, %parallel_loop3A_680 : vector<16xf32>
      %parallel_loop3A_682 = arith.constant 16 : i32
      %parallel_loop3A_683 = arith.muli %parallel_loop3A_381, %parallel_loop3A_682 : i32
      %parallel_loop3A_684 = arith.constant 12 : i32
      %parallel_loop3A_685 = arith.addi %parallel_loop3A_683, %parallel_loop3A_684 : i32
      %parallel_loop3A_686 = arith.constant 16 : i32
      %parallel_loop3A_687 = arith.muli %parallel_loop3A_685, %parallel_loop3A_686 : i32
      %parallel_loop3A_688 = arith.index_cast %parallel_loop3A_687 : i32 to index
      %parallel_loop3A_689 = tpu.vector_load %arg13[%parallel_loop3A_688] {strides = array<i32>} : memref<12288xf32, #tpu.memory_space<vmem>>, vector<16xf32>,
      %parallel_loop3A_690 = arith.constant 384 : i32
      %parallel_loop3A_691 = arith.addi %parallel_loop3A_690, %parallel_loop3A_685 : i32
      %parallel_loop3A_692 = arith.constant 16 : i32
      %parallel_loop3A_693 = arith.muli %parallel_loop3A_691, %parallel_loop3A_692 : i32
      %parallel_loop3A_694 = arith.index_cast %parallel_loop3A_693 : i32 to index
      %parallel_loop3A_695 = tpu.vector_load %arg13[%parallel_loop3A_694] {strides = array<i32>} : memref<12288xf32, #tpu.memory_space<vmem>>, vector<16xf32>,
      %parallel_loop3A_696 = vector.extract_strided_slice %parallel_loop3A_391 {offsets = [12], sizes = [1], strides = [1]} : vector<16xf32> to vector<1xf32>
      %parallel_loop3A_697 = vector.extract %parallel_loop3A_696[0] : f32 from vector<1xf32>
      %parallel_loop3A_698 = vector.broadcast %parallel_loop3A_697 : f32 to vector<16xf32>
      %parallel_loop3A_699 = arith.mulf %parallel_loop3A_698, %parallel_loop3A_689 : vector<16xf32>
      %parallel_loop3A_700 = arith.addf %parallel_loop3A_609, %parallel_loop3A_699 : vector<16xf32>
      %parallel_loop3A_701 = vector.extract_strided_slice %parallel_loop3A_393 {offsets = [12], sizes = [1], strides = [1]} : vector<16xf32> to vector<1xf32>
      %parallel_loop3A_702 = vector.extract %parallel_loop3A_701[0] : f32 from vector<1xf32>
      %parallel_loop3A_703 = vector.broadcast %parallel_loop3A_702 : f32 to vector<16xf32>
      %parallel_loop3A_704 = arith.mulf %parallel_loop3A_703, %parallel_loop3A_695 : vector<16xf32>
      %parallel_loop3A_705 = arith.addf %parallel_loop3A_700, %parallel_loop3A_704 : vector<16xf32>
      %parallel_loop3A_706 = arith.constant 16 : i32
      %parallel_loop3A_707 = arith.muli %parallel_loop3A_381, %parallel_loop3A_706 : i32
      %parallel_loop3A_708 = arith.constant 13 : i32
      %parallel_loop3A_709 = arith.addi %parallel_loop3A_707, %parallel_loop3A_708 : i32
      %parallel_loop3A_710 = arith.constant 16 : i32
      %parallel_loop3A_711 = arith.muli %parallel_loop3A_709, %parallel_loop3A_710 : i32
      %parallel_loop3A_712 = arith.index_cast %parallel_loop3A_711 : i32 to index
      %parallel_loop3A_713 = tpu.vector_load %arg13[%parallel_loop3A_712] {strides = array<i32>} : memref<12288xf32, #tpu.memory_space<vmem>>, vector<16xf32>,
      %parallel_loop3A_714 = arith.constant 384 : i32
      %parallel_loop3A_715 = arith.addi %parallel_loop3A_714, %parallel_loop3A_709 : i32
      %parallel_loop3A_716 = arith.constant 16 : i32
      %parallel_loop3A_717 = arith.muli %parallel_loop3A_715, %parallel_loop3A_716 : i32
      %parallel_loop3A_718 = arith.index_cast %parallel_loop3A_717 : i32 to index
      %parallel_loop3A_719 = tpu.vector_load %arg13[%parallel_loop3A_718] {strides = array<i32>} : memref<12288xf32, #tpu.memory_space<vmem>>, vector<16xf32>,
      %parallel_loop3A_720 = vector.extract_strided_slice %parallel_loop3A_391 {offsets = [13], sizes = [1], strides = [1]} : vector<16xf32> to vector<1xf32>
      %parallel_loop3A_721 = vector.extract %parallel_loop3A_720[0] : f32 from vector<1xf32>
      %parallel_loop3A_722 = vector.broadcast %parallel_loop3A_721 : f32 to vector<16xf32>
      %parallel_loop3A_723 = arith.mulf %parallel_loop3A_722, %parallel_loop3A_713 : vector<16xf32>
      %parallel_loop3A_724 = arith.addf %parallel_loop3A_633, %parallel_loop3A_723 : vector<16xf32>
      %parallel_loop3A_725 = vector.extract_strided_slice %parallel_loop3A_393 {offsets = [13], sizes = [1], strides = [1]} : vector<16xf32> to vector<1xf32>
      %parallel_loop3A_726 = vector.extract %parallel_loop3A_725[0] : f32 from vector<1xf32>
      %parallel_loop3A_727 = vector.broadcast %parallel_loop3A_726 : f32 to vector<16xf32>
      %parallel_loop3A_728 = arith.mulf %parallel_loop3A_727, %parallel_loop3A_719 : vector<16xf32>
      %parallel_loop3A_729 = arith.addf %parallel_loop3A_724, %parallel_loop3A_728 : vector<16xf32>
      %parallel_loop3A_730 = arith.constant 16 : i32
      %parallel_loop3A_731 = arith.muli %parallel_loop3A_381, %parallel_loop3A_730 : i32
      %parallel_loop3A_732 = arith.constant 14 : i32
      %parallel_loop3A_733 = arith.addi %parallel_loop3A_731, %parallel_loop3A_732 : i32
      %parallel_loop3A_734 = arith.constant 16 : i32
      %parallel_loop3A_735 = arith.muli %parallel_loop3A_733, %parallel_loop3A_734 : i32
      %parallel_loop3A_736 = arith.index_cast %parallel_loop3A_735 : i32 to index
      %parallel_loop3A_737 = tpu.vector_load %arg13[%parallel_loop3A_736] {strides = array<i32>} : memref<12288xf32, #tpu.memory_space<vmem>>, vector<16xf32>,
      %parallel_loop3A_738 = arith.constant 384 : i32
      %parallel_loop3A_739 = arith.addi %parallel_loop3A_738, %parallel_loop3A_733 : i32
      %parallel_loop3A_740 = arith.constant 16 : i32
      %parallel_loop3A_741 = arith.muli %parallel_loop3A_739, %parallel_loop3A_740 : i32
      %parallel_loop3A_742 = arith.index_cast %parallel_loop3A_741 : i32 to index
      %parallel_loop3A_743 = tpu.vector_load %arg13[%parallel_loop3A_742] {strides = array<i32>} : memref<12288xf32, #tpu.memory_space<vmem>>, vector<16xf32>,
      %parallel_loop3A_744 = vector.extract_strided_slice %parallel_loop3A_391 {offsets = [14], sizes = [1], strides = [1]} : vector<16xf32> to vector<1xf32>
      %parallel_loop3A_745 = vector.extract %parallel_loop3A_744[0] : f32 from vector<1xf32>
      %parallel_loop3A_746 = vector.broadcast %parallel_loop3A_745 : f32 to vector<16xf32>
      %parallel_loop3A_747 = arith.mulf %parallel_loop3A_746, %parallel_loop3A_737 : vector<16xf32>
      %parallel_loop3A_748 = arith.addf %parallel_loop3A_657, %parallel_loop3A_747 : vector<16xf32>
      %parallel_loop3A_749 = vector.extract_strided_slice %parallel_loop3A_393 {offsets = [14], sizes = [1], strides = [1]} : vector<16xf32> to vector<1xf32>
      %parallel_loop3A_750 = vector.extract %parallel_loop3A_749[0] : f32 from vector<1xf32>
      %parallel_loop3A_751 = vector.broadcast %parallel_loop3A_750 : f32 to vector<16xf32>
      %parallel_loop3A_752 = arith.mulf %parallel_loop3A_751, %parallel_loop3A_743 : vector<16xf32>
      %parallel_loop3A_753 = arith.addf %parallel_loop3A_748, %parallel_loop3A_752 : vector<16xf32>
      %parallel_loop3A_754 = arith.constant 16 : i32
      %parallel_loop3A_755 = arith.muli %parallel_loop3A_381, %parallel_loop3A_754 : i32
      %parallel_loop3A_756 = arith.constant 15 : i32
      %parallel_loop3A_757 = arith.addi %parallel_loop3A_755, %parallel_loop3A_756 : i32
      %parallel_loop3A_758 = arith.constant 16 : i32
      %parallel_loop3A_759 = arith.muli %parallel_loop3A_757, %parallel_loop3A_758 : i32
      %parallel_loop3A_760 = arith.index_cast %parallel_loop3A_759 : i32 to index
      %parallel_loop3A_761 = tpu.vector_load %arg13[%parallel_loop3A_760] {strides = array<i32>} : memref<12288xf32, #tpu.memory_space<vmem>>, vector<16xf32>,
      %parallel_loop3A_762 = arith.constant 384 : i32
      %parallel_loop3A_763 = arith.addi %parallel_loop3A_762, %parallel_loop3A_757 : i32
      %parallel_loop3A_764 = arith.constant 16 : i32
      %parallel_loop3A_765 = arith.muli %parallel_loop3A_763, %parallel_loop3A_764 : i32
      %parallel_loop3A_766 = arith.index_cast %parallel_loop3A_765 : i32 to index
      %parallel_loop3A_767 = tpu.vector_load %arg13[%parallel_loop3A_766] {strides = array<i32>} : memref<12288xf32, #tpu.memory_space<vmem>>, vector<16xf32>,
      %parallel_loop3A_768 = vector.extract_strided_slice %parallel_loop3A_391 {offsets = [15], sizes = [1], strides = [1]} : vector<16xf32> to vector<1xf32>
      %parallel_loop3A_769 = vector.extract %parallel_loop3A_768[0] : f32 from vector<1xf32>
      %parallel_loop3A_770 = vector.broadcast %parallel_loop3A_769 : f32 to vector<16xf32>
      %parallel_loop3A_771 = arith.mulf %parallel_loop3A_770, %parallel_loop3A_761 : vector<16xf32>
      %parallel_loop3A_772 = arith.addf %parallel_loop3A_681, %parallel_loop3A_771 : vector<16xf32>
      %parallel_loop3A_773 = vector.extract_strided_slice %parallel_loop3A_393 {offsets = [15], sizes = [1], strides = [1]} : vector<16xf32> to vector<1xf32>
      %parallel_loop3A_774 = vector.extract %parallel_loop3A_773[0] : f32 from vector<1xf32>
      %parallel_loop3A_775 = vector.broadcast %parallel_loop3A_774 : f32 to vector<16xf32>
      %parallel_loop3A_776 = arith.mulf %parallel_loop3A_775, %parallel_loop3A_767 : vector<16xf32>
      %parallel_loop3A_777 = arith.addf %parallel_loop3A_772, %parallel_loop3A_776 : vector<16xf32>
      scf.yield %parallel_loop3A_705, %parallel_loop3A_729, %parallel_loop3A_753, %parallel_loop3A_777 : vector<16xf32>, vector<16xf32>, vector<16xf32>, vector<16xf32>
    } {sc.loop_unroll_factor = 2 : i64, sc.parallel_access}
    %add3A_43 = arith.addf %parallel_loop3A_42#0, %parallel_loop3A_42#1 : vector<16xf32>
    %add3A_44 = arith.addf %parallel_loop3A_42#2, %parallel_loop3A_42#3 : vector<16xf32>
    %add3A_45 = arith.addf %add3A_43, %add3A_44 : vector<16xf32>
    %reduce_max3A = arith.constant true
    %reduce_max3A_46 = vector.broadcast %reduce_max3A : i1 to vector<16xi1>
    %reduce_max3A_47 = tpu.scan <max>, %add3A_45 masked %reduce_max3A_46 : vector<16xf32>, vector<16xi1> -> vector<16xf32>
    %reduce_max3A_48 = vector.extract %reduce_max3A_47[15] : f32 from vector<16xf32>
    %sub3A = vector.broadcast %reduce_max3A_48 : f32 to vector<16xf32>
    %sub3A_49 = arith.subf %add3A_45, %sub3A : vector<16xf32>
    %exp3A = math.exp %sub3A_49 : vector<16xf32>
    %reduce_sum3A = arith.constant true
    %reduce_sum3A_50 = vector.broadcast %reduce_sum3A : i1 to vector<16xi1>
    %reduce_sum3A_51 = tpu.scan <sum>, %exp3A masked %reduce_sum3A_50 : vector<16xf32>, vector<16xi1> -> vector<16xf32>
    %reduce_sum3A_52 = vector.extract %reduce_sum3A_51[15] : f32 from vector<16xf32>
    %add3A_53 = vector.broadcast %reduce_sum3A_52 : f32 to vector<16xf32>
    %add3A_54 = arith.addf %broadcast_in_dim3A_5, %add3A_53 : vector<16xf32>
    %div3A = arith.constant 1.000000e+00 : f32
    %div3A_55 = vector.broadcast %div3A : f32 to vector<16xf32>
    %div3A_56 = arith.divf %div3A_55, %add3A_54 : vector<16xf32>
    %mul3A_57 = arith.mulf %add3A_54, %div3A_56 : vector<16xf32>
    %sub3A_58 = arith.constant 2.000000e+00 : f32
    %sub3A_59 = vector.broadcast %sub3A_58 : f32 to vector<16xf32>
    %sub3A_60 = arith.subf %sub3A_59, %mul3A_57 : vector<16xf32>
    %mul3A_61 = arith.mulf %div3A_56, %sub3A_60 : vector<16xf32>
    %mul3A_62 = arith.mulf %add3A_54, %mul3A_61 : vector<16xf32>
    %sub3A_63 = arith.constant 2.000000e+00 : f32
    %sub3A_64 = vector.broadcast %sub3A_63 : f32 to vector<16xf32>
    %sub3A_65 = arith.subf %sub3A_64, %mul3A_62 : vector<16xf32>
    %mul3A_66 = arith.mulf %mul3A_61, %sub3A_65 : vector<16xf32>
    %mul3A_67 = arith.mulf %exp3A, %mul3A_66 : vector<16xf32>
    %jit3A = arith.constant -3.000000e+01 : f32
    %jit3A_68 = arith.constant 3.000000e+01 : f32
    %max3A = vector.broadcast %jit3A : f32 to vector<16xf32>
    %max3A_69 = arith.maximumf %max3A, %mul3A_67 : vector<16xf32>
    %min3A = vector.broadcast %jit3A_68 : f32 to vector<16xf32>
    %min3A_70 = arith.minimumf %min3A, %max3A_69 : vector<16xf32>
    %reduce_max3A_71 = arith.constant true
    %reduce_max3A_72 = vector.broadcast %reduce_max3A_71 : i1 to vector<16xi1>
    %reduce_max3A_73 = tpu.scan <max>, %min3A_70 masked %reduce_max3A_72 : vector<16xf32>, vector<16xi1> -> vector<16xf32>
    %reduce_max3A_74 = vector.extract %reduce_max3A_73[15] : f32 from vector<16xf32>
    %sub3A_75 = vector.broadcast %reduce_max3A_74 : f32 to vector<16xf32>
    %sub3A_76 = arith.subf %min3A_70, %sub3A_75 : vector<16xf32>
    %exp3A_77 = math.exp %sub3A_76 : vector<16xf32>
    %reduce_sum3A_78 = arith.constant true
    %reduce_sum3A_79 = vector.broadcast %reduce_sum3A_78 : i1 to vector<16xi1>
    %reduce_sum3A_80 = tpu.scan <sum>, %exp3A_77 masked %reduce_sum3A_79 : vector<16xf32>, vector<16xi1> -> vector<16xf32>
    %reduce_sum3A_81 = vector.extract %reduce_sum3A_80[15] : f32 from vector<16xf32>
    %add3A_82 = vector.broadcast %reduce_sum3A_81 : f32 to vector<16xf32>
    %add3A_83 = arith.addf %broadcast_in_dim3A_5, %add3A_82 : vector<16xf32>
    %div3A_84 = arith.constant 1.000000e+00 : f32
    %div3A_85 = vector.broadcast %div3A_84 : f32 to vector<16xf32>
    %div3A_86 = arith.divf %div3A_85, %add3A_83 : vector<16xf32>
    %mul3A_87 = arith.mulf %add3A_83, %div3A_86 : vector<16xf32>
    %sub3A_88 = arith.constant 2.000000e+00 : f32
    %sub3A_89 = vector.broadcast %sub3A_88 : f32 to vector<16xf32>
    %sub3A_90 = arith.subf %sub3A_89, %mul3A_87 : vector<16xf32>
    %mul3A_91 = arith.mulf %div3A_86, %sub3A_90 : vector<16xf32>
    %mul3A_92 = arith.mulf %add3A_83, %mul3A_91 : vector<16xf32>
    %sub3A_93 = arith.constant 2.000000e+00 : f32
    %sub3A_94 = vector.broadcast %sub3A_93 : f32 to vector<16xf32>
    %sub3A_95 = arith.subf %sub3A_94, %mul3A_92 : vector<16xf32>
    %mul3A_96 = arith.mulf %mul3A_91, %sub3A_95 : vector<16xf32>
    %mul3A_97 = arith.mulf %exp3A_77, %mul3A_96 : vector<16xf32>
    %reduce_max3A_98 = arith.constant true
    %reduce_max3A_99 = vector.broadcast %reduce_max3A_98 : i1 to vector<16xi1>
    %reduce_max3A_100 = tpu.scan <max>, %mul3A_97 masked %reduce_max3A_99 : vector<16xf32>, vector<16xi1> -> vector<16xf32>
    %reduce_max3A_101 = vector.extract %reduce_max3A_100[15] : f32 from vector<16xf32>
    %eq3A = vector.broadcast %reduce_max3A_101 : f32 to vector<16xf32>
    %eq3A_102 = arith.cmpf oeq, %mul3A_97, %eq3A : vector<16xf32>
    %jit3A_103 = arith.constant 16 : i32
    %broadcast_in_dim3A_104 = vector.broadcast %jit3A_103 : i32 to vector<16xi32>
    %select_n3A = arith.select %eq3A_102, %iota3A, %broadcast_in_dim3A_104 : vector<16xi1>, vector<16xi32>
    %reduce_min3A = arith.constant true
    %reduce_min3A_105 = vector.broadcast %reduce_min3A : i1 to vector<16xi1>
    %reduce_min3A_106 = arith.constant -2147483648 : i32
    %reduce_min3A_107 = vector.broadcast %reduce_min3A_106 : i32 to vector<16xi32>
    %reduce_min3A_108 = arith.xori %select_n3A, %reduce_min3A_107 : vector<16xi32>
    %reduce_min3A_109 = tpu.scan <min>, %reduce_min3A_108 masked %reduce_min3A_105 : vector<16xi32>, vector<16xi1> -> vector<16xi32>
    %reduce_min3A_110 = arith.xori %reduce_min3A_109, %reduce_min3A_107 : vector<16xi32>
    %reduce_min3A_111 = vector.extract %reduce_min3A_110[15] : i32 from vector<16xi32>
    %eq3A_112 = vector.broadcast %reduce_min3A_111 : i32 to vector<16xi32>
    %eq3A_113 = arith.cmpi eq, %iota3A, %eq3A_112 : vector<16xi32>
    %jit3A_114 = arith.constant -1.000000e+30 : f32
    %broadcast_in_dim3A_115 = vector.broadcast %jit3A_114 : f32 to vector<16xf32>
    %select_n3A_116 = arith.select %eq3A_113, %broadcast_in_dim3A_115, %mul3A_97 : vector<16xi1>, vector<16xf32>
    %reduce_max3A_117 = arith.constant true
    %reduce_max3A_118 = vector.broadcast %reduce_max3A_117 : i1 to vector<16xi1>
    %reduce_max3A_119 = tpu.scan <max>, %select_n3A_116 masked %reduce_max3A_118 : vector<16xf32>, vector<16xi1> -> vector<16xf32>
    %reduce_max3A_120 = vector.extract %reduce_max3A_119[15] : f32 from vector<16xf32>
    %eq3A_121 = vector.broadcast %reduce_max3A_120 : f32 to vector<16xf32>
    %eq3A_122 = arith.cmpf oeq, %select_n3A_116, %eq3A_121 : vector<16xf32>
    %jit3A_123 = arith.constant 16 : i32
    %broadcast_in_dim3A_124 = vector.broadcast %jit3A_123 : i32 to vector<16xi32>
    %select_n3A_125 = arith.select %eq3A_122, %iota3A, %broadcast_in_dim3A_124 : vector<16xi1>, vector<16xi32>
    %reduce_min3A_126 = arith.constant true
    %reduce_min3A_127 = vector.broadcast %reduce_min3A_126 : i1 to vector<16xi1>
    %reduce_min3A_128 = arith.constant -2147483648 : i32
    %reduce_min3A_129 = vector.broadcast %reduce_min3A_128 : i32 to vector<16xi32>
    %reduce_min3A_130 = arith.xori %select_n3A_125, %reduce_min3A_129 : vector<16xi32>
    %reduce_min3A_131 = tpu.scan <min>, %reduce_min3A_130 masked %reduce_min3A_127 : vector<16xi32>, vector<16xi1> -> vector<16xi32>
    %reduce_min3A_132 = arith.xori %reduce_min3A_131, %reduce_min3A_129 : vector<16xi32>
    %reduce_min3A_133 = vector.extract %reduce_min3A_132[15] : i32 from vector<16xi32>
    %add3A_134 = arith.addf %reduce_max3A_101, %reduce_max3A_120 : f32
    %add3A_135 = arith.constant 9.99999997E-7 : f32
    %add3A_136 = arith.addf %add3A_134, %add3A_135 : f32
    %eq3A_137 = arith.constant 0 : i32
    %eq3A_138 = vector.broadcast %eq3A_137 : i32 to vector<16xi32>
    %eq3A_139 = arith.cmpi eq, %iota3A, %eq3A_138 : vector<16xi32>
    %eq3A_140 = arith.constant 1 : i32
    %eq3A_141 = vector.broadcast %eq3A_140 : i32 to vector<16xi32>
    %eq3A_142 = arith.cmpi eq, %iota3A, %eq3A_141 : vector<16xi32>
    %jit3A_143 = arith.constant 0.000000e+00 : f32
    %broadcast_in_dim3A_144 = vector.broadcast %reduce_max3A_120 : f32 to vector<16xf32>
    %broadcast_in_dim3A_145 = vector.broadcast %jit3A_143 : f32 to vector<16xf32>
    %select_n3A_146 = arith.select %eq3A_142, %broadcast_in_dim3A_144, %broadcast_in_dim3A_145 : vector<16xi1>, vector<16xf32>
    %broadcast_in_dim3A_147 = vector.broadcast %reduce_max3A_101 : f32 to vector<16xf32>
    %select_n3A_148 = arith.select %eq3A_139, %broadcast_in_dim3A_147, %select_n3A_146 : vector<16xi1>, vector<16xf32>
    %add3A_149 = vector.broadcast %add3A_136 : f32 to vector<16xf32>
    %add3A_150 = arith.addf %broadcast_in_dim3A_5, %add3A_149 : vector<16xf32>
    %div3A_151 = arith.constant 1.000000e+00 : f32
    %div3A_152 = vector.broadcast %div3A_151 : f32 to vector<16xf32>
    %div3A_153 = arith.divf %div3A_152, %add3A_150 : vector<16xf32>
    %mul3A_154 = arith.mulf %add3A_150, %div3A_153 : vector<16xf32>
    %sub3A_155 = arith.constant 2.000000e+00 : f32
    %sub3A_156 = vector.broadcast %sub3A_155 : f32 to vector<16xf32>
    %sub3A_157 = arith.subf %sub3A_156, %mul3A_154 : vector<16xf32>
    %mul3A_158 = arith.mulf %div3A_153, %sub3A_157 : vector<16xf32>
    %mul3A_159 = arith.mulf %add3A_150, %mul3A_158 : vector<16xf32>
    %sub3A_160 = arith.constant 2.000000e+00 : f32
    %sub3A_161 = vector.broadcast %sub3A_160 : f32 to vector<16xf32>
    %sub3A_162 = arith.subf %sub3A_161, %mul3A_159 : vector<16xf32>
    %mul3A_163 = arith.mulf %mul3A_158, %sub3A_162 : vector<16xf32>
    %mul3A_164 = arith.mulf %select_n3A_148, %mul3A_163 : vector<16xf32>
    %swap3A = arith.constant 0 : index
    %swap3A_165 = tpu.vector_load %arg16[%swap3A] {strides = array<i32>} : memref<32xf32, #tpu.memory_space<vmem>>, vector<16xf32>,
    tpu.vector_store %arg16[%swap3A], %mul3A_97 {strides = array<i32>} : memref<32xf32, #tpu.memory_space<vmem>>, vector<16xf32>,
    %swap3A_166 = arith.constant 0 : index
    %swap3A_167 = tpu.vector_load %arg17[%swap3A_166] {strides = array<i32>} : memref<32xf32, #tpu.memory_space<vmem>>, vector<16xf32>,
    tpu.vector_store %arg17[%swap3A_166], %min3A_70 {strides = array<i32>} : memref<32xf32, #tpu.memory_space<vmem>>, vector<16xf32>,
    %swap3A_168 = arith.constant 0 : index
    %swap3A_169 = tpu.vector_load %arg18[%swap3A_168] {strides = array<i32>} : memref<32xf32, #tpu.memory_space<vmem>>, vector<16xf32>,
    tpu.vector_store %arg18[%swap3A_168], %mul3A_164 {strides = array<i32>} : memref<32xf32, #tpu.memory_space<vmem>>, vector<16xf32>,
    %eq3A_170 = arith.constant 0 : i32
    %eq3A_171 = vector.broadcast %eq3A_170 : i32 to vector<16xi32>
    %eq3A_172 = arith.cmpi eq, %iota3A, %eq3A_171 : vector<16xi32>
    %eq3A_173 = arith.constant 1 : i32
    %eq3A_174 = vector.broadcast %eq3A_173 : i32 to vector<16xi32>
    %eq3A_175 = arith.cmpi eq, %iota3A, %eq3A_174 : vector<16xi32>
    %jit3A_176 = arith.constant 0 : i32
    %broadcast_in_dim3A_177 = vector.broadcast %reduce_min3A_133 : i32 to vector<16xi32>
    %broadcast_in_dim3A_178 = vector.broadcast %jit3A_176 : i32 to vector<16xi32>
    %select_n3A_179 = arith.select %eq3A_175, %broadcast_in_dim3A_177, %broadcast_in_dim3A_178 : vector<16xi1>, vector<16xi32>
    %broadcast_in_dim3A_180 = vector.broadcast %reduce_min3A_111 : i32 to vector<16xi32>
    %select_n3A_181 = arith.select %eq3A_172, %broadcast_in_dim3A_180, %select_n3A_179 : vector<16xi1>, vector<16xi32>
    %swap3A_182 = arith.constant 0 : index
    %swap3A_183 = tpu.vector_load %arg19[%swap3A_182] {strides = array<i32>} : memref<32xi32, #tpu.memory_space<vmem>>, vector<16xi32>,
    tpu.vector_store %arg19[%swap3A_182], %select_n3A_181 {strides = array<i32>} : memref<32xi32, #tpu.memory_space<vmem>>, vector<16xi32>,
    %eq3A_184 = vector.broadcast %reduce_min3A_111 : i32 to vector<16xi32>
    %eq3A_185 = arith.cmpi eq, %iota3A, %eq3A_184 : vector<16xi32>
    %jit3A_186 = arith.constant 1.000000e+00 : f32
    %jit3A_187 = arith.constant 0.000000e+00 : f32
    %broadcast_in_dim3A_188 = vector.broadcast %jit3A_186 : f32 to vector<16xf32>
    %broadcast_in_dim3A_189 = vector.broadcast %jit3A_187 : f32 to vector<16xf32>
    %select_n3A_190 = arith.select %eq3A_185, %broadcast_in_dim3A_188, %broadcast_in_dim3A_189 : vector<16xi1>, vector<16xf32>
    %add3A_191 = arith.addf %broadcast_in_dim3A_39, %select_n3A_190 : vector<16xf32>
    %eq3A_192 = vector.broadcast %reduce_min3A_133 : i32 to vector<16xi32>
    %eq3A_193 = arith.cmpi eq, %iota3A, %eq3A_192 : vector<16xi32>
    %jit3A_194 = arith.constant 1.000000e+00 : f32
    %jit3A_195 = arith.constant 0.000000e+00 : f32
    %broadcast_in_dim3A_196 = vector.broadcast %jit3A_194 : f32 to vector<16xf32>
    %broadcast_in_dim3A_197 = vector.broadcast %jit3A_195 : f32 to vector<16xf32>
    %select_n3A_198 = arith.select %eq3A_193, %broadcast_in_dim3A_196, %broadcast_in_dim3A_197 : vector<16xi1>, vector<16xf32>
    %add3A_199 = arith.addf %add3A_191, %select_n3A_198 : vector<16xf32>
    %parallel_loop3A_200 = arith.constant 0 : i32
    %parallel_loop3A_201 = arith.constant 24 : i32
    %parallel_loop3A_202 = arith.constant 1 : i32
    %parallel_loop3A_203:4 = scf.for %parallel_loop3A_381 = %parallel_loop3A_200 to %parallel_loop3A_201 step %parallel_loop3A_202 iter_args(%parallel_loop3A_382 = %broadcast_in_dim3A_5, %parallel_loop3A_383 = %broadcast_in_dim3A_5, %parallel_loop3A_384 = %broadcast_in_dim3A_5, %parallel_loop3A_385 = %broadcast_in_dim3A_5) -> (vector<16xf32>, vector<16xf32>, vector<16xf32>, vector<16xf32>)  : i32 {
      %parallel_loop3A_386 = arith.constant 24 : i32
      %parallel_loop3A_387 = arith.addi %parallel_loop3A_386, %parallel_loop3A_381 : i32
      %parallel_loop3A_388 = arith.constant 16 : i32
      %parallel_loop3A_389 = arith.muli %parallel_loop3A_387, %parallel_loop3A_388 : i32
      %parallel_loop3A_390 = arith.index_cast %parallel_loop3A_389 : i32 to index
      %parallel_loop3A_391 = tpu.vector_load %arg14[%parallel_loop3A_390] {strides = array<i32>} : memref<768xf32, #tpu.memory_space<vmem>>, vector<16xf32>,
      %parallel_loop3A_392 = arith.index_cast %parallel_loop3A_389 : i32 to index
      %parallel_loop3A_393 = tpu.vector_load %arg15[%parallel_loop3A_392] {strides = array<i32>} : memref<768xf32, #tpu.memory_space<vmem>>, vector<16xf32>,
      %parallel_loop3A_394 = arith.constant 16 : i32
      %parallel_loop3A_395 = arith.muli %parallel_loop3A_381, %parallel_loop3A_394 : i32
      %parallel_loop3A_396 = arith.constant 0 : i32
      %parallel_loop3A_397 = arith.addi %parallel_loop3A_395, %parallel_loop3A_396 : i32
      %parallel_loop3A_398 = arith.constant 16 : i32
      %parallel_loop3A_399 = arith.muli %parallel_loop3A_397, %parallel_loop3A_398 : i32
      %parallel_loop3A_400 = arith.index_cast %parallel_loop3A_399 : i32 to index
      %parallel_loop3A_401 = tpu.vector_load %arg13[%parallel_loop3A_400] {strides = array<i32>} : memref<12288xf32, #tpu.memory_space<vmem>>, vector<16xf32>,
      %parallel_loop3A_402 = arith.constant 384 : i32
      %parallel_loop3A_403 = arith.addi %parallel_loop3A_402, %parallel_loop3A_397 : i32
      %parallel_loop3A_404 = arith.constant 16 : i32
      %parallel_loop3A_405 = arith.muli %parallel_loop3A_403, %parallel_loop3A_404 : i32
      %parallel_loop3A_406 = arith.index_cast %parallel_loop3A_405 : i32 to index
      %parallel_loop3A_407 = tpu.vector_load %arg13[%parallel_loop3A_406] {strides = array<i32>} : memref<12288xf32, #tpu.memory_space<vmem>>, vector<16xf32>,
      %parallel_loop3A_408 = vector.extract_strided_slice %parallel_loop3A_391 {offsets = [0], sizes = [1], strides = [1]} : vector<16xf32> to vector<1xf32>
      %parallel_loop3A_409 = vector.extract %parallel_loop3A_408[0] : f32 from vector<1xf32>
      %parallel_loop3A_410 = vector.broadcast %parallel_loop3A_409 : f32 to vector<16xf32>
      %parallel_loop3A_411 = arith.mulf %parallel_loop3A_410, %parallel_loop3A_401 : vector<16xf32>
      %parallel_loop3A_412 = arith.addf %parallel_loop3A_382, %parallel_loop3A_411 : vector<16xf32>
      %parallel_loop3A_413 = vector.extract_strided_slice %parallel_loop3A_393 {offsets = [0], sizes = [1], strides = [1]} : vector<16xf32> to vector<1xf32>
      %parallel_loop3A_414 = vector.extract %parallel_loop3A_413[0] : f32 from vector<1xf32>
      %parallel_loop3A_415 = vector.broadcast %parallel_loop3A_414 : f32 to vector<16xf32>
      %parallel_loop3A_416 = arith.mulf %parallel_loop3A_415, %parallel_loop3A_407 : vector<16xf32>
      %parallel_loop3A_417 = arith.addf %parallel_loop3A_412, %parallel_loop3A_416 : vector<16xf32>
      %parallel_loop3A_418 = arith.constant 16 : i32
      %parallel_loop3A_419 = arith.muli %parallel_loop3A_381, %parallel_loop3A_418 : i32
      %parallel_loop3A_420 = arith.constant 1 : i32
      %parallel_loop3A_421 = arith.addi %parallel_loop3A_419, %parallel_loop3A_420 : i32
      %parallel_loop3A_422 = arith.constant 16 : i32
      %parallel_loop3A_423 = arith.muli %parallel_loop3A_421, %parallel_loop3A_422 : i32
      %parallel_loop3A_424 = arith.index_cast %parallel_loop3A_423 : i32 to index
      %parallel_loop3A_425 = tpu.vector_load %arg13[%parallel_loop3A_424] {strides = array<i32>} : memref<12288xf32, #tpu.memory_space<vmem>>, vector<16xf32>,
      %parallel_loop3A_426 = arith.constant 384 : i32
      %parallel_loop3A_427 = arith.addi %parallel_loop3A_426, %parallel_loop3A_421 : i32
      %parallel_loop3A_428 = arith.constant 16 : i32
      %parallel_loop3A_429 = arith.muli %parallel_loop3A_427, %parallel_loop3A_428 : i32
      %parallel_loop3A_430 = arith.index_cast %parallel_loop3A_429 : i32 to index
      %parallel_loop3A_431 = tpu.vector_load %arg13[%parallel_loop3A_430] {strides = array<i32>} : memref<12288xf32, #tpu.memory_space<vmem>>, vector<16xf32>,
      %parallel_loop3A_432 = vector.extract_strided_slice %parallel_loop3A_391 {offsets = [1], sizes = [1], strides = [1]} : vector<16xf32> to vector<1xf32>
      %parallel_loop3A_433 = vector.extract %parallel_loop3A_432[0] : f32 from vector<1xf32>
      %parallel_loop3A_434 = vector.broadcast %parallel_loop3A_433 : f32 to vector<16xf32>
      %parallel_loop3A_435 = arith.mulf %parallel_loop3A_434, %parallel_loop3A_425 : vector<16xf32>
      %parallel_loop3A_436 = arith.addf %parallel_loop3A_383, %parallel_loop3A_435 : vector<16xf32>
      %parallel_loop3A_437 = vector.extract_strided_slice %parallel_loop3A_393 {offsets = [1], sizes = [1], strides = [1]} : vector<16xf32> to vector<1xf32>
      %parallel_loop3A_438 = vector.extract %parallel_loop3A_437[0] : f32 from vector<1xf32>
      %parallel_loop3A_439 = vector.broadcast %parallel_loop3A_438 : f32 to vector<16xf32>
      %parallel_loop3A_440 = arith.mulf %parallel_loop3A_439, %parallel_loop3A_431 : vector<16xf32>
      %parallel_loop3A_441 = arith.addf %parallel_loop3A_436, %parallel_loop3A_440 : vector<16xf32>
      %parallel_loop3A_442 = arith.constant 16 : i32
      %parallel_loop3A_443 = arith.muli %parallel_loop3A_381, %parallel_loop3A_442 : i32
      %parallel_loop3A_444 = arith.constant 2 : i32
      %parallel_loop3A_445 = arith.addi %parallel_loop3A_443, %parallel_loop3A_444 : i32
      %parallel_loop3A_446 = arith.constant 16 : i32
      %parallel_loop3A_447 = arith.muli %parallel_loop3A_445, %parallel_loop3A_446 : i32
      %parallel_loop3A_448 = arith.index_cast %parallel_loop3A_447 : i32 to index
      %parallel_loop3A_449 = tpu.vector_load %arg13[%parallel_loop3A_448] {strides = array<i32>} : memref<12288xf32, #tpu.memory_space<vmem>>, vector<16xf32>,
      %parallel_loop3A_450 = arith.constant 384 : i32
      %parallel_loop3A_451 = arith.addi %parallel_loop3A_450, %parallel_loop3A_445 : i32
      %parallel_loop3A_452 = arith.constant 16 : i32
      %parallel_loop3A_453 = arith.muli %parallel_loop3A_451, %parallel_loop3A_452 : i32
      %parallel_loop3A_454 = arith.index_cast %parallel_loop3A_453 : i32 to index
      %parallel_loop3A_455 = tpu.vector_load %arg13[%parallel_loop3A_454] {strides = array<i32>} : memref<12288xf32, #tpu.memory_space<vmem>>, vector<16xf32>,
      %parallel_loop3A_456 = vector.extract_strided_slice %parallel_loop3A_391 {offsets = [2], sizes = [1], strides = [1]} : vector<16xf32> to vector<1xf32>
      %parallel_loop3A_457 = vector.extract %parallel_loop3A_456[0] : f32 from vector<1xf32>
      %parallel_loop3A_458 = vector.broadcast %parallel_loop3A_457 : f32 to vector<16xf32>
      %parallel_loop3A_459 = arith.mulf %parallel_loop3A_458, %parallel_loop3A_449 : vector<16xf32>
      %parallel_loop3A_460 = arith.addf %parallel_loop3A_384, %parallel_loop3A_459 : vector<16xf32>
      %parallel_loop3A_461 = vector.extract_strided_slice %parallel_loop3A_393 {offsets = [2], sizes = [1], strides = [1]} : vector<16xf32> to vector<1xf32>
      %parallel_loop3A_462 = vector.extract %parallel_loop3A_461[0] : f32 from vector<1xf32>
      %parallel_loop3A_463 = vector.broadcast %parallel_loop3A_462 : f32 to vector<16xf32>
      %parallel_loop3A_464 = arith.mulf %parallel_loop3A_463, %parallel_loop3A_455 : vector<16xf32>
      %parallel_loop3A_465 = arith.addf %parallel_loop3A_460, %parallel_loop3A_464 : vector<16xf32>
      %parallel_loop3A_466 = arith.constant 16 : i32
      %parallel_loop3A_467 = arith.muli %parallel_loop3A_381, %parallel_loop3A_466 : i32
      %parallel_loop3A_468 = arith.constant 3 : i32
      %parallel_loop3A_469 = arith.addi %parallel_loop3A_467, %parallel_loop3A_468 : i32
      %parallel_loop3A_470 = arith.constant 16 : i32
      %parallel_loop3A_471 = arith.muli %parallel_loop3A_469, %parallel_loop3A_470 : i32
      %parallel_loop3A_472 = arith.index_cast %parallel_loop3A_471 : i32 to index
      %parallel_loop3A_473 = tpu.vector_load %arg13[%parallel_loop3A_472] {strides = array<i32>} : memref<12288xf32, #tpu.memory_space<vmem>>, vector<16xf32>,
      %parallel_loop3A_474 = arith.constant 384 : i32
      %parallel_loop3A_475 = arith.addi %parallel_loop3A_474, %parallel_loop3A_469 : i32
      %parallel_loop3A_476 = arith.constant 16 : i32
      %parallel_loop3A_477 = arith.muli %parallel_loop3A_475, %parallel_loop3A_476 : i32
      %parallel_loop3A_478 = arith.index_cast %parallel_loop3A_477 : i32 to index
      %parallel_loop3A_479 = tpu.vector_load %arg13[%parallel_loop3A_478] {strides = array<i32>} : memref<12288xf32, #tpu.memory_space<vmem>>, vector<16xf32>,
      %parallel_loop3A_480 = vector.extract_strided_slice %parallel_loop3A_391 {offsets = [3], sizes = [1], strides = [1]} : vector<16xf32> to vector<1xf32>
      %parallel_loop3A_481 = vector.extract %parallel_loop3A_480[0] : f32 from vector<1xf32>
      %parallel_loop3A_482 = vector.broadcast %parallel_loop3A_481 : f32 to vector<16xf32>
      %parallel_loop3A_483 = arith.mulf %parallel_loop3A_482, %parallel_loop3A_473 : vector<16xf32>
      %parallel_loop3A_484 = arith.addf %parallel_loop3A_385, %parallel_loop3A_483 : vector<16xf32>
      %parallel_loop3A_485 = vector.extract_strided_slice %parallel_loop3A_393 {offsets = [3], sizes = [1], strides = [1]} : vector<16xf32> to vector<1xf32>
      %parallel_loop3A_486 = vector.extract %parallel_loop3A_485[0] : f32 from vector<1xf32>
      %parallel_loop3A_487 = vector.broadcast %parallel_loop3A_486 : f32 to vector<16xf32>
      %parallel_loop3A_488 = arith.mulf %parallel_loop3A_487, %parallel_loop3A_479 : vector<16xf32>
      %parallel_loop3A_489 = arith.addf %parallel_loop3A_484, %parallel_loop3A_488 : vector<16xf32>
      %parallel_loop3A_490 = arith.constant 16 : i32
      %parallel_loop3A_491 = arith.muli %parallel_loop3A_381, %parallel_loop3A_490 : i32
      %parallel_loop3A_492 = arith.constant 4 : i32
      %parallel_loop3A_493 = arith.addi %parallel_loop3A_491, %parallel_loop3A_492 : i32
      %parallel_loop3A_494 = arith.constant 16 : i32
      %parallel_loop3A_495 = arith.muli %parallel_loop3A_493, %parallel_loop3A_494 : i32
      %parallel_loop3A_496 = arith.index_cast %parallel_loop3A_495 : i32 to index
      %parallel_loop3A_497 = tpu.vector_load %arg13[%parallel_loop3A_496] {strides = array<i32>} : memref<12288xf32, #tpu.memory_space<vmem>>, vector<16xf32>,
      %parallel_loop3A_498 = arith.constant 384 : i32
      %parallel_loop3A_499 = arith.addi %parallel_loop3A_498, %parallel_loop3A_493 : i32
      %parallel_loop3A_500 = arith.constant 16 : i32
      %parallel_loop3A_501 = arith.muli %parallel_loop3A_499, %parallel_loop3A_500 : i32
      %parallel_loop3A_502 = arith.index_cast %parallel_loop3A_501 : i32 to index
      %parallel_loop3A_503 = tpu.vector_load %arg13[%parallel_loop3A_502] {strides = array<i32>} : memref<12288xf32, #tpu.memory_space<vmem>>, vector<16xf32>,
      %parallel_loop3A_504 = vector.extract_strided_slice %parallel_loop3A_391 {offsets = [4], sizes = [1], strides = [1]} : vector<16xf32> to vector<1xf32>
      %parallel_loop3A_505 = vector.extract %parallel_loop3A_504[0] : f32 from vector<1xf32>
      %parallel_loop3A_506 = vector.broadcast %parallel_loop3A_505 : f32 to vector<16xf32>
      %parallel_loop3A_507 = arith.mulf %parallel_loop3A_506, %parallel_loop3A_497 : vector<16xf32>
      %parallel_loop3A_508 = arith.addf %parallel_loop3A_417, %parallel_loop3A_507 : vector<16xf32>
      %parallel_loop3A_509 = vector.extract_strided_slice %parallel_loop3A_393 {offsets = [4], sizes = [1], strides = [1]} : vector<16xf32> to vector<1xf32>
      %parallel_loop3A_510 = vector.extract %parallel_loop3A_509[0] : f32 from vector<1xf32>
      %parallel_loop3A_511 = vector.broadcast %parallel_loop3A_510 : f32 to vector<16xf32>
      %parallel_loop3A_512 = arith.mulf %parallel_loop3A_511, %parallel_loop3A_503 : vector<16xf32>
      %parallel_loop3A_513 = arith.addf %parallel_loop3A_508, %parallel_loop3A_512 : vector<16xf32>
      %parallel_loop3A_514 = arith.constant 16 : i32
      %parallel_loop3A_515 = arith.muli %parallel_loop3A_381, %parallel_loop3A_514 : i32
      %parallel_loop3A_516 = arith.constant 5 : i32
      %parallel_loop3A_517 = arith.addi %parallel_loop3A_515, %parallel_loop3A_516 : i32
      %parallel_loop3A_518 = arith.constant 16 : i32
      %parallel_loop3A_519 = arith.muli %parallel_loop3A_517, %parallel_loop3A_518 : i32
      %parallel_loop3A_520 = arith.index_cast %parallel_loop3A_519 : i32 to index
      %parallel_loop3A_521 = tpu.vector_load %arg13[%parallel_loop3A_520] {strides = array<i32>} : memref<12288xf32, #tpu.memory_space<vmem>>, vector<16xf32>,
      %parallel_loop3A_522 = arith.constant 384 : i32
      %parallel_loop3A_523 = arith.addi %parallel_loop3A_522, %parallel_loop3A_517 : i32
      %parallel_loop3A_524 = arith.constant 16 : i32
      %parallel_loop3A_525 = arith.muli %parallel_loop3A_523, %parallel_loop3A_524 : i32
      %parallel_loop3A_526 = arith.index_cast %parallel_loop3A_525 : i32 to index
      %parallel_loop3A_527 = tpu.vector_load %arg13[%parallel_loop3A_526] {strides = array<i32>} : memref<12288xf32, #tpu.memory_space<vmem>>, vector<16xf32>,
      %parallel_loop3A_528 = vector.extract_strided_slice %parallel_loop3A_391 {offsets = [5], sizes = [1], strides = [1]} : vector<16xf32> to vector<1xf32>
      %parallel_loop3A_529 = vector.extract %parallel_loop3A_528[0] : f32 from vector<1xf32>
      %parallel_loop3A_530 = vector.broadcast %parallel_loop3A_529 : f32 to vector<16xf32>
      %parallel_loop3A_531 = arith.mulf %parallel_loop3A_530, %parallel_loop3A_521 : vector<16xf32>
      %parallel_loop3A_532 = arith.addf %parallel_loop3A_441, %parallel_loop3A_531 : vector<16xf32>
      %parallel_loop3A_533 = vector.extract_strided_slice %parallel_loop3A_393 {offsets = [5], sizes = [1], strides = [1]} : vector<16xf32> to vector<1xf32>
      %parallel_loop3A_534 = vector.extract %parallel_loop3A_533[0] : f32 from vector<1xf32>
      %parallel_loop3A_535 = vector.broadcast %parallel_loop3A_534 : f32 to vector<16xf32>
      %parallel_loop3A_536 = arith.mulf %parallel_loop3A_535, %parallel_loop3A_527 : vector<16xf32>
      %parallel_loop3A_537 = arith.addf %parallel_loop3A_532, %parallel_loop3A_536 : vector<16xf32>
      %parallel_loop3A_538 = arith.constant 16 : i32
      %parallel_loop3A_539 = arith.muli %parallel_loop3A_381, %parallel_loop3A_538 : i32
      %parallel_loop3A_540 = arith.constant 6 : i32
      %parallel_loop3A_541 = arith.addi %parallel_loop3A_539, %parallel_loop3A_540 : i32
      %parallel_loop3A_542 = arith.constant 16 : i32
      %parallel_loop3A_543 = arith.muli %parallel_loop3A_541, %parallel_loop3A_542 : i32
      %parallel_loop3A_544 = arith.index_cast %parallel_loop3A_543 : i32 to index
      %parallel_loop3A_545 = tpu.vector_load %arg13[%parallel_loop3A_544] {strides = array<i32>} : memref<12288xf32, #tpu.memory_space<vmem>>, vector<16xf32>,
      %parallel_loop3A_546 = arith.constant 384 : i32
      %parallel_loop3A_547 = arith.addi %parallel_loop3A_546, %parallel_loop3A_541 : i32
      %parallel_loop3A_548 = arith.constant 16 : i32
      %parallel_loop3A_549 = arith.muli %parallel_loop3A_547, %parallel_loop3A_548 : i32
      %parallel_loop3A_550 = arith.index_cast %parallel_loop3A_549 : i32 to index
      %parallel_loop3A_551 = tpu.vector_load %arg13[%parallel_loop3A_550] {strides = array<i32>} : memref<12288xf32, #tpu.memory_space<vmem>>, vector<16xf32>,
      %parallel_loop3A_552 = vector.extract_strided_slice %parallel_loop3A_391 {offsets = [6], sizes = [1], strides = [1]} : vector<16xf32> to vector<1xf32>
      %parallel_loop3A_553 = vector.extract %parallel_loop3A_552[0] : f32 from vector<1xf32>
      %parallel_loop3A_554 = vector.broadcast %parallel_loop3A_553 : f32 to vector<16xf32>
      %parallel_loop3A_555 = arith.mulf %parallel_loop3A_554, %parallel_loop3A_545 : vector<16xf32>
      %parallel_loop3A_556 = arith.addf %parallel_loop3A_465, %parallel_loop3A_555 : vector<16xf32>
      %parallel_loop3A_557 = vector.extract_strided_slice %parallel_loop3A_393 {offsets = [6], sizes = [1], strides = [1]} : vector<16xf32> to vector<1xf32>
      %parallel_loop3A_558 = vector.extract %parallel_loop3A_557[0] : f32 from vector<1xf32>
      %parallel_loop3A_559 = vector.broadcast %parallel_loop3A_558 : f32 to vector<16xf32>
      %parallel_loop3A_560 = arith.mulf %parallel_loop3A_559, %parallel_loop3A_551 : vector<16xf32>
      %parallel_loop3A_561 = arith.addf %parallel_loop3A_556, %parallel_loop3A_560 : vector<16xf32>
      %parallel_loop3A_562 = arith.constant 16 : i32
      %parallel_loop3A_563 = arith.muli %parallel_loop3A_381, %parallel_loop3A_562 : i32
      %parallel_loop3A_564 = arith.constant 7 : i32
      %parallel_loop3A_565 = arith.addi %parallel_loop3A_563, %parallel_loop3A_564 : i32
      %parallel_loop3A_566 = arith.constant 16 : i32
      %parallel_loop3A_567 = arith.muli %parallel_loop3A_565, %parallel_loop3A_566 : i32
      %parallel_loop3A_568 = arith.index_cast %parallel_loop3A_567 : i32 to index
      %parallel_loop3A_569 = tpu.vector_load %arg13[%parallel_loop3A_568] {strides = array<i32>} : memref<12288xf32, #tpu.memory_space<vmem>>, vector<16xf32>,
      %parallel_loop3A_570 = arith.constant 384 : i32
      %parallel_loop3A_571 = arith.addi %parallel_loop3A_570, %parallel_loop3A_565 : i32
      %parallel_loop3A_572 = arith.constant 16 : i32
      %parallel_loop3A_573 = arith.muli %parallel_loop3A_571, %parallel_loop3A_572 : i32
      %parallel_loop3A_574 = arith.index_cast %parallel_loop3A_573 : i32 to index
      %parallel_loop3A_575 = tpu.vector_load %arg13[%parallel_loop3A_574] {strides = array<i32>} : memref<12288xf32, #tpu.memory_space<vmem>>, vector<16xf32>,
      %parallel_loop3A_576 = vector.extract_strided_slice %parallel_loop3A_391 {offsets = [7], sizes = [1], strides = [1]} : vector<16xf32> to vector<1xf32>
      %parallel_loop3A_577 = vector.extract %parallel_loop3A_576[0] : f32 from vector<1xf32>
      %parallel_loop3A_578 = vector.broadcast %parallel_loop3A_577 : f32 to vector<16xf32>
      %parallel_loop3A_579 = arith.mulf %parallel_loop3A_578, %parallel_loop3A_569 : vector<16xf32>
      %parallel_loop3A_580 = arith.addf %parallel_loop3A_489, %parallel_loop3A_579 : vector<16xf32>
      %parallel_loop3A_581 = vector.extract_strided_slice %parallel_loop3A_393 {offsets = [7], sizes = [1], strides = [1]} : vector<16xf32> to vector<1xf32>
      %parallel_loop3A_582 = vector.extract %parallel_loop3A_581[0] : f32 from vector<1xf32>
      %parallel_loop3A_583 = vector.broadcast %parallel_loop3A_582 : f32 to vector<16xf32>
      %parallel_loop3A_584 = arith.mulf %parallel_loop3A_583, %parallel_loop3A_575 : vector<16xf32>
      %parallel_loop3A_585 = arith.addf %parallel_loop3A_580, %parallel_loop3A_584 : vector<16xf32>
      %parallel_loop3A_586 = arith.constant 16 : i32
      %parallel_loop3A_587 = arith.muli %parallel_loop3A_381, %parallel_loop3A_586 : i32
      %parallel_loop3A_588 = arith.constant 8 : i32
      %parallel_loop3A_589 = arith.addi %parallel_loop3A_587, %parallel_loop3A_588 : i32
      %parallel_loop3A_590 = arith.constant 16 : i32
      %parallel_loop3A_591 = arith.muli %parallel_loop3A_589, %parallel_loop3A_590 : i32
      %parallel_loop3A_592 = arith.index_cast %parallel_loop3A_591 : i32 to index
      %parallel_loop3A_593 = tpu.vector_load %arg13[%parallel_loop3A_592] {strides = array<i32>} : memref<12288xf32, #tpu.memory_space<vmem>>, vector<16xf32>,
      %parallel_loop3A_594 = arith.constant 384 : i32
      %parallel_loop3A_595 = arith.addi %parallel_loop3A_594, %parallel_loop3A_589 : i32
      %parallel_loop3A_596 = arith.constant 16 : i32
      %parallel_loop3A_597 = arith.muli %parallel_loop3A_595, %parallel_loop3A_596 : i32
      %parallel_loop3A_598 = arith.index_cast %parallel_loop3A_597 : i32 to index
      %parallel_loop3A_599 = tpu.vector_load %arg13[%parallel_loop3A_598] {strides = array<i32>} : memref<12288xf32, #tpu.memory_space<vmem>>, vector<16xf32>,
      %parallel_loop3A_600 = vector.extract_strided_slice %parallel_loop3A_391 {offsets = [8], sizes = [1], strides = [1]} : vector<16xf32> to vector<1xf32>
      %parallel_loop3A_601 = vector.extract %parallel_loop3A_600[0] : f32 from vector<1xf32>
      %parallel_loop3A_602 = vector.broadcast %parallel_loop3A_601 : f32 to vector<16xf32>
      %parallel_loop3A_603 = arith.mulf %parallel_loop3A_602, %parallel_loop3A_593 : vector<16xf32>
      %parallel_loop3A_604 = arith.addf %parallel_loop3A_513, %parallel_loop3A_603 : vector<16xf32>
      %parallel_loop3A_605 = vector.extract_strided_slice %parallel_loop3A_393 {offsets = [8], sizes = [1], strides = [1]} : vector<16xf32> to vector<1xf32>
      %parallel_loop3A_606 = vector.extract %parallel_loop3A_605[0] : f32 from vector<1xf32>
      %parallel_loop3A_607 = vector.broadcast %parallel_loop3A_606 : f32 to vector<16xf32>
      %parallel_loop3A_608 = arith.mulf %parallel_loop3A_607, %parallel_loop3A_599 : vector<16xf32>
      %parallel_loop3A_609 = arith.addf %parallel_loop3A_604, %parallel_loop3A_608 : vector<16xf32>
      %parallel_loop3A_610 = arith.constant 16 : i32
      %parallel_loop3A_611 = arith.muli %parallel_loop3A_381, %parallel_loop3A_610 : i32
      %parallel_loop3A_612 = arith.constant 9 : i32
      %parallel_loop3A_613 = arith.addi %parallel_loop3A_611, %parallel_loop3A_612 : i32
      %parallel_loop3A_614 = arith.constant 16 : i32
      %parallel_loop3A_615 = arith.muli %parallel_loop3A_613, %parallel_loop3A_614 : i32
      %parallel_loop3A_616 = arith.index_cast %parallel_loop3A_615 : i32 to index
      %parallel_loop3A_617 = tpu.vector_load %arg13[%parallel_loop3A_616] {strides = array<i32>} : memref<12288xf32, #tpu.memory_space<vmem>>, vector<16xf32>,
      %parallel_loop3A_618 = arith.constant 384 : i32
      %parallel_loop3A_619 = arith.addi %parallel_loop3A_618, %parallel_loop3A_613 : i32
      %parallel_loop3A_620 = arith.constant 16 : i32
      %parallel_loop3A_621 = arith.muli %parallel_loop3A_619, %parallel_loop3A_620 : i32
      %parallel_loop3A_622 = arith.index_cast %parallel_loop3A_621 : i32 to index
      %parallel_loop3A_623 = tpu.vector_load %arg13[%parallel_loop3A_622] {strides = array<i32>} : memref<12288xf32, #tpu.memory_space<vmem>>, vector<16xf32>,
      %parallel_loop3A_624 = vector.extract_strided_slice %parallel_loop3A_391 {offsets = [9], sizes = [1], strides = [1]} : vector<16xf32> to vector<1xf32>
      %parallel_loop3A_625 = vector.extract %parallel_loop3A_624[0] : f32 from vector<1xf32>
      %parallel_loop3A_626 = vector.broadcast %parallel_loop3A_625 : f32 to vector<16xf32>
      %parallel_loop3A_627 = arith.mulf %parallel_loop3A_626, %parallel_loop3A_617 : vector<16xf32>
      %parallel_loop3A_628 = arith.addf %parallel_loop3A_537, %parallel_loop3A_627 : vector<16xf32>
      %parallel_loop3A_629 = vector.extract_strided_slice %parallel_loop3A_393 {offsets = [9], sizes = [1], strides = [1]} : vector<16xf32> to vector<1xf32>
      %parallel_loop3A_630 = vector.extract %parallel_loop3A_629[0] : f32 from vector<1xf32>
      %parallel_loop3A_631 = vector.broadcast %parallel_loop3A_630 : f32 to vector<16xf32>
      %parallel_loop3A_632 = arith.mulf %parallel_loop3A_631, %parallel_loop3A_623 : vector<16xf32>
      %parallel_loop3A_633 = arith.addf %parallel_loop3A_628, %parallel_loop3A_632 : vector<16xf32>
      %parallel_loop3A_634 = arith.constant 16 : i32
      %parallel_loop3A_635 = arith.muli %parallel_loop3A_381, %parallel_loop3A_634 : i32
      %parallel_loop3A_636 = arith.constant 10 : i32
      %parallel_loop3A_637 = arith.addi %parallel_loop3A_635, %parallel_loop3A_636 : i32
      %parallel_loop3A_638 = arith.constant 16 : i32
      %parallel_loop3A_639 = arith.muli %parallel_loop3A_637, %parallel_loop3A_638 : i32
      %parallel_loop3A_640 = arith.index_cast %parallel_loop3A_639 : i32 to index
      %parallel_loop3A_641 = tpu.vector_load %arg13[%parallel_loop3A_640] {strides = array<i32>} : memref<12288xf32, #tpu.memory_space<vmem>>, vector<16xf32>,
      %parallel_loop3A_642 = arith.constant 384 : i32
      %parallel_loop3A_643 = arith.addi %parallel_loop3A_642, %parallel_loop3A_637 : i32
      %parallel_loop3A_644 = arith.constant 16 : i32
      %parallel_loop3A_645 = arith.muli %parallel_loop3A_643, %parallel_loop3A_644 : i32
      %parallel_loop3A_646 = arith.index_cast %parallel_loop3A_645 : i32 to index
      %parallel_loop3A_647 = tpu.vector_load %arg13[%parallel_loop3A_646] {strides = array<i32>} : memref<12288xf32, #tpu.memory_space<vmem>>, vector<16xf32>,
      %parallel_loop3A_648 = vector.extract_strided_slice %parallel_loop3A_391 {offsets = [10], sizes = [1], strides = [1]} : vector<16xf32> to vector<1xf32>
      %parallel_loop3A_649 = vector.extract %parallel_loop3A_648[0] : f32 from vector<1xf32>
      %parallel_loop3A_650 = vector.broadcast %parallel_loop3A_649 : f32 to vector<16xf32>
      %parallel_loop3A_651 = arith.mulf %parallel_loop3A_650, %parallel_loop3A_641 : vector<16xf32>
      %parallel_loop3A_652 = arith.addf %parallel_loop3A_561, %parallel_loop3A_651 : vector<16xf32>
      %parallel_loop3A_653 = vector.extract_strided_slice %parallel_loop3A_393 {offsets = [10], sizes = [1], strides = [1]} : vector<16xf32> to vector<1xf32>
      %parallel_loop3A_654 = vector.extract %parallel_loop3A_653[0] : f32 from vector<1xf32>
      %parallel_loop3A_655 = vector.broadcast %parallel_loop3A_654 : f32 to vector<16xf32>
      %parallel_loop3A_656 = arith.mulf %parallel_loop3A_655, %parallel_loop3A_647 : vector<16xf32>
      %parallel_loop3A_657 = arith.addf %parallel_loop3A_652, %parallel_loop3A_656 : vector<16xf32>
      %parallel_loop3A_658 = arith.constant 16 : i32
      %parallel_loop3A_659 = arith.muli %parallel_loop3A_381, %parallel_loop3A_658 : i32
      %parallel_loop3A_660 = arith.constant 11 : i32
      %parallel_loop3A_661 = arith.addi %parallel_loop3A_659, %parallel_loop3A_660 : i32
      %parallel_loop3A_662 = arith.constant 16 : i32
      %parallel_loop3A_663 = arith.muli %parallel_loop3A_661, %parallel_loop3A_662 : i32
      %parallel_loop3A_664 = arith.index_cast %parallel_loop3A_663 : i32 to index
      %parallel_loop3A_665 = tpu.vector_load %arg13[%parallel_loop3A_664] {strides = array<i32>} : memref<12288xf32, #tpu.memory_space<vmem>>, vector<16xf32>,
      %parallel_loop3A_666 = arith.constant 384 : i32
      %parallel_loop3A_667 = arith.addi %parallel_loop3A_666, %parallel_loop3A_661 : i32
      %parallel_loop3A_668 = arith.constant 16 : i32
      %parallel_loop3A_669 = arith.muli %parallel_loop3A_667, %parallel_loop3A_668 : i32
      %parallel_loop3A_670 = arith.index_cast %parallel_loop3A_669 : i32 to index
      %parallel_loop3A_671 = tpu.vector_load %arg13[%parallel_loop3A_670] {strides = array<i32>} : memref<12288xf32, #tpu.memory_space<vmem>>, vector<16xf32>,
      %parallel_loop3A_672 = vector.extract_strided_slice %parallel_loop3A_391 {offsets = [11], sizes = [1], strides = [1]} : vector<16xf32> to vector<1xf32>
      %parallel_loop3A_673 = vector.extract %parallel_loop3A_672[0] : f32 from vector<1xf32>
      %parallel_loop3A_674 = vector.broadcast %parallel_loop3A_673 : f32 to vector<16xf32>
      %parallel_loop3A_675 = arith.mulf %parallel_loop3A_674, %parallel_loop3A_665 : vector<16xf32>
      %parallel_loop3A_676 = arith.addf %parallel_loop3A_585, %parallel_loop3A_675 : vector<16xf32>
      %parallel_loop3A_677 = vector.extract_strided_slice %parallel_loop3A_393 {offsets = [11], sizes = [1], strides = [1]} : vector<16xf32> to vector<1xf32>
      %parallel_loop3A_678 = vector.extract %parallel_loop3A_677[0] : f32 from vector<1xf32>
      %parallel_loop3A_679 = vector.broadcast %parallel_loop3A_678 : f32 to vector<16xf32>
      %parallel_loop3A_680 = arith.mulf %parallel_loop3A_679, %parallel_loop3A_671 : vector<16xf32>
      %parallel_loop3A_681 = arith.addf %parallel_loop3A_676, %parallel_loop3A_680 : vector<16xf32>
      %parallel_loop3A_682 = arith.constant 16 : i32
      %parallel_loop3A_683 = arith.muli %parallel_loop3A_381, %parallel_loop3A_682 : i32
      %parallel_loop3A_684 = arith.constant 12 : i32
      %parallel_loop3A_685 = arith.addi %parallel_loop3A_683, %parallel_loop3A_684 : i32
      %parallel_loop3A_686 = arith.constant 16 : i32
      %parallel_loop3A_687 = arith.muli %parallel_loop3A_685, %parallel_loop3A_686 : i32
      %parallel_loop3A_688 = arith.index_cast %parallel_loop3A_687 : i32 to index
      %parallel_loop3A_689 = tpu.vector_load %arg13[%parallel_loop3A_688] {strides = array<i32>} : memref<12288xf32, #tpu.memory_space<vmem>>, vector<16xf32>,
      %parallel_loop3A_690 = arith.constant 384 : i32
      %parallel_loop3A_691 = arith.addi %parallel_loop3A_690, %parallel_loop3A_685 : i32
      %parallel_loop3A_692 = arith.constant 16 : i32
      %parallel_loop3A_693 = arith.muli %parallel_loop3A_691, %parallel_loop3A_692 : i32
      %parallel_loop3A_694 = arith.index_cast %parallel_loop3A_693 : i32 to index
      %parallel_loop3A_695 = tpu.vector_load %arg13[%parallel_loop3A_694] {strides = array<i32>} : memref<12288xf32, #tpu.memory_space<vmem>>, vector<16xf32>,
      %parallel_loop3A_696 = vector.extract_strided_slice %parallel_loop3A_391 {offsets = [12], sizes = [1], strides = [1]} : vector<16xf32> to vector<1xf32>
      %parallel_loop3A_697 = vector.extract %parallel_loop3A_696[0] : f32 from vector<1xf32>
      %parallel_loop3A_698 = vector.broadcast %parallel_loop3A_697 : f32 to vector<16xf32>
      %parallel_loop3A_699 = arith.mulf %parallel_loop3A_698, %parallel_loop3A_689 : vector<16xf32>
      %parallel_loop3A_700 = arith.addf %parallel_loop3A_609, %parallel_loop3A_699 : vector<16xf32>
      %parallel_loop3A_701 = vector.extract_strided_slice %parallel_loop3A_393 {offsets = [12], sizes = [1], strides = [1]} : vector<16xf32> to vector<1xf32>
      %parallel_loop3A_702 = vector.extract %parallel_loop3A_701[0] : f32 from vector<1xf32>
      %parallel_loop3A_703 = vector.broadcast %parallel_loop3A_702 : f32 to vector<16xf32>
      %parallel_loop3A_704 = arith.mulf %parallel_loop3A_703, %parallel_loop3A_695 : vector<16xf32>
      %parallel_loop3A_705 = arith.addf %parallel_loop3A_700, %parallel_loop3A_704 : vector<16xf32>
      %parallel_loop3A_706 = arith.constant 16 : i32
      %parallel_loop3A_707 = arith.muli %parallel_loop3A_381, %parallel_loop3A_706 : i32
      %parallel_loop3A_708 = arith.constant 13 : i32
      %parallel_loop3A_709 = arith.addi %parallel_loop3A_707, %parallel_loop3A_708 : i32
      %parallel_loop3A_710 = arith.constant 16 : i32
      %parallel_loop3A_711 = arith.muli %parallel_loop3A_709, %parallel_loop3A_710 : i32
      %parallel_loop3A_712 = arith.index_cast %parallel_loop3A_711 : i32 to index
      %parallel_loop3A_713 = tpu.vector_load %arg13[%parallel_loop3A_712] {strides = array<i32>} : memref<12288xf32, #tpu.memory_space<vmem>>, vector<16xf32>,
      %parallel_loop3A_714 = arith.constant 384 : i32
      %parallel_loop3A_715 = arith.addi %parallel_loop3A_714, %parallel_loop3A_709 : i32
      %parallel_loop3A_716 = arith.constant 16 : i32
      %parallel_loop3A_717 = arith.muli %parallel_loop3A_715, %parallel_loop3A_716 : i32
      %parallel_loop3A_718 = arith.index_cast %parallel_loop3A_717 : i32 to index
      %parallel_loop3A_719 = tpu.vector_load %arg13[%parallel_loop3A_718] {strides = array<i32>} : memref<12288xf32, #tpu.memory_space<vmem>>, vector<16xf32>,
      %parallel_loop3A_720 = vector.extract_strided_slice %parallel_loop3A_391 {offsets = [13], sizes = [1], strides = [1]} : vector<16xf32> to vector<1xf32>
      %parallel_loop3A_721 = vector.extract %parallel_loop3A_720[0] : f32 from vector<1xf32>
      %parallel_loop3A_722 = vector.broadcast %parallel_loop3A_721 : f32 to vector<16xf32>
      %parallel_loop3A_723 = arith.mulf %parallel_loop3A_722, %parallel_loop3A_713 : vector<16xf32>
      %parallel_loop3A_724 = arith.addf %parallel_loop3A_633, %parallel_loop3A_723 : vector<16xf32>
      %parallel_loop3A_725 = vector.extract_strided_slice %parallel_loop3A_393 {offsets = [13], sizes = [1], strides = [1]} : vector<16xf32> to vector<1xf32>
      %parallel_loop3A_726 = vector.extract %parallel_loop3A_725[0] : f32 from vector<1xf32>
      %parallel_loop3A_727 = vector.broadcast %parallel_loop3A_726 : f32 to vector<16xf32>
      %parallel_loop3A_728 = arith.mulf %parallel_loop3A_727, %parallel_loop3A_719 : vector<16xf32>
      %parallel_loop3A_729 = arith.addf %parallel_loop3A_724, %parallel_loop3A_728 : vector<16xf32>
      %parallel_loop3A_730 = arith.constant 16 : i32
      %parallel_loop3A_731 = arith.muli %parallel_loop3A_381, %parallel_loop3A_730 : i32
      %parallel_loop3A_732 = arith.constant 14 : i32
      %parallel_loop3A_733 = arith.addi %parallel_loop3A_731, %parallel_loop3A_732 : i32
      %parallel_loop3A_734 = arith.constant 16 : i32
      %parallel_loop3A_735 = arith.muli %parallel_loop3A_733, %parallel_loop3A_734 : i32
      %parallel_loop3A_736 = arith.index_cast %parallel_loop3A_735 : i32 to index
      %parallel_loop3A_737 = tpu.vector_load %arg13[%parallel_loop3A_736] {strides = array<i32>} : memref<12288xf32, #tpu.memory_space<vmem>>, vector<16xf32>,
      %parallel_loop3A_738 = arith.constant 384 : i32
      %parallel_loop3A_739 = arith.addi %parallel_loop3A_738, %parallel_loop3A_733 : i32
      %parallel_loop3A_740 = arith.constant 16 : i32
      %parallel_loop3A_741 = arith.muli %parallel_loop3A_739, %parallel_loop3A_740 : i32
      %parallel_loop3A_742 = arith.index_cast %parallel_loop3A_741 : i32 to index
      %parallel_loop3A_743 = tpu.vector_load %arg13[%parallel_loop3A_742] {strides = array<i32>} : memref<12288xf32, #tpu.memory_space<vmem>>, vector<16xf32>,
      %parallel_loop3A_744 = vector.extract_strided_slice %parallel_loop3A_391 {offsets = [14], sizes = [1], strides = [1]} : vector<16xf32> to vector<1xf32>
      %parallel_loop3A_745 = vector.extract %parallel_loop3A_744[0] : f32 from vector<1xf32>
      %parallel_loop3A_746 = vector.broadcast %parallel_loop3A_745 : f32 to vector<16xf32>
      %parallel_loop3A_747 = arith.mulf %parallel_loop3A_746, %parallel_loop3A_737 : vector<16xf32>
      %parallel_loop3A_748 = arith.addf %parallel_loop3A_657, %parallel_loop3A_747 : vector<16xf32>
      %parallel_loop3A_749 = vector.extract_strided_slice %parallel_loop3A_393 {offsets = [14], sizes = [1], strides = [1]} : vector<16xf32> to vector<1xf32>
      %parallel_loop3A_750 = vector.extract %parallel_loop3A_749[0] : f32 from vector<1xf32>
      %parallel_loop3A_751 = vector.broadcast %parallel_loop3A_750 : f32 to vector<16xf32>
      %parallel_loop3A_752 = arith.mulf %parallel_loop3A_751, %parallel_loop3A_743 : vector<16xf32>
      %parallel_loop3A_753 = arith.addf %parallel_loop3A_748, %parallel_loop3A_752 : vector<16xf32>
      %parallel_loop3A_754 = arith.constant 16 : i32
      %parallel_loop3A_755 = arith.muli %parallel_loop3A_381, %parallel_loop3A_754 : i32
      %parallel_loop3A_756 = arith.constant 15 : i32
      %parallel_loop3A_757 = arith.addi %parallel_loop3A_755, %parallel_loop3A_756 : i32
      %parallel_loop3A_758 = arith.constant 16 : i32
      %parallel_loop3A_759 = arith.muli %parallel_loop3A_757, %parallel_loop3A_758 : i32
      %parallel_loop3A_760 = arith.index_cast %parallel_loop3A_759 : i32 to index
      %parallel_loop3A_761 = tpu.vector_load %arg13[%parallel_loop3A_760] {strides = array<i32>} : memref<12288xf32, #tpu.memory_space<vmem>>, vector<16xf32>,
      %parallel_loop3A_762 = arith.constant 384 : i32
      %parallel_loop3A_763 = arith.addi %parallel_loop3A_762, %parallel_loop3A_757 : i32
      %parallel_loop3A_764 = arith.constant 16 : i32
      %parallel_loop3A_765 = arith.muli %parallel_loop3A_763, %parallel_loop3A_764 : i32
      %parallel_loop3A_766 = arith.index_cast %parallel_loop3A_765 : i32 to index
      %parallel_loop3A_767 = tpu.vector_load %arg13[%parallel_loop3A_766] {strides = array<i32>} : memref<12288xf32, #tpu.memory_space<vmem>>, vector<16xf32>,
      %parallel_loop3A_768 = vector.extract_strided_slice %parallel_loop3A_391 {offsets = [15], sizes = [1], strides = [1]} : vector<16xf32> to vector<1xf32>
      %parallel_loop3A_769 = vector.extract %parallel_loop3A_768[0] : f32 from vector<1xf32>
      %parallel_loop3A_770 = vector.broadcast %parallel_loop3A_769 : f32 to vector<16xf32>
      %parallel_loop3A_771 = arith.mulf %parallel_loop3A_770, %parallel_loop3A_761 : vector<16xf32>
      %parallel_loop3A_772 = arith.addf %parallel_loop3A_681, %parallel_loop3A_771 : vector<16xf32>
      %parallel_loop3A_773 = vector.extract_strided_slice %parallel_loop3A_393 {offsets = [15], sizes = [1], strides = [1]} : vector<16xf32> to vector<1xf32>
      %parallel_loop3A_774 = vector.extract %parallel_loop3A_773[0] : f32 from vector<1xf32>
      %parallel_loop3A_775 = vector.broadcast %parallel_loop3A_774 : f32 to vector<16xf32>
      %parallel_loop3A_776 = arith.mulf %parallel_loop3A_775, %parallel_loop3A_767 : vector<16xf32>
      %parallel_loop3A_777 = arith.addf %parallel_loop3A_772, %parallel_loop3A_776 : vector<16xf32>
      scf.yield %parallel_loop3A_705, %parallel_loop3A_729, %parallel_loop3A_753, %parallel_loop3A_777 : vector<16xf32>, vector<16xf32>, vector<16xf32>, vector<16xf32>
    } {sc.loop_unroll_factor = 2 : i64, sc.parallel_access}
    %add3A_204 = arith.addf %parallel_loop3A_203#0, %parallel_loop3A_203#1 : vector<16xf32>
    %add3A_205 = arith.addf %parallel_loop3A_203#2, %parallel_loop3A_203#3 : vector<16xf32>
    %add3A_206 = arith.addf %add3A_204, %add3A_205 : vector<16xf32>
    %reduce_max3A_207 = arith.constant true
    %reduce_max3A_208 = vector.broadcast %reduce_max3A_207 : i1 to vector<16xi1>
    %reduce_max3A_209 = tpu.scan <max>, %add3A_206 masked %reduce_max3A_208 : vector<16xf32>, vector<16xi1> -> vector<16xf32>
    %reduce_max3A_210 = vector.extract %reduce_max3A_209[15] : f32 from vector<16xf32>
    %sub3A_211 = vector.broadcast %reduce_max3A_210 : f32 to vector<16xf32>
    %sub3A_212 = arith.subf %add3A_206, %sub3A_211 : vector<16xf32>
    %exp3A_213 = math.exp %sub3A_212 : vector<16xf32>
    %reduce_sum3A_214 = arith.constant true
    %reduce_sum3A_215 = vector.broadcast %reduce_sum3A_214 : i1 to vector<16xi1>
    %reduce_sum3A_216 = tpu.scan <sum>, %exp3A_213 masked %reduce_sum3A_215 : vector<16xf32>, vector<16xi1> -> vector<16xf32>
    %reduce_sum3A_217 = vector.extract %reduce_sum3A_216[15] : f32 from vector<16xf32>
    %add3A_218 = vector.broadcast %reduce_sum3A_217 : f32 to vector<16xf32>
    %add3A_219 = arith.addf %broadcast_in_dim3A_5, %add3A_218 : vector<16xf32>
    %div3A_220 = arith.constant 1.000000e+00 : f32
    %div3A_221 = vector.broadcast %div3A_220 : f32 to vector<16xf32>
    %div3A_222 = arith.divf %div3A_221, %add3A_219 : vector<16xf32>
    %mul3A_223 = arith.mulf %add3A_219, %div3A_222 : vector<16xf32>
    %sub3A_224 = arith.constant 2.000000e+00 : f32
    %sub3A_225 = vector.broadcast %sub3A_224 : f32 to vector<16xf32>
    %sub3A_226 = arith.subf %sub3A_225, %mul3A_223 : vector<16xf32>
    %mul3A_227 = arith.mulf %div3A_222, %sub3A_226 : vector<16xf32>
    %mul3A_228 = arith.mulf %add3A_219, %mul3A_227 : vector<16xf32>
    %sub3A_229 = arith.constant 2.000000e+00 : f32
    %sub3A_230 = vector.broadcast %sub3A_229 : f32 to vector<16xf32>
    %sub3A_231 = arith.subf %sub3A_230, %mul3A_228 : vector<16xf32>
    %mul3A_232 = arith.mulf %mul3A_227, %sub3A_231 : vector<16xf32>
    %mul3A_233 = arith.mulf %exp3A_213, %mul3A_232 : vector<16xf32>
    %jit3A_234 = arith.constant -3.000000e+01 : f32
    %jit3A_235 = arith.constant 3.000000e+01 : f32
    %max3A_236 = vector.broadcast %jit3A_234 : f32 to vector<16xf32>
    %max3A_237 = arith.maximumf %max3A_236, %mul3A_233 : vector<16xf32>
    %min3A_238 = vector.broadcast %jit3A_235 : f32 to vector<16xf32>
    %min3A_239 = arith.minimumf %min3A_238, %max3A_237 : vector<16xf32>
    %reduce_max3A_240 = arith.constant true
    %reduce_max3A_241 = vector.broadcast %reduce_max3A_240 : i1 to vector<16xi1>
    %reduce_max3A_242 = tpu.scan <max>, %min3A_239 masked %reduce_max3A_241 : vector<16xf32>, vector<16xi1> -> vector<16xf32>
    %reduce_max3A_243 = vector.extract %reduce_max3A_242[15] : f32 from vector<16xf32>
    %sub3A_244 = vector.broadcast %reduce_max3A_243 : f32 to vector<16xf32>
    %sub3A_245 = arith.subf %min3A_239, %sub3A_244 : vector<16xf32>
    %exp3A_246 = math.exp %sub3A_245 : vector<16xf32>
    %reduce_sum3A_247 = arith.constant true
    %reduce_sum3A_248 = vector.broadcast %reduce_sum3A_247 : i1 to vector<16xi1>
    %reduce_sum3A_249 = tpu.scan <sum>, %exp3A_246 masked %reduce_sum3A_248 : vector<16xf32>, vector<16xi1> -> vector<16xf32>
    %reduce_sum3A_250 = vector.extract %reduce_sum3A_249[15] : f32 from vector<16xf32>
    %add3A_251 = vector.broadcast %reduce_sum3A_250 : f32 to vector<16xf32>
    %add3A_252 = arith.addf %broadcast_in_dim3A_5, %add3A_251 : vector<16xf32>
    %div3A_253 = arith.constant 1.000000e+00 : f32
    %div3A_254 = vector.broadcast %div3A_253 : f32 to vector<16xf32>
    %div3A_255 = arith.divf %div3A_254, %add3A_252 : vector<16xf32>
    %mul3A_256 = arith.mulf %add3A_252, %div3A_255 : vector<16xf32>
    %sub3A_257 = arith.constant 2.000000e+00 : f32
    %sub3A_258 = vector.broadcast %sub3A_257 : f32 to vector<16xf32>
    %sub3A_259 = arith.subf %sub3A_258, %mul3A_256 : vector<16xf32>
    %mul3A_260 = arith.mulf %div3A_255, %sub3A_259 : vector<16xf32>
    %mul3A_261 = arith.mulf %add3A_252, %mul3A_260 : vector<16xf32>
    %sub3A_262 = arith.constant 2.000000e+00 : f32
    %sub3A_263 = vector.broadcast %sub3A_262 : f32 to vector<16xf32>
    %sub3A_264 = arith.subf %sub3A_263, %mul3A_261 : vector<16xf32>
    %mul3A_265 = arith.mulf %mul3A_260, %sub3A_264 : vector<16xf32>
    %mul3A_266 = arith.mulf %exp3A_246, %mul3A_265 : vector<16xf32>
    %reduce_max3A_267 = arith.constant true
    %reduce_max3A_268 = vector.broadcast %reduce_max3A_267 : i1 to vector<16xi1>
    %reduce_max3A_269 = tpu.scan <max>, %mul3A_266 masked %reduce_max3A_268 : vector<16xf32>, vector<16xi1> -> vector<16xf32>
    %reduce_max3A_270 = vector.extract %reduce_max3A_269[15] : f32 from vector<16xf32>
    %eq3A_271 = vector.broadcast %reduce_max3A_270 : f32 to vector<16xf32>
    %eq3A_272 = arith.cmpf oeq, %mul3A_266, %eq3A_271 : vector<16xf32>
    %jit3A_273 = arith.constant 16 : i32
    %broadcast_in_dim3A_274 = vector.broadcast %jit3A_273 : i32 to vector<16xi32>
    %select_n3A_275 = arith.select %eq3A_272, %iota3A, %broadcast_in_dim3A_274 : vector<16xi1>, vector<16xi32>
    %reduce_min3A_276 = arith.constant true
    %reduce_min3A_277 = vector.broadcast %reduce_min3A_276 : i1 to vector<16xi1>
    %reduce_min3A_278 = arith.constant -2147483648 : i32
    %reduce_min3A_279 = vector.broadcast %reduce_min3A_278 : i32 to vector<16xi32>
    %reduce_min3A_280 = arith.xori %select_n3A_275, %reduce_min3A_279 : vector<16xi32>
    %reduce_min3A_281 = tpu.scan <min>, %reduce_min3A_280 masked %reduce_min3A_277 : vector<16xi32>, vector<16xi1> -> vector<16xi32>
    %reduce_min3A_282 = arith.xori %reduce_min3A_281, %reduce_min3A_279 : vector<16xi32>
    %reduce_min3A_283 = vector.extract %reduce_min3A_282[15] : i32 from vector<16xi32>
    %eq3A_284 = vector.broadcast %reduce_min3A_283 : i32 to vector<16xi32>
    %eq3A_285 = arith.cmpi eq, %iota3A, %eq3A_284 : vector<16xi32>
    %jit3A_286 = arith.constant -1.000000e+30 : f32
    %broadcast_in_dim3A_287 = vector.broadcast %jit3A_286 : f32 to vector<16xf32>
    %select_n3A_288 = arith.select %eq3A_285, %broadcast_in_dim3A_287, %mul3A_266 : vector<16xi1>, vector<16xf32>
    %reduce_max3A_289 = arith.constant true
    %reduce_max3A_290 = vector.broadcast %reduce_max3A_289 : i1 to vector<16xi1>
    %reduce_max3A_291 = tpu.scan <max>, %select_n3A_288 masked %reduce_max3A_290 : vector<16xf32>, vector<16xi1> -> vector<16xf32>
    %reduce_max3A_292 = vector.extract %reduce_max3A_291[15] : f32 from vector<16xf32>
    %eq3A_293 = vector.broadcast %reduce_max3A_292 : f32 to vector<16xf32>
    %eq3A_294 = arith.cmpf oeq, %select_n3A_288, %eq3A_293 : vector<16xf32>
    %jit3A_295 = arith.constant 16 : i32
    %broadcast_in_dim3A_296 = vector.broadcast %jit3A_295 : i32 to vector<16xi32>
    %select_n3A_297 = arith.select %eq3A_294, %iota3A, %broadcast_in_dim3A_296 : vector<16xi1>, vector<16xi32>
    %reduce_min3A_298 = arith.constant true
    %reduce_min3A_299 = vector.broadcast %reduce_min3A_298 : i1 to vector<16xi1>
    %reduce_min3A_300 = arith.constant -2147483648 : i32
    %reduce_min3A_301 = vector.broadcast %reduce_min3A_300 : i32 to vector<16xi32>
    %reduce_min3A_302 = arith.xori %select_n3A_297, %reduce_min3A_301 : vector<16xi32>
    %reduce_min3A_303 = tpu.scan <min>, %reduce_min3A_302 masked %reduce_min3A_299 : vector<16xi32>, vector<16xi1> -> vector<16xi32>
    %reduce_min3A_304 = arith.xori %reduce_min3A_303, %reduce_min3A_301 : vector<16xi32>
    %reduce_min3A_305 = vector.extract %reduce_min3A_304[15] : i32 from vector<16xi32>
    %add3A_306 = arith.addf %reduce_max3A_270, %reduce_max3A_292 : f32
    %add3A_307 = arith.constant 9.99999997E-7 : f32
    %add3A_308 = arith.addf %add3A_306, %add3A_307 : f32
    %eq3A_309 = arith.constant 0 : i32
    %eq3A_310 = vector.broadcast %eq3A_309 : i32 to vector<16xi32>
    %eq3A_311 = arith.cmpi eq, %iota3A, %eq3A_310 : vector<16xi32>
    %eq3A_312 = arith.constant 1 : i32
    %eq3A_313 = vector.broadcast %eq3A_312 : i32 to vector<16xi32>
    %eq3A_314 = arith.cmpi eq, %iota3A, %eq3A_313 : vector<16xi32>
    %jit3A_315 = arith.constant 0.000000e+00 : f32
    %broadcast_in_dim3A_316 = vector.broadcast %reduce_max3A_292 : f32 to vector<16xf32>
    %broadcast_in_dim3A_317 = vector.broadcast %jit3A_315 : f32 to vector<16xf32>
    %select_n3A_318 = arith.select %eq3A_314, %broadcast_in_dim3A_316, %broadcast_in_dim3A_317 : vector<16xi1>, vector<16xf32>
    %broadcast_in_dim3A_319 = vector.broadcast %reduce_max3A_270 : f32 to vector<16xf32>
    %select_n3A_320 = arith.select %eq3A_311, %broadcast_in_dim3A_319, %select_n3A_318 : vector<16xi1>, vector<16xf32>
    %add3A_321 = vector.broadcast %add3A_308 : f32 to vector<16xf32>
    %add3A_322 = arith.addf %broadcast_in_dim3A_5, %add3A_321 : vector<16xf32>
    %div3A_323 = arith.constant 1.000000e+00 : f32
    %div3A_324 = vector.broadcast %div3A_323 : f32 to vector<16xf32>
    %div3A_325 = arith.divf %div3A_324, %add3A_322 : vector<16xf32>
    %mul3A_326 = arith.mulf %add3A_322, %div3A_325 : vector<16xf32>
    %sub3A_327 = arith.constant 2.000000e+00 : f32
    %sub3A_328 = vector.broadcast %sub3A_327 : f32 to vector<16xf32>
    %sub3A_329 = arith.subf %sub3A_328, %mul3A_326 : vector<16xf32>
    %mul3A_330 = arith.mulf %div3A_325, %sub3A_329 : vector<16xf32>
    %mul3A_331 = arith.mulf %add3A_322, %mul3A_330 : vector<16xf32>
    %sub3A_332 = arith.constant 2.000000e+00 : f32
    %sub3A_333 = vector.broadcast %sub3A_332 : f32 to vector<16xf32>
    %sub3A_334 = arith.subf %sub3A_333, %mul3A_331 : vector<16xf32>
    %mul3A_335 = arith.mulf %mul3A_330, %sub3A_334 : vector<16xf32>
    %mul3A_336 = arith.mulf %select_n3A_320, %mul3A_335 : vector<16xf32>
    %swap3A_337 = arith.constant 16 : index
    %swap3A_338 = tpu.vector_load %arg16[%swap3A_337] {strides = array<i32>} : memref<32xf32, #tpu.memory_space<vmem>>, vector<16xf32>,
    tpu.vector_store %arg16[%swap3A_337], %mul3A_266 {strides = array<i32>} : memref<32xf32, #tpu.memory_space<vmem>>, vector<16xf32>,
    %swap3A_339 = arith.constant 16 : index
    %swap3A_340 = tpu.vector_load %arg17[%swap3A_339] {strides = array<i32>} : memref<32xf32, #tpu.memory_space<vmem>>, vector<16xf32>,
    tpu.vector_store %arg17[%swap3A_339], %min3A_239 {strides = array<i32>} : memref<32xf32, #tpu.memory_space<vmem>>, vector<16xf32>,
    %swap3A_341 = arith.constant 16 : index
    %swap3A_342 = tpu.vector_load %arg18[%swap3A_341] {strides = array<i32>} : memref<32xf32, #tpu.memory_space<vmem>>, vector<16xf32>,
    tpu.vector_store %arg18[%swap3A_341], %mul3A_336 {strides = array<i32>} : memref<32xf32, #tpu.memory_space<vmem>>, vector<16xf32>,
    %eq3A_343 = arith.constant 0 : i32
    %eq3A_344 = vector.broadcast %eq3A_343 : i32 to vector<16xi32>
    %eq3A_345 = arith.cmpi eq, %iota3A, %eq3A_344 : vector<16xi32>
    %eq3A_346 = arith.constant 1 : i32
    %eq3A_347 = vector.broadcast %eq3A_346 : i32 to vector<16xi32>
    %eq3A_348 = arith.cmpi eq, %iota3A, %eq3A_347 : vector<16xi32>
    %jit3A_349 = arith.constant 0 : i32
    %broadcast_in_dim3A_350 = vector.broadcast %reduce_min3A_305 : i32 to vector<16xi32>
    %broadcast_in_dim3A_351 = vector.broadcast %jit3A_349 : i32 to vector<16xi32>
    %select_n3A_352 = arith.select %eq3A_348, %broadcast_in_dim3A_350, %broadcast_in_dim3A_351 : vector<16xi1>, vector<16xi32>
    %broadcast_in_dim3A_353 = vector.broadcast %reduce_min3A_283 : i32 to vector<16xi32>
    %select_n3A_354 = arith.select %eq3A_345, %broadcast_in_dim3A_353, %select_n3A_352 : vector<16xi1>, vector<16xi32>
    %swap3A_355 = arith.constant 16 : index
    %swap3A_356 = tpu.vector_load %arg19[%swap3A_355] {strides = array<i32>} : memref<32xi32, #tpu.memory_space<vmem>>, vector<16xi32>,
    tpu.vector_store %arg19[%swap3A_355], %select_n3A_354 {strides = array<i32>} : memref<32xi32, #tpu.memory_space<vmem>>, vector<16xi32>,
    %eq3A_357 = vector.broadcast %reduce_min3A_283 : i32 to vector<16xi32>
    %eq3A_358 = arith.cmpi eq, %iota3A, %eq3A_357 : vector<16xi32>
    %jit3A_359 = arith.constant 1.000000e+00 : f32
    %jit3A_360 = arith.constant 0.000000e+00 : f32
    %broadcast_in_dim3A_361 = vector.broadcast %jit3A_359 : f32 to vector<16xf32>
    %broadcast_in_dim3A_362 = vector.broadcast %jit3A_360 : f32 to vector<16xf32>
    %select_n3A_363 = arith.select %eq3A_358, %broadcast_in_dim3A_361, %broadcast_in_dim3A_362 : vector<16xi1>, vector<16xf32>
    %add3A_364 = arith.addf %add3A_199, %select_n3A_363 : vector<16xf32>
    %eq3A_365 = vector.broadcast %reduce_min3A_305 : i32 to vector<16xi32>
    %eq3A_366 = arith.cmpi eq, %iota3A, %eq3A_365 : vector<16xi32>
    %jit3A_367 = arith.constant 1.000000e+00 : f32
    %jit3A_368 = arith.constant 0.000000e+00 : f32
    %broadcast_in_dim3A_369 = vector.broadcast %jit3A_367 : f32 to vector<16xf32>
    %broadcast_in_dim3A_370 = vector.broadcast %jit3A_368 : f32 to vector<16xf32>
    %select_n3A_371 = arith.select %eq3A_366, %broadcast_in_dim3A_369, %broadcast_in_dim3A_370 : vector<16xi1>, vector<16xf32>
    %add3A_372 = arith.addf %add3A_364, %select_n3A_371 : vector<16xf32>
    %swap3A_373 = arith.constant 0 : index
    %swap3A_374 = tpu.vector_load %arg20[%swap3A_373] {strides = array<i32>} : memref<16xf32, #tpu.memory_space<vmem>>, vector<16xf32>,
    tpu.vector_store %arg20[%swap3A_373], %add3A_372 {strides = array<i32>} : memref<16xf32, #tpu.memory_space<vmem>>, vector<16xf32>,
    %mul3A_375 = arith.constant 2 : i32
    %mul3A_376 = arith.muli %add3A, %mul3A_375 : i32
    %mul3A_377 = arith.constant 16 : i32
    %mul3A_378 = arith.muli %mul3A_376, %mul3A_377 : i32
    "tpu.region"() ({
      %run_scoped3A = tpu.sem_alloc : memref<!tpu.dma_semaphore, #tpu.memory_space<semaphore_mem>>
      %dma_start3A_381 = tpu.memref_slice %arg4[%mul3A_378] : memref<1024xf32, #tpu.memory_space<hbm>> -> memref<32xf32, #tpu.memory_space<hbm>>
      %dma_start3A_382 = tpu.memref_slice %arg4[%mul3A_378] : memref<1024xf32, #tpu.memory_space<hbm>> -> memref<32xf32, #tpu.memory_space<hbm>>
      tpu.enqueue_dma source(%arg16 : memref<32xf32, #tpu.memory_space<vmem>>) target(%dma_start3A_382 : memref<32xf32, #tpu.memory_space<hbm>>) target_semaphore(%run_scoped3A : memref<!tpu.dma_semaphore, #tpu.memory_space<semaphore_mem>>)
      %dma_wait3A = tpu.memref_slice %arg4[%mul3A_378] : memref<1024xf32, #tpu.memory_space<hbm>> -> memref<32xf32, #tpu.memory_space<hbm>>
      %dma_wait3A_383 = tpu.memref_slice %arg4[%mul3A_378] : memref<1024xf32, #tpu.memory_space<hbm>> -> memref<32xf32, #tpu.memory_space<hbm>>
      tpu.wait_dma2 semaphore(%run_scoped3A : memref<!tpu.dma_semaphore, #tpu.memory_space<semaphore_mem>>) src(%arg16 : memref<32xf32, #tpu.memory_space<vmem>>) dst(%dma_wait3A_383 : memref<32xf32, #tpu.memory_space<hbm>>)
      tpu.yield
    }) : () -> ()
    "tpu.region"() ({
      %run_scoped3A = tpu.sem_alloc : memref<!tpu.dma_semaphore, #tpu.memory_space<semaphore_mem>>
      %dma_start3A_381 = tpu.memref_slice %arg5[%mul3A_378] : memref<1024xf32, #tpu.memory_space<hbm>> -> memref<32xf32, #tpu.memory_space<hbm>>
      %dma_start3A_382 = tpu.memref_slice %arg5[%mul3A_378] : memref<1024xf32, #tpu.memory_space<hbm>> -> memref<32xf32, #tpu.memory_space<hbm>>
      tpu.enqueue_dma source(%arg17 : memref<32xf32, #tpu.memory_space<vmem>>) target(%dma_start3A_382 : memref<32xf32, #tpu.memory_space<hbm>>) target_semaphore(%run_scoped3A : memref<!tpu.dma_semaphore, #tpu.memory_space<semaphore_mem>>)
      %dma_wait3A = tpu.memref_slice %arg5[%mul3A_378] : memref<1024xf32, #tpu.memory_space<hbm>> -> memref<32xf32, #tpu.memory_space<hbm>>
      %dma_wait3A_383 = tpu.memref_slice %arg5[%mul3A_378] : memref<1024xf32, #tpu.memory_space<hbm>> -> memref<32xf32, #tpu.memory_space<hbm>>
      tpu.wait_dma2 semaphore(%run_scoped3A : memref<!tpu.dma_semaphore, #tpu.memory_space<semaphore_mem>>) src(%arg17 : memref<32xf32, #tpu.memory_space<vmem>>) dst(%dma_wait3A_383 : memref<32xf32, #tpu.memory_space<hbm>>)
      tpu.yield
    }) : () -> ()
    "tpu.region"() ({
      %run_scoped3A = tpu.sem_alloc : memref<!tpu.dma_semaphore, #tpu.memory_space<semaphore_mem>>
      %dma_start3A_381 = tpu.memref_slice %arg6[%mul3A_378] : memref<1024xf32, #tpu.memory_space<hbm>> -> memref<32xf32, #tpu.memory_space<hbm>>
      %dma_start3A_382 = tpu.memref_slice %arg6[%mul3A_378] : memref<1024xf32, #tpu.memory_space<hbm>> -> memref<32xf32, #tpu.memory_space<hbm>>
      tpu.enqueue_dma source(%arg18 : memref<32xf32, #tpu.memory_space<vmem>>) target(%dma_start3A_382 : memref<32xf32, #tpu.memory_space<hbm>>) target_semaphore(%run_scoped3A : memref<!tpu.dma_semaphore, #tpu.memory_space<semaphore_mem>>)
      %dma_wait3A = tpu.memref_slice %arg6[%mul3A_378] : memref<1024xf32, #tpu.memory_space<hbm>> -> memref<32xf32, #tpu.memory_space<hbm>>
      %dma_wait3A_383 = tpu.memref_slice %arg6[%mul3A_378] : memref<1024xf32, #tpu.memory_space<hbm>> -> memref<32xf32, #tpu.memory_space<hbm>>
      tpu.wait_dma2 semaphore(%run_scoped3A : memref<!tpu.dma_semaphore, #tpu.memory_space<semaphore_mem>>) src(%arg18 : memref<32xf32, #tpu.memory_space<vmem>>) dst(%dma_wait3A_383 : memref<32xf32, #tpu.memory_space<hbm>>)
      tpu.yield
    }) : () -> ()
    "tpu.region"() ({
      %run_scoped3A = tpu.sem_alloc : memref<!tpu.dma_semaphore, #tpu.memory_space<semaphore_mem>>
      %dma_start3A_381 = tpu.memref_slice %arg7[%mul3A_378] : memref<1024xi32, #tpu.memory_space<hbm>> -> memref<32xi32, #tpu.memory_space<hbm>>
      %dma_start3A_382 = tpu.memref_slice %arg7[%mul3A_378] : memref<1024xi32, #tpu.memory_space<hbm>> -> memref<32xi32, #tpu.memory_space<hbm>>
      tpu.enqueue_dma source(%arg19 : memref<32xi32, #tpu.memory_space<vmem>>) target(%dma_start3A_382 : memref<32xi32, #tpu.memory_space<hbm>>) target_semaphore(%run_scoped3A : memref<!tpu.dma_semaphore, #tpu.memory_space<semaphore_mem>>)
      %dma_wait3A = tpu.memref_slice %arg7[%mul3A_378] : memref<1024xi32, #tpu.memory_space<hbm>> -> memref<32xi32, #tpu.memory_space<hbm>>
      %dma_wait3A_383 = tpu.memref_slice %arg7[%mul3A_378] : memref<1024xi32, #tpu.memory_space<hbm>> -> memref<32xi32, #tpu.memory_space<hbm>>
      tpu.wait_dma2 semaphore(%run_scoped3A : memref<!tpu.dma_semaphore, #tpu.memory_space<semaphore_mem>>) src(%arg19 : memref<32xi32, #tpu.memory_space<vmem>>) dst(%dma_wait3A_383 : memref<32xi32, #tpu.memory_space<hbm>>)
      tpu.yield
    }) : () -> ()
    %mul3A_379 = arith.constant 16 : i32
    %mul3A_380 = arith.muli %add3A, %mul3A_379 : i32
    "tpu.region"() ({
      %run_scoped3A = tpu.sem_alloc : memref<!tpu.dma_semaphore, #tpu.memory_space<semaphore_mem>>
      %dma_start3A_381 = tpu.memref_slice %arg8[%mul3A_380] : memref<512xf32, #tpu.memory_space<hbm>> -> memref<16xf32, #tpu.memory_space<hbm>>
      %dma_start3A_382 = tpu.memref_slice %arg8[%mul3A_380] : memref<512xf32, #tpu.memory_space<hbm>> -> memref<16xf32, #tpu.memory_space<hbm>>
      tpu.enqueue_dma source(%arg20 : memref<16xf32, #tpu.memory_space<vmem>>) target(%dma_start3A_382 : memref<16xf32, #tpu.memory_space<hbm>>) target_semaphore(%run_scoped3A : memref<!tpu.dma_semaphore, #tpu.memory_space<semaphore_mem>>)
      %dma_wait3A = tpu.memref_slice %arg8[%mul3A_380] : memref<512xf32, #tpu.memory_space<hbm>> -> memref<16xf32, #tpu.memory_space<hbm>>
      %dma_wait3A_383 = tpu.memref_slice %arg8[%mul3A_380] : memref<512xf32, #tpu.memory_space<hbm>> -> memref<16xf32, #tpu.memory_space<hbm>>
      tpu.wait_dma2 semaphore(%run_scoped3A : memref<!tpu.dma_semaphore, #tpu.memory_space<semaphore_mem>>) src(%arg20 : memref<16xf32, #tpu.memory_space<vmem>>) dst(%dma_wait3A_383 : memref<16xf32, #tpu.memory_space<hbm>>)
      tpu.yield
    }) : () -> ()
    return
  }
}

</mosaic_0001>

<sc_bundles>
// kernel: kernel.3.cloned.1.call-start
scs
__scs_entry_jumppad:
0x0: {  	(pc) =	sbr.rel $0x88, $3  }
0x1: {  	(tag) =	ssettag $0x0;
	lr =	simm.s32 $0x1  }
0x2: {  	[smem:$0x3F9F] =	sst lr;
	_ =	strace $0xD0000000  }
0x3: {  	_ = 	snop  }
0x4: {  	_ = 	snop  }
0x5: {  	_ = 	snop  }
0x6: {  	_ = 	snop  }
0x7: {  	_ = 	snop  }
__scs_overlays_trampoline_lowered:
0x8: {  	[smem:$0x3FAE] =	sst s0  }
0x9: {  	[smem:$0x3FAF] =	sst s1  }
0xa: {  	[smem:$0x3FB0] =	sst s2  }
0xb: {  	[smem:$0x3FB1] =	sst s3  }
0xc: {  	[smem:$0x3FB2] =	sst s4  }
0xd: {  	[smem:$0x3FB3] =	sst s5  }
0xe: {  	[smem:$0x3FB4] =	sst s6  }
0xf: {  	[smem:$0x3FB5] =	sst s7  }
0x10: {  	[smem:$0x3FB6] =	sst s8  }
0x11: {  	[smem:$0x3FB7] =	sst s9;
	s0 =	simm.s32 @!p0 $0x0  }
0x12: {  	s1 =	sld [smem:$0x3F9D];
	s0 =	simm.s32 @p0 $0x1  }
0x13: {  	[smem:$0x3FB8] =	sst s0;
	s0 =	simm.s32 @!p1 $0x0  }
0x14: {  	s2 =	sld [smem:$0x3F9C];
	s0 =	simm.s32 @p1 $0x1  }
0x15: {  	[smem:$0x3FB9] =	sst s0;
	s0 =	simm.s32 @!p2 $0x0  }
0x16: {  	s3 =	sld [smem:$0x3FDB];
	s0 =	simm.s32 @p2 $0x1  }
0x17: {  	s4 =	simm.s32 $0x1BF5;
	[smem:$0x3FBB] =	sst s0  }
0x18: {  	s0 =	sld [smem:$0x3F9E];
	_ =	swait.ge [sflag:s4], $0x0  }
0x19: {  	s7 =	sld [smem:$0x3F9F]  }
0x1a: {  	s8 =	sadd.s32 $0xFFFFE003, lr  }
0x1b: {  	s9 =	sadd.s32 $0xFFFFFEF7, lr;
	s5 =	simm.s32 $0xFFFFFFFF;
	p2 =	slt.u32 s8, $0xFFFFF086  }
0x1c: {  	p1 =	slt.u32 s9, $0xF7A;
	s5 =	simm.s32 @!p2 $0x0  }
0x1d: {  	s5 =	simm.s32 @p1 $0x1;
	p0 =	seq.s32 s7, s2  }
0x1e: {  	s7 =	smul.u32 @!p0 $0xF7A, s2;
	p2 =	seq.s32 @!p0 s5, $0x0  }
0x1f: {  	s9 =	smul.u32 $0xF7A, s1;
	s8 =	simm.s32 @!p0 $0x1BF5;
	p2 =	por !p2, p0  }
0x20: {  	[sflag:s8] =	ssyncset.s32 @!p0 $0xFFFFF086;
	s6 =	sadd.s32 @!p0 s3, s7;
	s7 =	simm.s32 @!p0 $0x108  }
0x21: {  	s3 =	sadd.s32 s3, s9;
	s6 =	sadd.s32 @!p0 $0x88, s6;
	s7 =	simm.s32 @p2 $0x1082  }
0x22: {  	[simem:s7], [sflag:s8] =	dma.local @!p0 [hbm:s6], $0xF7A  }
0x23: {  	s9 =	sor.u32 $0xD0000000, s2;
	s6 =	simm.s32 $0x108;
	_ =	swait.ge @!p0 [sflag:s8], $0x0  }
0x24: {  	s3 =	sadd.s32 $0x88, s3;
	s6 =	simm.s32 @!p1 $0x1082;
	[sflag:s4] =	ssyncset.s32 $0xFFFFF086  }
0x25: {  	[simem:s6], [sflag:s4] =	dma.local [hbm:s3], $0xF7A  }
0x26: {  	[smem:$0x3F9F] =	sst s1;
	(tag) =	ssettag s2;
	_ =	strace s9  }
0x27: {  	s1 =	sld [smem:$0x3FAF]  }
0x28: {  	s2 =	sld [smem:$0x3FB0]  }
0x29: {  	s4 =	sld [smem:$0x3FB2]  }
0x2a: {  	p0 =	seq.s32 s5, $0x0;
	s5 =	sld [smem:$0x3FB3]  }
0x2b: {  	s6 =	sld [smem:$0x3FB4]  }
0x2c: {  	s7 =	sld [smem:$0x3FB5]  }
0x2d: {  	s3 =	simm.s32 $0x108;
	s8 =	sld [smem:$0x3FB6]  }
0x2e: {  	s3 =	simm.s32 @!p0 $0x1082;
	s9 =	sld [smem:$0x3FB7]  }
0x2f: {  	lr =	sadd.s32 s0, s3;
	s0 =	sld [smem:$0x3FAE]  }
0x30: {  	s3 =	sld [smem:$0x3FB1]  }
0x31: {  	[smem:$0x3FBA] =	sst s10  }
0x32: {  	s10 =	sld [smem:$0x3FB8];
	_ =	sdelay $0x3  }
0x33: {  	p0 =	seq.s32 s10, $0x1;
	s10 =	sld [smem:$0x3FBA];
	_ =	sdelay $0x3  }
0x34: {  	[smem:$0x3FBA] =	sst s10  }
0x35: {  	s10 =	sld [smem:$0x3FB9];
	_ =	sdelay $0x3  }
0x36: {  	p1 =	seq.s32 s10, $0x1;
	s10 =	sld [smem:$0x3FBA];
	_ =	sdelay $0x3  }
0x37: {  	[smem:$0x3FBA] =	sst s10  }
0x38: {  	s10 =	sld [smem:$0x3FBB]  }
0x39: {  	_ = 	snop;
	(pc) =	sbr.ind lr, $3  }
0x3a: {  	_ = 	snop  }
0x3b: {  	_ = 	snop  }
0x3c: {  	p2 =	seq.s32 s10, $0x1;
	s10 =	sld [smem:$0x3FBA]  }
0x3d: {  	_ =	shalt  }
0x3e: {  	_ =	shalt  }
0x3f: {  	_ =	shalt  }
0x40: {  	_ =	shalt  }
0x41: {  	_ =	shalt  }
0x42: {  	_ =	shalt  }
0x43: {  	_ =	shalt  }
0x44: {  	_ =	shalt  }
0x45: {  	_ =	shalt  }
0x46: {  	_ =	shalt  }
0x47: {  	_ =	shalt  }
0x48: {  	_ =	shalt  }
0x49: {  	_ =	shalt  }
0x4a: {  	_ =	shalt  }
0x4b: {  	_ =	shalt  }
0x4c: {  	_ =	shalt  }
0x4d: {  	_ =	shalt  }
0x4e: {  	_ =	shalt  }
0x4f: {  	_ =	shalt  }
0x50: {  	_ =	shalt  }
0x51: {  	_ =	shalt  }
0x52: {  	_ =	shalt  }
0x53: {  	_ =	shalt  }
0x54: {  	_ =	shalt  }
0x55: {  	_ =	shalt  }
0x56: {  	_ =	shalt  }
0x57: {  	_ =	shalt  }
0x58: {  	_ =	shalt  }
0x59: {  	_ =	shalt  }
0x5a: {  	_ =	shalt  }
0x5b: {  	_ =	shalt  }
0x5c: {  	_ =	shalt  }
0x5d: {  	_ =	shalt  }
0x5e: {  	_ =	shalt  }
0x5f: {  	_ =	shalt  }
0x60: {  	_ =	shalt  }
0x61: {  	_ =	shalt  }
0x62: {  	_ =	shalt  }
0x63: {  	_ =	shalt  }
0x64: {  	_ =	shalt  }
0x65: {  	_ =	shalt  }
0x66: {  	_ =	shalt  }
0x67: {  	_ =	shalt  }
0x68: {  	_ =	shalt  }
0x69: {  	_ =	shalt  }
0x6a: {  	_ =	shalt  }
0x6b: {  	_ =	shalt  }
0x6c: {  	_ =	shalt  }
0x6d: {  	_ =	shalt  }
0x6e: {  	_ =	shalt  }
0x6f: {  	_ =	shalt  }
0x70: {  	_ =	shalt  }
0x71: {  	_ =	shalt  }
0x72: {  	_ =	shalt  }
0x73: {  	_ =	shalt  }
0x74: {  	_ =	shalt  }
0x75: {  	_ =	shalt  }
0x76: {  	_ =	shalt  }
0x77: {  	_ =	shalt  }
0x78: {  	_ =	shalt  }
0x79: {  	_ =	shalt  }
0x7a: {  	_ =	shalt  }
0x7b: {  	_ =	shalt  }
0x7c: {  	_ =	shalt  }
0x7d: {  	_ =	shalt  }
0x7e: {  	_ =	shalt  }
0x7f: {  	_ =	shalt  }
0x80: {  	_ =	shalt  }
0x81: {  	_ =	shalt  }
0x82: {  	_ =	shalt  }
0x83: {  	_ =	shalt  }
0x84: {  	_ =	shalt  }
0x85: {  	_ =	shalt  }
0x86: {  	_ =	shalt  }
0x87: {  	_ =	shalt  }
.Lfunc_end0:
.L_simem_size_0:
called_computation_lowered:
.L_overlay_start_0:
0x88: {  	s2 =	sld [smem:$0x3FD9]  }
0x89: {  	s3 =	sld [smem:$0x3FFE];
	_ =	sdelay $0x1  }
0x8a: {  	s1 =	srdreg.scid  }
0x8b: {  	s0 =	sand.u32 $0x1, s1  }
0x8c: {  	s14 =	sshll.u32 s0, $0xA;
	s2 =	sadd.s32 s3, s2  }
0x8d: {  	s2 =	sadd.s32 s2, s14  }
0x8e: {  	[smem:$0x3FC6] =	sst s2  }
0x8f: {  	_ = 	snop  }
0x90: {  	s2 =	sld [smem:$0x3FD0];
	_ =	sdelay $0x2  }
0x91: {  	s4 =	simm.s32 $0xA;
	s5 =	simm.s32 $0x10;
	s15 =	sld [smem:$0x3FC9]  }
0x92: {  	[smem:s5], [sflag:s4] =	dma.local [hbm:s2], $0x1  }
0x93: {  	_ =	swait.eq [sflag:s4], $0x1  }
0x94: {  	[sflag:s4] =	ssyncset.done $0x0  }
0x95: {  	s16 =	sld [smem:$0x12];
	[sflag:s4] =	ssyncadd.s32 $0xFFFFFFFF  }
0x96: {  	s17 =	sld [smem:$0x13];
	(tm) =	ssettm $0x1  }
0x97: {  	s18 =	sld [smem:$0x3FFB];
	_ =	sdelay $0x3  }
0x98: {  	_ =	strace s18  }
0x99: {  	s5 =	sld [smem:$0x3FFC];
	_ =	sdelay $0x3  }
0x9a: {  	_ =	strace s5  }
0x9b: {  	s5 =	sld [smem:$0x3FFD];
	_ =	sdelay $0x3  }
0x9c: {  	_ =	strace s5  }
0x9d: {  	_ =	strace $0x8FFFFFFF  }
0x9e: {  	s19 =	sld [smem:$0x3FDB];
	_ =	sdelay $0x1  }
0x9f: {  	s6 =	simm.s32 $_scs_section_size  }
0xa0: {  	s7 =	simm.s32 $_size__tile_overlayer_lowered;
	s8 =	simm.s32 $_tile_overlayer_lowered  }
0xa1: {  	s22 =	simm.s32 $0x1BFF;
	s21 =	sshll.u32 s8, $0x1;
	s5 =	sadd.s32 s6, s19  }
0xa2: {  	s9 =	simm.s32 $0x0;
	s20 =	sshll.u32 s7, $0x1;
	s7 =	sadd.s32 s21, s5  }
0xa3: {  	[timem:s9], [sflag:s22] =	dma.local [hbm:s7], s20  }
0xa4: {  	_ =	swait.ge [sflag:s22], s20  }
0xa5: {  	s6 =	ssub.s32 $0x0, s20;
	[sflag:s22] =	ssyncset.done $0x0  }
0xa6: {  	[sflag:s22] =	ssyncadd.s32 s6;
	_ =	sdelay $0x1  }
0xa7: {  	s23 =	simm.s32 $0x1B8B  }
0xa8: {  	_ =	swait.ge [sflag:s23], $0x1  }
0xa9: {  	[sflag:s23] =	ssyncset.done $0x0  }
0xaa: {  	s25 =	simm.s32 $0x1B8E;
	s24 =	sld [smem:$0x3FFE];
	[sflag:s23] =	ssyncadd.s32 $0xFFFFFFFF  }
0xab: {  	s26 =	simm.s32 $execute0_lowered;
	[smem:$0x3FD2] =	sst s25  }
0xac: {  	s7 =	sshll.u32 s26, $0x1;
	_ =	strace $0x80000046;
	[dreg:$0x1] =	wrdreg $0xFFFFFFFF  }
0xad: {  	s28 =	simm.s32 $_size_execute0_lowered;
	s5 =	sadd.s32 s5, s7;
	[dreg:$0x0] =	wrdreg $0x0  }
0xae: {  	s7 =	sshll.u32 s28, $0x1;
	[dreg:$0x2] =	wrdreg s5  }
0xaf: {  	[dreg:$0x3] =	wrdreg s7  }
0xb0: {  	[dreg:$0x4] =	wrdreg $0xC0  }
0xb1: {  	_ =	task [dreg:s9], $0x5FFFF  }
0xb2: {  	[dreg:$0x1] =	wrdreg $0xFFFFFFFF  }
0xb3: {  	[dreg:$0x0] =	wrdreg $0x60  }
0xb4: {  	[dreg:$0x2] =	wrdreg s15  }
0xb5: {  	[dreg:$0x3] =	wrdreg s24  }
0xb6: {  	[dreg:$0x4] =	wrdreg s17  }
0xb7: {  	[dreg:$0x5] =	wrdreg s16  }
0xb8: {  	[dreg:$0x6] =	wrdreg $0x9  }
0xb9: {  	_ =	task.clear_ibuf [dreg:s9], $0x7FFFF;
	_ =	strace $0x90000046  }
0xba: {  	s29 =	simm.s32 $0x9;
	_ =	strace $0x80000048  }
0xbb: {  	_ =	swait.ge [sflag:s29], $0x1  }
0xbc: {  	[sflag:s29] =	ssyncadd.s32 $0xFFFFFFFF  }
0xbd: {  	_ =	strace $0x90000048  }
0xbe: {  	_ =	sfence  }
0xbf: {  	s30 =	sld [smem:$0x0];
	_ =	sdelay $0x2  }
0xc0: {  	s31 =	sshll.u32 s1, $0xD;
	s1 =	sshrl.u32 s1, $0x2  }
0xc1: {  	s3 =	sand.u32 $0x4000, s31;
	s1 =	sadd.s32 s1, s30  }
0xc2: {  	s0 =	sor.u32 s3, s0;
	s1 =	sshll.u32 s1, $0x11  }
0xc3: {  	s0 =	sor.u32 s1, s0  }
0xc4: {  	s0 =	sadd.s32 $0x8F2B, s0  }
0xc5: {  	[sflag:s0] =	ssyncadd.remote.s32 $0x1  }
0xc6: {  	_ =	sfence.sel $0xFFFF  }
0xc7: {  	[dreg:$0x0] =	wrdreg $0xFFFFFFFF;
	(pc) =	sbr.abs _section_cstart, $3  }
0xc8: {  	[dreg:$0x1] =	wrdreg $0xFFFFFFFF  }
0xc9: {  	_ =	task.clear_ibuf [dreg:s9], $0x2FFFF;
	_ =	strace $0x9FFFFFFF  }
0xca: {  	(tm) =	ssettm $0x7FFFFFFF  }
0xcb: {  	_ =	shalt  }
tec
execute0_lowered:
.L_overlay_start_1:
0x0: {  	(tag) =	ssettag $0x1  }
0x1: {  	s10 =	rddreg [dreg:$0x0]  }
0x2: {  	s0 =	rddreg [dreg:$0x1]  }
0x3: {  	s1 =	rddreg [dreg:$0x2];
	s2 =	srdreg.scid  }
0x4: {  	s4 =	stileid.u32;
	s3 =	rddreg [dreg:$0x3]  }
0x5: {  	s11 =	simm.s32 $0x0;
	s2 =	sand.u32 $0x1, s2;
	s4 =	sshll.u32 s4, $0x1  }
0x6: {  	[smem:$0x7FF] =	sst s11;
	s4 =	sor.u32 s2, s4  }
0x7: {  	s6 =	sadd.s32 $0x600, s0;
	_ =	strace $0x80000047;
	s19 =	sshll.u32 s4, $0x2  }
0x8: {  	[dreg:$0x12] =	wrdreg s6;
	s5 =	smul.u32 $0xC0000, s4;
	s1 =	sadd.s32 s1, s19  }
0x9: {  	s29 =	sadd.s32 s3, s19;
	[dreg:$0x1b] =	wrdreg s1  }
0xa: {  	s23 =	sor.u32 $0xC000, s5;
	[dreg:$0x1d] =	wrdreg s29  }
0xb: {  	s2 =	ssub.s32 $0x2, s2;
	s24 =	sor.u32 $0xF000, s5;
	[dreg:$0x17] =	wrdreg s23  }
0xc: {  	s4 =	sshll.u32 s4, $0x1;
	s25 =	sor.u32 $0x12000, s5;
	[dreg:$0x18] =	wrdreg s24  }
0xd: {  	s7 =	sadd.s32 s19, s0;
	s26 =	sor.u32 $0x15000, s5;
	[dreg:$0x19] =	wrdreg s25  }
0xe: {  	s9 =	sshrl.u32 s2, $0x1;
	s28 =	sadd.s32 $0x1000, s7;
	[dreg:$0x1a] =	wrdreg s26  }
0xf: {  	s0 =	sadd.s32 s4, s0;
	s30 =	sadd.s32 $0xE00, s7;
	[dreg:$0x1c] =	wrdreg s28  }
0x10: {  	s2 =	ssub.s32 s2, s9;
	s0 =	sadd.s32 $0xC00, s0;
	[dreg:$0x1e] =	wrdreg s30  }
0x11: {  	s8 =	sshrl.u32 s5, $0x3;
	s31 =	smax.u32 s2, $0x1;
	[dreg:$0x1f] =	wrdreg s0  }
0x12: {  	s8 =	sadd.s32 s10, s8;
	[smem:$0x7FD] =	sst s31  }
0x13: {  	s20 =	sadd.s32 $0x600, s8;
	[dreg:$0x13] =	wrdreg s8  }
0x14: {  	s21 =	sadd.s32 $0xC00, s8;
	[dreg:$0x14] =	wrdreg s20  }
0x15: {  	v8 =	vimm.f32 $0.0e+00;
	s22 =	sadd.s32 $0x1200, s8;
	[dreg:$0x15] =	wrdreg s21  }
0x16: {  	v58 =	vlaneseq.u32;
	vm0 =	vcmask $0x704;
	vm1 =	vcmask $0x3F04;
	s2 =	simm.s32 $0x5;
	s1 =	simm.s32 $0x0;
	[dreg:$0x16] =	wrdreg s22  }
.LBB2_1:
0x17: {  	[smem:$0x7FC] =	sst s1  }
0x18: {  	s0 =	rddreg [dreg:$0x12];
	s31 =	simm.s32 $0xC000  }
0x19: {  	[tilespmem:s31], [sflag:$0x5] =	stream.linear.gather [hbm4b:s0+s11], $0x3000, $0x38;
	[tilespmem:$0xF880] =	vst v63  }
0x1a: {  	_ =	swait.ge [sflag:s2], $0x3000  }
0x1b: {  	[sflag:s2] =	ssyncset.done $0x0  }
0x1c: {  	s1 =	simm.s32 $0x0;
	s0 =	simm.s32 $0x40;
	[sflag:s2] =	ssyncadd.s32 $0xFFFFD000  }
.LBB2_2:
0x1d: {  	p0 =	sne.s32 s0, $0xBC0;
	[tilespmem:s1+$0xF000] =	vst v8;
	s2 =	smov.u32 s0;
	s0 =	sadd.s32 $0x40, s0  }
.Ltmp0:
0x1e: {  	[tilespmem:s1+$0xF300] =	vst v8;
	(pc) =	sbr.rel @p0 .LBB2_2-.Ltmp0, $2  }
0x1f: {  	_ =	sdelay $0x2  }
0x20: {  	s1 =	sshra.s32 s2, $0x2  }
0x21: {  	[tilespmem:s1+$0xF000] =	vst v8  }
0x22: {  	[tilespmem:s1+$0xF300] =	vst v8;
	s2 =	simm.s32 $0x0;
	s0 =	rddreg [dreg:$0x13]  }
0x23: {  	[tilespmem:s2], [sflag:$0x1] =	stream.linear.gather [hbm4b:s0+s2], $0x3000, $0x38;
	[tilespmem:$0xF880] =	vst v63  }
0x24: {  	s25 =	rddreg [dreg:$0x14];
	s26 =	simm.s32 $0x3000  }
0x25: {  	[tilespmem:s26], [sflag:$0x2] =	stream.linear.gather [hbm4b:s25+s2], $0x3000, $0x38;
	[tilespmem:$0xF880] =	vst v63  }
0x26: {  	s28 =	rddreg [dreg:$0x15];
	s29 =	simm.s32 $0x6000  }
0x27: {  	[tilespmem:s29], [sflag:$0x3] =	stream.linear.gather [hbm4b:s28+s2], $0x3000, $0x38;
	[tilespmem:$0xF880] =	vst v63  }
0x28: {  	s30 =	rddreg [dreg:$0x16];
	s31 =	simm.s32 $0x9000;
	s11 =	simm.s32 $0x0  }
0x29: {  	[tilespmem:s31], [sflag:$0x4] =	stream.linear.gather [hbm4b:s30+s2], $0x3000, $0x38;
	[tilespmem:$0xF880] =	vst v63  }
.LBB2_4:
0x2a: {  	s1 =	simm.s32 $0x1;
	s0 =	simm.s32 $0x0  }
0x2b: {  	_ =	swait.ge [sflag:s1], $0x3000;
	s2 =	sand.u32 $0xC00, s0;
	s0 =	sand.u32 $0x60, s0  }
0x2c: {  	[sflag:s1] =	ssyncset.done $0x0;
	s6 =	sadd.s32 $0x2600, s2;
	s26 =	sor.u32 $0x10, s0  }
0x2d: {  	s4 =	sadd.s32 $0x2680, s2;
	[sflag:s1] =	ssyncadd.s32 $0xFFFFD000;
	s9 =	sor.u32 s26, s6  }
0x2e: {  	s14 =	sadd.s32 $0x2400, s2;
	s10 =	sor.u32 s26, s4;
	v2 =	vld [tilespmem:s9+$0x0]  }
0x2f: {  	s5 =	sadd.s32 $0x2480, s2;
	s3 =	sor.u32 s26, s14;
	v3 =	vld [tilespmem:s10+$0x0]  }
0x30: {  	s7 =	sadd.s32 $0x1A00, s2;
	s12 =	sor.u32 s26, s5;
	v4 =	vld [tilespmem:s3+$0x0]  }
0x31: {  	s8 =	sor.u32 s26, s7;
	s3 =	sadd.s32 $0x1A80, s2;
	v5 =	vld [tilespmem:s12+$0x0]  }
0x32: {  	s15 =	sshrl.u32 s11, $0x3;
	s12 =	sadd.s32 $0x1800, s2;
	v13 =	vld [tilespmem:s8+$0x0];
	s13 =	sor.u32 s26, s3  }
0x33: {  	s9 =	sadd.s32 $0x1880, s2;
	s10 =	sor.u32 s26, s12;
	v6 =	vld [tilespmem:s13+$0x0];
	[smem:$0x7FB] =	sst s11  }
0x34: {  	s8 =	sadd.s32 $0xE00, s2;
	s16 =	sor.u32 s26, s9;
	s13 =	smul.u32 $0x180, s15;
	v14 =	vld [tilespmem:s10+$0x0]  }
0x35: {  	s17 =	sor.u32 s26, s8;
	s11 =	sadd.s32 $0xE80, s2;
	v15 =	vld [tilespmem:s16+$0x0]  }
0x36: {  	s20 =	sadd.s32 $0xC80, s2;
	v16 =	vld [tilespmem:s17+$0x0];
	s18 =	sor.u32 s26, s11;
	[dreg:$0x5] =	wrdreg s13  }
0x37: {  	s23 =	sor.u32 s26, s20;
	v17 =	vld [tilespmem:s18+$0x0]  }
0x38: {  	s24 =	sor.u32 s26, s2;
	v20 =	vld [tilespmem:s23+$0x0]  }
0x39: {  	v8 =	vld [tilespmem:s24+$0x80]  }
0x3a: {  	v9 =	vld [tilespmem:s24+$0x100]  }
0x3b: {  	v10 =	vld [tilespmem:s24+$0x180]  }
0x3c: {  	v26 =	vld [tilespmem:s24+$0x200]  }
0x3d: {  	v11 =	vld [tilespmem:s24+$0x280]  }
0x3e: {  	s19 =	sadd.s32 $0x0, s13;
	v31 =	vmul.f32 v3, v3;
	v32 =	vmul.f32 v4, v4;
	v34 =	vld [tilespmem:s24+$0x0]  }
0x3f: {  	s29 =	sand.u32 $0x380, s19;
	v33 =	vmul.f32 v5, v5;
	v35 =	vmul.f32 v13, v13;
	v12 =	vld [tilespmem:s24+$0x300]  }
0x40: {  	s25 =	sadd.s32 $0xD80, s2;
	v29 =	vld [tilespmem:s24+$0x380];
	s13 =	sor.u32 s26, s29;
	v36 =	vmul.f32 v6, v6;
	v37 =	vmul.f32 v14, v14  }
0x41: {  	s22 =	sadd.s32 $0xC00, s2;
	s31 =	sor.u32 s26, s25;
	v7 =	vld [tilespmem:s13+$0xF300];
	v38 =	vmul.f32 v15, v15;
	v18 =	vadd.f32 $0.0e+00, v8;
	v42 =	vmul.f32 v20, v20  }
0x42: {  	s28 =	sadd.s32 $0xD00, s2;
	s21 =	sor.u32 s26, s22;
	v25 =	vld [tilespmem:s31+$0x0];
	v19 =	vadd.f32 $0.0e+00, v9;
	v8 =	vmul.f32 v8, v8;
	v9 =	vmul.f32 v9, v9  }
0x43: {  	s30 =	sor.u32 s26, s28;
	v21 =	vld [tilespmem:s21+$0x0];
	s23 =	sadd.s32 $0xF00, s2;
	v43 =	vadd.f32 $0.0e+00, v10;
	v44 =	vmul.f32 v34, v34;
	v10 =	vmul.f32 v10, v10  }
0x44: {  	v24 =	vld [tilespmem:s30+$0x0];
	s24 =	sadd.s32 $0xF80, s2;
	s10 =	sor.u32 s26, s23;
	v45 =	vmul.f32 v11, v11;
	v53 =	vmul.f32 v26, v26  }
0x45: {  	s19 =	sadd.s32 $0x1900, s2;
	s15 =	sor.u32 s26, s24;
	v22 =	vld [tilespmem:s10+$0x0];
	v46 =	vmul.f32 v29, v29;
	v27 =	vadd.f32 v11, v18;
	v28 =	vadd.f32 v12, v19  }
0x46: {  	s21 =	sadd.s32 $0x1980, s2;
	s16 =	sor.u32 s26, s19;
	v23 =	vld [tilespmem:s15+$0x0];
	v12 =	vmul.f32 v12, v12;
	v7 =	vadd.f32 v44, v7;
	v8 =	vadd.f32 v45, v8  }
0x47: {  	s17 =	sadd.s32 $0x1B00, s2;
	s18 =	sor.u32 s26, s21;
	v56 =	vmul.f32 v25, v25;
	v18 =	vld [tilespmem:s16+$0x0];
	v55 =	vadd.f32 v46, v10;
	v29 =	vadd.f32 v29, v43  }
0x48: {  	s30 =	sor.u32 s26, s17;
	v40 =	vmul.f32 v17, v17;
	v19 =	vld [tilespmem:s18+$0x0];
	s18 =	sadd.s32 $0x1B80, s2;
	v54 =	vadd.f32 v12, v9;
	v7 =	vadd.f32 v53, v7  }
0x49: {  	s15 =	sadd.s32 $0x2500, s2;
	v47 =	vmul.f32 v24, v24;
	v11 =	vld [tilespmem:s30+$0x0];
	s31 =	sor.u32 s26, s18;
	v8 =	vadd.f32 v42, v8;
	v44 =	vadd.f32 v56, v55  }
0x4a: {  	s10 =	sor.u32 s26, s15;
	v41 =	vmul.f32 v21, v21;
	s16 =	sadd.s32 $0x2580, s2;
	v12 =	vld [tilespmem:s31+$0x0];
	v20 =	vadd.f32 v20, v27;
	v24 =	vadd.f32 v24, v28  }
0x4b: {  	v60 =	vmul.f32 v23, v23;
	s30 =	sor.u32 s26, s16;
	v9 =	vld [tilespmem:s10+$0x0];
	v25 =	vadd.f32 v25, v29;
	v57 =	vadd.f32 v47, v54  }
0x4c: {  	v39 =	vmul.f32 v16, v16;
	v10 =	vld [tilespmem:s30+$0x0];
	s31 =	sor.u32 s0, s2;
	v41 =	vadd.f32 v41, v7;
	v40 =	vadd.f32 v40, v8  }
0x4d: {  	s1 =	sadd.s32 $0x2780, s2;
	v59 =	vmul.f32 v22, v22;
	s10 =	sadd.s32 $0x2700, s2;
	s2 =	sor.u32 s0, s29;
	v46 =	vld [tilespmem:s31+$0x0];
	v62 =	vadd.f32 v60, v44;
	v20 =	vadd.f32 v17, v20  }
0x4e: {  	v45 =	vld [tilespmem:s2+$0xF000];
	v22 =	vadd.f32 v22, v24;
	v23 =	vadd.f32 v23, v25;
	v63 =	vmul.f32 v19, v19  }
0x4f: {  	s30 =	sor.u32 s26, s10;
	s26 =	sor.u32 s26, s1;
	v52 =	vld [tilespmem:s2+$0xF300];
	v61 =	vmul.f32 v18, v18;
	v42 =	vadd.f32 v59, v57;
	v39 =	vadd.f32 v39, v41  }
0x50: {  	v8 =	vld [tilespmem:s26+$0x0];
	v38 =	vadd.f32 v38, v40;
	v50 =	vadd.f32 v63, v62;
	v51 =	vmul.f32 v12, v12  }
0x51: {  	v49 =	vmul.f32 v11, v11;
	v40 =	vld [tilespmem:s31+$0x100];
	v48 =	vadd.f32 v61, v42;
	v37 =	vadd.f32 v37, v39  }
0x52: {  	v7 =	vld [tilespmem:s30+$0x0];
	v62 =	vmul.f32 v10, v10;
	v36 =	vadd.f32 v36, v38;
	v61 =	vadd.f32 v51, v50  }
0x53: {  	v63 =	vld [tilespmem:s31+$0x80];
	v57 =	vmul.f32 v46, v46;
	v51 =	vadd.f32 v46, v45;
	v59 =	vadd.f32 v49, v48  }
0x54: {  	s3 =	sor.u32 s0, s3;
	v60 =	vmul.f32 v9, v9;
	v42 =	vld [tilespmem:s13+$0xF000];
	v35 =	vadd.f32 v35, v37;
	v33 =	vadd.f32 v33, v36  }
0x55: {  	v28 =	vld [tilespmem:s3+$0x0];
	v56 =	vmul.f32 v8, v8;
	v52 =	vadd.f32 v57, v52;
	v55 =	vadd.f32 v62, v61  }
0x56: {  	s30 =	sor.u32 s0, s23;
	v49 =	vld [tilespmem:s31+$0x200];
	v62 =	vmul.f32 v40, v40;
	v40 =	vadd.f32 $0.0e+00, v40;
	v53 =	vadd.f32 v60, v59  }
0x57: {  	v30 =	vmul.f32 v2, v2;
	v41 =	vld [tilespmem:s30+$0x0];
	v32 =	vadd.f32 v32, v35;
	v31 =	vadd.f32 v31, v33  }
0x58: {  	v54 =	vmul.f32 v7, v7;
	v59 =	vld [tilespmem:s31+$0x180];
	v61 =	vadd.f32 $0.0e+00, v63;
	v50 =	vadd.f32 v56, v55  }
0x59: {  	v55 =	vld [tilespmem:s31+$0x300];
	v34 =	vadd.f32 v34, v42;
	v42 =	vadd.f32 v15, v20  }
0x5a: {  	s22 =	sor.u32 s0, s22;
	v48 =	vadd.f32 v54, v53;
	v30 =	vadd.f32 v30, v32;
	v53 =	vld [tilespmem:s31+$0x280]  }
0x5b: {  	v54 =	vmul.f32 v63, v63;
	v63 =	vld [tilespmem:s22+$0x0];
	v36 =	vmul.f32 v49, v49;
	v26 =	vadd.f32 v26, v34  }
0x5c: {  	s26 =	sor.u32 s0, s28;
	v60 =	vld [tilespmem:s31+$0x380];
	v30 =	vadd.f32 v31, v30;
	v31 =	vadd.f32 v50, v48  }
0x5d: {  	s29 =	sor.u32 s0, s11;
	s11 =	sor.u32 s0, s12;
	s12 =	sor.u32 s0, s9;
	v57 =	vld [tilespmem:s26+$0x0];
	v35 =	vadd.f32 v49, v51;
	v36 =	vadd.f32 v36, v52  }
0x5e: {  	s20 =	sor.u32 s0, s20;
	v49 =	vld [tilespmem:s12+$0x0];
	v56 =	vmul.f32 v59, v59;
	v21 =	vadd.f32 v21, v26;
	v46 =	vadd.f32 v31, v30  }
0x5f: {  	s28 =	sor.u32 s0, s25;
	v30 =	vld [tilespmem:s20+$0x0];
	v31 =	vadd.f32 $0.0e+00, v59;
	v52 =	vmul.f32 v55, v55;
	v40 =	vadd.f32 v55, v40  }
0x60: {  	v59 =	vld [tilespmem:s28+$0x0];
	v48 =	vmul.f32 v53, v53;
	v33 =	vadd.f32 v53, v61;
	v35 =	vadd.f32 v63, v35  }
0x61: {  	s8 =	sor.u32 s0, s8;
	v55 =	vld [tilespmem:s29+$0x0];
	v37 =	vadd.f32 v52, v62;
	v31 =	vadd.f32 v60, v31  }
0x62: {  	s31 =	sor.u32 s0, s24;
	v53 =	vld [tilespmem:s8+$0x0];
	v62 =	vmul.f32 v57, v57;
	v39 =	vadd.f32 v48, v54;
	v54 =	vmul.f32 v60, v60  }
0x63: {  	s7 =	sor.u32 s0, s7;
	v45 =	vld [tilespmem:s31+$0x0];
	v51 =	vmul.f32 v49, v49;
	v60 =	vmul.f32 v63, v63;
	v63 =	vadd.f32 v57, v40  }
0x64: {  	s21 =	sor.u32 s0, s21;
	v50 =	vld [tilespmem:s7+$0x0];
	v57 =	vmul.f32 v41, v41;
	v40 =	vadd.f32 v19, v23;
	v43 =	vadd.f32 v54, v56  }
0x65: {  	v47 =	vld [tilespmem:s21+$0x0];
	s20 =	sor.u32 s0, s19;
	v61 =	vmul.f32 v30, v30;
	v32 =	vadd.f32 v60, v36;
	v30 =	vadd.f32 v30, v33  }
0x66: {  	v29 =	vld [tilespmem:s20+$0x0];
	v26 =	vmul.f32 v59, v59;
	v36 =	vadd.f32 v62, v37;
	v31 =	vadd.f32 v59, v31  }
0x67: {  	s28 =	sor.u32 s0, s16;
	v48 =	vld [tilespmem:s11+$0x0];
	v56 =	vmul.f32 v55, v55;
	v62 =	vadd.f32 v16, v21;
	v35 =	vadd.f32 v53, v35  }
0x68: {  	s25 =	sor.u32 s0, s5;
	v24 =	vld [tilespmem:s28+$0x0];
	v60 =	vmul.f32 v45, v45;
	v33 =	vadd.f32 v61, v39;
	v59 =	vadd.f32 v26, v43  }
0x69: {  	v25 =	vld [tilespmem:s25+$0x0];
	s29 =	sor.u32 s0, s6;
	v54 =	vmul.f32 v50, v50;
	v44 =	vadd.f32 v55, v30;
	v39 =	vadd.f32 v41, v63  }
0x6a: {  	s24 =	sor.u32 s0, s14;
	v17 =	vld [tilespmem:s29+$0x0];
	v27 =	vmul.f32 v53, v53;
	v36 =	vadd.f32 v57, v36;
	v45 =	vadd.f32 v45, v31  }
0x6b: {  	s26 =	sor.u32 s0, s15;
	v21 =	vld [tilespmem:s24+$0x0];
	v52 =	vmul.f32 v29, v29;
	v57 =	vadd.f32 v14, v62;
	v43 =	vadd.f32 v18, v22  }
0x6c: {  	s22 =	sor.u32 s0, s17;
	v16 =	vld [tilespmem:s26+$0x0];
	v32 =	vadd.f32 v27, v32;
	v61 =	vmul.f32 v48, v48;
	v48 =	vadd.f32 v48, v35  }
0x6d: {  	s23 =	sor.u32 s0, s18;
	v19 =	vmul.f32 v24, v24;
	v26 =	vld [tilespmem:s22+$0x0];
	v53 =	vadd.f32 v56, v33;
	v55 =	vadd.f32 v60, v59  }
0x6e: {  	v63 =	vmul.f32 v47, v47;
	v27 =	vld [tilespmem:s23+$0x0];
	v18 =	vadd.f32 v49, v44;
	v35 =	vadd.f32 v29, v39  }
0x6f: {  	v14 =	vmul.f32 v25, v25;
	v36 =	vadd.f32 v52, v36;
	v37 =	vadd.f32 v47, v45  }
0x70: {  	s30 =	sor.u32 s0, s4;
	v29 =	vmul.f32 v17, v17;
	v13 =	vadd.f32 v13, v57;
	v56 =	vadd.f32 v61, v32  }
0x71: {  	s1 =	sor.u32 s0, s1;
	v20 =	vld [tilespmem:s30+$0x0];
	v32 =	vmul.f32 v28, v28;
	v33 =	vmul.f32 v21, v21;
	v41 =	vadd.f32 v50, v48  }
0x72: {  	s31 =	sor.u32 s0, s10;
	v23 =	vld [tilespmem:s1+$0x0];
	v15 =	vmul.f32 v16, v16;
	v34 =	vadd.f32 v51, v53;
	v38 =	vadd.f32 v63, v55  }
0x73: {  	s4 =	simm.s32 $0x100;
	s0 =	simm.s32 $0x0;
	s6 =	simm.s32 $0x20;
	[tilespmem:s13+$0xF300] =	vst v46;
	v22 =	vld [tilespmem:s31+$0x0];
	v31 =	vmul.f32 v26, v26;
	v39 =	vadd.f32 v54, v56;
	v30 =	vmul.f32 v27, v27  }
.LBB2_5:
0x74: {  	s3 =	sand.u32 $0xC00, s4;
	s20 =	sand.u32 $0x60, s6;
	v6 =	vadd.f32 v6, v42  }
0x75: {  	v11 =	vadd.f32 v11, v43;
	s17 =	sor.u32 s20, s3;
	s1 =	sadd.s32 $0x2600, s3;
	s23 =	sor.u32 $0x10, s20;
	v28 =	vadd.f32 v28, v18  }
0x76: {  	v12 =	vadd.f32 v12, v40;
	s15 =	sadd.s32 $0x2680, s3;
	v32 =	vadd.f32 v32, v34;
	v18 =	vld [tilespmem:s17+$0x0];
	s5 =	sor.u32 s20, s1;
	s1 =	sor.u32 s23, s1  }
0x77: {  	s7 =	sadd.s32 $0x2400, s3;
	v27 =	vadd.f32 v27, v37;
	v30 =	vadd.f32 v30, v38;
	s16 =	sor.u32 s23, s15;
	v54 =	vld [tilespmem:s1+$0x0]  }
0x78: {  	v33 =	vadd.f32 v33, v39;
	v56 =	vadd.f32 v21, v41;
	s22 =	sadd.s32 $0x1A80, s3;
	s18 =	sor.u32 s20, s7;
	s7 =	sor.u32 s23, s7;
	v55 =	vld [tilespmem:s16+$0x0]  }
0x79: {  	v57 =	vadd.f32 v4, v13;
	s29 =	sadd.s32 $0xE80, s3;
	s25 =	sor.u32 s23, s22;
	v4 =	vld [tilespmem:s7+$0x0];
	v59 =	vadd.f32 v5, v6  }
0x7a: {  	s31 =	sadd.s32 $0xC00, s3;
	s11 =	sor.u32 s23, s29;
	v9 =	vadd.f32 v9, v11;
	v11 =	vadd.f32 v25, v28;
	v6 =	vld [tilespmem:s25+$0x0]  }
0x7b: {  	s19 =	sadd.s32 $0x2480, s3;
	s10 =	sor.u32 s23, s31;
	v28 =	vadd.f32 v29, v33;
	v29 =	vadd.f32 v17, v56;
	v17 =	vld [tilespmem:s11+$0x0]  }
0x7c: {  	s21 =	sadd.s32 $0x1A00, s3;
	[dreg:$0xc] =	wrdreg s5;
	s5 =	sor.u32 s23, s19;
	v24 =	vadd.f32 v24, v27;
	v27 =	vadd.f32 v19, v30;
	v19 =	vld [tilespmem:s10+$0x0]  }
0x7d: {  	v26 =	vadd.f32 v26, v35;
	v31 =	vadd.f32 v31, v36;
	s26 =	sadd.s32 $0x1880, s3;
	s1 =	sor.u32 s23, s21;
	v5 =	vld [tilespmem:s5+$0x0]  }
0x7e: {  	s24 =	sadd.s32 $0x1800, s3;
	v10 =	vadd.f32 v10, v12;
	v12 =	vadd.f32 v14, v32;
	s7 =	sor.u32 s23, s26;
	v13 =	vld [tilespmem:s1+$0x0]  }
0x7f: {  	s28 =	sadd.s32 $0xE00, s3;
	v25 =	vadd.f32 v16, v26;
	v26 =	vadd.f32 v15, v31;
	s5 =	sor.u32 s23, s24;
	v15 =	vld [tilespmem:s7+$0x0]  }
0x80: {  	s12 =	rddreg [dreg:$0x5];
	s9 =	sadd.s32 $0xC80, s3;
	v30 =	vadd.f32 v2, v57;
	v44 =	vmul.f32 v20, v20;
	s1 =	sor.u32 s23, s28;
	v14 =	vld [tilespmem:s5+$0x0];
	v31 =	vadd.f32 v3, v59  }
0x81: {  	s8 =	sor.u32 s20, s15;
	s16 =	sor.u32 s20, s22;
	s22 =	sor.u32 s23, s9;
	v52 =	vmul.f32 v22, v22;
	v16 =	vld [tilespmem:s1+$0x0];
	v7 =	vadd.f32 v7, v9;
	v9 =	vadd.f32 v20, v11  }
0x82: {  	[dreg:$0x11] =	wrdreg s18;
	s18 =	sor.u32 s20, s24;
	v53 =	vmul.f32 v23, v23;
	s24 =	sor.u32 s23, s3;
	v8 =	vadd.f32 v8, v10;
	v20 =	vld [tilespmem:s22+$0x0];
	v11 =	vadd.f32 v22, v25  }
0x83: {  	[dreg:$0xd] =	wrdreg s8;
	s8 =	sadd.s32 s6, s12;
	v23 =	vadd.f32 v23, v24;
	v24 =	vld [tilespmem:s24+$0x80];
	v10 =	vadd.f32 v44, v12  }
0x84: {  	s15 =	sor.u32 s20, s21;
	s21 =	sand.u32 $0x380, s8;
	v61 =	vld [tilespmem:s24+$0x180];
	v22 =	vadd.f32 v52, v26;
	v25 =	vadd.f32 v53, v27  }
0x85: {  	s7 =	sor.u32 s23, s21;
	v32 =	vld [tilespmem:s24+$0x380];
	v9 =	vadd.f32 v9, v29;
	v60 =	vadd.f32 v31, v30  }
0x86: {  	v12 =	vld [tilespmem:s7+$0xF300];
	v11 =	vadd.f32 v23, v11;
	v7 =	vadd.f32 v8, v7;
	v2 =	vmovc v54;
	v63 =	vmul.f32 v6, v6  }
0x87: {  	v31 =	vld [tilespmem:s24+$0x0];
	v3 =	vmovc v55;
	v10 =	vadd.f32 v10, v28;
	v51 =	vmul.f32 v17, v17;
	v34 =	vmul.f32 v54, v2  }
0x88: {  	s14 =	sor.u32 s20, s19;
	v28 =	vld [tilespmem:s24+$0x100];
	v8 =	vadd.f32 v25, v22;
	v35 =	vmul.f32 v55, v3;
	v37 =	vmul.f32 v5, v5  }
0x89: {  	s30 =	sor.u32 s20, s26;
	s19 =	sor.u32 s20, s29;
	s25 =	sadd.s32 $0xD00, s3;
	v22 =	vld [tilespmem:s24+$0x280];
	v9 =	vadd.f32 v11, v9;
	v62 =	vmul.f32 v13, v13;
	v49 =	vmul.f32 v15, v15  }
0x8a: {  	s12 =	sor.u32 s20, s31;
	s11 =	sadd.s32 $0xD80, s3;
	s29 =	sor.u32 s20, s25;
	v25 =	vld [tilespmem:s24+$0x300];
	v7 =	vadd.f32 v7, v60;
	v11 =	vadd.f32 $0.0e+00, v24;
	v50 =	vmul.f32 v16, v16  }
0x8b: {  	s26 =	sor.u32 s23, s25;
	s5 =	sor.u32 s20, s28;
	s28 =	sadd.s32 $0xF00, s3;
	v26 =	vld [tilespmem:s24+$0x200];
	v30 =	vadd.f32 $0.0e+00, v61;
	v38 =	vmul.f32 v61, v61;
	v47 =	vmul.f32 v32, v32  }
0x8c: {  	s31 =	sor.u32 s20, s11;
	s8 =	sor.u32 s20, s21;
	v27 =	vld [tilespmem:s26+$0x0];
	s24 =	sor.u32 s23, s28;
	v45 =	vmul.f32 v20, v20;
	v8 =	vadd.f32 v8, v10;
	v10 =	vmul.f32 v24, v24  }
0x8d: {  	s21 =	sor.u32 s23, s11;
	s22 =	sadd.s32 $0xF80, s3;
	s26 =	sadd.s32 $0x1900, s3;
	v24 =	vld [tilespmem:s24+$0x0];
	v38 =	vadd.f32 v47, v38;
	v23 =	vadd.f32 $0.0e+00, v28;
	v46 =	vmul.f32 v28, v28  }
0x8e: {  	s25 =	sor.u32 s20, s28;
	s11 =	sor.u32 s23, s22;
	s10 =	sor.u32 s23, s26;
	[tilespmem:s2+$0xF300] =	vst v8;
	v29 =	vadd.f32 v22, v11;
	v28 =	vld [tilespmem:s21+$0x0];
	v11 =	vmul.f32 v31, v31;
	v8 =	vmul.f32 v22, v22  }
0x8f: {  	s28 =	sor.u32 s20, s22;
	s22 =	sadd.s32 $0x1B00, s3;
	[tilespmem:s2+$0xF000] =	vst v9;
	v30 =	vadd.f32 v32, v30;
	s21 =	sadd.s32 $0x1980, s3;
	v22 =	vld [tilespmem:s10+$0x0];
	v33 =	vadd.f32 v25, v23;
	v23 =	vmul.f32 v25, v25  }
0x90: {  	s1 =	sor.u32 s20, s26;
	s24 =	sor.u32 s20, s22;
	s2 =	sor.u32 s23, s21;
	v25 =	vld [tilespmem:s11+$0x0];
	v11 =	vadd.f32 v11, v12;
	v12 =	vmul.f32 v26, v26;
	[tilespmem:s13+$0xF000] =	vst v7;
	v7 =	vadd.f32 v8, v10  }
0x91: {  	v9 =	vmul.f32 v19, v19;
	s26 =	sor.u32 s20, s21;
	s21 =	sadd.s32 $0x1B80, s3;
	s11 =	sor.u32 s23, s22;
	v20 =	vadd.f32 v20, v29;
	v8 =	vadd.f32 v23, v46;
	v23 =	vld [tilespmem:s2+$0x0]  }
0x92: {  	v10 =	vmul.f32 v27, v27;
	s22 =	sor.u32 s20, s21;
	s13 =	sadd.s32 $0x2500, s3;
	s21 =	sor.u32 s23, s21;
	v52 =	vadd.f32 v12, v11;
	v11 =	vld [tilespmem:s11+$0x0];
	v7 =	vadd.f32 v45, v7  }
0x93: {  	s10 =	sadd.s32 $0x2580, s3;
	s11 =	sor.u32 s20, s13;
	v12 =	vld [tilespmem:s21+$0x0];
	v27 =	vadd.f32 v27, v33;
	v20 =	vadd.f32 v17, v20;
	v53 =	vmul.f32 v28, v28  }
0x94: {  	s2 =	sor.u32 s23, s13;
	s21 =	sor.u32 s20, s10;
	s13 =	sadd.s32 $0x2700, s3;
	v45 =	vld [tilespmem:s28+$0x0];
	v30 =	vadd.f32 v28, v30;
	v8 =	vadd.f32 v10, v8;
	v10 =	vmul.f32 v24, v24  }
0x95: {  	v56 =	vmul.f32 v22, v22;
	v54 =	vadd.f32 v9, v52;
	v9 =	vld [tilespmem:s2+$0x0];
	s2 =	sor.u32 s23, s10;
	s10 =	sor.u32 s20, s13;
	v44 =	vadd.f32 v51, v7;
	s13 =	sor.u32 s23, s13  }
0x96: {  	v38 =	vadd.f32 v53, v38;
	v55 =	vmul.f32 v25, v25;
	v7 =	vld [tilespmem:s13+$0x0];
	s13 =	smov.u32 s7;
	v8 =	vadd.f32 v10, v8  }
0x97: {  	v48 =	vmul.f32 v14, v14;
	v43 =	vadd.f32 v50, v54;
	v42 =	vadd.f32 v49, v44;
	v46 =	vld [tilespmem:s13+$0xF000]  }
0x98: {  	v49 =	vld [tilespmem:s17+$0x100];
	v38 =	vadd.f32 v55, v38;
	v57 =	vmul.f32 v23, v23;
	v59 =	vadd.f32 v56, v8  }
0x99: {  	v10 =	vld [tilespmem:s2+$0x0];
	s2 =	smov.u32 s8;
	v60 =	vmul.f32 v11, v11;
	v41 =	vadd.f32 v48, v43;
	v40 =	vadd.f32 v63, v42  }
0x9a: {  	s3 =	sadd.s32 $0x2780, s3;
	v61 =	vld [tilespmem:s2+$0xF000];
	v52 =	vmul.f32 v12, v12;
	v42 =	vadd.f32 v15, v20;
	v38 =	vadd.f32 v57, v38  }
0x9b: {  	s9 =	sor.u32 s20, s9;
	v36 =	vmul.f32 v4, v4;
	s20 =	sor.u32 s20, s3;
	s3 =	sor.u32 s23, s3;
	v53 =	vld [tilespmem:s2+$0xF300];
	v54 =	vadd.f32 v60, v59;
	v39 =	vadd.f32 v62, v41  }
0x9c: {  	v8 =	vld [tilespmem:s3+$0x0];
	v55 =	vmul.f32 v9, v9;
	v37 =	vadd.f32 v37, v40;
	v38 =	vadd.f32 v52, v38  }
0x9d: {  	v21 =	vmul.f32 v18, v18;
	v57 =	vld [tilespmem:s17+$0x80];
	v31 =	vadd.f32 v31, v46;
	v44 =	vadd.f32 $0.0e+00, v49  }
0x9e: {  	v60 =	vld [tilespmem:s17+$0x200];
	v56 =	vmul.f32 v10, v10;
	v63 =	vadd.f32 v55, v54;
	v36 =	vadd.f32 v36, v39  }
0x9f: {  	v51 =	vld [tilespmem:s17+$0x180];
	v48 =	vmul.f32 v7, v7;
	v35 =	vadd.f32 v35, v37;
	v18 =	vadd.f32 v18, v61  }
0xa0: {  	v21 =	vadd.f32 v21, v53;
	v61 =	vld [tilespmem:s17+$0x300];
	v38 =	vadd.f32 v56, v38  }
0xa1: {  	v55 =	vld [tilespmem:s17+$0x380];
	v50 =	vmul.f32 v8, v8;
	v26 =	vadd.f32 v26, v31;
	v59 =	vadd.f32 v48, v63  }
0xa2: {  	v54 =	vmul.f32 v49, v49;
	v49 =	vld [tilespmem:s31+$0x0];
	v34 =	vadd.f32 v34, v36;
	v53 =	vadd.f32 $0.0e+00, v57  }
0xa3: {  	v63 =	vld [tilespmem:s17+$0x280];
	v39 =	vmul.f32 v57, v57;
	v62 =	vadd.f32 v50, v38;
	v18 =	vadd.f32 v60, v18  }
0xa4: {  	v57 =	vld [tilespmem:s12+$0x0];
	v40 =	vmul.f32 v60, v60;
	v19 =	vadd.f32 v19, v26;
	v34 =	vadd.f32 v35, v34  }
0xa5: {  	v48 =	vld [tilespmem:s29+$0x0];
	v52 =	vadd.f32 v62, v59;
	v59 =	vadd.f32 $0.0e+00, v51  }
0xa6: {  	v56 =	vmul.f32 v51, v51;
	v60 =	vld [tilespmem:s9+$0x0];
	v21 =	vadd.f32 v40, v21;
	v51 =	vadd.f32 v61, v44  }
0xa7: {  	v47 =	vld [tilespmem:s1+$0x0];
	v26 =	vmul.f32 v49, v49;
	v19 =	vadd.f32 v16, v19;
	v34 =	vadd.f32 v52, v34  }
0xa8: {  	v44 =	vld [tilespmem:s25+$0x0];
	v62 =	vmul.f32 v63, v63;
	v31 =	vadd.f32 v63, v53;
	v63 =	vmul.f32 v61, v61  }
0xa9: {  	v33 =	vld [tilespmem:s30+$0x0];
	v52 =	vmul.f32 v55, v55;
	v35 =	vadd.f32 v55, v59;
	v18 =	vadd.f32 v57, v18  }
0xaa: {  	s30 =	rddreg [dreg:$0xc];
	v28 =	vld [tilespmem:s16+$0x0];
	v38 =	vadd.f32 v48, v51;
	v59 =	vmul.f32 v45, v45;
	v50 =	vadd.f32 v62, v39  }
0xab: {  	v17 =	vld [tilespmem:s30+$0x0];
	v61 =	vmul.f32 v60, v60;
	v32 =	vadd.f32 v63, v54;
	v39 =	vadd.f32 v52, v56  }
0xac: {  	v53 =	vld [tilespmem:s5+$0x0];
	[tilespmem:s13+$0xF300] =	vst v34;
	v54 =	vmul.f32 v57, v57;
	v29 =	vadd.f32 v60, v31;
	v34 =	vadd.f32 v49, v35  }
0xad: {  	v55 =	vld [tilespmem:s19+$0x0];
	v62 =	vmul.f32 v48, v48;
	v52 =	vadd.f32 v25, v30;
	v38 =	vadd.f32 v44, v38  }
0xae: {  	v16 =	vld [tilespmem:s11+$0x0];
	v51 =	vmul.f32 v47, v47;
	v21 =	vadd.f32 v54, v21;
	v36 =	vadd.f32 v61, v50  }
0xaf: {  	v46 =	vld [tilespmem:s18+$0x0];
	v49 =	vmul.f32 v33, v33;
	v32 =	vadd.f32 v62, v32;
	v39 =	vadd.f32 v26, v39  }
0xb0: {  	v57 =	vld [tilespmem:s26+$0x0];
	v56 =	vmul.f32 v44, v44;
	v50 =	vadd.f32 v24, v27;
	v45 =	vadd.f32 v45, v34  }
0xb1: {  	v60 =	vld [tilespmem:s15+$0x0];
	v40 =	vadd.f32 v23, v52;
	v31 =	vmul.f32 v53, v53;
	v18 =	vadd.f32 v53, v18  }
0xb2: {  	v25 =	vld [tilespmem:s14+$0x0];
	v63 =	vmul.f32 v55, v55;
	v29 =	vadd.f32 v55, v29;
	v55 =	vadd.f32 v14, v19  }
0xb3: {  	v15 =	vmul.f32 v16, v16;
	v26 =	vld [tilespmem:s24+$0x0];
	v35 =	vadd.f32 v47, v38;
	v39 =	vadd.f32 v59, v39  }
0xb4: {  	v61 =	vmul.f32 v46, v46;
	v27 =	vld [tilespmem:s22+$0x0];
	v43 =	vadd.f32 v22, v50;
	v31 =	vadd.f32 v31, v21  }
0xb5: {  	s0 =	sadd.s32 $0x2, s0;
	s29 =	rddreg [dreg:$0x11];
	v24 =	vld [tilespmem:s21+$0x0];
	v36 =	vadd.f32 v63, v36;
	v62 =	vmul.f32 v57, v57;
	v63 =	vadd.f32 v56, v32  }
0xb6: {  	p0 =	slt.u32 s0, $0x16;
	v21 =	vld [tilespmem:s29+$0x0];
	v53 =	vmul.f32 v60, v60;
	v32 =	vmul.f32 v28, v28;
	v46 =	vadd.f32 v46, v18  }
.Ltmp1:
0xb7: {  	v18 =	vadd.f32 v33, v29;
	v14 =	vmul.f32 v25, v25;
	v37 =	vadd.f32 v57, v45;
	(pc) =	sbr.rel @p0 .LBB2_5-.Ltmp1, $4  }
0xb8: {  	s31 =	rddreg [dreg:$0xd];
	v29 =	vmul.f32 v17, v17;
	v13 =	vadd.f32 v13, v55;
	v54 =	vadd.f32 v61, v31  }
0xb9: {  	v20 =	vld [tilespmem:s31+$0x0];
	v31 =	vmul.f32 v26, v26;
	v30 =	vmul.f32 v27, v27;
	v34 =	vadd.f32 v49, v36  }
0xba: {  	v23 =	vld [tilespmem:s20+$0x0];
	v36 =	vadd.f32 v51, v63;
	v38 =	vadd.f32 v62, v39;
	v19 =	vmul.f32 v24, v24  }
0xbb: {  	s4 =	sadd.s32 $0x100, s4;
	s6 =	sadd.s32 $0x20, s6;
	v22 =	vld [tilespmem:s10+$0x0];
	v41 =	vadd.f32 v60, v46;
	v39 =	vadd.f32 v53, v54;
	v33 =	vmul.f32 v21, v21  }
0xbc: {  	v6 =	vadd.f32 v6, v42;
	v11 =	vadd.f32 v11, v43  }
0xbd: {  	v18 =	vadd.f32 v28, v18;
	v12 =	vadd.f32 v12, v40  }
0xbe: {  	v28 =	vadd.f32 v32, v34;
	v26 =	vadd.f32 v26, v35  }
0xbf: {  	v31 =	vadd.f32 v31, v36;
	v27 =	vadd.f32 v27, v37  }
0xc0: {  	v30 =	vadd.f32 v30, v38;
	v4 =	vadd.f32 v4, v13  }
0xc1: {  	v60 =	vadd.f32 v33, v39;
	v21 =	vadd.f32 v21, v41  }
0xc2: {  	v5 =	vadd.f32 v5, v6;
	v6 =	vadd.f32 v9, v11  }
0xc3: {  	v9 =	vadd.f32 v25, v18;
	v10 =	vadd.f32 v10, v12  }
0xc4: {  	v11 =	vadd.f32 v14, v28;
	v12 =	vadd.f32 v16, v26  }
0xc5: {  	v13 =	vadd.f32 v15, v31;
	v14 =	vadd.f32 v24, v27  }
0xc6: {  	v15 =	vadd.f32 v19, v30;
	v2 =	vadd.f32 v2, v4  }
0xc7: {  	v4 =	vmul.f32 v20, v20;
	v17 =	vadd.f32 v17, v21;
	v3 =	vadd.f32 v3, v5  }
0xc8: {  	v5 =	vadd.f32 v7, v6;
	v6 =	vmul.f32 v22, v22;
	v7 =	vadd.f32 v20, v9  }
0xc9: {  	v8 =	vadd.f32 v8, v10;
	v9 =	vmul.f32 v23, v23;
	v4 =	vadd.f32 v4, v11  }
0xca: {  	v10 =	vadd.f32 v22, v12;
	v11 =	vadd.f32 v23, v14  }
0xcb: {  	v6 =	vadd.f32 v6, v13;
	v9 =	vadd.f32 v9, v15  }
0xcc: {  	s0 =	sld [smem:$0x7FB];
	v7 =	vadd.f32 v7, v17;
	v10 =	vadd.f32 v11, v10  }
0xcd: {  	v16 =	vadd.f32 v29, v60;
	v2 =	vadd.f32 v3, v2  }
0xce: {  	v3 =	vadd.f32 v9, v6;
	v6 =	vadd.f32 v10, v7  }
0xcf: {  	p0 =	seq.s32 s0, $0xF;
	v4 =	vadd.f32 v4, v16  }
0xd0: {  	s1 =	smul.u32 @!p0 $0xC000, s0;
	v5 =	vadd.f32 v8, v5;
	[tilespmem:s2+$0xF000] =	vst v6  }
0xd1: {  	v3 =	vadd.f32 v3, v4;
	s0 =	rddreg [dreg:$0x17]  }
0xd2: {  	v2 =	vadd.f32 v5, v2;
	[smem:$0x7FA] =	sst s1;
	s0 =	sadd.s32 @!p0 s1, s0  }
0xd3: {  	s18 =	simm.s32 $0x0;
	[tilespmem:s2+$0xF300] =	vst v3;
	s1 =	rddreg [dreg:$0x0];
	s0 =	sshrl.u32 @!p0 s0, $0x3  }
0xd4: {  	s19 =	simm.s32 $0x2;
	[tilespmem:s13+$0xF000] =	vst v2;
	s0 =	sadd.s32 @!p0 s1, s0;
	s1 =	simm.s32 @!p0 $0x0  }
0xd5: {  	[tilespmem:s1], [sflag:$0x1] =	stream.linear.gather @!p0 [hbm4b:s0+s1], $0x3000, $0x38;
	[tilespmem:$0xF880] =	vst v63  }
0xd6: {  	s11 =	sand.u32 $0xC00, s18;
	s0 =	sand.u32 $0x60, s18;
	_ =	swait.ge [sflag:s19], $0x3000  }
0xd7: {  	s6 =	sadd.s32 $0x5600, s11;
	s2 =	sor.u32 $0x10, s0;
	[sflag:s19] =	ssyncset.done $0x0  }
0xd8: {  	s4 =	sadd.s32 $0x5680, s11;
	s20 =	sor.u32 s2, s6;
	[sflag:s19] =	ssyncadd.s32 $0xFFFFD000  }
0xd9: {  	s14 =	sadd.s32 $0x5400, s11;
	s21 =	sor.u32 s2, s4;
	v2 =	vld [tilespmem:s20+$0x0]  }
0xda: {  	s5 =	sadd.s32 $0x5480, s11;
	s3 =	sor.u32 s2, s14;
	v3 =	vld [tilespmem:s21+$0x0]  }
0xdb: {  	s7 =	sadd.s32 $0x4A00, s11;
	s22 =	sor.u32 s2, s5;
	v4 =	vld [tilespmem:s3+$0x0]  }
0xdc: {  	s12 =	sadd.s32 $0x4800, s11;
	s8 =	sor.u32 s2, s7;
	v5 =	vld [tilespmem:s22+$0x0]  }
0xdd: {  	s9 =	sadd.s32 $0x4880, s11;
	s24 =	sor.u32 s2, s12;
	v6 =	vld [tilespmem:s8+$0x0]  }
0xde: {  	s1 =	sadd.s32 $0x3E00, s11;
	s25 =	sor.u32 s2, s9;
	v14 =	vld [tilespmem:s24+$0x0]  }
0xdf: {  	s10 =	sadd.s32 $0x3E80, s11;
	s26 =	sor.u32 s2, s1;
	v15 =	vld [tilespmem:s25+$0x0]  }
0xe0: {  	s28 =	sor.u32 s2, s10;
	s29 =	rddreg [dreg:$0x5];
	s19 =	sadd.s32 $0x3C80, s11;
	v16 =	vld [tilespmem:s26+$0x0]  }
0xe1: {  	s13 =	sadd.s32 $0x0, s29;
	s29 =	sor.u32 $0x3000, s11;
	v17 =	vld [tilespmem:s28+$0x0];
	s30 =	sor.u32 s2, s19  }
0xe2: {  	s31 =	sor.u32 s2, s29;
	v27 =	vld [tilespmem:s30+$0x0]  }
0xe3: {  	v9 =	vld [tilespmem:s31+$0x80]  }
0xe4: {  	v10 =	vld [tilespmem:s31+$0x100]  }
0xe5: {  	v11 =	vld [tilespmem:s31+$0x180]  }
0xe6: {  	v23 =	vld [tilespmem:s31+$0x200]  }
0xe7: {  	v12 =	vld [tilespmem:s31+$0x280]  }
0xe8: {  	v26 =	vld [tilespmem:s31+$0x0]  }
0xe9: {  	s3 =	sadd.s32 $0x4A80, s11;
	v13 =	vld [tilespmem:s31+$0x300]  }
0xea: {  	s20 =	sadd.s32 $0x3C00, s11;
	s23 =	sor.u32 s2, s3;
	v37 =	vld [tilespmem:s31+$0x380]  }
0xeb: {  	s28 =	sand.u32 $0x380, s13;
	s15 =	sor.u32 s2, s20;
	v7 =	vld [tilespmem:s23+$0x0];
	v29 =	vmul.f32 v2, v2;
	v30 =	vmul.f32 v3, v3  }
0xec: {  	s26 =	sadd.s32 $0x3D80, s11;
	s13 =	sor.u32 s2, s28;
	v20 =	vld [tilespmem:s15+$0x0];
	v31 =	vmul.f32 v4, v4;
	v32 =	vmul.f32 v5, v5  }
0xed: {  	s24 =	sadd.s32 $0x3F80, s11;
	s16 =	sor.u32 s2, s26;
	v8 =	vld [tilespmem:s13+$0xF300];
	v33 =	vmul.f32 v6, v6;
	v35 =	vmul.f32 v14, v14  }
0xee: {  	s25 =	sadd.s32 $0x3D00, s11;
	s18 =	sor.u32 s2, s24;
	v25 =	vld [tilespmem:s16+$0x0];
	v61 =	vmul.f32 v15, v15;
	v62 =	vmul.f32 v16, v16  }
0xef: {  	s15 =	sor.u32 s2, s25;
	s23 =	sadd.s32 $0x3F00, s11;
	v22 =	vld [tilespmem:s18+$0x0];
	v63 =	vmul.f32 v17, v17;
	v18 =	vadd.f32 $0.0e+00, v9;
	v49 =	vmul.f32 v27, v27  }
0xf0: {  	s21 =	sadd.s32 $0x4900, s11;
	v24 =	vld [tilespmem:s15+$0x0];
	s17 =	sor.u32 s2, s23;
	v19 =	vadd.f32 $0.0e+00, v10;
	v9 =	vmul.f32 v9, v9;
	v10 =	vmul.f32 v10, v10  }
0xf1: {  	s22 =	sadd.s32 $0x4980, s11;
	s30 =	sor.u32 s2, s21;
	v21 =	vld [tilespmem:s17+$0x0];
	v42 =	vadd.f32 $0.0e+00, v11;
	v44 =	vmul.f32 v26, v26;
	v11 =	vmul.f32 v11, v11  }
0xf2: {  	s31 =	sor.u32 s2, s22;
	v50 =	vmul.f32 v23, v23;
	v45 =	vmul.f32 v37, v37;
	v43 =	vadd.f32 v12, v18;
	v18 =	vld [tilespmem:s30+$0x0]  }
0xf3: {  	s29 =	sor.u32 s0, s29;
	s17 =	sadd.s32 $0x4B00, s11;
	v12 =	vmul.f32 v12, v12;
	v28 =	vadd.f32 v13, v19;
	v13 =	vmul.f32 v13, v13;
	v19 =	vld [tilespmem:s31+$0x0]  }
0xf4: {  	s18 =	sadd.s32 $0x4B80, s11;
	s15 =	sor.u32 s2, s17;
	v51 =	vmul.f32 v25, v25;
	v8 =	vadd.f32 v44, v8;
	v11 =	vadd.f32 v45, v11;
	v45 =	vld [tilespmem:s29+$0x0]  }
0xf5: {  	s16 =	sor.u32 s2, s18;
	v48 =	vmul.f32 v20, v20;
	v9 =	vadd.f32 v12, v9;
	v10 =	vadd.f32 v13, v10;
	v12 =	vld [tilespmem:s15+$0x0]  }
0xf6: {  	v46 =	vmul.f32 v24, v24;
	v8 =	vadd.f32 v50, v8;
	s15 =	sadd.s32 $0x5500, s11;
	v13 =	vld [tilespmem:s16+$0x0];
	v44 =	vadd.f32 v51, v11  }
0xf7: {  	s8 =	sadd.s32 $0x5700, s11;
	v34 =	vmul.f32 v7, v7;
	v51 =	vld [tilespmem:s29+$0x80];
	v27 =	vadd.f32 v27, v43;
	s30 =	sor.u32 s2, s15;
	v9 =	vadd.f32 v49, v9  }
0xf8: {  	s31 =	sor.u32 s2, s8;
	v53 =	vmul.f32 v21, v21;
	s16 =	sadd.s32 $0x5580, s11;
	v52 =	vadd.f32 v46, v10;
	v10 =	vld [tilespmem:s30+$0x0];
	v40 =	vadd.f32 v48, v8  }
0xf9: {  	v54 =	vmul.f32 v22, v22;
	s11 =	sadd.s32 $0x5780, s11;
	v24 =	vadd.f32 v24, v28;
	s30 =	sor.u32 s2, s16;
	v8 =	vld [tilespmem:s31+$0x0];
	v39 =	vadd.f32 v63, v9  }
0xfa: {  	s2 =	sor.u32 s2, s11;
	v11 =	vld [tilespmem:s30+$0x0];
	v55 =	vmul.f32 v18, v18;
	v41 =	vadd.f32 v53, v52;
	v38 =	vadd.f32 v62, v40  }
0xfb: {  	v56 =	vadd.f32 v54, v44;
	v57 =	vmul.f32 v19, v19;
	v9 =	vld [tilespmem:s2+$0x0];
	s2 =	sor.u32 s0, s28;
	v36 =	vadd.f32 v61, v39  }
0xfc: {  	v60 =	vmul.f32 v12, v12;
	v63 =	vld [tilespmem:s2+$0xF000];
	v59 =	vadd.f32 v55, v41;
	v35 =	vadd.f32 v35, v38  }
0xfd: {  	v62 =	vmul.f32 v13, v13;
	v48 =	vld [tilespmem:s2+$0xF300];
	v61 =	vadd.f32 v57, v56;
	v34 =	vadd.f32 v34, v36  }
0xfe: {  	v47 =	vmul.f32 v10, v10;
	v46 =	vadd.f32 v60, v59;
	v33 =	vadd.f32 v33, v35  }
0xff: {  	v54 =	vld [tilespmem:s29+$0x100];
	v49 =	vadd.f32 v62, v61;
	v50 =	vmul.f32 v11, v11;
	v32 =	vadd.f32 v32, v34  }
0x100: {  	v57 =	vmul.f32 v45, v45;
	v59 =	vld [tilespmem:s29+$0x180];
	v52 =	vadd.f32 v47, v46;
	v31 =	vadd.f32 v31, v33  }
0x101: {  	v53 =	vmul.f32 v8, v8;
	v61 =	vld [tilespmem:s29+$0x200];
	v55 =	vadd.f32 v50, v49;
	v62 =	vadd.f32 v45, v63  }
0x102: {  	v63 =	vadd.f32 v57, v48;
	v49 =	vmul.f32 v51, v51;
	v51 =	vadd.f32 $0.0e+00, v51  }
0x103: {  	v56 =	vmul.f32 v9, v9;
	v48 =	vld [tilespmem:s29+$0x280];
	v34 =	vadd.f32 v37, v42;
	v30 =	vadd.f32 v30, v32  }
0x104: {  	s19 =	sor.u32 s0, s19;
	v50 =	vld [tilespmem:s29+$0x300];
	v60 =	vadd.f32 v53, v52;
	v29 =	vadd.f32 v29, v31  }
0x105: {  	v39 =	vmul.f32 v54, v54;
	v57 =	vld [tilespmem:s19+$0x0];
	v31 =	vadd.f32 v56, v55;
	v52 =	vadd.f32 $0.0e+00, v54  }
0x106: {  	s25 =	sor.u32 s0, s25;
	v55 =	vld [tilespmem:s13+$0xF000];
	v34 =	vadd.f32 v25, v34;
	v53 =	vadd.f32 $0.0e+00, v59;
	v56 =	vmul.f32 v61, v61  }
0x107: {  	v54 =	vmul.f32 v59, v59;
	v59 =	vld [tilespmem:s25+$0x0];
	v29 =	vadd.f32 v30, v29;
	v30 =	vadd.f32 v31, v60  }
0x108: {  	s31 =	sor.u32 s0, s12;
	v31 =	vld [tilespmem:s29+$0x380];
	v32 =	vadd.f32 v48, v51;
	v36 =	vmul.f32 v48, v48;
	v33 =	vadd.f32 v56, v63  }
0x109: {  	s20 =	sor.u32 s0, s20;
	v42 =	vld [tilespmem:s31+$0x0];
	v60 =	vadd.f32 v50, v52;
	v47 =	vadd.f32 v30, v29  }
0x10a: {  	s26 =	sor.u32 s0, s26;
	v29 =	vld [tilespmem:s20+$0x0];
	v30 =	vadd.f32 v61, v62;
	v61 =	vmul.f32 v50, v50;
	v36 =	vadd.f32 v36, v49  }
0x10b: {  	s28 =	sor.u32 s0, s10;
	v37 =	vmul.f32 v57, v57;
	v62 =	vld [tilespmem:s26+$0x0];
	v26 =	vadd.f32 v26, v55;
	v32 =	vadd.f32 v57, v32  }
0x10c: {  	s1 =	sor.u32 s0, s1;
	v49 =	vld [tilespmem:s28+$0x0];
	v39 =	vadd.f32 v61, v39;
	v51 =	vadd.f32 v59, v60;
	v52 =	vmul.f32 v59, v59  }
0x10d: {  	s29 =	sor.u32 s0, s23;
	v48 =	vld [tilespmem:s1+$0x0];
	v63 =	vadd.f32 v31, v53;
	v31 =	vmul.f32 v31, v31;
	v23 =	vadd.f32 v23, v26  }
0x10e: {  	v50 =	vld [tilespmem:s29+$0x0];
	v36 =	vadd.f32 v37, v36;
	v35 =	vadd.f32 v52, v39  }
0x10f: {  	s10 =	sor.u32 s0, s21;
	v31 =	vadd.f32 v31, v54;
	v30 =	vadd.f32 v29, v30  }
0x110: {  	s30 =	sor.u32 s0, s24;
	v45 =	vld [tilespmem:s10+$0x0];
	v29 =	vmul.f32 v29, v29;
	v53 =	vadd.f32 v62, v63;
	v54 =	vmul.f32 v62, v62  }
0x111: {  	s9 =	sor.u32 s0, s9;
	v26 =	vld [tilespmem:s30+$0x0];
	v20 =	vadd.f32 v20, v23;
	v32 =	vadd.f32 v49, v32  }
0x112: {  	s12 =	sor.u32 s0, s22;
	v41 =	vld [tilespmem:s9+$0x0];
	v29 =	vadd.f32 v29, v33;
	v23 =	vadd.f32 v54, v31  }
0x113: {  	s19 =	sor.u32 s0, s7;
	v56 =	vld [tilespmem:s12+$0x0];
	v61 =	vmul.f32 v42, v42;
	v30 =	vadd.f32 v48, v30;
	v33 =	vadd.f32 v50, v51  }
0x114: {  	s20 =	sor.u32 s0, s3;
	v57 =	vld [tilespmem:s19+$0x0];
	v55 =	vmul.f32 v48, v48;
	v20 =	vadd.f32 v16, v20;
	v48 =	vadd.f32 v17, v27  }
0x115: {  	s23 =	sor.u32 s0, s14;
	v60 =	vld [tilespmem:s20+$0x0];
	v31 =	vmul.f32 v49, v49;
	v49 =	vadd.f32 v21, v24;
	v51 =	vadd.f32 v22, v34  }
0x116: {  	s25 =	sor.u32 s0, s15;
	v62 =	vmul.f32 v45, v45;
	v16 =	vld [tilespmem:s23+$0x0];
	v37 =	vadd.f32 v26, v53;
	v28 =	vadd.f32 v55, v29  }
0x117: {  	s26 =	sor.u32 s0, s16;
	v22 =	vld [tilespmem:s25+$0x0];
	v59 =	vmul.f32 v26, v26;
	v31 =	vadd.f32 v31, v36;
	v52 =	vadd.f32 v42, v30  }
0x118: {  	s21 =	sor.u32 s0, s17;
	v24 =	vld [tilespmem:s26+$0x0];
	v29 =	vmul.f32 v50, v50;
	v38 =	vadd.f32 v15, v48;
	v42 =	vadd.f32 v19, v51  }
0x119: {  	s22 =	sor.u32 s0, s18;
	v25 =	vld [tilespmem:s21+$0x0];
	v63 =	vmul.f32 v56, v56;
	v39 =	vadd.f32 v59, v23;
	v34 =	vadd.f32 v56, v37  }
0x11a: {  	s24 =	sor.u32 s0, s5;
	v26 =	vld [tilespmem:s22+$0x0];
	v50 =	vmul.f32 v57, v57;
	v37 =	vadd.f32 v14, v20;
	v35 =	vadd.f32 v29, v35  }
0x11b: {  	v23 =	vld [tilespmem:s24+$0x0];
	v29 =	vmul.f32 v41, v41;
	v36 =	vadd.f32 v61, v28;
	v41 =	vadd.f32 v41, v32  }
0x11c: {  	s28 =	sor.u32 s0, s6;
	v28 =	vmul.f32 v60, v60;
	v32 =	vadd.f32 v45, v33;
	v27 =	vmul.f32 v16, v16  }
0x11d: {  	s29 =	sor.u32 s0, s4;
	v17 =	vld [tilespmem:s28+$0x0];
	v40 =	vadd.f32 v57, v52;
	v15 =	vmul.f32 v22, v22;
	v20 =	vmul.f32 v24, v24  }
0x11e: {  	s31 =	sor.u32 s0, s11;
	v21 =	vld [tilespmem:s29+$0x0];
	v31 =	vadd.f32 v29, v31;
	v29 =	vmul.f32 v25, v25;
	v33 =	vadd.f32 v62, v35  }
0x11f: {  	s30 =	sor.u32 s0, s8;
	v19 =	vld [tilespmem:s31+$0x0];
	v30 =	vmul.f32 v26, v26;
	v35 =	vadd.f32 v63, v39;
	v39 =	vadd.f32 v18, v49  }
0x120: {  	s4 =	simm.s32 $0x100;
	s6 =	simm.s32 $0x20;
	[tilespmem:s13+$0xF300] =	vst v47;
	s0 =	simm.s32 $0x0;
	v18 =	vld [tilespmem:s30+$0x0];
	v36 =	vadd.f32 v50, v36;
	v41 =	vadd.f32 v60, v41;
	v14 =	vmul.f32 v23, v23  }
.LBB2_7:
0x121: {  	s3 =	sand.u32 $0xC00, s4;
	s20 =	sand.u32 $0x60, s6  }
0x122: {  	v28 =	vadd.f32 v28, v31;
	s1 =	sadd.s32 $0x5600, s3;
	s23 =	sor.u32 $0x10, s20  }
0x123: {  	v25 =	vadd.f32 v25, v32;
	v29 =	vadd.f32 v29, v33;
	s24 =	sadd.s32 $0x5680, s3;
	s5 =	sor.u32 s20, s1;
	s1 =	sor.u32 s23, s1  }
0x124: {  	v26 =	vadd.f32 v26, v34;
	v30 =	vadd.f32 v30, v35;
	s7 =	sadd.s32 $0x5400, s3;
	s25 =	sor.u32 s23, s24;
	v50 =	vld [tilespmem:s1+$0x0]  }
0x125: {  	v49 =	vadd.f32 v6, v37;
	v38 =	vadd.f32 v7, v38;
	s28 =	sadd.s32 $0x5480, s3;
	s26 =	sor.u32 s20, s7;
	s7 =	sor.u32 s23, s7;
	v52 =	vld [tilespmem:s25+$0x0]  }
0x126: {  	v12 =	vadd.f32 v12, v39;
	v27 =	vadd.f32 v27, v36;
	s29 =	sadd.s32 $0x4A00, s3;
	[dreg:$0x6] =	wrdreg s5;
	v53 =	vld [tilespmem:s7+$0x0];
	s5 =	sor.u32 s23, s28  }
0x127: {  	v13 =	vadd.f32 v13, v42;
	v40 =	vadd.f32 v16, v40;
	s30 =	sadd.s32 $0x4A80, s3;
	s1 =	sor.u32 s23, s29;
	v54 =	vld [tilespmem:s5+$0x0]  }
0x128: {  	v23 =	vadd.f32 v23, v41;
	s10 =	sadd.s32 $0x3E80, s3;
	v28 =	vadd.f32 v14, v28;
	s7 =	sor.u32 s23, s30;
	v6 =	vld [tilespmem:s1+$0x0]  }
0x129: {  	s31 =	sadd.s32 $0x4800, s3;
	s8 =	sor.u32 s20, s24;
	s12 =	sor.u32 s23, s10;
	v22 =	vadd.f32 v22, v25;
	v25 =	vadd.f32 v15, v29;
	v7 =	vld [tilespmem:s7+$0x0]  }
0x12a: {  	[dreg:$0x9] =	wrdreg s8;
	s8 =	sadd.s32 $0x4880, s3;
	v11 =	vadd.f32 v11, v13;
	v31 =	vmul.f32 v17, v17;
	s5 =	sor.u32 s23, s31;
	v13 =	vadd.f32 v17, v40;
	v17 =	vld [tilespmem:s12+$0x0]  }
0x12b: {  	s9 =	sadd.s32 $0x3E00, s3;
	v24 =	vadd.f32 v24, v26;
	v20 =	vadd.f32 v20, v30;
	s7 =	sor.u32 s23, s8;
	v14 =	vld [tilespmem:s5+$0x0]  }
0x12c: {  	s11 =	sadd.s32 $0x3C00, s3;
	s19 =	sor.u32 s20, s10;
	v26 =	vadd.f32 v4, v49;
	v29 =	vadd.f32 v5, v38;
	s1 =	sor.u32 s23, s9;
	v15 =	vld [tilespmem:s7+$0x0]  }
0x12d: {  	s10 =	sor.u32 s23, s11;
	v10 =	vadd.f32 v10, v12;
	v48 =	vmul.f32 v18, v18;
	v23 =	vadd.f32 v21, v23;
	s12 =	sor.u32 s20, s11;
	s11 =	sor.u32 $0x3000, s3;
	v16 =	vld [tilespmem:s1+$0x0]  }
0x12e: {  	v51 =	vmul.f32 v19, v19;
	v22 =	vadd.f32 v18, v22;
	v18 =	vld [tilespmem:s10+$0x0];
	v19 =	vadd.f32 v19, v24;
	s25 =	sor.u32 s23, s11  }
0x12f: {  	v24 =	vadd.f32 v2, v26;
	v8 =	vadd.f32 v8, v10;
	v10 =	vld [tilespmem:s25+$0x80]  }
0x130: {  	v47 =	vmul.f32 v21, v21;
	v26 =	vadd.f32 v3, v29;
	v9 =	vadd.f32 v9, v11;
	v11 =	vld [tilespmem:s25+$0x100]  }
0x131: {  	s21 =	rddreg [dreg:$0x5];
	s18 =	sor.u32 s20, s8;
	v12 =	vadd.f32 v31, v27;
	v13 =	vadd.f32 v23, v13;
	v23 =	vld [tilespmem:s25+$0x180]  }
0x132: {  	s8 =	sadd.s32 s6, s21;
	s5 =	sor.u32 s20, s9;
	s9 =	sadd.s32 $0x3C80, s3;
	v27 =	vadd.f32 v47, v28;
	v25 =	vadd.f32 v48, v25;
	v56 =	vld [tilespmem:s25+$0x300]  }
0x133: {  	s22 =	sand.u32 $0x380, s8;
	s24 =	sor.u32 s23, s9;
	v20 =	vadd.f32 v51, v20;
	v30 =	vld [tilespmem:s25+$0x380];
	v19 =	vadd.f32 v19, v22  }
0x134: {  	s7 =	sor.u32 s23, s22;
	v21 =	vld [tilespmem:s24+$0x0];
	v24 =	vadd.f32 v26, v24;
	v8 =	vadd.f32 v9, v8;
	v2 =	vmovc v50;
	v3 =	vmov v52  }
0x135: {  	v55 =	vld [tilespmem:s7+$0xF300];
	v4 =	vmovc v53;
	v12 =	vadd.f32 v27, v12;
	v31 =	vmul.f32 v50, v2;
	v32 =	vmul.f32 v52, v3  }
0x136: {  	s14 =	sor.u32 s20, s28;
	v22 =	vld [tilespmem:s25+$0x200];
	v20 =	vadd.f32 v20, v25;
	v34 =	vmul.f32 v53, v4;
	v36 =	vmul.f32 v6, v6  }
0x137: {  	s17 =	sor.u32 s20, s31;
	[dreg:$0xe] =	wrdreg s26;
	s21 =	sadd.s32 $0x3D80, s3;
	v9 =	vld [tilespmem:s25+$0x280];
	v5 =	vmovc v54;
	v38 =	vmul.f32 v7, v7;
	v43 =	vmul.f32 v17, v17;
	v8 =	vadd.f32 v8, v24  }
0x138: {  	s26 =	sadd.s32 $0x3D00, s3;
	s31 =	sor.u32 s20, s21;
	s21 =	sor.u32 s23, s21;
	v27 =	vld [tilespmem:s25+$0x0];
	v35 =	vmul.f32 v54, v5;
	v12 =	vadd.f32 v20, v12;
	v57 =	vmul.f32 v14, v14  }
0x139: {  	s28 =	sor.u32 s23, s26;
	s8 =	sor.u32 s20, s22;
	s22 =	sadd.s32 $0x3F80, s3;
	v26 =	vld [tilespmem:s21+$0x0];
	v59 =	vmul.f32 v15, v15;
	v44 =	vmul.f32 v18, v18;
	v20 =	vadd.f32 $0.0e+00, v10  }
0x13a: {  	s15 =	sor.u32 s20, s29;
	s29 =	sadd.s32 $0x3F00, s3;
	v25 =	vld [tilespmem:s28+$0x0];
	s25 =	sor.u32 s23, s22;
	v28 =	vadd.f32 $0.0e+00, v11;
	v10 =	vmul.f32 v10, v10;
	v11 =	vmul.f32 v11, v11  }
0x13b: {  	s10 =	sor.u32 s20, s11;
	s11 =	sor.u32 s23, s29;
	s24 =	sadd.s32 $0x4900, s3;
	v24 =	vld [tilespmem:s25+$0x0];
	v29 =	vadd.f32 $0.0e+00, v23;
	v46 =	vmul.f32 v23, v23;
	v62 =	vmul.f32 v30, v30  }
0x13c: {  	s21 =	sor.u32 s23, s24;
	v23 =	vld [tilespmem:s11+$0x0];
	[tilespmem:s2+$0xF300] =	vst v12;
	v45 =	vmul.f32 v21, v21;
	v12 =	vadd.f32 v19, v13;
	v33 =	vadd.f32 v9, v20  }
0x13d: {  	s16 =	sor.u32 s20, s30;
	s30 =	sor.u32 s20, s26;
	s26 =	sadd.s32 $0x4980, s3;
	v19 =	vld [tilespmem:s21+$0x0];
	[tilespmem:s13+$0xF000] =	vst v8;
	v13 =	vmul.f32 v27, v27;
	v9 =	vmul.f32 v9, v9;
	v28 =	vadd.f32 v56, v28  }
0x13e: {  	s1 =	sor.u32 s20, s29;
	s29 =	sor.u32 s20, s22;
	v48 =	vmul.f32 v26, v26;
	v63 =	vadd.f32 v62, v46;
	v29 =	vadd.f32 v30, v29;
	[tilespmem:s2+$0xF000] =	vst v12;
	s2 =	sor.u32 s23, s26  }
0x13f: {  	s28 =	sor.u32 s20, s24;
	s22 =	sor.u32 s20, s26;
	s24 =	sadd.s32 $0x4B00, s3;
	v12 =	vmul.f32 v56, v56;
	v13 =	vadd.f32 v13, v55;
	v8 =	vadd.f32 v9, v10;
	v20 =	vld [tilespmem:s2+$0x0]  }
0x140: {  	s25 =	sadd.s32 $0x4B80, s3;
	v61 =	vmul.f32 v22, v22;
	s26 =	sor.u32 s20, s24;
	s24 =	sor.u32 s23, s24;
	v37 =	vadd.f32 v48, v63;
	v48 =	vld [tilespmem:s10+$0x100];
	v21 =	vadd.f32 v21, v33  }
0x141: {  	s21 =	sor.u32 s20, s25;
	s25 =	sor.u32 s23, s25;
	v10 =	vmul.f32 v25, v25;
	v28 =	vadd.f32 v25, v28;
	v9 =	vadd.f32 v12, v11;
	v12 =	vld [tilespmem:s24+$0x0]  }
0x142: {  	s13 =	sadd.s32 $0x5500, s3;
	v50 =	vmul.f32 v24, v24;
	v29 =	vadd.f32 v26, v29;
	v11 =	vadd.f32 v61, v13;
	v13 =	vld [tilespmem:s25+$0x0]  }
0x143: {  	s11 =	sadd.s32 $0x5580, s3;
	s2 =	sor.u32 s23, s13;
	v49 =	vmul.f32 v23, v23;
	v8 =	vadd.f32 v45, v8;
	v45 =	vld [tilespmem:s10+$0x0];
	v9 =	vadd.f32 v10, v9  }
0x144: {  	v60 =	vmul.f32 v16, v16;
	v37 =	vadd.f32 v50, v37;
	v10 =	vld [tilespmem:s2+$0x0];
	s2 =	sor.u32 s23, s11;
	v44 =	vadd.f32 v44, v11  }
0x145: {  	s24 =	sor.u32 s20, s13;
	s13 =	sadd.s32 $0x5700, s3;
	v51 =	vmul.f32 v19, v19;
	v43 =	vadd.f32 v43, v8;
	v11 =	vld [tilespmem:s2+$0x0];
	s2 =	smov.u32 s8;
	v9 =	vadd.f32 v49, v9  }
0x146: {  	s25 =	sor.u32 s20, s11;
	v47 =	vadd.f32 v17, v21;
	s11 =	sor.u32 s20, s13;
	s13 =	sor.u32 s23, s13;
	v52 =	vmul.f32 v20, v20;
	v56 =	vld [tilespmem:s2+$0xF000];
	v42 =	vadd.f32 v60, v44  }
0x147: {  	s3 =	sadd.s32 $0x5780, s3;
	v8 =	vld [tilespmem:s13+$0x0];
	v41 =	vadd.f32 v59, v43;
	v54 =	vmul.f32 v12, v12;
	v53 =	vadd.f32 v51, v9  }
0x148: {  	s9 =	sor.u32 s20, s9;
	s20 =	sor.u32 s20, s3;
	s3 =	sor.u32 s23, s3;
	v60 =	vld [tilespmem:s2+$0xF300];
	v37 =	vadd.f32 v52, v37;
	v55 =	vmul.f32 v13, v13;
	v40 =	vadd.f32 v57, v42  }
0x149: {  	v9 =	vld [tilespmem:s3+$0x0];
	v38 =	vadd.f32 v38, v41;
	v59 =	vmul.f32 v10, v10;
	v57 =	vadd.f32 v54, v53  }
0x14a: {  	v52 =	vld [tilespmem:s10+$0x180];
	v37 =	vadd.f32 v55, v37;
	v61 =	vmul.f32 v11, v11;
	v36 =	vadd.f32 v36, v40  }
0x14b: {  	v51 =	vmul.f32 v45, v45;
	v54 =	vld [tilespmem:s10+$0x200];
	v35 =	vadd.f32 v35, v38;
	v56 =	vadd.f32 v45, v56  }
0x14c: {  	v63 =	vmul.f32 v8, v8;
	v40 =	vld [tilespmem:s10+$0x80];
	v62 =	vadd.f32 v59, v57;
	v49 =	vadd.f32 v61, v37  }
0x14d: {  	s13 =	smov.u32 s7;
	v57 =	vadd.f32 v51, v60;
	v59 =	vld [tilespmem:s10+$0x280];
	v34 =	vadd.f32 v34, v36  }
0x14e: {  	v51 =	vld [tilespmem:s13+$0xF000];
	v50 =	vmul.f32 v9, v9;
	v32 =	vadd.f32 v32, v35;
	v53 =	vadd.f32 v63, v62  }
0x14f: {  	v63 =	vadd.f32 $0.0e+00, v48;
	v31 =	vadd.f32 v31, v34  }
0x150: {  	v60 =	vld [tilespmem:s10+$0x300];
	v55 =	vadd.f32 v50, v49;
	v49 =	vadd.f32 $0.0e+00, v52  }
0x151: {  	v50 =	vmul.f32 v52, v52;
	v52 =	vadd.f32 v54, v56;
	v62 =	vadd.f32 $0.0e+00, v40  }
0x152: {  	v56 =	vld [tilespmem:s9+$0x0];
	v41 =	vmul.f32 v40, v40;
	v31 =	vadd.f32 v32, v31;
	v61 =	vadd.f32 v55, v53  }
0x153: {  	v40 =	vmul.f32 v48, v48;
	v48 =	vld [tilespmem:s10+$0x380];
	v55 =	vmul.f32 v59, v59;
	v27 =	vadd.f32 v27, v51  }
0x154: {  	v53 =	vmul.f32 v54, v54;
	v54 =	vld [tilespmem:s12+$0x0];
	v30 =	vadd.f32 v59, v62;
	v31 =	vadd.f32 v61, v31  }
0x155: {  	v42 =	vld [tilespmem:s18+$0x0];
	v59 =	vmul.f32 v60, v60;
	v34 =	vadd.f32 v55, v41;
	v22 =	vadd.f32 v22, v27  }
0x156: {  	[tilespmem:s13+$0xF300] =	vst v31;
	v31 =	vadd.f32 v53, v57;
	v57 =	vadd.f32 v60, v63;
	v60 =	vld [tilespmem:s30+$0x0]  }
0x157: {  	v35 =	vadd.f32 v59, v40;
	v30 =	vadd.f32 v56, v30;
	v63 =	vld [tilespmem:s31+$0x0]  }
0x158: {  	v39 =	vmul.f32 v56, v56;
	v61 =	vadd.f32 v48, v49;
	v62 =	vmul.f32 v48, v48;
	v48 =	vld [tilespmem:s5+$0x0]  }
0x159: {  	v49 =	vld [tilespmem:s19+$0x0];
	v18 =	vadd.f32 v18, v22;
	v32 =	vadd.f32 v54, v52;
	v38 =	vmul.f32 v54, v54  }
0x15a: {  	v56 =	vld [tilespmem:s15+$0x0];
	v34 =	vadd.f32 v39, v34;
	v41 =	vadd.f32 v62, v50  }
0x15b: {  	v59 =	vld [tilespmem:s16+$0x0];
	v18 =	vadd.f32 v16, v18;
	v27 =	vadd.f32 v38, v31  }
0x15c: {  	v50 =	vld [tilespmem:s1+$0x0];
	v38 =	vadd.f32 v15, v47;
	v31 =	vadd.f32 v60, v57  }
0x15d: {  	v52 =	vld [tilespmem:s29+$0x0];
	v51 =	vmul.f32 v60, v60;
	v37 =	vadd.f32 v63, v61;
	v53 =	vmul.f32 v63, v63  }
0x15e: {  	v39 =	vld [tilespmem:s17+$0x0];
	s29 =	rddreg [dreg:$0xe];
	v54 =	vmul.f32 v48, v48;
	v32 =	vadd.f32 v48, v32;
	v30 =	vadd.f32 v49, v30  }
0x15f: {  	v16 =	vld [tilespmem:s29+$0x0];
	v55 =	vmul.f32 v49, v49;
	v48 =	vadd.f32 v23, v28;
	v33 =	vadd.f32 v51, v35  }
0x160: {  	v60 =	vmul.f32 v42, v42;
	v23 =	vld [tilespmem:s14+$0x0];
	v22 =	vadd.f32 v53, v41;
	v27 =	vadd.f32 v54, v27  }
0x161: {  	v28 =	vmul.f32 v59, v59;
	v41 =	vld [tilespmem:s28+$0x0];
	v34 =	vadd.f32 v55, v34;
	v57 =	vadd.f32 v50, v31  }
0x162: {  	v25 =	vmul.f32 v50, v50;
	v35 =	vld [tilespmem:s22+$0x0];
	v36 =	vadd.f32 v52, v37;
	v51 =	vadd.f32 v24, v29  }
0x163: {  	v26 =	vmul.f32 v52, v52;
	v52 =	vadd.f32 v39, v32;
	v53 =	vadd.f32 v42, v30;
	v24 =	vld [tilespmem:s25+$0x0]  }
0x164: {  	v31 =	vmul.f32 v39, v39;
	v37 =	vadd.f32 v14, v18;
	v33 =	vadd.f32 v25, v33;
	v25 =	vld [tilespmem:s26+$0x0]  }
0x165: {  	s0 =	sadd.s32 $0x2, s0;
	v50 =	vmul.f32 v56, v56;
	v39 =	vadd.f32 v19, v48;
	v61 =	vadd.f32 v26, v22;
	v26 =	vld [tilespmem:s21+$0x0]  }
0x166: {  	p1 =	slt.u32 s0, $0x16;
	v49 =	vadd.f32 v31, v27;
	v22 =	vld [tilespmem:s24+$0x0];
	v31 =	vadd.f32 v60, v34;
	v27 =	vmul.f32 v16, v16  }
.Ltmp2:
0x167: {  	s30 =	rddreg [dreg:$0x6];
	v42 =	vadd.f32 v20, v51;
	v40 =	vadd.f32 v56, v52;
	v14 =	vmul.f32 v23, v23;
	(pc) =	sbr.rel @p1 .LBB2_7-.Ltmp2, $4  }
0x168: {  	s31 =	rddreg [dreg:$0x9];
	v17 =	vld [tilespmem:s30+$0x0];
	v62 =	vmul.f32 v41, v41;
	v32 =	vadd.f32 v41, v57;
	v34 =	vadd.f32 v35, v36  }
0x169: {  	v21 =	vld [tilespmem:s31+$0x0];
	v63 =	vmul.f32 v35, v35;
	v36 =	vadd.f32 v50, v49;
	v41 =	vadd.f32 v59, v53  }
0x16a: {  	v18 =	vld [tilespmem:s11+$0x0];
	v20 =	vmul.f32 v24, v24;
	v29 =	vmul.f32 v25, v25;
	v33 =	vadd.f32 v62, v33  }
0x16b: {  	s4 =	sadd.s32 $0x100, s4;
	s6 =	sadd.s32 $0x20, s6;
	v19 =	vld [tilespmem:s20+$0x0];
	v30 =	vmul.f32 v26, v26;
	v35 =	vadd.f32 v63, v61;
	v15 =	vmul.f32 v22, v22  }
0x16c: {  	v28 =	vadd.f32 v28, v31;
	v25 =	vadd.f32 v25, v32  }
0x16d: {  	v29 =	vadd.f32 v29, v33;
	v26 =	vadd.f32 v26, v34  }
0x16e: {  	v6 =	vadd.f32 v6, v37;
	v7 =	vadd.f32 v7, v38  }
0x16f: {  	v12 =	vadd.f32 v12, v39;
	v27 =	vadd.f32 v27, v36  }
0x170: {  	v13 =	vadd.f32 v13, v42;
	v16 =	vadd.f32 v16, v40  }
0x171: {  	v23 =	vadd.f32 v23, v41;
	v30 =	vadd.f32 v30, v35  }
0x172: {  	v14 =	vadd.f32 v14, v28;
	v22 =	vadd.f32 v22, v25  }
0x173: {  	v15 =	vadd.f32 v15, v29;
	v24 =	vadd.f32 v24, v26  }
0x174: {  	v25 =	vmul.f32 v17, v17;
	v4 =	vadd.f32 v4, v6;
	v5 =	vadd.f32 v5, v7  }
0x175: {  	v6 =	vadd.f32 v10, v12;
	v7 =	vmul.f32 v21, v21;
	v11 =	vadd.f32 v11, v13  }
0x176: {  	v13 =	vadd.f32 v17, v16;
	v20 =	vadd.f32 v20, v30;
	v12 =	vmul.f32 v18, v18  }
0x177: {  	v10 =	vadd.f32 v25, v27;
	v17 =	vmul.f32 v19, v19;
	v7 =	vadd.f32 v7, v14  }
0x178: {  	v2 =	vadd.f32 v2, v4;
	v3 =	vadd.f32 v3, v5  }
0x179: {  	v12 =	vadd.f32 v12, v15;
	v17 =	vadd.f32 v17, v20  }
0x17a: {  	v4 =	vadd.f32 v8, v6;
	v6 =	vadd.f32 v9, v11  }
0x17b: {  	v5 =	vadd.f32 v7, v10;
	v8 =	vadd.f32 v17, v12  }
0x17c: {  	v16 =	vadd.f32 v21, v23;
	v2 =	vadd.f32 v3, v2  }
0x17d: {  	v3 =	vadd.f32 v6, v4;
	v4 =	vadd.f32 v8, v5  }
0x17e: {  	v14 =	vadd.f32 v18, v22;
	v15 =	vadd.f32 v19, v24  }
0x17f: {  	[tilespmem:s2+$0xF300] =	vst v4  }
0x180: {  	v7 =	vadd.f32 v16, v13;
	v9 =	vadd.f32 v15, v14;
	s1 =	sld [smem:$0x7FA];
	_ =	sdelay $0x1  }
0x181: {  	v5 =	vadd.f32 v9, v7;
	s0 =	rddreg [dreg:$0x18]  }
0x182: {  	s18 =	simm.s32 $0x0;
	v2 =	vadd.f32 v3, v2;
	s0 =	sadd.s32 @!p0 s1, s0  }
0x183: {  	s19 =	simm.s32 $0x3;
	[tilespmem:s2+$0xF000] =	vst v5;
	s1 =	rddreg [dreg:$0x0];
	s0 =	sshrl.u32 @!p0 s0, $0x3  }
0x184: {  	[tilespmem:s13+$0xF000] =	vst v2;
	s2 =	simm.s32 @!p0 $0x3000;
	s0 =	sadd.s32 @!p0 s1, s0;
	s1 =	simm.s32 @!p0 $0x0  }
0x185: {  	[tilespmem:s2], [sflag:$0x2] =	stream.linear.gather @!p0 [hbm4b:s0+s1], $0x3000, $0x38;
	[tilespmem:$0xF880] =	vst v63  }
0x186: {  	s11 =	sand.u32 $0xC00, s18;
	s0 =	sand.u32 $0x60, s18;
	_ =	swait.ge [sflag:s19], $0x3000  }
0x187: {  	s6 =	sadd.s32 $0x8600, s11;
	s2 =	sor.u32 $0x10, s0;
	[sflag:s19] =	ssyncset.done $0x0  }
0x188: {  	s4 =	sadd.s32 $0x8680, s11;
	s20 =	sor.u32 s2, s6;
	[sflag:s19] =	ssyncadd.s32 $0xFFFFD000  }
0x189: {  	s14 =	sadd.s32 $0x8400, s11;
	s21 =	sor.u32 s2, s4;
	v2 =	vld [tilespmem:s20+$0x0]  }
0x18a: {  	s5 =	sadd.s32 $0x8480, s11;
	s3 =	sor.u32 s2, s14;
	v3 =	vld [tilespmem:s21+$0x0]  }
0x18b: {  	s7 =	sadd.s32 $0x7A00, s11;
	s22 =	sor.u32 s2, s5;
	v4 =	vld [tilespmem:s3+$0x0]  }
0x18c: {  	s12 =	sadd.s32 $0x7800, s11;
	s8 =	sor.u32 s2, s7;
	v5 =	vld [tilespmem:s22+$0x0]  }
0x18d: {  	s9 =	sadd.s32 $0x7880, s11;
	s24 =	sor.u32 s2, s12;
	v6 =	vld [tilespmem:s8+$0x0]  }
0x18e: {  	s1 =	sadd.s32 $0x6E00, s11;
	s25 =	sor.u32 s2, s9;
	v14 =	vld [tilespmem:s24+$0x0]  }
0x18f: {  	s10 =	sadd.s32 $0x6E80, s11;
	s26 =	sor.u32 s2, s1;
	v15 =	vld [tilespmem:s25+$0x0]  }
0x190: {  	s28 =	sor.u32 s2, s10;
	s29 =	rddreg [dreg:$0x5];
	s19 =	sadd.s32 $0x6C80, s11;
	v16 =	vld [tilespmem:s26+$0x0]  }
0x191: {  	s13 =	sadd.s32 $0x0, s29;
	s29 =	sor.u32 $0x6000, s11;
	v17 =	vld [tilespmem:s28+$0x0];
	s30 =	sor.u32 s2, s19  }
0x192: {  	s31 =	sor.u32 s2, s29;
	v27 =	vld [tilespmem:s30+$0x0]  }
0x193: {  	v9 =	vld [tilespmem:s31+$0x80]  }
0x194: {  	v10 =	vld [tilespmem:s31+$0x100]  }
0x195: {  	v11 =	vld [tilespmem:s31+$0x180]  }
0x196: {  	v23 =	vld [tilespmem:s31+$0x200]  }
0x197: {  	v12 =	vld [tilespmem:s31+$0x280]  }
0x198: {  	v26 =	vld [tilespmem:s31+$0x0]  }
0x199: {  	s3 =	sadd.s32 $0x7A80, s11;
	v13 =	vld [tilespmem:s31+$0x300]  }
0x19a: {  	s20 =	sadd.s32 $0x6C00, s11;
	s23 =	sor.u32 s2, s3;
	v37 =	vld [tilespmem:s31+$0x380]  }
0x19b: {  	s28 =	sand.u32 $0x380, s13;
	s15 =	sor.u32 s2, s20;
	v7 =	vld [tilespmem:s23+$0x0];
	v30 =	vmul.f32 v3, v3  }
0x19c: {  	s26 =	sadd.s32 $0x6D80, s11;
	s13 =	sor.u32 s2, s28;
	v20 =	vld [tilespmem:s15+$0x0];
	v32 =	vmul.f32 v5, v5;
	v33 =	vmul.f32 v6, v6  }
0x19d: {  	s24 =	sadd.s32 $0x6F80, s11;
	s16 =	sor.u32 s2, s26;
	v8 =	vld [tilespmem:s13+$0xF300];
	v57 =	vmul.f32 v14, v14;
	v59 =	vmul.f32 v15, v15  }
0x19e: {  	s25 =	sadd.s32 $0x6D00, s11;
	s18 =	sor.u32 s2, s24;
	v25 =	vld [tilespmem:s16+$0x0];
	v60 =	vmul.f32 v16, v16;
	v61 =	vmul.f32 v17, v17;
	v18 =	vadd.f32 $0.0e+00, v9  }
0x19f: {  	s15 =	sor.u32 s2, s25;
	s23 =	sadd.s32 $0x6F00, s11;
	v22 =	vld [tilespmem:s18+$0x0];
	v19 =	vadd.f32 $0.0e+00, v10;
	v63 =	vmul.f32 v27, v27;
	v9 =	vmul.f32 v9, v9  }
0x1a0: {  	s21 =	sadd.s32 $0x7900, s11;
	v24 =	vld [tilespmem:s15+$0x0];
	s17 =	sor.u32 s2, s23;
	v42 =	vadd.f32 $0.0e+00, v11;
	v10 =	vmul.f32 v10, v10;
	v11 =	vmul.f32 v11, v11  }
0x1a1: {  	s30 =	sor.u32 s2, s21;
	v21 =	vld [tilespmem:s17+$0x0];
	v44 =	vmul.f32 v23, v23;
	v45 =	vmul.f32 v37, v37;
	v43 =	vadd.f32 v12, v18  }
0x1a2: {  	s22 =	sadd.s32 $0x7980, s11;
	s29 =	sor.u32 s0, s29;
	v18 =	vmul.f32 v26, v26;
	v12 =	vmul.f32 v12, v12;
	v28 =	vadd.f32 v13, v19;
	v19 =	vld [tilespmem:s30+$0x0]  }
0x1a3: {  	s31 =	sor.u32 s2, s22;
	s17 =	sadd.s32 $0x7B00, s11;
	v34 =	vmul.f32 v7, v7;
	v13 =	vmul.f32 v13, v13;
	v11 =	vadd.f32 v45, v11;
	v45 =	vld [tilespmem:s29+$0x0]  }
0x1a4: {  	s18 =	sadd.s32 $0x7B80, s11;
	s15 =	sor.u32 s2, s17;
	v48 =	vmul.f32 v25, v25;
	v8 =	vadd.f32 v18, v8;
	v18 =	vld [tilespmem:s31+$0x0];
	v9 =	vadd.f32 v12, v9  }
0x1a5: {  	s16 =	sor.u32 s2, s18;
	v46 =	vmul.f32 v24, v24;
	v10 =	vadd.f32 v13, v10;
	v12 =	vld [tilespmem:s15+$0x0];
	s15 =	sadd.s32 $0x8500, s11;
	v24 =	vadd.f32 v24, v28  }
0x1a6: {  	v62 =	vmul.f32 v20, v20;
	v13 =	vld [tilespmem:s16+$0x0];
	s16 =	sadd.s32 $0x8580, s11;
	s30 =	sor.u32 s2, s15;
	v8 =	vadd.f32 v44, v8;
	v9 =	vadd.f32 v63, v9  }
0x1a7: {  	s8 =	sadd.s32 $0x8700, s11;
	v50 =	vmul.f32 v21, v21;
	v49 =	vadd.f32 v46, v10;
	v10 =	vld [tilespmem:s30+$0x0];
	v44 =	vadd.f32 v48, v11;
	s30 =	sor.u32 s2, s16  }
0x1a8: {  	v51 =	vmul.f32 v22, v22;
	s11 =	sadd.s32 $0x8780, s11;
	s31 =	sor.u32 s2, s8;
	v21 =	vadd.f32 v21, v24;
	v11 =	vld [tilespmem:s30+$0x0];
	v40 =	vadd.f32 v62, v8  }
0x1a9: {  	s2 =	sor.u32 s2, s11;
	v52 =	vmul.f32 v19, v19;
	v39 =	vadd.f32 v61, v9;
	v41 =	vadd.f32 v50, v49;
	v8 =	vld [tilespmem:s31+$0x0]  }
0x1aa: {  	v53 =	vadd.f32 v51, v44;
	v9 =	vld [tilespmem:s2+$0x0];
	s2 =	sor.u32 s0, s28;
	v54 =	vmul.f32 v18, v18;
	v38 =	vadd.f32 v60, v40  }
0x1ab: {  	v56 =	vmul.f32 v12, v12;
	v63 =	vld [tilespmem:s2+$0xF300];
	v36 =	vadd.f32 v59, v39;
	v55 =	vadd.f32 v52, v41  }
0x1ac: {  	v49 =	vld [tilespmem:s29+$0x80];
	v59 =	vmul.f32 v13, v13;
	v40 =	vadd.f32 v19, v21;
	v35 =	vadd.f32 v57, v38  }
0x1ad: {  	v60 =	vld [tilespmem:s2+$0xF000];
	v62 =	vmul.f32 v10, v10;
	v57 =	vadd.f32 v54, v53;
	v34 =	vadd.f32 v34, v36  }
0x1ae: {  	v61 =	vadd.f32 v56, v55;
	v55 =	vmul.f32 v45, v45;
	v33 =	vadd.f32 v33, v35  }
0x1af: {  	v31 =	vmul.f32 v4, v4;
	v47 =	vadd.f32 v59, v57;
	v32 =	vadd.f32 v32, v34  }
0x1b0: {  	v52 =	vld [tilespmem:s29+$0x100];
	v48 =	vmul.f32 v11, v11;
	v50 =	vadd.f32 v62, v61;
	v61 =	vadd.f32 v55, v63  }
0x1b1: {  	v59 =	vld [tilespmem:s29+$0x200];
	v63 =	vmul.f32 v49, v49;
	v49 =	vadd.f32 $0.0e+00, v49;
	v34 =	vadd.f32 v37, v42  }
0x1b2: {  	v51 =	vmul.f32 v8, v8;
	v62 =	vld [tilespmem:s29+$0x280];
	v42 =	vadd.f32 v27, v43;
	v60 =	vadd.f32 v45, v60  }
0x1b3: {  	s19 =	sor.u32 s0, s19;
	v29 =	vmul.f32 v2, v2;
	v56 =	vld [tilespmem:s29+$0x180];
	v31 =	vadd.f32 v31, v33;
	v53 =	vadd.f32 v48, v47  }
0x1b4: {  	v54 =	vmul.f32 v9, v9;
	v55 =	vld [tilespmem:s19+$0x0];
	v30 =	vadd.f32 v30, v32;
	v57 =	vadd.f32 v51, v50  }
0x1b5: {  	s25 =	sor.u32 s0, s25;
	v48 =	vld [tilespmem:s29+$0x300];
	v50 =	vadd.f32 $0.0e+00, v52;
	v25 =	vadd.f32 v25, v34  }
0x1b6: {  	v27 =	vld [tilespmem:s25+$0x0];
	v39 =	vmul.f32 v52, v52;
	v29 =	vadd.f32 v29, v31;
	v31 =	vadd.f32 v54, v53  }
0x1b7: {  	s28 =	sor.u32 s0, s10;
	v42 =	vadd.f32 v17, v42;
	v53 =	vld [tilespmem:s13+$0xF000];
	v54 =	vmul.f32 v59, v59;
	v32 =	vadd.f32 v62, v49  }
0x1b8: {  	v36 =	vmul.f32 v62, v62;
	v62 =	vld [tilespmem:s28+$0x0];
	v29 =	vadd.f32 v30, v29;
	v30 =	vadd.f32 v31, v57  }
0x1b9: {  	s20 =	sor.u32 s0, s20;
	v51 =	vadd.f32 $0.0e+00, v56;
	v52 =	vmul.f32 v56, v56;
	v31 =	vld [tilespmem:s29+$0x380];
	v33 =	vadd.f32 v54, v61  }
0x1ba: {  	s26 =	sor.u32 s0, s26;
	v56 =	vadd.f32 v48, v50;
	v57 =	vmul.f32 v48, v48;
	v47 =	vadd.f32 v30, v29;
	v29 =	vld [tilespmem:s20+$0x0]  }
0x1bb: {  	v37 =	vmul.f32 v55, v55;
	s29 =	sor.u32 s0, s23;
	v36 =	vadd.f32 v36, v63;
	v30 =	vadd.f32 v59, v60;
	v59 =	vld [tilespmem:s26+$0x0]  }
0x1bc: {  	s1 =	sor.u32 s0, s1;
	v63 =	vld [tilespmem:s29+$0x0];
	v32 =	vadd.f32 v55, v32;
	v39 =	vadd.f32 v57, v39  }
0x1bd: {  	s30 =	sor.u32 s0, s24;
	v61 =	vld [tilespmem:s1+$0x0];
	v26 =	vadd.f32 v26, v53;
	v49 =	vadd.f32 v37, v36  }
0x1be: {  	s9 =	sor.u32 s0, s9;
	v48 =	vld [tilespmem:s30+$0x0];
	v32 =	vadd.f32 v62, v32;
	v60 =	vadd.f32 v31, v51;
	v31 =	vmul.f32 v31, v31  }
0x1bf: {  	s31 =	sor.u32 s0, s12;
	s12 =	sor.u32 s0, s22;
	v38 =	vld [tilespmem:s9+$0x0];
	v23 =	vadd.f32 v23, v26;
	v30 =	vadd.f32 v29, v30;
	v29 =	vmul.f32 v29, v29  }
0x1c0: {  	s10 =	sor.u32 s0, s21;
	v28 =	vld [tilespmem:s12+$0x0];
	v31 =	vadd.f32 v31, v52;
	v50 =	vadd.f32 v59, v60;
	v51 =	vmul.f32 v59, v59  }
0x1c1: {  	v41 =	vld [tilespmem:s10+$0x0];
	s25 =	sor.u32 s0, s15;
	v54 =	vmul.f32 v63, v63;
	v20 =	vadd.f32 v20, v23;
	v26 =	vadd.f32 v29, v33  }
0x1c2: {  	s19 =	sor.u32 s0, s7;
	v24 =	vld [tilespmem:s25+$0x0];
	v52 =	vmul.f32 v61, v61;
	v29 =	vadd.f32 v27, v56;
	v23 =	vadd.f32 v51, v31  }
0x1c3: {  	v55 =	vld [tilespmem:s19+$0x0];
	s20 =	sor.u32 s0, s3;
	v27 =	vmul.f32 v27, v27;
	v30 =	vadd.f32 v61, v30;
	v36 =	vadd.f32 v48, v50  }
0x1c4: {  	v57 =	vld [tilespmem:s20+$0x0];
	v31 =	vmul.f32 v62, v62;
	v20 =	vadd.f32 v16, v20;
	v51 =	vadd.f32 v38, v32  }
0x1c5: {  	s23 =	sor.u32 s0, s14;
	v33 =	vld [tilespmem:s31+$0x0];
	v56 =	vmul.f32 v48, v48;
	v27 =	vadd.f32 v27, v39;
	v53 =	vadd.f32 v52, v26  }
0x1c6: {  	s21 =	sor.u32 s0, s17;
	v60 =	vmul.f32 v38, v38;
	v16 =	vld [tilespmem:s23+$0x0];
	v31 =	vadd.f32 v31, v49;
	v59 =	vadd.f32 v63, v29  }
0x1c7: {  	s24 =	sor.u32 s0, s5;
	v62 =	vmul.f32 v41, v41;
	v26 =	vld [tilespmem:s21+$0x0];
	v61 =	vadd.f32 v56, v23;
	v49 =	vadd.f32 v22, v25  }
0x1c8: {  	s26 =	sor.u32 s0, s16;
	v63 =	vmul.f32 v28, v28;
	v23 =	vld [tilespmem:s24+$0x0];
	v35 =	vadd.f32 v28, v36;
	v38 =	vadd.f32 v14, v20  }
0x1c9: {  	s22 =	sor.u32 s0, s18;
	v48 =	vmul.f32 v55, v55;
	v25 =	vld [tilespmem:s26+$0x0];
	v39 =	vadd.f32 v54, v27;
	v32 =	vadd.f32 v60, v31  }
0x1ca: {  	v27 =	vld [tilespmem:s22+$0x0];
	v36 =	vadd.f32 v63, v61;
	v29 =	vmul.f32 v33, v33;
	v50 =	vadd.f32 v33, v30  }
0x1cb: {  	s28 =	sor.u32 s0, s6;
	v33 =	vadd.f32 v41, v59;
	v28 =	vmul.f32 v16, v16;
	v41 =	vadd.f32 v57, v51  }
0x1cc: {  	v17 =	vld [tilespmem:s28+$0x0];
	s30 =	sor.u32 s0, s8;
	v34 =	vadd.f32 v62, v39;
	v39 =	vadd.f32 v15, v42;
	v15 =	vmul.f32 v24, v24  }
0x1cd: {  	v21 =	vld [tilespmem:s30+$0x0];
	s31 =	sor.u32 s0, s11;
	v42 =	vadd.f32 v18, v49;
	v37 =	vadd.f32 v29, v53;
	v29 =	vmul.f32 v57, v57  }
0x1ce: {  	s29 =	sor.u32 s0, s4;
	v19 =	vld [tilespmem:s31+$0x0];
	v30 =	vmul.f32 v26, v26;
	v14 =	vmul.f32 v23, v23;
	v20 =	vadd.f32 v55, v50  }
0x1cf: {  	s6 =	simm.s32 $0x20;
	s4 =	simm.s32 $0x100;
	[tilespmem:s13+$0xF300] =	vst v47;
	s0 =	simm.s32 $0x0;
	v22 =	vld [tilespmem:s29+$0x0];
	v18 =	vmul.f32 v25, v25;
	v31 =	vmul.f32 v27, v27;
	v37 =	vadd.f32 v48, v37  }
.LBB2_9:
0x1d0: {  	s3 =	sand.u32 $0xC00, s4;
	s20 =	sand.u32 $0x60, s6  }
0x1d1: {  	s1 =	sadd.s32 $0x8600, s3;
	s23 =	sor.u32 $0x10, s20;
	s24 =	sadd.s32 $0x8680, s3  }
0x1d2: {  	v29 =	vadd.f32 v29, v32;
	v26 =	vadd.f32 v26, v33;
	s7 =	sadd.s32 $0x8400, s3;
	s5 =	sor.u32 s20, s1;
	s1 =	sor.u32 s23, s1  }
0x1d3: {  	v30 =	vadd.f32 v30, v34;
	v27 =	vadd.f32 v27, v35;
	s28 =	sadd.s32 $0x8480, s3;
	s10 =	sadd.s32 $0x6E80, s3;
	s25 =	sor.u32 s23, s24;
	v47 =	vld [tilespmem:s1+$0x0]  }
0x1d4: {  	v31 =	vadd.f32 v31, v36;
	v46 =	vadd.f32 v6, v38;
	s11 =	sadd.s32 $0x6C00, s3;
	s26 =	sor.u32 s20, s7;
	s7 =	sor.u32 s23, s7;
	v49 =	vld [tilespmem:s25+$0x0]  }
0x1d5: {  	v39 =	vadd.f32 v7, v39;
	v12 =	vadd.f32 v12, v40;
	s19 =	sor.u32 s20, s10;
	s12 =	sor.u32 s23, s10;
	s10 =	sor.u32 s23, s11;
	v50 =	vld [tilespmem:s7+$0x0]  }
0x1d6: {  	s29 =	sadd.s32 $0x7A00, s3;
	[dreg:$0x7] =	wrdreg s5;
	s5 =	sor.u32 s23, s28;
	v25 =	vadd.f32 v25, v27;
	v27 =	vadd.f32 v18, v31;
	v18 =	vld [tilespmem:s10+$0x0]  }
0x1d7: {  	v28 =	vadd.f32 v28, v37;
	v13 =	vadd.f32 v13, v42;
	s30 =	sadd.s32 $0x7A80, s3;
	s1 =	sor.u32 s23, s29;
	v51 =	vld [tilespmem:s5+$0x0]  }
0x1d8: {  	v20 =	vadd.f32 v16, v20;
	v23 =	vadd.f32 v23, v41;
	s7 =	sor.u32 s23, s30;
	v6 =	vld [tilespmem:s1+$0x0]  }
0x1d9: {  	s31 =	sadd.s32 $0x7800, s3;
	s8 =	sor.u32 s20, s24;
	v29 =	vadd.f32 v14, v29;
	v24 =	vadd.f32 v24, v26;
	v7 =	vld [tilespmem:s7+$0x0]  }
0x1da: {  	[dreg:$0xa] =	wrdreg s8;
	s8 =	sadd.s32 $0x7880, s3;
	v11 =	vadd.f32 v11, v13;
	v63 =	vmul.f32 v17, v17;
	s5 =	sor.u32 s23, s31;
	v13 =	vadd.f32 v17, v20;
	v17 =	vld [tilespmem:s12+$0x0]  }
0x1db: {  	s9 =	sadd.s32 $0x6E00, s3;
	v26 =	vadd.f32 v15, v30;
	v30 =	vadd.f32 v4, v46;
	s7 =	sor.u32 s23, s8;
	v14 =	vld [tilespmem:s5+$0x0]  }
0x1dc: {  	v31 =	vadd.f32 v5, v39;
	v10 =	vadd.f32 v10, v12;
	s1 =	sor.u32 s23, s9;
	s12 =	sor.u32 s20, s11;
	s11 =	sor.u32 $0x6000, s3;
	v15 =	vld [tilespmem:s7+$0x0]  }
0x1dd: {  	v44 =	vmul.f32 v22, v22;
	v20 =	vadd.f32 v22, v23;
	v16 =	vld [tilespmem:s1+$0x0];
	v23 =	vadd.f32 v21, v24;
	s25 =	sor.u32 s23, s11  }
0x1de: {  	v48 =	vmul.f32 v19, v19;
	v19 =	vadd.f32 v19, v25;
	v8 =	vadd.f32 v8, v10;
	v10 =	vld [tilespmem:s25+$0x80]  }
0x1df: {  	v45 =	vmul.f32 v21, v21;
	v9 =	vadd.f32 v9, v11;
	v12 =	vadd.f32 v63, v28;
	v11 =	vld [tilespmem:s25+$0x100]  }
0x1e0: {  	s21 =	rddreg [dreg:$0x5];
	s18 =	sor.u32 s20, s8;
	v22 =	vadd.f32 v44, v29;
	v13 =	vadd.f32 v20, v13;
	v20 =	vld [tilespmem:s25+$0x180]  }
0x1e1: {  	s8 =	sadd.s32 s6, s21;
	s5 =	sor.u32 s20, s9;
	s9 =	sadd.s32 $0x6C80, s3;
	v24 =	vadd.f32 v45, v26;
	v25 =	vadd.f32 v48, v27;
	v53 =	vld [tilespmem:s25+$0x300]  }
0x1e2: {  	s22 =	sand.u32 $0x380, s8;
	s24 =	sor.u32 s23, s9;
	v26 =	vadd.f32 v2, v30;
	v27 =	vadd.f32 v3, v31;
	v30 =	vld [tilespmem:s25+$0x380]  }
0x1e3: {  	s7 =	sor.u32 s23, s22;
	v21 =	vld [tilespmem:s24+$0x0];
	v19 =	vadd.f32 v19, v23;
	v8 =	vadd.f32 v9, v8;
	v4 =	vmovc v50;
	v2 =	vmov v47  }
0x1e4: {  	s14 =	sor.u32 s20, s28;
	s16 =	sor.u32 s20, s30;
	s17 =	sor.u32 s20, s31;
	v52 =	vld [tilespmem:s7+$0xF300];
	v3 =	vmovc v49;
	v12 =	vadd.f32 v22, v12;
	v44 =	vmul.f32 v18, v18;
	v31 =	vmul.f32 v47, v2  }
0x1e5: {  	[dreg:$0xf] =	wrdreg s26;
	s26 =	sadd.s32 $0x6D00, s3;
	s30 =	sadd.s32 $0x6F00, s3;
	v9 =	vld [tilespmem:s25+$0x280];
	v23 =	vadd.f32 v25, v24;
	v32 =	vmul.f32 v49, v3;
	v34 =	vmul.f32 v50, v4  }
0x1e6: {  	s21 =	sadd.s32 $0x6D80, s3;
	s28 =	sor.u32 s23, s26;
	s10 =	sor.u32 s20, s11;
	v24 =	vadd.f32 v27, v26;
	v22 =	vld [tilespmem:s25+$0x200];
	v5 =	vmovc v51;
	v36 =	vmul.f32 v6, v6;
	v37 =	vmul.f32 v7, v7  }
0x1e7: {  	s31 =	sor.u32 s20, s21;
	s21 =	sor.u32 s23, s21;
	s1 =	sor.u32 s20, s30;
	v27 =	vld [tilespmem:s25+$0x0];
	v43 =	vmul.f32 v17, v17;
	v35 =	vmul.f32 v51, v5;
	v12 =	vadd.f32 v23, v12  }
0x1e8: {  	s11 =	sor.u32 s23, s30;
	s8 =	sor.u32 s20, s22;
	s22 =	sadd.s32 $0x6F80, s3;
	v26 =	vld [tilespmem:s21+$0x0];
	v54 =	vmul.f32 v14, v14;
	v55 =	vmul.f32 v15, v15;
	v8 =	vadd.f32 v8, v24  }
0x1e9: {  	s30 =	sor.u32 s20, s22;
	s24 =	sadd.s32 $0x7900, s3;
	s22 =	sor.u32 s23, s22;
	v25 =	vld [tilespmem:s28+$0x0];
	v23 =	vadd.f32 $0.0e+00, v10;
	v28 =	vadd.f32 $0.0e+00, v11;
	v10 =	vmul.f32 v10, v10  }
0x1ea: {  	s15 =	sor.u32 s20, s29;
	s29 =	sor.u32 s20, s26;
	s26 =	sor.u32 s23, s24;
	v24 =	vld [tilespmem:s22+$0x0];
	v29 =	vadd.f32 $0.0e+00, v20;
	v11 =	vmul.f32 v11, v11;
	v46 =	vmul.f32 v20, v20  }
0x1eb: {  	v59 =	vmul.f32 v30, v30;
	[tilespmem:s2+$0xF300] =	vst v12;
	v45 =	vmul.f32 v21, v21;
	v12 =	vadd.f32 v19, v13;
	v19 =	vld [tilespmem:s26+$0x0]  }
0x1ec: {  	s25 =	sadd.s32 $0x7980, s3;
	v33 =	vadd.f32 v9, v23;
	v13 =	vmul.f32 v27, v27;
	v23 =	vld [tilespmem:s11+$0x0];
	v9 =	vmul.f32 v9, v9;
	[tilespmem:s13+$0xF000] =	vst v8  }
0x1ed: {  	v28 =	vadd.f32 v53, v28;
	v60 =	vadd.f32 v59, v46;
	v61 =	vmul.f32 v26, v26;
	[tilespmem:s2+$0xF000] =	vst v12;
	s2 =	sor.u32 s23, s25  }
0x1ee: {  	s21 =	sor.u32 s20, s24;
	s28 =	sadd.s32 $0x7B00, s3;
	v29 =	vadd.f32 v30, v29;
	v12 =	vmul.f32 v53, v53;
	v13 =	vadd.f32 v13, v52;
	v20 =	vld [tilespmem:s2+$0x0]  }
0x1ef: {  	s24 =	sor.u32 s23, s28;
	s22 =	sor.u32 s20, s25;
	v57 =	vmul.f32 v22, v22;
	s25 =	sadd.s32 $0x7B80, s3;
	v8 =	vadd.f32 v9, v10;
	v38 =	vadd.f32 v61, v60;
	v61 =	vld [tilespmem:s10+$0x100]  }
0x1f0: {  	s26 =	sor.u32 s20, s28;
	v10 =	vmul.f32 v25, v25;
	s28 =	sor.u32 s20, s25;
	s25 =	sor.u32 s23, s25;
	v21 =	vadd.f32 v21, v33;
	v9 =	vadd.f32 v12, v11;
	v12 =	vld [tilespmem:s24+$0x0]  }
0x1f1: {  	s13 =	sadd.s32 $0x8500, s3;
	v63 =	vmul.f32 v24, v24;
	v25 =	vadd.f32 v25, v28;
	v11 =	vadd.f32 v57, v13;
	v13 =	vld [tilespmem:s25+$0x0]  }
0x1f2: {  	v56 =	vmul.f32 v16, v16;
	s11 =	sadd.s32 $0x8580, s3;
	s2 =	sor.u32 s23, s13;
	v29 =	vadd.f32 v26, v29;
	v8 =	vadd.f32 v45, v8;
	v45 =	vld [tilespmem:s10+$0x0]  }
0x1f3: {  	s24 =	sor.u32 s20, s13;
	s13 =	sadd.s32 $0x8700, s3;
	v38 =	vadd.f32 v63, v38;
	v9 =	vadd.f32 v10, v9;
	v62 =	vmul.f32 v23, v23;
	v10 =	vld [tilespmem:s2+$0x0];
	s2 =	sor.u32 s23, s11  }
0x1f4: {  	s25 =	sor.u32 s20, s11;
	v48 =	vmul.f32 v19, v19;
	s11 =	sor.u32 s20, s13;
	s13 =	sor.u32 s23, s13;
	v44 =	vadd.f32 v44, v11;
	v43 =	vadd.f32 v43, v8;
	v11 =	vld [tilespmem:s2+$0x0]  }
0x1f5: {  	v47 =	vadd.f32 v23, v25;
	v8 =	vld [tilespmem:s13+$0x0];
	s2 =	smov.u32 s8;
	v9 =	vadd.f32 v62, v9;
	v49 =	vmul.f32 v20, v20  }
0x1f6: {  	s3 =	sadd.s32 $0x8780, s3;
	v53 =	vld [tilespmem:s2+$0xF000];
	v42 =	vadd.f32 v56, v44;
	v41 =	vadd.f32 v55, v43;
	v51 =	vmul.f32 v12, v12  }
0x1f7: {  	s9 =	sor.u32 s20, s9;
	s20 =	sor.u32 s20, s3;
	s3 =	sor.u32 s23, s3;
	v56 =	vld [tilespmem:s2+$0xF300];
	v50 =	vadd.f32 v48, v9;
	v38 =	vadd.f32 v49, v38;
	v52 =	vmul.f32 v13, v13  }
0x1f8: {  	v9 =	vld [tilespmem:s3+$0x0];
	v48 =	vmul.f32 v45, v45;
	v40 =	vadd.f32 v54, v42;
	v37 =	vadd.f32 v37, v41  }
0x1f9: {  	v49 =	vld [tilespmem:s10+$0x180];
	v55 =	vmul.f32 v10, v10;
	v54 =	vadd.f32 v51, v50;
	v38 =	vadd.f32 v52, v38  }
0x1fa: {  	v57 =	vmul.f32 v11, v11;
	v51 =	vld [tilespmem:s10+$0x200];
	v36 =	vadd.f32 v36, v40;
	v35 =	vadd.f32 v35, v37  }
0x1fb: {  	v40 =	vld [tilespmem:s10+$0x80];
	v53 =	vadd.f32 v45, v53;
	v59 =	vadd.f32 v55, v54  }
0x1fc: {  	v60 =	vmul.f32 v8, v8;
	v62 =	vadd.f32 v57, v38;
	v54 =	vadd.f32 v48, v56;
	v55 =	vld [tilespmem:s10+$0x280]  }
0x1fd: {  	s13 =	smov.u32 s7;
	v56 =	vld [tilespmem:s10+$0x300];
	v34 =	vadd.f32 v34, v36;
	v63 =	vmul.f32 v9, v9;
	v32 =	vadd.f32 v32, v35  }
0x1fe: {  	v48 =	vld [tilespmem:s13+$0xF000];
	v50 =	vadd.f32 v60, v59;
	v60 =	vadd.f32 $0.0e+00, v61  }
0x1ff: {  	v31 =	vadd.f32 v31, v34;
	v52 =	vadd.f32 v63, v62  }
0x200: {  	v62 =	vadd.f32 $0.0e+00, v49;
	v63 =	vmul.f32 v49, v49;
	v49 =	vadd.f32 v51, v53  }
0x201: {  	v23 =	vld [tilespmem:s14+$0x0];
	v41 =	vmul.f32 v40, v40;
	v59 =	vadd.f32 $0.0e+00, v40;
	v40 =	vmul.f32 v61, v61  }
0x202: {  	v53 =	vld [tilespmem:s9+$0x0];
	v31 =	vadd.f32 v32, v31;
	v57 =	vadd.f32 v52, v50;
	v52 =	vmul.f32 v55, v55  }
0x203: {  	v61 =	vld [tilespmem:s10+$0x380];
	v27 =	vadd.f32 v27, v48;
	v30 =	vadd.f32 v55, v59;
	v55 =	vmul.f32 v56, v56  }
0x204: {  	v50 =	vmul.f32 v51, v51;
	v51 =	vld [tilespmem:s12+$0x0];
	v31 =	vadd.f32 v57, v31;
	v34 =	vadd.f32 v52, v41  }
0x205: {  	v25 =	vld [tilespmem:s25+$0x0];
	v22 =	vadd.f32 v22, v27;
	v35 =	vadd.f32 v55, v40  }
0x206: {  	[tilespmem:s13+$0xF300] =	vst v31;
	v31 =	vadd.f32 v50, v54;
	v54 =	vadd.f32 v56, v60;
	v56 =	vld [tilespmem:s29+$0x0]  }
0x207: {  	v30 =	vadd.f32 v53, v30;
	v39 =	vmul.f32 v53, v53;
	v60 =	vld [tilespmem:s31+$0x0];
	v18 =	vadd.f32 v18, v22  }
0x208: {  	v40 =	vadd.f32 v19, v47;
	v57 =	vadd.f32 v61, v62;
	v59 =	vmul.f32 v61, v61;
	v61 =	vld [tilespmem:s5+$0x0]  }
0x209: {  	v62 =	vld [tilespmem:s19+$0x0];
	v32 =	vadd.f32 v51, v49;
	v37 =	vmul.f32 v51, v51;
	v18 =	vadd.f32 v16, v18  }
0x20a: {  	v52 =	vld [tilespmem:s17+$0x0];
	v34 =	vadd.f32 v39, v34;
	v41 =	vadd.f32 v59, v63  }
0x20b: {  	v49 =	vld [tilespmem:s30+$0x0];
	v27 =	vadd.f32 v37, v31;
	v38 =	vadd.f32 v14, v18  }
0x20c: {  	v63 =	vld [tilespmem:s1+$0x0];
	v14 =	vmul.f32 v23, v23;
	v31 =	vadd.f32 v56, v54;
	v48 =	vmul.f32 v56, v56  }
0x20d: {  	v26 =	vld [tilespmem:s26+$0x0];
	v50 =	vadd.f32 v60, v57;
	v51 =	vmul.f32 v60, v60;
	v53 =	vmul.f32 v61, v61  }
0x20e: {  	v42 =	vld [tilespmem:s18+$0x0];
	v54 =	vmul.f32 v62, v62;
	v32 =	vadd.f32 v61, v32;
	v30 =	vadd.f32 v62, v30  }
0x20f: {  	v43 =	vld [tilespmem:s15+$0x0];
	s29 =	rddreg [dreg:$0xf];
	v18 =	vmul.f32 v25, v25;
	v33 =	vadd.f32 v48, v35;
	v22 =	vadd.f32 v51, v41  }
0x210: {  	v16 =	vld [tilespmem:s29+$0x0];
	v56 =	vmul.f32 v52, v52;
	v28 =	vadd.f32 v53, v27;
	v34 =	vadd.f32 v54, v34  }
0x211: {  	v57 =	vld [tilespmem:s16+$0x0];
	v55 =	vmul.f32 v49, v49;
	v31 =	vadd.f32 v63, v31;
	v36 =	vadd.f32 v49, v50  }
0x212: {  	v41 =	vld [tilespmem:s21+$0x0];
	v27 =	vmul.f32 v63, v63;
	v63 =	vadd.f32 v17, v21;
	v50 =	vadd.f32 v24, v29  }
0x213: {  	v60 =	vmul.f32 v42, v42;
	v35 =	vld [tilespmem:s22+$0x0];
	v51 =	vadd.f32 v52, v32;
	v52 =	vadd.f32 v42, v30  }
0x214: {  	s0 =	sadd.s32 $0x2, s0;
	v49 =	vmul.f32 v43, v43;
	v24 =	vld [tilespmem:s24+$0x0];
	v59 =	vadd.f32 v27, v33;
	v22 =	vadd.f32 v55, v22  }
0x215: {  	p1 =	slt.u32 s0, $0x16;
	v30 =	vmul.f32 v26, v26;
	v27 =	vld [tilespmem:s28+$0x0];
	v48 =	vadd.f32 v56, v28;
	v32 =	vadd.f32 v60, v34  }
.Ltmp3:
0x216: {  	v28 =	vmul.f32 v16, v16;
	v39 =	vadd.f32 v15, v63;
	v42 =	vadd.f32 v20, v50;
	(pc) =	sbr.rel @p1 .LBB2_9-.Ltmp3, $4  }
0x217: {  	v19 =	vld [tilespmem:s20+$0x0];
	s30 =	rddreg [dreg:$0x7];
	v20 =	vadd.f32 v43, v51;
	v29 =	vmul.f32 v57, v57;
	v37 =	vadd.f32 v49, v48  }
0x218: {  	v17 =	vld [tilespmem:s30+$0x0];
	v61 =	vmul.f32 v41, v41;
	v62 =	vmul.f32 v35, v35;
	v33 =	vadd.f32 v41, v31  }
0x219: {  	s31 =	rddreg [dreg:$0xa];
	v21 =	vld [tilespmem:s11+$0x0];
	v35 =	vadd.f32 v35, v36;
	v15 =	vmul.f32 v24, v24;
	v41 =	vadd.f32 v57, v52  }
0x21a: {  	s4 =	sadd.s32 $0x100, s4;
	s6 =	sadd.s32 $0x20, s6;
	v34 =	vadd.f32 v61, v59;
	v31 =	vmul.f32 v27, v27;
	v36 =	vadd.f32 v62, v22;
	v22 =	vld [tilespmem:s31+$0x0]  }
0x21b: {  	v29 =	vadd.f32 v29, v32;
	v26 =	vadd.f32 v26, v33  }
0x21c: {  	v27 =	vadd.f32 v27, v35;
	v6 =	vadd.f32 v6, v38  }
0x21d: {  	v7 =	vadd.f32 v7, v39;
	v12 =	vadd.f32 v12, v40  }
0x21e: {  	v28 =	vadd.f32 v28, v37;
	v13 =	vadd.f32 v13, v42  }
0x21f: {  	v16 =	vadd.f32 v16, v20;
	v20 =	vadd.f32 v23, v41  }
0x220: {  	v30 =	vadd.f32 v30, v34;
	v31 =	vadd.f32 v31, v36  }
0x221: {  	v14 =	vadd.f32 v14, v29;
	v23 =	vadd.f32 v24, v26  }
0x222: {  	v24 =	vadd.f32 v25, v27;
	v4 =	vadd.f32 v4, v6  }
0x223: {  	v25 =	vmul.f32 v17, v17;
	v5 =	vadd.f32 v5, v7;
	v6 =	vadd.f32 v10, v12  }
0x224: {  	v11 =	vadd.f32 v11, v13;
	v13 =	vadd.f32 v17, v16;
	v17 =	vmul.f32 v19, v19  }
0x225: {  	v15 =	vadd.f32 v15, v30;
	v18 =	vadd.f32 v18, v31;
	v12 =	vmul.f32 v21, v21  }
0x226: {  	v7 =	vmul.f32 v22, v22;
	v10 =	vadd.f32 v25, v28;
	v2 =	vadd.f32 v2, v4  }
0x227: {  	v3 =	vadd.f32 v3, v5;
	v12 =	vadd.f32 v12, v15  }
0x228: {  	v17 =	vadd.f32 v17, v18;
	v7 =	vadd.f32 v7, v14  }
0x229: {  	v4 =	vadd.f32 v8, v6;
	v6 =	vadd.f32 v9, v11  }
0x22a: {  	v8 =	vadd.f32 v17, v12;
	v5 =	vadd.f32 v7, v10  }
0x22b: {  	v16 =	vadd.f32 v22, v20;
	v2 =	vadd.f32 v3, v2  }
0x22c: {  	v3 =	vadd.f32 v6, v4;
	v4 =	vadd.f32 v8, v5  }
0x22d: {  	v15 =	vadd.f32 v19, v24;
	v14 =	vadd.f32 v21, v23  }
0x22e: {  	[tilespmem:s2+$0xF300] =	vst v4  }
0x22f: {  	v7 =	vadd.f32 v16, v13;
	v9 =	vadd.f32 v15, v14;
	s1 =	sld [smem:$0x7FA];
	_ =	sdelay $0x1  }
0x230: {  	v5 =	vadd.f32 v9, v7;
	s0 =	rddreg [dreg:$0x19]  }
0x231: {  	s18 =	simm.s32 $0x0;
	v2 =	vadd.f32 v3, v2;
	s0 =	sadd.s32 @!p0 s1, s0  }
0x232: {  	s19 =	simm.s32 $0x4;
	[tilespmem:s2+$0xF000] =	vst v5;
	s1 =	rddreg [dreg:$0x0];
	s0 =	sshrl.u32 @!p0 s0, $0x3  }
0x233: {  	[tilespmem:s13+$0xF000] =	vst v2;
	s2 =	simm.s32 @!p0 $0x6000;
	s0 =	sadd.s32 @!p0 s1, s0;
	s1 =	simm.s32 @!p0 $0x0  }
0x234: {  	[tilespmem:s2], [sflag:$0x3] =	stream.linear.gather @!p0 [hbm4b:s0+s1], $0x3000, $0x38;
	[tilespmem:$0xF880] =	vst v63  }
0x235: {  	s11 =	sand.u32 $0xC00, s18;
	s0 =	sand.u32 $0x60, s18;
	_ =	swait.ge [sflag:s19], $0x3000  }
0x236: {  	s6 =	sadd.s32 $0xB600, s11;
	s2 =	sor.u32 $0x10, s0;
	[sflag:s19] =	ssyncset.done $0x0  }
0x237: {  	s4 =	sadd.s32 $0xB680, s11;
	s20 =	sor.u32 s2, s6;
	[sflag:s19] =	ssyncadd.s32 $0xFFFFD000  }
0x238: {  	s14 =	sadd.s32 $0xB400, s11;
	s21 =	sor.u32 s2, s4;
	v2 =	vld [tilespmem:s20+$0x0]  }
0x239: {  	s5 =	sadd.s32 $0xB480, s11;
	s3 =	sor.u32 s2, s14;
	v3 =	vld [tilespmem:s21+$0x0]  }
0x23a: {  	s7 =	sadd.s32 $0xAA00, s11;
	s22 =	sor.u32 s2, s5;
	v4 =	vld [tilespmem:s3+$0x0]  }
0x23b: {  	s12 =	sadd.s32 $0xA800, s11;
	s8 =	sor.u32 s2, s7;
	v5 =	vld [tilespmem:s22+$0x0]  }
0x23c: {  	s9 =	sadd.s32 $0xA880, s11;
	s24 =	sor.u32 s2, s12;
	v6 =	vld [tilespmem:s8+$0x0]  }
0x23d: {  	s1 =	sadd.s32 $0x9E00, s11;
	s25 =	sor.u32 s2, s9;
	v14 =	vld [tilespmem:s24+$0x0]  }
0x23e: {  	s10 =	sadd.s32 $0x9E80, s11;
	s26 =	sor.u32 s2, s1;
	v15 =	vld [tilespmem:s25+$0x0]  }
0x23f: {  	s28 =	sor.u32 s2, s10;
	s29 =	rddreg [dreg:$0x5];
	s19 =	sadd.s32 $0x9C80, s11;
	v16 =	vld [tilespmem:s26+$0x0]  }
0x240: {  	s13 =	sadd.s32 $0x0, s29;
	s29 =	sor.u32 $0x9000, s11;
	v17 =	vld [tilespmem:s28+$0x0];
	s30 =	sor.u32 s2, s19  }
0x241: {  	s31 =	sor.u32 s2, s29;
	v27 =	vld [tilespmem:s30+$0x0]  }
0x242: {  	v9 =	vld [tilespmem:s31+$0x80]  }
0x243: {  	v10 =	vld [tilespmem:s31+$0x100]  }
0x244: {  	v11 =	vld [tilespmem:s31+$0x180]  }
0x245: {  	v23 =	vld [tilespmem:s31+$0x200]  }
0x246: {  	v12 =	vld [tilespmem:s31+$0x280]  }
0x247: {  	v26 =	vld [tilespmem:s31+$0x0]  }
0x248: {  	s3 =	sadd.s32 $0xAA80, s11;
	v13 =	vld [tilespmem:s31+$0x300]  }
0x249: {  	s20 =	sadd.s32 $0x9C00, s11;
	s23 =	sor.u32 s2, s3;
	v37 =	vld [tilespmem:s31+$0x380]  }
0x24a: {  	s28 =	sand.u32 $0x380, s13;
	s15 =	sor.u32 s2, s20;
	v7 =	vld [tilespmem:s23+$0x0];
	v30 =	vmul.f32 v3, v3  }
0x24b: {  	s26 =	sadd.s32 $0x9D80, s11;
	s13 =	sor.u32 s2, s28;
	v20 =	vld [tilespmem:s15+$0x0];
	v32 =	vmul.f32 v5, v5;
	v33 =	vmul.f32 v6, v6  }
0x24c: {  	s24 =	sadd.s32 $0x9F80, s11;
	s16 =	sor.u32 s2, s26;
	v8 =	vld [tilespmem:s13+$0xF300];
	v57 =	vmul.f32 v14, v14;
	v59 =	vmul.f32 v15, v15  }
0x24d: {  	s25 =	sadd.s32 $0x9D00, s11;
	s18 =	sor.u32 s2, s24;
	v25 =	vld [tilespmem:s16+$0x0];
	v60 =	vmul.f32 v16, v16;
	v61 =	vmul.f32 v17, v17;
	v18 =	vadd.f32 $0.0e+00, v9  }
0x24e: {  	s15 =	sor.u32 s2, s25;
	s23 =	sadd.s32 $0x9F00, s11;
	v22 =	vld [tilespmem:s18+$0x0];
	v19 =	vadd.f32 $0.0e+00, v10;
	v63 =	vmul.f32 v27, v27;
	v9 =	vmul.f32 v9, v9  }
0x24f: {  	s21 =	sadd.s32 $0xA900, s11;
	v24 =	vld [tilespmem:s15+$0x0];
	s17 =	sor.u32 s2, s23;
	v42 =	vadd.f32 $0.0e+00, v11;
	v10 =	vmul.f32 v10, v10;
	v11 =	vmul.f32 v11, v11  }
0x250: {  	s30 =	sor.u32 s2, s21;
	v21 =	vld [tilespmem:s17+$0x0];
	v44 =	vmul.f32 v23, v23;
	v45 =	vmul.f32 v37, v37;
	v43 =	vadd.f32 v12, v18  }
0x251: {  	s22 =	sadd.s32 $0xA980, s11;
	s29 =	sor.u32 s0, s29;
	v18 =	vmul.f32 v26, v26;
	v12 =	vmul.f32 v12, v12;
	v28 =	vadd.f32 v13, v19;
	v19 =	vld [tilespmem:s30+$0x0]  }
0x252: {  	s31 =	sor.u32 s2, s22;
	s17 =	sadd.s32 $0xAB00, s11;
	v34 =	vmul.f32 v7, v7;
	v13 =	vmul.f32 v13, v13;
	v11 =	vadd.f32 v45, v11;
	v45 =	vld [tilespmem:s29+$0x0]  }
0x253: {  	s18 =	sadd.s32 $0xAB80, s11;
	s15 =	sor.u32 s2, s17;
	v48 =	vmul.f32 v25, v25;
	v8 =	vadd.f32 v18, v8;
	v18 =	vld [tilespmem:s31+$0x0];
	v9 =	vadd.f32 v12, v9  }
0x254: {  	s16 =	sor.u32 s2, s18;
	v46 =	vmul.f32 v24, v24;
	v10 =	vadd.f32 v13, v10;
	v12 =	vld [tilespmem:s15+$0x0];
	s15 =	sadd.s32 $0xB500, s11;
	v24 =	vadd.f32 v24, v28  }
0x255: {  	v62 =	vmul.f32 v20, v20;
	v13 =	vld [tilespmem:s16+$0x0];
	s16 =	sadd.s32 $0xB580, s11;
	s30 =	sor.u32 s2, s15;
	v8 =	vadd.f32 v44, v8;
	v9 =	vadd.f32 v63, v9  }
0x256: {  	s8 =	sadd.s32 $0xB700, s11;
	v50 =	vmul.f32 v21, v21;
	v49 =	vadd.f32 v46, v10;
	v10 =	vld [tilespmem:s30+$0x0];
	v44 =	vadd.f32 v48, v11;
	s30 =	sor.u32 s2, s16  }
0x257: {  	v51 =	vmul.f32 v22, v22;
	s11 =	sadd.s32 $0xB780, s11;
	s31 =	sor.u32 s2, s8;
	v21 =	vadd.f32 v21, v24;
	v11 =	vld [tilespmem:s30+$0x0];
	v40 =	vadd.f32 v62, v8  }
0x258: {  	s2 =	sor.u32 s2, s11;
	v52 =	vmul.f32 v19, v19;
	v39 =	vadd.f32 v61, v9;
	v41 =	vadd.f32 v50, v49;
	v8 =	vld [tilespmem:s31+$0x0]  }
0x259: {  	v53 =	vadd.f32 v51, v44;
	v9 =	vld [tilespmem:s2+$0x0];
	s2 =	sor.u32 s0, s28;
	v54 =	vmul.f32 v18, v18;
	v38 =	vadd.f32 v60, v40  }
0x25a: {  	v56 =	vmul.f32 v12, v12;
	v63 =	vld [tilespmem:s2+$0xF300];
	v36 =	vadd.f32 v59, v39;
	v55 =	vadd.f32 v52, v41  }
0x25b: {  	v49 =	vld [tilespmem:s29+$0x80];
	v59 =	vmul.f32 v13, v13;
	v40 =	vadd.f32 v19, v21;
	v35 =	vadd.f32 v57, v38  }
0x25c: {  	v60 =	vld [tilespmem:s2+$0xF000];
	v62 =	vmul.f32 v10, v10;
	v57 =	vadd.f32 v54, v53;
	v34 =	vadd.f32 v34, v36  }
0x25d: {  	v61 =	vadd.f32 v56, v55;
	v55 =	vmul.f32 v45, v45;
	v33 =	vadd.f32 v33, v35  }
0x25e: {  	v31 =	vmul.f32 v4, v4;
	v47 =	vadd.f32 v59, v57;
	v32 =	vadd.f32 v32, v34  }
0x25f: {  	v52 =	vld [tilespmem:s29+$0x100];
	v48 =	vmul.f32 v11, v11;
	v50 =	vadd.f32 v62, v61;
	v61 =	vadd.f32 v55, v63  }
0x260: {  	v59 =	vld [tilespmem:s29+$0x200];
	v63 =	vmul.f32 v49, v49;
	v49 =	vadd.f32 $0.0e+00, v49;
	v34 =	vadd.f32 v37, v42  }
0x261: {  	v51 =	vmul.f32 v8, v8;
	v62 =	vld [tilespmem:s29+$0x280];
	v42 =	vadd.f32 v27, v43;
	v60 =	vadd.f32 v45, v60  }
0x262: {  	s19 =	sor.u32 s0, s19;
	v29 =	vmul.f32 v2, v2;
	v56 =	vld [tilespmem:s29+$0x180];
	v31 =	vadd.f32 v31, v33;
	v53 =	vadd.f32 v48, v47  }
0x263: {  	v54 =	vmul.f32 v9, v9;
	v55 =	vld [tilespmem:s19+$0x0];
	v30 =	vadd.f32 v30, v32;
	v57 =	vadd.f32 v51, v50  }
0x264: {  	s25 =	sor.u32 s0, s25;
	v48 =	vld [tilespmem:s29+$0x300];
	v50 =	vadd.f32 $0.0e+00, v52;
	v25 =	vadd.f32 v25, v34  }
0x265: {  	v27 =	vld [tilespmem:s25+$0x0];
	v39 =	vmul.f32 v52, v52;
	v29 =	vadd.f32 v29, v31;
	v31 =	vadd.f32 v54, v53  }
0x266: {  	s28 =	sor.u32 s0, s10;
	v42 =	vadd.f32 v17, v42;
	v53 =	vld [tilespmem:s13+$0xF000];
	v54 =	vmul.f32 v59, v59;
	v32 =	vadd.f32 v62, v49  }
0x267: {  	v36 =	vmul.f32 v62, v62;
	v62 =	vld [tilespmem:s28+$0x0];
	v29 =	vadd.f32 v30, v29;
	v30 =	vadd.f32 v31, v57  }
0x268: {  	s20 =	sor.u32 s0, s20;
	v51 =	vadd.f32 $0.0e+00, v56;
	v52 =	vmul.f32 v56, v56;
	v31 =	vld [tilespmem:s29+$0x380];
	v33 =	vadd.f32 v54, v61  }
0x269: {  	s26 =	sor.u32 s0, s26;
	v56 =	vadd.f32 v48, v50;
	v57 =	vmul.f32 v48, v48;
	v47 =	vadd.f32 v30, v29;
	v29 =	vld [tilespmem:s20+$0x0]  }
0x26a: {  	v37 =	vmul.f32 v55, v55;
	s29 =	sor.u32 s0, s23;
	v36 =	vadd.f32 v36, v63;
	v30 =	vadd.f32 v59, v60;
	v59 =	vld [tilespmem:s26+$0x0]  }
0x26b: {  	s1 =	sor.u32 s0, s1;
	v63 =	vld [tilespmem:s29+$0x0];
	v32 =	vadd.f32 v55, v32;
	v39 =	vadd.f32 v57, v39  }
0x26c: {  	s30 =	sor.u32 s0, s24;
	v61 =	vld [tilespmem:s1+$0x0];
	v26 =	vadd.f32 v26, v53;
	v49 =	vadd.f32 v37, v36  }
0x26d: {  	s9 =	sor.u32 s0, s9;
	v48 =	vld [tilespmem:s30+$0x0];
	v32 =	vadd.f32 v62, v32;
	v60 =	vadd.f32 v31, v51;
	v31 =	vmul.f32 v31, v31  }
0x26e: {  	s31 =	sor.u32 s0, s12;
	s12 =	sor.u32 s0, s22;
	v38 =	vld [tilespmem:s9+$0x0];
	v23 =	vadd.f32 v23, v26;
	v30 =	vadd.f32 v29, v30;
	v29 =	vmul.f32 v29, v29  }
0x26f: {  	s10 =	sor.u32 s0, s21;
	v28 =	vld [tilespmem:s12+$0x0];
	v31 =	vadd.f32 v31, v52;
	v50 =	vadd.f32 v59, v60;
	v51 =	vmul.f32 v59, v59  }
0x270: {  	v41 =	vld [tilespmem:s10+$0x0];
	s25 =	sor.u32 s0, s15;
	v54 =	vmul.f32 v63, v63;
	v20 =	vadd.f32 v20, v23;
	v26 =	vadd.f32 v29, v33  }
0x271: {  	s19 =	sor.u32 s0, s7;
	v24 =	vld [tilespmem:s25+$0x0];
	v52 =	vmul.f32 v61, v61;
	v29 =	vadd.f32 v27, v56;
	v23 =	vadd.f32 v51, v31  }
0x272: {  	v55 =	vld [tilespmem:s19+$0x0];
	s20 =	sor.u32 s0, s3;
	v27 =	vmul.f32 v27, v27;
	v30 =	vadd.f32 v61, v30;
	v36 =	vadd.f32 v48, v50  }
0x273: {  	v57 =	vld [tilespmem:s20+$0x0];
	v31 =	vmul.f32 v62, v62;
	v20 =	vadd.f32 v16, v20;
	v51 =	vadd.f32 v38, v32  }
0x274: {  	s23 =	sor.u32 s0, s14;
	v33 =	vld [tilespmem:s31+$0x0];
	v56 =	vmul.f32 v48, v48;
	v27 =	vadd.f32 v27, v39;
	v53 =	vadd.f32 v52, v26  }
0x275: {  	s21 =	sor.u32 s0, s17;
	v60 =	vmul.f32 v38, v38;
	v16 =	vld [tilespmem:s23+$0x0];
	v31 =	vadd.f32 v31, v49;
	v59 =	vadd.f32 v63, v29  }
0x276: {  	s24 =	sor.u32 s0, s5;
	v62 =	vmul.f32 v41, v41;
	v26 =	vld [tilespmem:s21+$0x0];
	v61 =	vadd.f32 v56, v23;
	v49 =	vadd.f32 v22, v25  }
0x277: {  	s26 =	sor.u32 s0, s16;
	v63 =	vmul.f32 v28, v28;
	v23 =	vld [tilespmem:s24+$0x0];
	v35 =	vadd.f32 v28, v36;
	v38 =	vadd.f32 v14, v20  }
0x278: {  	s22 =	sor.u32 s0, s18;
	v48 =	vmul.f32 v55, v55;
	v25 =	vld [tilespmem:s26+$0x0];
	v39 =	vadd.f32 v54, v27;
	v32 =	vadd.f32 v60, v31  }
0x279: {  	v27 =	vld [tilespmem:s22+$0x0];
	v36 =	vadd.f32 v63, v61;
	v29 =	vmul.f32 v33, v33;
	v50 =	vadd.f32 v33, v30  }
0x27a: {  	s28 =	sor.u32 s0, s6;
	v33 =	vadd.f32 v41, v59;
	v28 =	vmul.f32 v16, v16;
	v41 =	vadd.f32 v57, v51  }
0x27b: {  	v17 =	vld [tilespmem:s28+$0x0];
	s30 =	sor.u32 s0, s8;
	v34 =	vadd.f32 v62, v39;
	v39 =	vadd.f32 v15, v42;
	v15 =	vmul.f32 v24, v24  }
0x27c: {  	v21 =	vld [tilespmem:s30+$0x0];
	s31 =	sor.u32 s0, s11;
	v42 =	vadd.f32 v18, v49;
	v37 =	vadd.f32 v29, v53;
	v29 =	vmul.f32 v57, v57  }
0x27d: {  	s29 =	sor.u32 s0, s4;
	v19 =	vld [tilespmem:s31+$0x0];
	v30 =	vmul.f32 v26, v26;
	v14 =	vmul.f32 v23, v23;
	v20 =	vadd.f32 v55, v50  }
0x27e: {  	s6 =	simm.s32 $0x20;
	s4 =	simm.s32 $0x100;
	[tilespmem:s13+$0xF300] =	vst v47;
	s0 =	simm.s32 $0x0;
	v22 =	vld [tilespmem:s29+$0x0];
	v18 =	vmul.f32 v25, v25;
	v31 =	vmul.f32 v27, v27;
	v37 =	vadd.f32 v48, v37  }
.LBB2_11:
0x27f: {  	s3 =	sand.u32 $0xC00, s4;
	s20 =	sand.u32 $0x60, s6  }
0x280: {  	s1 =	sadd.s32 $0xB600, s3;
	s23 =	sor.u32 $0x10, s20;
	s24 =	sadd.s32 $0xB680, s3  }
0x281: {  	v29 =	vadd.f32 v29, v32;
	v26 =	vadd.f32 v26, v33;
	s7 =	sadd.s32 $0xB400, s3;
	s5 =	sor.u32 s20, s1;
	s1 =	sor.u32 s23, s1  }
0x282: {  	v30 =	vadd.f32 v30, v34;
	v27 =	vadd.f32 v27, v35;
	s28 =	sadd.s32 $0xB480, s3;
	s10 =	sadd.s32 $0x9E80, s3;
	s25 =	sor.u32 s23, s24;
	v47 =	vld [tilespmem:s1+$0x0]  }
0x283: {  	v31 =	vadd.f32 v31, v36;
	v46 =	vadd.f32 v6, v38;
	s11 =	sadd.s32 $0x9C00, s3;
	s26 =	sor.u32 s20, s7;
	s7 =	sor.u32 s23, s7;
	v49 =	vld [tilespmem:s25+$0x0]  }
0x284: {  	v39 =	vadd.f32 v7, v39;
	v12 =	vadd.f32 v12, v40;
	s19 =	sor.u32 s20, s10;
	s12 =	sor.u32 s23, s10;
	s10 =	sor.u32 s23, s11;
	v50 =	vld [tilespmem:s7+$0x0]  }
0x285: {  	s29 =	sadd.s32 $0xAA00, s3;
	[dreg:$0x8] =	wrdreg s5;
	s5 =	sor.u32 s23, s28;
	v25 =	vadd.f32 v25, v27;
	v27 =	vadd.f32 v18, v31;
	v18 =	vld [tilespmem:s10+$0x0]  }
0x286: {  	v28 =	vadd.f32 v28, v37;
	v13 =	vadd.f32 v13, v42;
	s30 =	sadd.s32 $0xAA80, s3;
	s1 =	sor.u32 s23, s29;
	v51 =	vld [tilespmem:s5+$0x0]  }
0x287: {  	v20 =	vadd.f32 v16, v20;
	v23 =	vadd.f32 v23, v41;
	s7 =	sor.u32 s23, s30;
	v6 =	vld [tilespmem:s1+$0x0]  }
0x288: {  	s31 =	sadd.s32 $0xA800, s3;
	s8 =	sor.u32 s20, s24;
	v29 =	vadd.f32 v14, v29;
	v24 =	vadd.f32 v24, v26;
	v7 =	vld [tilespmem:s7+$0x0]  }
0x289: {  	[dreg:$0xb] =	wrdreg s8;
	s8 =	sadd.s32 $0xA880, s3;
	v11 =	vadd.f32 v11, v13;
	v63 =	vmul.f32 v17, v17;
	s5 =	sor.u32 s23, s31;
	v13 =	vadd.f32 v17, v20;
	v17 =	vld [tilespmem:s12+$0x0]  }
0x28a: {  	s9 =	sadd.s32 $0x9E00, s3;
	v26 =	vadd.f32 v15, v30;
	v30 =	vadd.f32 v4, v46;
	s7 =	sor.u32 s23, s8;
	v14 =	vld [tilespmem:s5+$0x0]  }
0x28b: {  	v31 =	vadd.f32 v5, v39;
	v10 =	vadd.f32 v10, v12;
	s1 =	sor.u32 s23, s9;
	s12 =	sor.u32 s20, s11;
	s11 =	sor.u32 $0x9000, s3;
	v15 =	vld [tilespmem:s7+$0x0]  }
0x28c: {  	v44 =	vmul.f32 v22, v22;
	v20 =	vadd.f32 v22, v23;
	v16 =	vld [tilespmem:s1+$0x0];
	v23 =	vadd.f32 v21, v24;
	s25 =	sor.u32 s23, s11  }
0x28d: {  	v48 =	vmul.f32 v19, v19;
	v19 =	vadd.f32 v19, v25;
	v8 =	vadd.f32 v8, v10;
	v10 =	vld [tilespmem:s25+$0x80]  }
0x28e: {  	v45 =	vmul.f32 v21, v21;
	v9 =	vadd.f32 v9, v11;
	v12 =	vadd.f32 v63, v28;
	v11 =	vld [tilespmem:s25+$0x100]  }
0x28f: {  	s21 =	rddreg [dreg:$0x5];
	s18 =	sor.u32 s20, s8;
	v22 =	vadd.f32 v44, v29;
	v13 =	vadd.f32 v20, v13;
	v20 =	vld [tilespmem:s25+$0x180]  }
0x290: {  	s8 =	sadd.s32 s6, s21;
	s5 =	sor.u32 s20, s9;
	s9 =	sadd.s32 $0x9C80, s3;
	v24 =	vadd.f32 v45, v26;
	v25 =	vadd.f32 v48, v27;
	v53 =	vld [tilespmem:s25+$0x300]  }
0x291: {  	s22 =	sand.u32 $0x380, s8;
	s24 =	sor.u32 s23, s9;
	v26 =	vadd.f32 v2, v30;
	v27 =	vadd.f32 v3, v31;
	v30 =	vld [tilespmem:s25+$0x380]  }
0x292: {  	s7 =	sor.u32 s23, s22;
	v21 =	vld [tilespmem:s24+$0x0];
	v19 =	vadd.f32 v19, v23;
	v8 =	vadd.f32 v9, v8;
	v4 =	vmovc v50;
	v2 =	vmov v47  }
0x293: {  	s14 =	sor.u32 s20, s28;
	s16 =	sor.u32 s20, s30;
	s17 =	sor.u32 s20, s31;
	v52 =	vld [tilespmem:s7+$0xF300];
	v3 =	vmovc v49;
	v12 =	vadd.f32 v22, v12;
	v44 =	vmul.f32 v18, v18;
	v31 =	vmul.f32 v47, v2  }
0x294: {  	[dreg:$0x10] =	wrdreg s26;
	s26 =	sadd.s32 $0x9D00, s3;
	s21 =	sadd.s32 $0x9D80, s3;
	v9 =	vld [tilespmem:s25+$0x280];
	v23 =	vadd.f32 v25, v24;
	v32 =	vmul.f32 v49, v3;
	v34 =	vmul.f32 v50, v4  }
0x295: {  	s28 =	sor.u32 s23, s26;
	s31 =	sadd.s32 $0x9F00, s3;
	s10 =	sor.u32 s20, s11;
	v24 =	vadd.f32 v27, v26;
	v22 =	vld [tilespmem:s25+$0x200];
	v5 =	vmovc v51;
	v36 =	vmul.f32 v6, v6;
	v37 =	vmul.f32 v7, v7  }
0x296: {  	s30 =	sor.u32 s20, s21;
	s21 =	sor.u32 s23, s21;
	s1 =	sor.u32 s20, s31;
	v27 =	vld [tilespmem:s25+$0x0];
	v43 =	vmul.f32 v17, v17;
	v35 =	vmul.f32 v51, v5;
	v12 =	vadd.f32 v23, v12  }
0x297: {  	s11 =	sor.u32 s23, s31;
	s8 =	sor.u32 s20, s22;
	s22 =	sadd.s32 $0x9F80, s3;
	v26 =	vld [tilespmem:s21+$0x0];
	v54 =	vmul.f32 v14, v14;
	v55 =	vmul.f32 v15, v15;
	v8 =	vadd.f32 v8, v24  }
0x298: {  	s31 =	sor.u32 s20, s22;
	s24 =	sadd.s32 $0xA900, s3;
	s22 =	sor.u32 s23, s22;
	v25 =	vld [tilespmem:s28+$0x0];
	v23 =	vadd.f32 $0.0e+00, v10;
	v28 =	vadd.f32 $0.0e+00, v11;
	v10 =	vmul.f32 v10, v10  }
0x299: {  	s15 =	sor.u32 s20, s29;
	s29 =	sor.u32 s20, s26;
	s26 =	sor.u32 s23, s24;
	v24 =	vld [tilespmem:s22+$0x0];
	v29 =	vadd.f32 $0.0e+00, v20;
	v11 =	vmul.f32 v11, v11;
	v46 =	vmul.f32 v20, v20  }
0x29a: {  	v59 =	vmul.f32 v30, v30;
	[tilespmem:s2+$0xF300] =	vst v12;
	v45 =	vmul.f32 v21, v21;
	v12 =	vadd.f32 v19, v13;
	v19 =	vld [tilespmem:s26+$0x0]  }
0x29b: {  	s25 =	sadd.s32 $0xA980, s3;
	v33 =	vadd.f32 v9, v23;
	v13 =	vmul.f32 v27, v27;
	v23 =	vld [tilespmem:s11+$0x0];
	v9 =	vmul.f32 v9, v9;
	[tilespmem:s13+$0xF000] =	vst v8  }
0x29c: {  	v28 =	vadd.f32 v53, v28;
	v60 =	vadd.f32 v59, v46;
	v61 =	vmul.f32 v26, v26;
	[tilespmem:s2+$0xF000] =	vst v12;
	s2 =	sor.u32 s23, s25  }
0x29d: {  	s21 =	sor.u32 s20, s24;
	s28 =	sadd.s32 $0xAB00, s3;
	v29 =	vadd.f32 v30, v29;
	v12 =	vmul.f32 v53, v53;
	v13 =	vadd.f32 v13, v52;
	v20 =	vld [tilespmem:s2+$0x0]  }
0x29e: {  	s24 =	sor.u32 s23, s28;
	s22 =	sor.u32 s20, s25;
	v57 =	vmul.f32 v22, v22;
	s25 =	sadd.s32 $0xAB80, s3;
	v8 =	vadd.f32 v9, v10;
	v38 =	vadd.f32 v61, v60;
	v61 =	vld [tilespmem:s10+$0x100]  }
0x29f: {  	s26 =	sor.u32 s20, s28;
	v10 =	vmul.f32 v25, v25;
	s28 =	sor.u32 s20, s25;
	s25 =	sor.u32 s23, s25;
	v21 =	vadd.f32 v21, v33;
	v9 =	vadd.f32 v12, v11;
	v12 =	vld [tilespmem:s24+$0x0]  }
0x2a0: {  	s13 =	sadd.s32 $0xB500, s3;
	v63 =	vmul.f32 v24, v24;
	v25 =	vadd.f32 v25, v28;
	v11 =	vadd.f32 v57, v13;
	v13 =	vld [tilespmem:s25+$0x0]  }
0x2a1: {  	v56 =	vmul.f32 v16, v16;
	s11 =	sadd.s32 $0xB580, s3;
	s2 =	sor.u32 s23, s13;
	v29 =	vadd.f32 v26, v29;
	v8 =	vadd.f32 v45, v8;
	v45 =	vld [tilespmem:s10+$0x0]  }
0x2a2: {  	s24 =	sor.u32 s20, s13;
	s13 =	sadd.s32 $0xB700, s3;
	v38 =	vadd.f32 v63, v38;
	v9 =	vadd.f32 v10, v9;
	v62 =	vmul.f32 v23, v23;
	v10 =	vld [tilespmem:s2+$0x0];
	s2 =	sor.u32 s23, s11  }
0x2a3: {  	s25 =	sor.u32 s20, s11;
	v48 =	vmul.f32 v19, v19;
	s11 =	sor.u32 s20, s13;
	s13 =	sor.u32 s23, s13;
	v44 =	vadd.f32 v44, v11;
	v43 =	vadd.f32 v43, v8;
	v11 =	vld [tilespmem:s2+$0x0]  }
0x2a4: {  	v47 =	vadd.f32 v23, v25;
	v8 =	vld [tilespmem:s13+$0x0];
	s2 =	smov.u32 s8;
	v9 =	vadd.f32 v62, v9;
	v49 =	vmul.f32 v20, v20  }
0x2a5: {  	s3 =	sadd.s32 $0xB780, s3;
	v53 =	vld [tilespmem:s2+$0xF000];
	v42 =	vadd.f32 v56, v44;
	v41 =	vadd.f32 v55, v43;
	v51 =	vmul.f32 v12, v12  }
0x2a6: {  	s9 =	sor.u32 s20, s9;
	s20 =	sor.u32 s20, s3;
	s3 =	sor.u32 s23, s3;
	v56 =	vld [tilespmem:s2+$0xF300];
	v50 =	vadd.f32 v48, v9;
	v38 =	vadd.f32 v49, v38;
	v52 =	vmul.f32 v13, v13  }
0x2a7: {  	v9 =	vld [tilespmem:s3+$0x0];
	v48 =	vmul.f32 v45, v45;
	v40 =	vadd.f32 v54, v42;
	v37 =	vadd.f32 v37, v41  }
0x2a8: {  	v49 =	vld [tilespmem:s10+$0x180];
	v55 =	vmul.f32 v10, v10;
	v54 =	vadd.f32 v51, v50;
	v38 =	vadd.f32 v52, v38  }
0x2a9: {  	v57 =	vmul.f32 v11, v11;
	v51 =	vld [tilespmem:s10+$0x200];
	v36 =	vadd.f32 v36, v40;
	v35 =	vadd.f32 v35, v37  }
0x2aa: {  	v40 =	vld [tilespmem:s10+$0x80];
	v53 =	vadd.f32 v45, v53;
	v59 =	vadd.f32 v55, v54  }
0x2ab: {  	v60 =	vmul.f32 v8, v8;
	v62 =	vadd.f32 v57, v38;
	v54 =	vadd.f32 v48, v56;
	v55 =	vld [tilespmem:s10+$0x280]  }
0x2ac: {  	s13 =	smov.u32 s7;
	v56 =	vld [tilespmem:s10+$0x300];
	v34 =	vadd.f32 v34, v36;
	v63 =	vmul.f32 v9, v9;
	v32 =	vadd.f32 v32, v35  }
0x2ad: {  	v48 =	vld [tilespmem:s13+$0xF000];
	v50 =	vadd.f32 v60, v59;
	v60 =	vadd.f32 $0.0e+00, v61  }
0x2ae: {  	v31 =	vadd.f32 v31, v34;
	v52 =	vadd.f32 v63, v62  }
0x2af: {  	v62 =	vadd.f32 $0.0e+00, v49;
	v63 =	vmul.f32 v49, v49;
	v49 =	vadd.f32 v51, v53  }
0x2b0: {  	v23 =	vld [tilespmem:s14+$0x0];
	v41 =	vmul.f32 v40, v40;
	v59 =	vadd.f32 $0.0e+00, v40;
	v40 =	vmul.f32 v61, v61  }
0x2b1: {  	v53 =	vld [tilespmem:s9+$0x0];
	v31 =	vadd.f32 v32, v31;
	v57 =	vadd.f32 v52, v50;
	v52 =	vmul.f32 v55, v55  }
0x2b2: {  	v61 =	vld [tilespmem:s10+$0x380];
	v27 =	vadd.f32 v27, v48;
	v30 =	vadd.f32 v55, v59;
	v55 =	vmul.f32 v56, v56  }
0x2b3: {  	v50 =	vmul.f32 v51, v51;
	v51 =	vld [tilespmem:s12+$0x0];
	v31 =	vadd.f32 v57, v31;
	v34 =	vadd.f32 v52, v41  }
0x2b4: {  	v25 =	vld [tilespmem:s25+$0x0];
	v22 =	vadd.f32 v22, v27;
	v35 =	vadd.f32 v55, v40  }
0x2b5: {  	[tilespmem:s13+$0xF300] =	vst v31;
	v31 =	vadd.f32 v50, v54;
	v54 =	vadd.f32 v56, v60;
	v56 =	vld [tilespmem:s29+$0x0]  }
0x2b6: {  	v30 =	vadd.f32 v53, v30;
	v39 =	vmul.f32 v53, v53;
	v60 =	vld [tilespmem:s30+$0x0];
	v18 =	vadd.f32 v18, v22  }
0x2b7: {  	v40 =	vadd.f32 v19, v47;
	v57 =	vadd.f32 v61, v62;
	v59 =	vmul.f32 v61, v61;
	v61 =	vld [tilespmem:s5+$0x0]  }
0x2b8: {  	v62 =	vld [tilespmem:s19+$0x0];
	v32 =	vadd.f32 v51, v49;
	v37 =	vmul.f32 v51, v51;
	v18 =	vadd.f32 v16, v18  }
0x2b9: {  	v52 =	vld [tilespmem:s17+$0x0];
	v34 =	vadd.f32 v39, v34;
	v41 =	vadd.f32 v59, v63  }
0x2ba: {  	v49 =	vld [tilespmem:s31+$0x0];
	v27 =	vadd.f32 v37, v31;
	v38 =	vadd.f32 v14, v18  }
0x2bb: {  	v63 =	vld [tilespmem:s1+$0x0];
	v14 =	vmul.f32 v23, v23;
	v31 =	vadd.f32 v56, v54;
	v48 =	vmul.f32 v56, v56  }
0x2bc: {  	v26 =	vld [tilespmem:s26+$0x0];
	v50 =	vadd.f32 v60, v57;
	v51 =	vmul.f32 v60, v60;
	v53 =	vmul.f32 v61, v61  }
0x2bd: {  	v42 =	vld [tilespmem:s18+$0x0];
	v54 =	vmul.f32 v62, v62;
	v32 =	vadd.f32 v61, v32;
	v30 =	vadd.f32 v62, v30  }
0x2be: {  	v43 =	vld [tilespmem:s15+$0x0];
	s29 =	rddreg [dreg:$0x10];
	v18 =	vmul.f32 v25, v25;
	v33 =	vadd.f32 v48, v35;
	v22 =	vadd.f32 v51, v41  }
0x2bf: {  	v16 =	vld [tilespmem:s29+$0x0];
	v56 =	vmul.f32 v52, v52;
	v28 =	vadd.f32 v53, v27;
	v34 =	vadd.f32 v54, v34  }
0x2c0: {  	v57 =	vld [tilespmem:s16+$0x0];
	v55 =	vmul.f32 v49, v49;
	v31 =	vadd.f32 v63, v31;
	v36 =	vadd.f32 v49, v50  }
0x2c1: {  	v41 =	vld [tilespmem:s21+$0x0];
	v27 =	vmul.f32 v63, v63;
	v63 =	vadd.f32 v17, v21;
	v50 =	vadd.f32 v24, v29  }
0x2c2: {  	v60 =	vmul.f32 v42, v42;
	v35 =	vld [tilespmem:s22+$0x0];
	v51 =	vadd.f32 v52, v32;
	v52 =	vadd.f32 v42, v30  }
0x2c3: {  	s0 =	sadd.s32 $0x2, s0;
	v49 =	vmul.f32 v43, v43;
	v24 =	vld [tilespmem:s24+$0x0];
	v59 =	vadd.f32 v27, v33;
	v22 =	vadd.f32 v55, v22  }
0x2c4: {  	p1 =	slt.u32 s0, $0x16;
	v30 =	vmul.f32 v26, v26;
	v27 =	vld [tilespmem:s28+$0x0];
	v48 =	vadd.f32 v56, v28;
	v32 =	vadd.f32 v60, v34  }
.Ltmp4:
0x2c5: {  	v28 =	vmul.f32 v16, v16;
	v39 =	vadd.f32 v15, v63;
	v42 =	vadd.f32 v20, v50;
	(pc) =	sbr.rel @p1 .LBB2_11-.Ltmp4, $4  }
0x2c6: {  	v19 =	vld [tilespmem:s20+$0x0];
	s30 =	rddreg [dreg:$0x8];
	v20 =	vadd.f32 v43, v51;
	v29 =	vmul.f32 v57, v57;
	v37 =	vadd.f32 v49, v48  }
0x2c7: {  	v17 =	vld [tilespmem:s30+$0x0];
	v61 =	vmul.f32 v41, v41;
	v62 =	vmul.f32 v35, v35;
	v33 =	vadd.f32 v41, v31  }
0x2c8: {  	s31 =	rddreg [dreg:$0xb];
	v21 =	vld [tilespmem:s11+$0x0];
	v35 =	vadd.f32 v35, v36;
	v15 =	vmul.f32 v24, v24;
	v41 =	vadd.f32 v57, v52  }
0x2c9: {  	s4 =	sadd.s32 $0x100, s4;
	s6 =	sadd.s32 $0x20, s6;
	v34 =	vadd.f32 v61, v59;
	v31 =	vmul.f32 v27, v27;
	v36 =	vadd.f32 v62, v22;
	v22 =	vld [tilespmem:s31+$0x0]  }
0x2ca: {  	v29 =	vadd.f32 v29, v32;
	v26 =	vadd.f32 v26, v33  }
0x2cb: {  	v27 =	vadd.f32 v27, v35;
	v6 =	vadd.f32 v6, v38  }
0x2cc: {  	v7 =	vadd.f32 v7, v39;
	v12 =	vadd.f32 v12, v40  }
0x2cd: {  	v28 =	vadd.f32 v28, v37;
	v13 =	vadd.f32 v13, v42  }
0x2ce: {  	v16 =	vadd.f32 v16, v20;
	v41 =	vadd.f32 v23, v41  }
0x2cf: {  	v30 =	vadd.f32 v30, v34;
	v31 =	vadd.f32 v31, v36  }
0x2d0: {  	v14 =	vadd.f32 v14, v29;
	v42 =	vadd.f32 v24, v26  }
0x2d1: {  	v43 =	vadd.f32 v25, v27;
	v4 =	vadd.f32 v4, v6  }
0x2d2: {  	v5 =	vadd.f32 v5, v7;
	v45 =	vadd.f32 v10, v12  }
0x2d3: {  	v44 =	vmul.f32 v17, v17;
	v11 =	vadd.f32 v11, v13;
	v49 =	vadd.f32 v17, v16  }
0x2d4: {  	v15 =	vadd.f32 v15, v30;
	v18 =	vadd.f32 v18, v31  }
0x2d5: {  	v47 =	vadd.f32 v44, v28;
	v50 =	vadd.f32 v22, v41  }
0x2d6: {  	v51 =	vmul.f32 v19, v19;
	v52 =	vadd.f32 v21, v42;
	v53 =	vadd.f32 v19, v43  }
0x2d7: {  	v48 =	vmul.f32 v21, v21;
	v2 =	vadd.f32 v2, v4;
	v3 =	vadd.f32 v3, v5  }
0x2d8: {  	v46 =	vmul.f32 v22, v22;
	v54 =	vadd.f32 v8, v45;
	v56 =	vadd.f32 v9, v11  }
0x2d9: {  	v12 =	vadd.f32 v48, v15;
	v17 =	vadd.f32 v51, v18  }
0x2da: {  	v7 =	vadd.f32 v46, v14;
	v57 =	vadd.f32 v50, v49  }
0x2db: {  	v60 =	vadd.f32 v53, v52;
	v2 =	vadd.f32 v3, v2  }
0x2dc: {  	v61 =	vadd.f32 v56, v54;
	v59 =	vadd.f32 v17, v12  }
.Ltmp5:
0x2dd: {  	v55 =	vadd.f32 v7, v47;
	v63 =	vadd.f32 v60, v57;
	(pc) =	sbr.rel @p0 .LBB2_13-.Ltmp5, $4  }
0x2de: {  	v2 =	vadd.f32 v61, v2  }
0x2df: {  	v62 =	vadd.f32 v59, v55;
	[tilespmem:s2+$0xF000] =	vst v63  }
0x2e0: {  	[tilespmem:s13+$0xF000] =	vst v2  }
0x2e1: {  	[tilespmem:s2+$0xF300] =	vst v62  }
0x2e2: {  	s11 =	sld [smem:$0x7FB];
	_ =	sdelay $0x2  }
0x2e3: {  	s0 =	smul.u32 $0xC000, s11  }
.Ltmp6:
0x2e4: {  	s1 =	rddreg [dreg:$0x1a];
	(pc) =	sbr.rel .LBB2_4-.Ltmp6, $4  }
0x2e5: {  	s0 =	sadd.s32 s0, s1  }
0x2e6: {  	s30 =	rddreg [dreg:$0x0];
	s31 =	simm.s32 $0x0;
	s0 =	sshrl.u32 s0, $0x3  }
0x2e7: {  	s2 =	simm.s32 $0x9000;
	s11 =	sadd.s32 $0x1, s11;
	s0 =	sadd.s32 s30, s0  }
0x2e8: {  	[tilespmem:s2], [sflag:$0x4] =	stream.linear.gather [hbm4b:s0+s31], $0x3000, $0x38;
	[tilespmem:$0xF880] =	vst v63  }
.LBB2_13:
0x2e9: {  	s0 =	simm.s32 $0x0  }
0x2ea: {  	v2 =	vld [tilespmem:s0+$0xF000];
	_ =	sdelay $0x3  }
0x2eb: {  	v3 =	vld [tilespmem:s0+$0xF300]  }
0x2ec: {  	v4 =	vmul.f32 v2, v2;
	_ =	sdelay $0x1  }
0x2ed: {  	v4 =	vmul.f32 $9.765625000e-04, v4;
	_ =	sdelay $0x1  }
0x2ee: {  	v3 =	vsub.f32 v3, v4;
	_ =	sdelay $0x1  }
0x2ef: {  	v3 =	vmul.f32 $9.775171050e-04, v3;
	_ =	sdelay $0x1  }
0x2f0: {  	v3 =	vmax.f32 v3, $1.000000000e-30  }
0x2f1: {  	v4 =	vshra.s32 v3, $0x1;
	v5 =	vmul.f32 $5.000000000e-01, v3  }
0x2f2: {  	v4 =	vsub.s32 $0x5F3759DF, v4  }
0x2f3: {  	v6 =	vmul.f32 v4, v5;
	_ =	sdelay $0x1  }
0x2f4: {  	v6 =	vmul.f32 v4, v6;
	_ =	sdelay $0x1  }
0x2f5: {  	v6 =	vsub.f32 $1.500000000e+00, v6;
	_ =	sdelay $0x1  }
0x2f6: {  	v4 =	vmul.f32 v4, v6;
	_ =	sdelay $0x1  }
0x2f7: {  	v6 =	vmul.f32 v4, v5;
	_ =	sdelay $0x1  }
0x2f8: {  	v6 =	vmul.f32 v6, v4;
	_ =	sdelay $0x1  }
0x2f9: {  	v6 =	vsub.f32 $1.500000000e+00, v6;
	_ =	sdelay $0x1  }
0x2fa: {  	v4 =	vmul.f32 v6, v4;
	_ =	sdelay $0x1  }
0x2fb: {  	v6 =	vmul.f32 v4, v5;
	_ =	sdelay $0x1  }
0x2fc: {  	v6 =	vmul.f32 v6, v4;
	_ =	sdelay $0x1  }
0x2fd: {  	v6 =	vsub.f32 $1.500000000e+00, v6;
	_ =	sdelay $0x1  }
0x2fe: {  	v4 =	vmul.f32 v6, v4;
	_ =	sdelay $0x1  }
0x2ff: {  	v5 =	vmul.f32 v4, v5;
	_ =	sdelay $0x1  }
0x300: {  	v5 =	vmul.f32 v5, v4;
	_ =	sdelay $0x1  }
0x301: {  	v5 =	vsub.f32 $1.500000000e+00, v5  }
0x302: {  	v2 =	vmul.f32 $9.765625000e-04, v2  }
0x303: {  	v4 =	vmul.f32 v5, v4  }
0x304: {  	v5 =	vshrl.u32 v2, $0x10  }
0x305: {  	v3 =	vmul.f32 v4, v3;
	v4 =	vand.u32 $0x1, v5  }
0x306: {  	v2 =	vadd.s32 v4, v2  }
0x307: {  	v2 =	vadd.s32 $0x7FFF, v2  }
0x308: {  	v4 =	vshrl.u32 v3, $0x10;
	v2 =	vand.u32 $0xFFFF0000, v2  }
0x309: {  	s3 =	simm.s32 $0x10;
	v4 =	vand.u32 $0x1, v4;
	[tilespmem:s0+$0xF000] =	vst v2  }
0x30a: {  	v3 =	vadd.s32 v4, v3;
	v2 =	vld [tilespmem:s3+$0xF000]  }
0x30b: {  	v3 =	vadd.s32 $0x7FFF, v3  }
0x30c: {  	s11 =	simm.s32 $0x0;
	s1 =	simm.s32 $0x80;
	v3 =	vand.u32 $0xFFFF0000, v3  }
.LBB2_14:
0x30d: {  	p0 =	sne.s32 s1, $0xBC0;
	[tilespmem:s0+$0xF300] =	vst v3;
	s2 =	smov.u32 s1;
	s1 =	sadd.s32 $0x40, s1  }
0x30e: {  	s0 =	smov.u32 s3;
	v3 =	vld [tilespmem:s3+$0xF300]  }
0x30f: {  	v4 =	vmul.f32 $9.765625000e-04, v2;
	v2 =	vmul.f32 v2, v2;
	_ =	sdelay $0x1  }
0x310: {  	v2 =	vmul.f32 $9.765625000e-04, v2;
	v5 =	vshrl.u32 v4, $0x10  }
0x311: {  	v5 =	vand.u32 $0x1, v5  }
0x312: {  	v2 =	vsub.f32 v3, v2;
	v3 =	vadd.s32 v5, v4  }
0x313: {  	v3 =	vadd.s32 $0x7FFF, v3  }
0x314: {  	v2 =	vmul.f32 $9.775171050e-04, v2;
	v3 =	vand.u32 $0xFFFF0000, v3  }
0x315: {  	[tilespmem:s0+$0xF000] =	vst v3  }
0x316: {  	v2 =	vmax.f32 v2, $1.000000000e-30  }
0x317: {  	v3 =	vshra.s32 v2, $0x1;
	v4 =	vmul.f32 $5.000000000e-01, v2  }
0x318: {  	v3 =	vsub.s32 $0x5F3759DF, v3  }
0x319: {  	v5 =	vmul.f32 v3, v4;
	_ =	sdelay $0x1  }
0x31a: {  	v5 =	vmul.f32 v3, v5;
	_ =	sdelay $0x1  }
0x31b: {  	v5 =	vsub.f32 $1.500000000e+00, v5;
	_ =	sdelay $0x1  }
0x31c: {  	v3 =	vmul.f32 v3, v5;
	_ =	sdelay $0x1  }
0x31d: {  	v5 =	vmul.f32 v3, v4;
	_ =	sdelay $0x1  }
0x31e: {  	v5 =	vmul.f32 v5, v3;
	_ =	sdelay $0x1  }
0x31f: {  	v5 =	vsub.f32 $1.500000000e+00, v5;
	_ =	sdelay $0x1  }
0x320: {  	v3 =	vmul.f32 v5, v3;
	_ =	sdelay $0x1  }
0x321: {  	v5 =	vmul.f32 v3, v4;
	_ =	sdelay $0x1  }
0x322: {  	v5 =	vmul.f32 v5, v3;
	_ =	sdelay $0x1  }
0x323: {  	v5 =	vsub.f32 $1.500000000e+00, v5;
	_ =	sdelay $0x1  }
0x324: {  	v3 =	vmul.f32 v5, v3;
	_ =	sdelay $0x1  }
0x325: {  	v4 =	vmul.f32 v3, v4;
	_ =	sdelay $0x1  }
0x326: {  	v4 =	vmul.f32 v4, v3;
	_ =	sdelay $0x1  }
0x327: {  	v4 =	vsub.f32 $1.500000000e+00, v4;
	_ =	sdelay $0x1  }
0x328: {  	v3 =	vmul.f32 v4, v3;
	_ =	sdelay $0x1  }
0x329: {  	v3 =	vmul.f32 v3, v2;
	_ =	sdelay $0x1  }
.Ltmp7:
0x32a: {  	v2 =	vshrl.u32 v3, $0x10;
	(pc) =	sbr.rel @p0 .LBB2_14-.Ltmp7, $4  }
0x32b: {  	s3 =	sshra.s32 s2, $0x2;
	v4 =	vand.u32 $0x1, v2  }
0x32c: {  	v2 =	vld [tilespmem:s3+$0xF000];
	v3 =	vadd.s32 v4, v3  }
0x32d: {  	v3 =	vadd.s32 $0x7FFF, v3  }
0x32e: {  	v3 =	vand.u32 $0xFFFF0000, v3  }
0x32f: {  	[tilespmem:s0+$0xF300] =	vst v3  }
0x330: {  	v3 =	vld [tilespmem:s3+$0xF300]  }
0x331: {  	v4 =	vmul.f32 v2, v2;
	_ =	sdelay $0x1  }
0x332: {  	v4 =	vmul.f32 $9.765625000e-04, v4;
	_ =	sdelay $0x1  }
0x333: {  	v3 =	vsub.f32 v3, v4;
	_ =	sdelay $0x1  }
0x334: {  	v3 =	vmul.f32 $9.775171050e-04, v3;
	_ =	sdelay $0x1  }
0x335: {  	v3 =	vmax.f32 v3, $1.000000000e-30  }
0x336: {  	v4 =	vshra.s32 v3, $0x1;
	v5 =	vmul.f32 $5.000000000e-01, v3  }
0x337: {  	v4 =	vsub.s32 $0x5F3759DF, v4  }
0x338: {  	v6 =	vmul.f32 v4, v5;
	_ =	sdelay $0x1  }
0x339: {  	v6 =	vmul.f32 v4, v6;
	_ =	sdelay $0x1  }
0x33a: {  	v6 =	vsub.f32 $1.500000000e+00, v6;
	_ =	sdelay $0x1  }
0x33b: {  	v4 =	vmul.f32 v4, v6;
	_ =	sdelay $0x1  }
0x33c: {  	v6 =	vmul.f32 v4, v5;
	_ =	sdelay $0x1  }
0x33d: {  	v6 =	vmul.f32 v6, v4;
	_ =	sdelay $0x1  }
0x33e: {  	v6 =	vsub.f32 $1.500000000e+00, v6;
	_ =	sdelay $0x1  }
0x33f: {  	v4 =	vmul.f32 v6, v4;
	_ =	sdelay $0x1  }
0x340: {  	v6 =	vmul.f32 v4, v5;
	_ =	sdelay $0x1  }
0x341: {  	v6 =	vmul.f32 v6, v4;
	_ =	sdelay $0x1  }
0x342: {  	v6 =	vsub.f32 $1.500000000e+00, v6;
	_ =	sdelay $0x1  }
0x343: {  	v4 =	vmul.f32 v6, v4;
	_ =	sdelay $0x1  }
0x344: {  	v5 =	vmul.f32 v4, v5;
	_ =	sdelay $0x1  }
0x345: {  	v5 =	vmul.f32 v5, v4;
	_ =	sdelay $0x1  }
0x346: {  	v5 =	vsub.f32 $1.500000000e+00, v5;
	_ =	sdelay $0x1  }
0x347: {  	v4 =	vmul.f32 v5, v4  }
0x348: {  	v2 =	vmul.f32 $9.765625000e-04, v2  }
0x349: {  	v3 =	vmul.f32 v4, v3  }
0x34a: {  	v4 =	vshrl.u32 v2, $0x10  }
0x34b: {  	v4 =	vand.u32 $0x1, v4;
	v5 =	vshrl.u32 v3, $0x10  }
0x34c: {  	v2 =	vadd.s32 v4, v2;
	v4 =	vand.u32 $0x1, v5  }
0x34d: {  	v2 =	vadd.s32 $0x7FFF, v2;
	v3 =	vadd.s32 v4, v3  }
0x34e: {  	v2 =	vand.u32 $0xFFFF0000, v2;
	v3 =	vadd.s32 $0x7FFF, v3  }
0x34f: {  	[tilespmem:s3+$0xF000] =	vst v2;
	v2 =	vand.u32 $0xFFFF0000, v3  }
0x350: {  	s31 =	simm.s32 $0xF010;
	[tilespmem:s3+$0xF300] =	vst v2  }
0x351: {  	s2 =	simm.s32 $0xD9F0;
	v10 =	vld [tilespmem:s31+$0xFFFFFFF0]  }
0x352: {  	v3 =	vld [tilespmem:s2+$0xFFFFE630]  }
0x353: {  	s21 =	simm.s32 $0xF310;
	v4 =	vld [tilespmem:s2+$0xFFFFE610]  }
0x354: {  	v7 =	vld [tilespmem:s21+$0xFFFFFFF0]  }
0x355: {  	v2 =	vld [tilespmem:s2+$0xFFFFFFB0]  }
0x356: {  	v9 =	vld [tilespmem:s2+$0xFFFFE660]  }
0x357: {  	v11 =	vld [tilespmem:s2+$0xFFFFE650];
	v5 =	vbroadcast v10, $0x0;
	v13 =	vbroadcast v10, $0xC  }
0x358: {  	v14 =	vld [tilespmem:s2+$0xFFFFE680];
	v8 =	vbroadcast v10, $0x2;
	v12 =	vbroadcast v10, $0xB  }
0x359: {  	v16 =	vld [tilespmem:s2+$0xFFFFE690];
	v6 =	vbroadcast v7, $0xD;
	v18 =	vbroadcast v10, $0x5  }
0x35a: {  	v17 =	vld [tilespmem:s2+$0xFFFFFE60];
	v25 =	vbroadcast v7, $0xB;
	v22 =	vbroadcast v7, $0x9  }
0x35b: {  	v23 =	vld [tilespmem:s2+$0xFFFFE620];
	v20 =	vbroadcast v7, $0x6;
	v21 =	vbroadcast v10, $0x8  }
0x35c: {  	v28 =	vld [tilespmem:s2+$0xFFFFE6F0];
	v26 =	vbroadcast v7, $0x5;
	v27 =	vbroadcast v10, $0x6  }
0x35d: {  	v30 =	vld [tilespmem:s2+$0xFFFFFE40];
	v29 =	vbroadcast v7, $0x4;
	v4 =	vmul.f32 v4, v5  }
0x35e: {  	v15 =	vmul.f32 v3, v8;
	v3 =	vld [tilespmem:s2+$0xFFFFE6A0];
	v5 =	vbroadcast v10, $0x4  }
0x35f: {  	v31 =	vbroadcast v10, $0x9;
	v17 =	vmul.f32 v17, v26;
	v26 =	vld [tilespmem:s2+$0xFFFFE6C0]  }
0x360: {  	v33 =	vbroadcast v10, $0xE;
	v19 =	vmul.f32 v11, v5;
	v5 =	vld [tilespmem:s2+$0xFFFFE6B0]  }
0x361: {  	v56 =	vbroadcast v10, $0xD;
	v35 =	vbroadcast v10, $0x7;
	v11 =	vld [tilespmem:s2+$0xFFFFFE50]  }
0x362: {  	v34 =	vld [tilespmem:s2+$0xFFFFE640];
	v36 =	vbroadcast v10, $0xF;
	v38 =	vbroadcast v7, $0x2  }
0x363: {  	v37 =	vld [tilespmem:s2+$0xFFFFFE20];
	v16 =	vmul.f32 v16, v21;
	v21 =	vbroadcast v10, $0xA  }
0x364: {  	v24 =	vmul.f32 v9, v18;
	v9 =	vld [tilespmem:s2+$0xFFFFE670];
	v3 =	vmul.f32 v3, v31  }
0x365: {  	v31 =	vld [tilespmem:s2+$0xFFFFE6E0];
	v12 =	vmul.f32 v26, v12;
	v32 =	vmul.f32 v5, v21  }
0x366: {  	v26 =	vld [tilespmem:s2+$0xFFFFFE30];
	v5 =	vbroadcast v10, $0x1;
	v29 =	vmul.f32 v11, v29  }
0x367: {  	v21 =	vld [tilespmem:s2+$0xFFFFFE70];
	v11 =	vmul.f32 v28, v33;
	v10 =	vbroadcast v10, $0x3  }
0x368: {  	v28 =	vld [tilespmem:s2+$0xFFFFFE10];
	v23 =	vmul.f32 v23, v5;
	v5 =	vbroadcast v7, $0x3  }
0x369: {  	v57 =	vld [tilespmem:s2+$0xFFFFFE80];
	v60 =	vbroadcast v7, $0x8;
	v27 =	vmul.f32 v9, v27  }
0x36a: {  	v59 =	vimm.f32 $0.0e+00;
	v40 =	vld [tilespmem:s2+$0xFFFFFE90];
	v34 =	vmul.f32 v34, v10;
	v30 =	vmul.f32 v30, v5  }
0x36b: {  	v61 =	vld [tilespmem:s2+$0xFFFFE6D0];
	v15 =	vadd.f32 v15, v59;
	v5 =	vmul.f32 v31, v56;
	v31 =	vbroadcast v7, $0x0  }
0x36c: {  	v9 =	vld [tilespmem:s2+$0xFFFFE700];
	v26 =	vmul.f32 v26, v38;
	v41 =	vadd.f32 v23, v59;
	v39 =	vmul.f32 v21, v20  }
0x36d: {  	v20 =	vmul.f32 v14, v35;
	v14 =	vld [tilespmem:s2+$0xFFFFFEB0];
	v21 =	vadd.f32 v4, v59;
	v28 =	vmul.f32 v28, v31  }
0x36e: {  	v10 =	vld [tilespmem:s31+$0x0];
	v23 =	vbroadcast v7, $0x1;
	v15 =	vadd.f32 v26, v15;
	v31 =	vbroadcast v7, $0x7  }
0x36f: {  	v63 =	vbroadcast v7, $0xC;
	v18 =	vbroadcast v7, $0xA;
	v26 =	vld [tilespmem:s2+$0xFFFFFED0];
	v28 =	vadd.f32 v28, v21  }
0x370: {  	v62 =	vmul.f32 v37, v23;
	v15 =	vadd.f32 v27, v15;
	v21 =	vmul.f32 v57, v31;
	v31 =	vld [tilespmem:s2+$0xFFFFFEA0]  }
0x371: {  	v8 =	vbroadcast v7, $0xE;
	v4 =	vld [tilespmem:s2+$0xFFFFFF70];
	v27 =	vadd.f32 v34, v59;
	v19 =	vadd.f32 v19, v28  }
0x372: {  	v9 =	vmul.f32 v9, v36;
	v23 =	vmul.f32 v14, v18;
	v14 =	vadd.f32 v62, v41;
	v28 =	vld [tilespmem:s2+$0xFFFFFEC0]  }
0x373: {  	v35 =	vmul.f32 v40, v60;
	v27 =	vadd.f32 v30, v27;
	v30 =	vld [tilespmem:s2+$0xFFFFFF00];
	v29 =	vadd.f32 v29, v19  }
0x374: {  	v15 =	vadd.f32 v39, v15;
	v18 =	vmul.f32 v61, v13;
	v19 =	vld [tilespmem:s2+$0xFFFFFFE0];
	v13 =	vadd.f32 v24, v14  }
0x375: {  	v14 =	vmul.f32 v31, v22;
	v22 =	vadd.f32 v16, v29;
	v16 =	vmul.f32 v26, v63;
	v29 =	vld [tilespmem:s2+$0xFFFFFEF0]  }
0x376: {  	s0 =	simm.s32 $0x0;
	v24 =	vld [tilespmem:s2+$0xFFFFE710];
	v17 =	vadd.f32 v17, v13;
	v26 =	vadd.f32 v32, v15;
	v13 =	vbroadcast v10, $0xF  }
0x377: {  	s6 =	simm.s32 $0xF030;
	s7 =	simm.s32 $0xD9F0;
	s4 =	simm.s32 $0xF310;
	v15 =	vbroadcast v10, $0xE;
	v25 =	vmul.f32 v28, v25;
	v28 =	vld [tilespmem:s2+$0xFFFFFEE0];
	v22 =	vadd.f32 v35, v22  }
.LBB2_16:
0x378: {  	s0 =	sadd.s32 $0x2, s0;
	v20 =	vadd.f32 v20, v27;
	v7 =	vbroadcast v7, $0xF;
	v27 =	vld [tilespmem:s2+$0xFFFFE750];
	v31 =	vbroadcast v10, $0xC;
	s7 =	sadd.s32 $0x200, s7;
	s21 =	sadd.s32 $0x20, s21  }
0x379: {  	v23 =	vadd.f32 v23, v26;
	v32 =	vbroadcast v10, $0x3;
	v33 =	vbroadcast v10, $0x9;
	p0 =	slt.u32 s0, $0x16;
	v26 =	vld [tilespmem:s2+$0xFFFFE720]  }
0x37a: {  	v34 =	vbroadcast v10, $0x8;
	v20 =	vadd.f32 v21, v20;
	v21 =	vmul.f32 v29, v8;
	v29 =	vld [tilespmem:s2+$0xFFFFE730]  }
0x37b: {  	v11 =	vadd.f32 v11, v23;
	v23 =	vbroadcast v10, $0x7;
	v7 =	vmul.f32 v30, v7;
	v8 =	vld [tilespmem:s4+$0x0];
	s4 =	smov.u32 s21  }
0x37c: {  	v12 =	vadd.f32 v12, v20;
	v6 =	vmul.f32 v28, v6;
	v20 =	vbroadcast v10, $0x1;
	v28 =	vld [tilespmem:s2+$0xFFFFE760]  }
0x37d: {  	v35 =	vbroadcast v10, $0x2;
	v30 =	vbroadcast v10, $0x0;
	v36 =	vld [tilespmem:s2+$0xFFFFE770]  }
0x37e: {  	v12 =	vadd.f32 v25, v12;
	v20 =	vmul.f32 v26, v20;
	v25 =	vbroadcast v10, $0x4;
	v26 =	vld [tilespmem:s2+$0xFFFFE780]  }
0x37f: {  	v21 =	vadd.f32 v21, v11;
	v11 =	vbroadcast v10, $0x5;
	v24 =	vmul.f32 v24, v30;
	v30 =	vld [tilespmem:s2+$0xFFFFFFF0]  }
0x380: {  	v18 =	vadd.f32 v18, v22;
	v22 =	vbroadcast v10, $0x6;
	v37 =	vld [tilespmem:s2+$0xFFFFE790];
	v38 =	vbroadcast v8, $0xE  }
0x381: {  	v9 =	vadd.f32 v9, v12;
	v28 =	vmul.f32 v28, v11;
	v12 =	vld [tilespmem:s2+$0xFFFFE7B0];
	v11 =	vbroadcast v8, $0xD  }
0x382: {  	v39 =	vbroadcast v8, $0x9;
	v22 =	vmul.f32 v36, v22;
	v36 =	vld [tilespmem:s2+$0xFFFFE7A0]  }
0x383: {  	v7 =	vadd.f32 v7, v9;
	v23 =	vmul.f32 v26, v23;
	v26 =	vld [tilespmem:s2+$0xFFFFE7D0];
	v9 =	vmul.f32 v19, v11  }
0x384: {  	v16 =	vadd.f32 v16, v18;
	v19 =	vbroadcast v10, $0xA;
	v18 =	vld [tilespmem:s2+$0xFFFFE740];
	v11 =	vmul.f32 v30, v38  }
0x385: {  	v30 =	vmul.f32 v37, v34;
	v34 =	vbroadcast v8, $0x8;
	v37 =	vld [tilespmem:s2+$0xFFFFE7C0]  }
0x386: {  	v38 =	vbroadcast v8, $0x0;
	v40 =	vld [tilespmem:s2+$0xFFFFFF80];
	v19 =	vmul.f32 v12, v19  }
0x387: {  	v33 =	vmul.f32 v36, v33;
	v36 =	vbroadcast v8, $0xB;
	v41 =	vld [tilespmem:s2+$0xFFFFE7F0]  }
0x388: {  	v43 =	vbroadcast v10, $0xB;
	v42 =	vbroadcast v8, $0x5;
	v44 =	vld [tilespmem:s2+$0xFFFFE7E0]  }
0x389: {  	v12 =	vmul.f32 v26, v31;
	v18 =	vmul.f32 v18, v32;
	v26 =	vld [tilespmem:s2+$0xFFFFE800]  }
0x38a: {  	v3 =	vadd.f32 v3, v17;
	v31 =	vbroadcast v8, $0x7;
	v17 =	vld [tilespmem:s2+$0xFFFFFF40];
	v32 =	vmul.f32 v37, v43  }
0x38b: {  	v25 =	vmul.f32 v27, v25;
	v10 =	vbroadcast v10, $0xD;
	v7 =	vadd.f32 v18, v7;
	v18 =	vld [tilespmem:s2+$0xFFFFFF50]  }
0x38c: {  	v3 =	vadd.f32 v14, v3;
	v14 =	vbroadcast v8, $0x3;
	v27 =	vld [tilespmem:s2+$0xFFFFFFC0];
	v37 =	vmul.f32 v41, v15  }
0x38d: {  	v41 =	vbroadcast v8, $0x6;
	v15 =	vld [tilespmem:s2+$0xFFFFFF60];
	v43 =	vmul.f32 v44, v10  }
0x38e: {  	v3 =	vadd.f32 v5, v3;
	v5 =	vbroadcast v8, $0x4;
	v10 =	vld [tilespmem:s2+$0x0];
	v26 =	vmul.f32 v26, v13  }
0x38f: {  	v13 =	vld [tilespmem:s2+$0xFFFFFF10];
	v14 =	vmul.f32 v17, v14;
	v17 =	vmul.f32 v40, v31  }
0x390: {  	v16 =	vadd.f32 v24, v16;
	v4 =	vmul.f32 v4, v41;
	v24 =	vld [tilespmem:s2+$0xFFFFFF20];
	v5 =	vmul.f32 v18, v5  }
0x391: {  	v3 =	vadd.f32 v6, v3;
	v18 =	vmul.f32 v29, v35;
	v6 =	vld [tilespmem:s2+$0xFFFFFF30];
	v27 =	vmul.f32 v27, v36  }
0x392: {  	v29 =	vbroadcast v8, $0x2;
	v7 =	vadd.f32 v14, v7;
	v14 =	vmul.f32 v15, v42;
	v15 =	vld [tilespmem:s2+$0xFFFFFF90]  }
0x393: {  	v3 =	vadd.f32 v20, v3;
	v20 =	vbroadcast v8, $0x1;
	v35 =	vbroadcast v8, $0xF;
	v31 =	vld [tilespmem:s2+$0xFFFFFFD0]  }
0x394: {  	v36 =	vbroadcast v8, $0xA;
	v18 =	vadd.f32 v18, v21;
	v13 =	vmul.f32 v13, v38;
	v21 =	vld [tilespmem:s2+$0xFFFFFFA0];
	s2 =	smov.u32 s7  }
0x395: {  	v7 =	vadd.f32 v23, v7;
	v23 =	vmul.f32 v10, v35;
	v38 =	vld [tilespmem:s7+$0xFFFFE630];
	v20 =	vmul.f32 v24, v20  }
0x396: {  	v10 =	vld [tilespmem:s6+$0xFFFFFFF0];
	v13 =	vadd.f32 v13, v16;
	v6 =	vmul.f32 v6, v29;
	v16 =	vmul.f32 v2, v36  }
0x397: {  	v24 =	vld [tilespmem:s7+$0xFFFFE610];
	v2 =	vadd.f32 v20, v3;
	v3 =	vadd.f32 v17, v7;
	v15 =	vmul.f32 v15, v34  }
0x398: {  	v8 =	vbroadcast v8, $0xC;
	v7 =	vld [tilespmem:s21+$0xFFFFFFF0];
	v6 =	vadd.f32 v6, v18;
	v13 =	vadd.f32 v25, v13  }
0x399: {  	v17 =	vadd.f32 v28, v2;
	v18 =	vmul.f32 v21, v39;
	v3 =	vadd.f32 v32, v3  }
0x39a: {  	v20 =	vmul.f32 v31, v8;
	v2 =	vld [tilespmem:s7+$0xFFFFFFB0];
	v5 =	vadd.f32 v5, v13;
	v6 =	vadd.f32 v22, v6  }
0x39b: {  	v8 =	vbroadcast v10, $0x0;
	v21 =	vld [tilespmem:s7+$0xFFFFE660];
	v13 =	vbroadcast v10, $0xC;
	v14 =	vadd.f32 v14, v17  }
0x39c: {  	v17 =	vbroadcast v10, $0x2;
	v25 =	vbroadcast v10, $0xB;
	v22 =	vld [tilespmem:s7+$0xFFFFE650];
	v4 =	vadd.f32 v4, v6  }
0x39d: {  	v5 =	vadd.f32 v30, v5;
	v24 =	vmul.f32 v24, v8;
	v28 =	vld [tilespmem:s7+$0xFFFFE680];
	v6 =	vbroadcast v7, $0xD  }
0x39e: {  	v17 =	vmul.f32 v38, v17;
	v8 =	vbroadcast v7, $0xE;
	v29 =	vld [tilespmem:s7+$0xFFFFE6A0];
	v4 =	vadd.f32 v19, v4  }
0x39f: {  	v14 =	vadd.f32 v33, v14;
	v19 =	vbroadcast v10, $0x4;
	v5 =	vadd.f32 v15, v5;
	v30 =	vld [tilespmem:s7+$0xFFFFE690]  }
0x3a0: {  	v32 =	vbroadcast v10, $0x5;
	v3 =	vadd.f32 v27, v3;
	v15 =	vbroadcast v7, $0xB;
	v31 =	vld [tilespmem:s7+$0xFFFFFE60]  }
0x3a1: {  	v14 =	vadd.f32 v18, v14;
	v19 =	vmul.f32 v22, v19;
	v22 =	vbroadcast v7, $0x9;
	v27 =	vld [tilespmem:s7+$0xFFFFE6B0]  }
0x3a2: {  	v33 =	vbroadcast v7, $0xA;
	v3 =	vadd.f32 v26, v3;
	v32 =	vmul.f32 v21, v32;
	v18 =	vld [tilespmem:s7+$0xFFFFFE50]  }
0x3a3: {  	v34 =	vbroadcast v10, $0x8;
	v26 =	vbroadcast v7, $0x6;
	v4 =	vadd.f32 v16, v4;
	v21 =	vld [tilespmem:s7+$0xFFFFE670]  }
0x3a4: {  	v36 =	vbroadcast v10, $0x6;
	v35 =	vbroadcast v7, $0x5;
	v14 =	vadd.f32 v43, v14;
	v16 =	vld [tilespmem:s7+$0xFFFFE620]  }
0x3a5: {  	v5 =	vadd.f32 v12, v5;
	v30 =	vmul.f32 v30, v34;
	v34 =	vbroadcast v10, $0xA;
	v38 =	vld [tilespmem:s7+$0xFFFFE6F0]  }
0x3a6: {  	v12 =	vbroadcast v7, $0x4;
	v4 =	vadd.f32 v37, v4;
	v31 =	vmul.f32 v31, v35;
	v35 =	vld [tilespmem:s7+$0xFFFFE6C0]  }
0x3a7: {  	v39 =	vbroadcast v10, $0x9;
	v34 =	vmul.f32 v27, v34;
	v27 =	vadd.f32 v23, v3;
	v37 =	vld [tilespmem:s7+$0xFFFFFE40]  }
0x3a8: {  	v41 =	vbroadcast v10, $0xE;
	v9 =	vadd.f32 v9, v14;
	v23 =	vbroadcast v10, $0x1;
	v40 =	vld [tilespmem:s7+$0xFFFFFE70]  }
0x3a9: {  	v4 =	vadd.f32 v11, v4;
	v3 =	vmul.f32 v29, v39;
	v14 =	vmul.f32 v18, v12;
	v18 =	vld [tilespmem:s7+$0xFFFFE6E0]  }
0x3aa: {  	v20 =	vadd.f32 v20, v5;
	v29 =	vmul.f32 v21, v36;
	v11 =	vmul.f32 v38, v41;
	v21 =	vld [tilespmem:s7+$0xFFFFE700]  }
0x3ab: {  	v5 =	vmul.f32 v16, v23;
	v36 =	vld [tilespmem:s7+$0xFFFFFE10];
	v12 =	vmul.f32 v35, v25  }
0x3ac: {  	v23 =	vbroadcast v7, $0x3;
	v25 =	vbroadcast v10, $0xD;
	v16 =	vld [tilespmem:s7+$0xFFFFFE30]  }
0x3ad: {  	v39 =	vbroadcast v10, $0xF;
	v38 =	vbroadcast v10, $0x7;
	v35 =	vld [tilespmem:s7+$0xFFFFE640]  }
0x3ae: {  	v42 =	vadd.f32 v5, v9;
	v37 =	vmul.f32 v37, v23;
	v41 =	vld [tilespmem:s7+$0xFFFFFE20];
	v5 =	vmul.f32 v18, v25  }
0x3af: {  	v18 =	vbroadcast v7, $0x0;
	v23 =	vld [tilespmem:s7+$0xFFFFFE80];
	v9 =	vmul.f32 v21, v39  }
0x3b0: {  	v25 =	vmul.f32 v40, v26;
	v21 =	vbroadcast v7, $0x2;
	v26 =	vld [tilespmem:s7+$0xFFFFFE90]  }
0x3b1: {  	v24 =	vadd.f32 v24, v20;
	v20 =	vmul.f32 v28, v38;
	v39 =	vbroadcast v7, $0x1;
	v28 =	vld [tilespmem:s7+$0xFFFFFEB0]  }
0x3b2: {  	v17 =	vadd.f32 v17, v4;
	v18 =	vmul.f32 v36, v18;
	v36 =	vbroadcast v7, $0x7;
	v4 =	vld [tilespmem:s7+$0xFFFFFF70]  }
0x3b3: {  	v38 =	vbroadcast v7, $0x8;
	v16 =	vmul.f32 v16, v21;
	v40 =	vld [tilespmem:s7+$0xFFFFE6D0]  }
0x3b4: {  	v10 =	vbroadcast v10, $0x3;
	v18 =	vadd.f32 v18, v24;
	v21 =	vmul.f32 v23, v36;
	v24 =	vld [tilespmem:s7+$0xFFFFFEA0]  }
0x3b5: {  	v16 =	vadd.f32 v16, v17;
	v36 =	vmul.f32 v41, v39;
	v38 =	vmul.f32 v26, v38;
	v17 =	vld [tilespmem:s7+$0xFFFFFED0]  }
0x3b6: {  	v18 =	vadd.f32 v19, v18;
	v26 =	vmul.f32 v35, v10;
	v23 =	vmul.f32 v28, v33;
	v10 =	vld [tilespmem:s6+$0x0]  }
0x3b7: {  	v16 =	vadd.f32 v29, v16;
	v29 =	vbroadcast v7, $0xC;
	v28 =	vadd.f32 v36, v42;
	v33 =	vld [tilespmem:s7+$0xFFFFFEC0]  }
.Ltmp8:
0x3b8: {  	v35 =	vadd.f32 v14, v18;
	v26 =	vadd.f32 v26, v27;
	v18 =	vmul.f32 v40, v13;
	v19 =	vld [tilespmem:s7+$0xFFFFFFE0];
	(pc) =	sbr.rel @p0 .LBB2_16-.Ltmp8, $4  }
0x3b9: {  	v25 =	vadd.f32 v25, v16;
	v13 =	vadd.f32 v32, v28;
	v14 =	vmul.f32 v24, v22;
	v24 =	vld [tilespmem:s7+$0xFFFFE710]  }
0x3ba: {  	v27 =	vadd.f32 v37, v26;
	v22 =	vadd.f32 v30, v35;
	v16 =	vmul.f32 v17, v29;
	v29 =	vld [tilespmem:s7+$0xFFFFFEF0]  }
0x3bb: {  	v26 =	vadd.f32 v34, v25;
	v17 =	vadd.f32 v31, v13;
	v30 =	vld [tilespmem:s7+$0xFFFFFF00];
	v13 =	vbroadcast v10, $0xF  }
0x3bc: {  	s6 =	sadd.s32 $0x20, s6;
	v22 =	vadd.f32 v38, v22;
	v25 =	vmul.f32 v33, v15;
	v28 =	vld [tilespmem:s7+$0xFFFFFEE0];
	v15 =	vbroadcast v10, $0xE  }
0x3bd: {  	v32 =	vld [tilespmem:s2+$0xFFFFE720]  }
0x3be: {  	v7 =	vbroadcast v7, $0xF;
	v31 =	vbroadcast v10, $0xC;
	v34 =	vld [tilespmem:s2+$0xFFFFE750]  }
0x3bf: {  	v33 =	vbroadcast v10, $0x3;
	v35 =	vbroadcast v10, $0x9;
	v38 =	vld [tilespmem:s2+$0xFFFFE760]  }
0x3c0: {  	v36 =	vbroadcast v10, $0x7;
	v37 =	vbroadcast v10, $0x1;
	v61 =	vld [tilespmem:s2+$0xFFFFE780]  }
0x3c1: {  	v40 =	vbroadcast v10, $0x2;
	v41 =	vbroadcast v10, $0x4;
	v44 =	vld [tilespmem:s2+$0xFFFFE790]  }
0x3c2: {  	v42 =	vbroadcast v10, $0x5;
	v63 =	vld [tilespmem:s2+$0xFFFFE7A0];
	v23 =	vadd.f32 v23, v26;
	v48 =	vbroadcast v10, $0xA  }
0x3c3: {  	v26 =	vld [tilespmem:s2+$0xFFFFE740];
	v18 =	vadd.f32 v18, v22;
	v22 =	vbroadcast v10, $0xB;
	v8 =	vmul.f32 v29, v8  }
0x3c4: {  	v49 =	vld [tilespmem:s2+$0xFFFFE7C0];
	v29 =	vbroadcast v10, $0x8;
	v7 =	vmul.f32 v30, v7  }
0x3c5: {  	v20 =	vadd.f32 v20, v27;
	v54 =	vld [tilespmem:s2+$0xFFFFE800];
	v6 =	vmul.f32 v28, v6;
	v28 =	vbroadcast v10, $0x0  }
0x3c6: {  	v62 =	vld [tilespmem:s2+$0xFFFFE7B0];
	v32 =	vmul.f32 v32, v37;
	v38 =	vmul.f32 v38, v42  }
0x3c7: {  	v20 =	vadd.f32 v21, v20;
	v21 =	vld [tilespmem:s2+$0xFFFFE730];
	v36 =	vmul.f32 v61, v36;
	v29 =	vmul.f32 v44, v29  }
0x3c8: {  	v30 =	vld [tilespmem:s4+$0x0];
	v35 =	vmul.f32 v63, v35;
	v26 =	vmul.f32 v26, v33  }
0x3c9: {  	v39 =	vld [tilespmem:s2+$0xFFFFE770];
	v12 =	vadd.f32 v12, v20;
	v22 =	vmul.f32 v49, v22;
	v34 =	vmul.f32 v34, v41  }
0x3ca: {  	v3 =	vadd.f32 v3, v17;
	v13 =	vmul.f32 v54, v13;
	v24 =	vmul.f32 v24, v28  }
0x3cb: {  	v43 =	vld [tilespmem:s2+$0xFFFFFFF0];
	v28 =	vbroadcast v10, $0x6;
	v12 =	vadd.f32 v25, v12;
	v25 =	vmul.f32 v62, v48  }
0x3cc: {  	v53 =	vld [tilespmem:s2+$0xFFFFE7E0];
	v10 =	vbroadcast v10, $0xD;
	v21 =	vmul.f32 v21, v40  }
0x3cd: {  	v51 =	vld [tilespmem:s2+$0xFFFFE7F0];
	v3 =	vadd.f32 v14, v3;
	v27 =	vbroadcast v30, $0xE;
	v45 =	vbroadcast v30, $0xD  }
0x3ce: {  	v11 =	vadd.f32 v11, v23;
	v20 =	vld [tilespmem:s2+$0xFFFFE7D0];
	v28 =	vmul.f32 v39, v28;
	v46 =	vbroadcast v30, $0x9  }
0x3cf: {  	v17 =	vld [tilespmem:s2+$0xFFFFFF40];
	v3 =	vadd.f32 v5, v3;
	v23 =	vbroadcast v30, $0x8;
	v50 =	vbroadcast v30, $0x0  }
0x3d0: {  	v55 =	vld [tilespmem:s2+$0xFFFFFF10];
	v8 =	vadd.f32 v8, v11;
	v11 =	vbroadcast v30, $0xB;
	v52 =	vbroadcast v30, $0x5  }
0x3d1: {  	v56 =	vld [tilespmem:s2+$0xFFFFFF20];
	v3 =	vadd.f32 v6, v3;
	v14 =	vbroadcast v30, $0x3;
	v10 =	vmul.f32 v53, v10  }
0x3d2: {  	v9 =	vadd.f32 v9, v12;
	v12 =	vld [tilespmem:s2+$0xFFFFFF80];
	v5 =	vbroadcast v30, $0x4;
	v6 =	vbroadcast v30, $0x1  }
0x3d3: {  	v57 =	vld [tilespmem:s2+$0xFFFFFF30];
	v16 =	vadd.f32 v16, v18;
	v20 =	vmul.f32 v20, v31;
	v31 =	vbroadcast v30, $0x7  }
0x3d4: {  	v18 =	vld [tilespmem:s2+$0xFFFFFF50];
	v19 =	vmul.f32 v19, v45;
	v27 =	vmul.f32 v43, v27;
	v7 =	vadd.f32 v7, v9  }
0x3d5: {  	v16 =	vadd.f32 v24, v16;
	v9 =	vmul.f32 v51, v15;
	v15 =	vbroadcast v30, $0x6  }
0x3d6: {  	v14 =	vmul.f32 v17, v14;
	v17 =	vld [tilespmem:s2+$0xFFFFFF60];
	v7 =	vadd.f32 v26, v7;
	v26 =	vbroadcast v30, $0x2  }
0x3d7: {  	v3 =	vadd.f32 v32, v3;
	v6 =	vmul.f32 v56, v6;
	v12 =	vmul.f32 v12, v31  }
0x3d8: {  	v24 =	vld [tilespmem:s2+$0xFFFFFFC0];
	v8 =	vadd.f32 v21, v8;
	v31 =	vmul.f32 v55, v50;
	v21 =	vmul.f32 v57, v26  }
0x3d9: {  	v5 =	vmul.f32 v18, v5;
	v3 =	vadd.f32 v6, v3;
	v7 =	vadd.f32 v14, v7  }
0x3da: {  	v4 =	vmul.f32 v4, v15;
	v6 =	vld [tilespmem:s2+$0xFFFFFFA0];
	v14 =	vadd.f32 v31, v16;
	v8 =	vadd.f32 v21, v8  }
0x3db: {  	v3 =	vadd.f32 v38, v3;
	v15 =	vmul.f32 v17, v52;
	v16 =	vld [tilespmem:s2+$0xFFFFFF90];
	v7 =	vadd.f32 v36, v7  }
0x3dc: {  	v17 =	vbroadcast v30, $0xA;
	v14 =	vadd.f32 v34, v14;
	v8 =	vadd.f32 v28, v8  }
0x3dd: {  	v11 =	vmul.f32 v24, v11;
	v3 =	vadd.f32 v15, v3;
	v7 =	vadd.f32 v12, v7  }
0x3de: {  	v2 =	vmul.f32 v2, v17;
	v12 =	vld [tilespmem:s2+$0x0];
	v5 =	vadd.f32 v5, v14;
	v4 =	vadd.f32 v4, v8  }
0x3df: {  	v6 =	vmul.f32 v6, v46;
	v3 =	vadd.f32 v35, v3;
	v8 =	vld [tilespmem:s2+$0xFFFFFFD0];
	v7 =	vadd.f32 v22, v7  }
0x3e0: {  	v14 =	vmul.f32 v16, v23;
	v5 =	vadd.f32 v29, v5;
	v4 =	vadd.f32 v25, v4  }
0x3e1: {  	v15 =	vbroadcast v30, $0xF;
	v3 =	vadd.f32 v6, v3;
	v7 =	vadd.f32 v11, v7  }
0x3e2: {  	v6 =	vbroadcast v30, $0xC;
	v5 =	vadd.f32 v14, v5;
	v2 =	vadd.f32 v2, v4  }
0x3e3: {  	v3 =	vadd.f32 v10, v3;
	v4 =	vmul.f32 v12, v15;
	v7 =	vadd.f32 v13, v7  }
0x3e4: {  	v6 =	vmul.f32 v8, v6;
	v5 =	vadd.f32 v20, v5;
	v2 =	vadd.f32 v9, v2  }
0x3e5: {  	v3 =	vadd.f32 v19, v3;
	v4 =	vadd.f32 v4, v7  }
0x3e6: {  	v5 =	vadd.f32 v6, v5;
	v2 =	vadd.f32 v27, v2;
	_ =	sdelay $0x1  }
0x3e7: {  	v3 =	vadd.f32 v3, v5;
	v2 =	vadd.f32 v4, v2;
	_ =	sdelay $0x1  }
0x3e8: {  	v2 =	vadd.f32 v2, v3;
	_ =	sdelay $0x1  }
0x3e9: {  	(xrf0) =	vmax.scan.msk.f32 $0xffff, v2;
	_ =	sdelay $0x5  }
0x3ea: {  	v3, _, _ =	vpop (xrf0)  }
0x3eb: {  	v3 =	vbroadcast v3, $0xF;
	_ =	sdelay $0x1  }
0x3ec: {  	v2 =	vsub.f32 v2, v3;
	_ =	sdelay $0x1  }
0x3ed: {  	v2 =	vmul.f32 $1.442695020e+00, v2;
	_ =	sdelay $0x1  }
0x3ee: {  	(erf) = vpow2.f32 v2;
	_ =	sdelay $0x8  }
0x3ef: {  	v2 =	vpop (erf)  }
0x3f0: {  	(xrf2) =	vadd.scan.msk.f32 $0xffff, v2;
	_ =	sdelay $0x9  }
0x3f1: {  	v3, _, _ =	vpop (xrf2)  }
0x3f2: {  	v3 =	vadd.f32 $0.0e+00, v3;
	_ =	sdelay $0x1  }
0x3f3: {  	v3 =	vbroadcast v3, $0xF;
	_ =	sdelay $0x1  }
0x3f4: {  	(erf) = vrcp.f32 v3;
	_ =	sdelay $0x8  }
0x3f5: {  	v4 =	vpop (erf)  }
0x3f6: {  	v5 =	vmul.f32 v4, v3;
	_ =	sdelay $0x1  }
0x3f7: {  	v5 =	vsub.f32 $2.000000000e+00, v5;
	_ =	sdelay $0x1  }
0x3f8: {  	v4 =	vmul.f32 v5, v4;
	_ =	sdelay $0x1  }
0x3f9: {  	v3 =	vmul.f32 v4, v3;
	_ =	sdelay $0x1  }
0x3fa: {  	v3 =	vsub.f32 $2.000000000e+00, v3;
	_ =	sdelay $0x1  }
0x3fb: {  	v3 =	vmul.f32 v3, v4;
	_ =	sdelay $0x1  }
0x3fc: {  	v2 =	vmul.f32 v3, v2;
	_ =	sdelay $0x1  }
0x3fd: {  	v2 =	vmax.f32 v2, $-3.000000000e+01  }
0x3fe: {  	v4 =	vmin.f32 v2, $3.000000000e+01  }
0x3ff: {  	(xrf0) =	vmax.scan.msk.f32 $0xffff, v4;
	_ =	sdelay $0x5  }
0x400: {  	v2, _, _ =	vpop (xrf0)  }
0x401: {  	v2 =	vbroadcast v2, $0xF;
	_ =	sdelay $0x1  }
0x402: {  	v2 =	vsub.f32 v4, v2;
	_ =	sdelay $0x1  }
0x403: {  	v2 =	vmul.f32 $1.442695020e+00, v2;
	_ =	sdelay $0x1  }
0x404: {  	(erf) = vpow2.f32 v2;
	_ =	sdelay $0x8  }
0x405: {  	v2 =	vpop (erf)  }
0x406: {  	(xrf2) =	vadd.scan.msk.f32 $0xffff, v2;
	_ =	sdelay $0x9  }
0x407: {  	v3, _, _ =	vpop (xrf2)  }
0x408: {  	v3 =	vadd.f32 $0.0e+00, v3;
	_ =	sdelay $0x1  }
0x409: {  	v3 =	vbroadcast v3, $0xF;
	_ =	sdelay $0x1  }
0x40a: {  	(erf) = vrcp.f32 v3;
	_ =	sdelay $0x8  }
0x40b: {  	v5 =	vpop (erf)  }
0x40c: {  	v6 =	vmul.f32 v5, v3;
	_ =	sdelay $0x1  }
0x40d: {  	v6 =	vsub.f32 $2.000000000e+00, v6;
	_ =	sdelay $0x1  }
0x40e: {  	v5 =	vmul.f32 v6, v5;
	_ =	sdelay $0x1  }
0x40f: {  	v3 =	vmul.f32 v5, v3;
	_ =	sdelay $0x1  }
0x410: {  	v3 =	vsub.f32 $2.000000000e+00, v3;
	_ =	sdelay $0x1  }
0x411: {  	v3 =	vmul.f32 v3, v5;
	_ =	sdelay $0x1  }
0x412: {  	v3 =	vmul.f32 v3, v2;
	_ =	sdelay $0x1  }
0x413: {  	(xrf0) =	vmax.scan.msk.f32 $0xffff, v3;
	_ =	sdelay $0x5  }
0x414: {  	v5, _, _ =	vpop (xrf0)  }
0x415: {  	v6 =	vbroadcast v5, $0xF;
	_ =	sdelay $0x1  }
0x416: {  	v0 =	vor.u32 $0x80000000, v58;
	vm2 =	veq.f32 v3, v6  }
0x417: {  	v7 =	vnsel vm2, $0x80000010, v0  }
0x418: {  	(xrf0) =	vmin.scan.msk.u32 $0xffff, v7;
	_ =	sdelay $0x5  }
0x419: {  	(v2sf) =	vpush v5, $0xF;
	v5, _, _ =	vpop (xrf0)  }
0x41a: {  	(v2sf) =	vpush v5, $0xF;
	_ =	sdelay $0xd  }
0x41b: {  	s0 =	spop (v2sf)  }
0x41c: {  	s1 =	spop (v2sf)  }
0x41d: {  	s1 =	sxor.u32 $0x80000000, s1  }
0x41e: {  	v5 =	vmov s1  }
0x41f: {  	vm2 =	veq.s32 v5, v58  }
0x420: {  	v5 =	vsel vm2, $0xF149F2CA, v3  }
0x421: {  	(xrf0) =	vmax.scan.msk.f32 $0xffff, v5;
	_ =	sdelay $0x5  }
0x422: {  	v7, _, _ =	vpop (xrf0)  }
0x423: {  	(v2sf) =	vpush v7, $0xF;
	_ =	sdelay $0xc  }
0x424: {  	v7 =	vbroadcast v7, $0xF;
	_ =	sdelay $0x1  }
0x425: {  	vm3 =	veq.f32 v5, v7;
	s28 =	spop (v2sf)  }
0x426: {  	v5 =	vnsel vm3, $0x80000010, v0;
	s0 =	sadd.f32 s28, s0  }
0x427: {  	(xrf0) =	vmin.scan.msk.u32 $0xffff, v5  }
0x428: {  	s0 =	sadd.f32 $9.999999970e-07, s0;
	_ =	sdelay $0x1  }
0x429: {  	v5 =	vmov s0  }
0x42a: {  	(erf) = vrcp.f32 v5;
	_ =	sdelay $0x1  }
0x42b: {  	v5, _, _ =	vpop (xrf0)  }
0x42c: {  	(v2sf) =	vpush v5, $0xF;
	_ =	sdelay $0x5  }
0x42d: {  	v5 =	vpop (erf)  }
0x42e: {  	v8 =	vmul.f32 s0, v5;
	_ =	sdelay $0x1  }
0x42f: {  	v8 =	vsub.f32 $2.000000000e+00, v8;
	_ =	sdelay $0x1  }
0x430: {  	v5 =	vmul.f32 v8, v5;
	_ =	sdelay $0x1  }
0x431: {  	v8 =	vmul.f32 s0, v5;
	_ =	sdelay $0x1  }
0x432: {  	v8 =	vsub.f32 $2.000000000e+00, v8;
	s29 =	spop (v2sf)  }
0x433: {  	[tilespmem:$0x1FFE0] =	vst v0;
	s0 =	sxor.u32 $0x80000000, s29  }
0x434: {  	[tilespmem:$0xF680] =	vst v4;
	v7 =	vnsel vm0, $0x0, v7;
	v5 =	vmul.f32 v8, v5;
	v0 =	vmov s0  }
0x435: {  	[tilespmem:$0xF600] =	vst v3;
	v6 =	vsel vm1, v7, v6;
	vm3 =	veq.s32 v58, $0x0;
	v4 =	vnsel vm0, $0x0, v0  }
0x436: {  	[tilespmem:$0x1FFF0] =	vst v0;
	v5 =	vmul.f32 v5, v6;
	v4 =	vsel vm3, s1, v4  }
0x437: {  	s30 =	simm.s32 $0x0;
	[tilespmem:$0xF780] =	vst v4  }
0x438: {  	s0 =	sand.u32 $0x1E0, s30;
	[tilespmem:$0xF700] =	vst v5  }
0x439: {  	v6 =	vld [tilespmem:s0+$0xF480]  }
0x43a: {  	s3 =	simm.s32 $0xD9F0;
	v9 =	vld [tilespmem:s0+$0xF180]  }
0x43b: {  	v7 =	vld [tilespmem:s3+$0xFFFFE7B0]  }
0x43c: {  	v8 =	vld [tilespmem:s3+$0xFFFFFF70]  }
0x43d: {  	v11 =	vld [tilespmem:s3+$0xFFFFE780]  }
0x43e: {  	v12 =	vld [tilespmem:s3+$0xFFFFE770];
	v15 =	vbroadcast v6, $0xC;
	v16 =	vbroadcast v6, $0xD  }
0x43f: {  	v13 =	vld [tilespmem:s3+$0xFFFFFF30];
	v17 =	vbroadcast v9, $0xC;
	v18 =	vbroadcast v6, $0x8  }
0x440: {  	v14 =	vld [tilespmem:s3+$0xFFFFFF40];
	v19 =	vbroadcast v9, $0x8;
	v20 =	vbroadcast v6, $0x9  }
0x441: {  	s31 =	simm.s32 $0xF190;
	v10 =	vld [tilespmem:s3+$0xFFFFE730];
	v22 =	vbroadcast v9, $0x9;
	v23 =	vbroadcast v6, $0xB  }
0x442: {  	s2 =	simm.s32 $0xF490;
	v5 =	vld [tilespmem:s31+$0x0];
	v24 =	vbroadcast v9, $0x3;
	v25 =	vbroadcast v9, $0xA  }
0x443: {  	v4 =	vld [tilespmem:s2+$0x0];
	v27 =	vbroadcast v9, $0x2;
	v28 =	vbroadcast v6, $0x4  }
0x444: {  	v21 =	vld [tilespmem:s3+$0xFFFFFF00];
	v30 =	vbroadcast v9, $0x5;
	v31 =	vbroadcast v9, $0x1  }
0x445: {  	v26 =	vld [tilespmem:s3+$0xFFFFE700];
	v33 =	vbroadcast v9, $0x4;
	v34 =	vbroadcast v6, $0x6  }
0x446: {  	v59 =	vld [tilespmem:s3+$0xFFFFFEC0];
	v36 =	vbroadcast v9, $0x7;
	v37 =	vbroadcast v6, $0x7  }
0x447: {  	v60 =	vld [tilespmem:s3+$0xFFFFE6C0];
	v39 =	vbroadcast v6, $0xE;
	v62 =	vbroadcast v5, $0x2  }
0x448: {  	v61 =	vld [tilespmem:s3+$0xFFFFFEB0];
	v42 =	vbroadcast v9, $0xF;
	v63 =	vbroadcast v6, $0xF  }
0x449: {  	v29 =	vld [tilespmem:s3+$0xFFFFFEF0];
	v56 =	vbroadcast v4, $0x6;
	v57 =	vbroadcast v9, $0xB  }
0x44a: {  	v41 =	vld [tilespmem:s3+$0xFFFFE6B0];
	v47 =	vbroadcast v6, $0xA;
	v58 =	vbroadcast v5, $0xA  }
0x44b: {  	v44 =	vld [tilespmem:s3+$0xFFFFFE80];
	v54 =	vbroadcast v9, $0x0;
	v50 =	vbroadcast v9, $0x6  }
0x44c: {  	v49 =	vld [tilespmem:s3+$0xFFFFE640];
	v0 =	vmul.f32 v10, v62;
	v23 =	vmul.f32 v59, v23  }
0x44d: {  	v45 =	vld [tilespmem:s3+$0xFFFFFE70];
	v35 =	vmul.f32 v60, v57;
	v38 =	vmul.f32 v61, v47  }
0x44e: {  	v48 =	vld [tilespmem:s3+$0xFFFFFE30];
	v51 =	vmul.f32 v7, v58;
	v52 =	vmul.f32 v8, v56  }
0x44f: {  	v55 =	vld [tilespmem:s3+$0xFFFFE660];
	v61 =	vbroadcast v6, $0x2;
	v39 =	vmul.f32 v29, v39  }
0x450: {  	v59 =	vld [tilespmem:s3+$0xFFFFE630];
	v29 =	vbroadcast v4, $0x2;
	v21 =	vmul.f32 v21, v63  }
0x451: {  	v60 =	vld [tilespmem:s3+$0xFFFFE620];
	v24 =	vmul.f32 v49, v24;
	v42 =	vmul.f32 v26, v42  }
0x452: {  	v62 =	vld [tilespmem:s3+$0xFFFFE610];
	v25 =	vmul.f32 v41, v25;
	v58 =	vbroadcast v4, $0x3  }
0x453: {  	v63 =	vld [tilespmem:s3+$0xFFFFE680];
	v34 =	vmul.f32 v45, v34;
	v37 =	vmul.f32 v44, v37  }
0x454: {  	v26 =	vld [tilespmem:s3+$0xFFFFE650];
	v30 =	vmul.f32 v55, v30;
	v55 =	vbroadcast v5, $0x6  }
0x455: {  	v56 =	vld [tilespmem:s3+$0xFFFFFE50];
	v40 =	vmul.f32 v48, v61;
	v49 =	vmul.f32 v14, v58  }
0x456: {  	v53 =	vld [tilespmem:s3+$0xFFFFE670];
	v13 =	vmul.f32 v13, v29;
	v48 =	vmul.f32 v12, v55  }
0x457: {  	v57 =	vld [tilespmem:s3+$0xFFFFFE40];
	v55 =	vbroadcast v4, $0xB;
	v27 =	vmul.f32 v59, v27  }
0x458: {  	v61 =	vld [tilespmem:s3+$0xFFFFFEA0];
	v31 =	vmul.f32 v60, v31;
	v32 =	vmul.f32 v62, v54  }
0x459: {  	v29 =	vld [tilespmem:s3+$0xFFFFE740];
	v60 =	vbroadcast v5, $0x7;
	v33 =	vmul.f32 v26, v33  }
0x45a: {  	v59 =	vld [tilespmem:s3+$0xFFFFE6A0];
	v44 =	vmul.f32 v56, v28;
	v36 =	vmul.f32 v63, v36  }
0x45b: {  	v26 =	vld [tilespmem:s3+$0xFFFFE690];
	v62 =	vbroadcast v6, $0x3;
	v63 =	vmul.f32 v53, v50  }
0x45c: {  	v28 =	vld [tilespmem:s3+$0xFFFFE6F0];
	v53 =	vbroadcast v9, $0xE;
	v9 =	vbroadcast v9, $0xD  }
0x45d: {  	v56 =	vbroadcast v5, $0x3;
	v14 =	vmul.f32 v11, v60;
	v11 =	vld [tilespmem:s3+$0xFFFFFE90]  }
0x45e: {  	v54 =	vld [tilespmem:s3+$0xFFFFE6E0];
	v41 =	vmul.f32 v57, v62;
	v46 =	vmul.f32 v61, v20  }
0x45f: {  	v12 =	vld [tilespmem:s3+$0xFFFFFE60];
	v57 =	vbroadcast v6, $0x0;
	v58 =	vmul.f32 v29, v56  }
0x460: {  	v29 =	vbroadcast v4, $0x0;
	v45 =	vmul.f32 v59, v22;
	v22 =	vld [tilespmem:s3+$0xFFFFE6D0]  }
0x461: {  	v20 =	vld [tilespmem:s3+$0xFFFFFEE0];
	v60 =	vbroadcast v4, $0x1;
	v19 =	vmul.f32 v26, v19;
	v26 =	vimm.f32 $0.0e+00  }
0x462: {  	v28 =	vmul.f32 v28, v53;
	v27 =	vadd.f32 v27, v26;
	v11 =	vmul.f32 v11, v18;
	v18 =	vld [tilespmem:s3+$0xFFFFFED0]  }
0x463: {  	v43 =	vmul.f32 v54, v9;
	v9 =	vld [tilespmem:s3+$0xFFFFFE10];
	v24 =	vadd.f32 v24, v26;
	v31 =	vadd.f32 v31, v26  }
0x464: {  	v62 =	vld [tilespmem:s3+$0xFFFFFF80];
	v32 =	vadd.f32 v32, v26;
	v26 =	vbroadcast v6, $0x5;
	v27 =	vadd.f32 v40, v27  }
0x465: {  	v6 =	vbroadcast v6, $0x1;
	v40 =	vmul.f32 v22, v17;
	v22 =	vld [tilespmem:s3+$0xFFFFFE20]  }
0x466: {  	v12 =	vmul.f32 v12, v26;
	v27 =	vadd.f32 v63, v27;
	v17 =	vmul.f32 v20, v16;
	v20 =	vld [tilespmem:s3+$0xFFFFE710]  }
0x467: {  	v24 =	vadd.f32 v41, v24;
	v26 =	vbroadcast v5, $0x0;
	v16 =	vmul.f32 v18, v15;
	v15 =	vld [tilespmem:s3+$0xFFFFE720]  }
0x468: {  	v3 =	vld [tilespmem:s3+$0xFFFFE7A0];
	v9 =	vmul.f32 v9, v57;
	v63 =	vbroadcast v4, $0x7;
	v18 =	vadd.f32 v34, v27  }
0x469: {  	v24 =	vadd.f32 v36, v24;
	v57 =	vbroadcast v5, $0xC;
	v36 =	vbroadcast v5, $0x9;
	v27 =	vld [tilespmem:s3+$0xFFFFFF10]  }
0x46a: {  	v18 =	vadd.f32 v25, v18;
	v25 =	vld [tilespmem:s3+$0xFFFFFF20];
	v6 =	vmul.f32 v22, v6;
	v22 =	vbroadcast v5, $0x1  }
0x46b: {  	v54 =	vld [tilespmem:s3+$0xFFFFFFC0];
	v24 =	vadd.f32 v37, v24;
	v9 =	vadd.f32 v9, v32;
	v32 =	vmul.f32 v62, v63  }
0x46c: {  	v20 =	vmul.f32 v20, v26;
	v18 =	vadd.f32 v38, v18;
	v26 =	vmul.f32 v15, v22;
	v15 =	vld [tilespmem:s3+$0xFFFFFF60]  }
0x46d: {  	v61 =	vld [tilespmem:s3+$0xFFFFE760];
	v62 =	vbroadcast v4, $0xC;
	v63 =	vbroadcast v4, $0xF;
	v24 =	vadd.f32 v35, v24  }
0x46e: {  	v9 =	vadd.f32 v33, v9;
	v22 =	vmul.f32 v27, v29;
	v18 =	vadd.f32 v28, v18;
	v28 =	vld [tilespmem:s3+$0xFFFFFF50]  }
0x46f: {  	v59 =	vld [tilespmem:s3+$0xFFFFE750];
	v29 =	vmul.f32 v25, v60;
	v25 =	vbroadcast v4, $0x5  }
0x470: {  	v41 =	vld [tilespmem:s3+$0xFFFFE790];
	v33 =	vmul.f32 v54, v55;
	v24 =	vadd.f32 v23, v24;
	v53 =	vadd.f32 v44, v9  }
0x471: {  	v10 =	vld [tilespmem:s3+$0xFFFFFFF0];
	v31 =	vadd.f32 v6, v31;
	v23 =	vmul.f32 v15, v25;
	v15 =	vbroadcast v4, $0x4  }
0x472: {  	v47 =	vld [tilespmem:s3+$0xFFFFE7C0];
	v6 =	vbroadcast v5, $0x4;
	v24 =	vadd.f32 v42, v24;
	v25 =	vbroadcast v5, $0x5  }
0x473: {  	v50 =	vld [tilespmem:s3+$0xFFFFFF90];
	v19 =	vadd.f32 v19, v53;
	v28 =	vmul.f32 v28, v15;
	v15 =	vbroadcast v5, $0x8  }
0x474: {  	v56 =	vld [tilespmem:s3+$0xFFFFE800];
	v27 =	vmul.f32 v59, v6;
	v30 =	vadd.f32 v30, v31;
	v18 =	vadd.f32 v39, v18  }
0x475: {  	v21 =	vadd.f32 v21, v24;
	v31 =	vmul.f32 v61, v25;
	v25 =	vmul.f32 v41, v15;
	v15 =	vld [tilespmem:s3+$0xFFFFE7D0]  }
0x476: {  	v59 =	vld [tilespmem:s3+$0x0];
	v24 =	vbroadcast v5, $0xB;
	v60 =	vadd.f32 v11, v19;
	v12 =	vadd.f32 v12, v30  }
0x477: {  	v0 =	vadd.f32 v0, v18;
	v18 =	vbroadcast v4, $0x8;
	v21 =	vadd.f32 v58, v21;
	v58 =	vld [tilespmem:s3+$0xFFFFFFD0]  }
0x478: {  	v8 =	vld [tilespmem:s3+$0xFFFFFFB0];
	v30 =	vmul.f32 v47, v24;
	v37 =	vadd.f32 v40, v60;
	v12 =	vadd.f32 v45, v12  }
0x479: {  	v44 =	vld [tilespmem:s3+$0xFFFFE7E0];
	v24 =	vmul.f32 v50, v18;
	v13 =	vadd.f32 v13, v0;
	v21 =	vadd.f32 v49, v21  }
0x47a: {  	v9 =	vld [tilespmem:s3+$0xFFFFFFA0];
	v61 =	vadd.f32 v46, v12;
	v18 =	vmul.f32 v15, v57;
	v15 =	vbroadcast v5, $0xF  }
0x47b: {  	s6 =	simm.s32 $0xF1B0;
	v42 =	vld [tilespmem:s3+$0xFFFFFFE0];
	v35 =	vadd.f32 v48, v13;
	v34 =	vadd.f32 v14, v21;
	v21 =	vmul.f32 v59, v63  }
0x47c: {  	s7 =	simm.s32 $0xDBF0;
	s4 =	simm.s32 $0x20;
	s0 =	simm.s32 $0x0;
	v11 =	vld [tilespmem:s3+$0xFFFFE7F0];
	v38 =	vadd.f32 v43, v61;
	v19 =	vmul.f32 v56, v15;
	v15 =	vmul.f32 v58, v62  }
.LBB2_18:
0x47d: {  	v39 =	vld [tilespmem:s7+$0xFFFFFFF0]  }
0x47e: {  	v62 =	vld [tilespmem:s7+$0xFFFFFFE0]  }
0x47f: {  	v0 =	vld [tilespmem:s7+$0xFFFFE7F0]  }
0x480: {  	v47 =	vld [tilespmem:s7+$0xFFFFE7B0]  }
0x481: {  	v48 =	vld [tilespmem:s7+$0xFFFFFF70]  }
0x482: {  	s1 =	sand.u32 $0x1E0, s4;
	v55 =	vld [tilespmem:s7+$0xFFFFFF00]  }
0x483: {  	v32 =	vadd.f32 v32, v34;
	v34 =	vld [tilespmem:s1+$0xF480];
	v16 =	vadd.f32 v16, v37  }
0x484: {  	v37 =	vld [tilespmem:s7+$0xFFFFFF30]  }
0x485: {  	v14 =	vbroadcast v4, $0xA;
	v12 =	vbroadcast v5, $0xE;
	v16 =	vadd.f32 v20, v16;
	v20 =	vld [tilespmem:s7+$0xFFFFE7E0]  }
0x486: {  	v5 =	vbroadcast v5, $0xD;
	v40 =	vmul.f32 v3, v36;
	v36 =	vld [tilespmem:s1+$0xF180]  }
0x487: {  	v61 =	vbroadcast v4, $0x9;
	v41 =	vmul.f32 v8, v14;
	v8 =	vadd.f32 v52, v35;
	v35 =	vld [tilespmem:s7+$0xFFFFE780]  }
0x488: {  	v17 =	vadd.f32 v17, v38;
	v63 =	vmul.f32 v44, v5;
	v44 =	vld [tilespmem:s7+$0xFFFFFF40]  }
0x489: {  	v38 =	vmul.f32 v9, v61;
	v61 =	vld [tilespmem:s7+$0xFFFFE700]  }
0x48a: {  	v13 =	vadd.f32 v30, v32;
	v14 =	vadd.f32 v26, v17;
	v30 =	vmul.f32 v11, v12;
	v12 =	vld [tilespmem:s7+$0xFFFFFE70]  }
0x48b: {  	[tilespmem:$0x1FF70] =	vst v0;
	v0 =	vld [tilespmem:s7+$0xFFFFFFB0];
	v16 =	vadd.f32 v22, v16;
	v2 =	vmov v62  }
0x48c: {  	v26 =	vbroadcast v4, $0xD;
	v17 =	vadd.f32 v33, v13;
	v14 =	vadd.f32 v29, v14;
	[tilespmem:$0x1FF20] =	vst v2;
	v2 =	vld [tilespmem:s7+$0xFFFFE640]  }
0x48d: {  	v7 =	vadd.f32 v51, v8;
	v8 =	vbroadcast v34, $0xF;
	v11 =	vadd.f32 v27, v16;
	v27 =	vld [tilespmem:s7+$0xFFFFE740]  }
0x48e: {  	v4 =	vbroadcast v4, $0xE;
	v9 =	vadd.f32 v19, v17;
	v5 =	vadd.f32 v31, v14;
	v14 =	vld [tilespmem:s7+$0xFFFFFE80]  }
0x48f: {  	v57 =	vbroadcast v34, $0x6;
	v55 =	vmul.f32 v55, v8;
	v8 =	vld [tilespmem:s7+$0xFFFFFE20]  }
0x490: {  	v42 =	vmul.f32 v42, v26;
	v1 =	vbroadcast v34, $0xD;
	v43 =	vadd.f32 v21, v9;
	v9 =	vld [tilespmem:s7+$0xFFFFE6B0]  }
0x491: {  	v45 =	vbroadcast v34, $0x4;
	v12 =	vmul.f32 v12, v57;
	v57 =	vld [tilespmem:s7+$0xFFFFE690]  }
0x492: {  	v29 =	vbroadcast v34, $0x5;
	v59 =	vbroadcast v34, $0x7;
	v7 =	vadd.f32 v41, v7;
	[tilespmem:$0x1FFC0] =	vst v0;
	v0 =	vld [tilespmem:s7+$0xFFFFFFA0]  }
0x493: {  	v19 =	vmul.f32 v10, v4;
	v49 =	vbroadcast v36, $0x3;
	v4 =	vadd.f32 v23, v5;
	v23 =	vld [tilespmem:s7+$0xFFFFE770]  }
0x494: {  	v60 =	vbroadcast v34, $0xE;
	v5 =	vadd.f32 v28, v11;
	v7 =	vadd.f32 v30, v7;
	v30 =	vld [tilespmem:s7+$0xFFFFE6C0]  }
0x495: {  	v32 =	vbroadcast v34, $0x0;
	v2 =	vmul.f32 v2, v49;
	v49 =	vld [tilespmem:s7+$0xFFFFE660];
	v4 =	vadd.f32 v40, v4  }
0x496: {  	s2 =	sadd.s32 $0x20, s2;
	v13 =	vbroadcast v34, $0xA;
	v5 =	vadd.f32 v25, v5;
	v62 =	vadd.f32 v19, v7;
	v7 =	vld [tilespmem:s7+$0xFFFFFEC0]  }
0x497: {  	v31 =	vbroadcast v34, $0x9;
	v22 =	vbroadcast v36, $0xC;
	v21 =	vadd.f32 v38, v4;
	v4 =	vld [tilespmem:s2+$0x0];
	[tilespmem:$0x1FF50] =	vst v0;
	v0 =	vmovc v39  }
0x498: {  	v2 =	vadd.f32 v2, v43;
	v43 =	vld [tilespmem:s7+$0xFFFFE650];
	v5 =	vadd.f32 v24, v5;
	[tilespmem:$0x1FF80] =	vst v0;
	v0 =	vbroadcast v34, $0xC  }
0x499: {  	v26 =	vbroadcast v36, $0xE;
	v14 =	vmul.f32 v14, v59;
	v59 =	vld [tilespmem:s7+$0xFFFFFE90]  }
0x49a: {  	v33 =	vbroadcast v36, $0x8;
	v50 =	vbroadcast v36, $0xA;
	v5 =	vadd.f32 v18, v5;
	[tilespmem:$0x1FF10] =	vst v0;
	v0 =	vld [tilespmem:s7+$0xFFFFE7A0]  }
0x49b: {  	v51 =	vbroadcast v36, $0x2;
	v52 =	vbroadcast v36, $0x5;
	v38 =	vld [tilespmem:s7+$0xFFFFFEB0]  }
0x49c: {  	[tilespmem:$0x1FF00] =	vst v1;
	v53 =	vbroadcast v36, $0x1;
	v56 =	vadd.f32 v15, v5;
	v5 =	vld [tilespmem:s6+$0x0];
	v1 =	vbroadcast v4, $0xC  }
0x49d: {  	v54 =	vbroadcast v36, $0x4;
	v24 =	vld [tilespmem:s7+$0xFFFFE730];
	v10 =	vbroadcast v4, $0x6  }
0x49e: {  	v58 =	vbroadcast v36, $0x7;
	v15 =	vadd.f32 v63, v21;
	v63 =	vld [tilespmem:s7+$0xFFFFFEF0];
	[tilespmem:$0x1FFB0] =	vst v1;
	v1 =	vbroadcast v4, $0xB  }
0x49f: {  	v43 =	vmul.f32 v43, v54;
	v54 =	vld [tilespmem:s7+$0xFFFFFEA0];
	v3 =	vmul.f32 v48, v10;
	[tilespmem:$0x1FFA0] =	vst v0  }
0x4a0: {  	v18 =	vbroadcast v34, $0x1;
	v19 =	vmul.f32 v38, v13;
	v13 =	vld [tilespmem:s7+$0xFFFFFE40];
	[tilespmem:$0x1FF40] =	vst v1  }
0x4a1: {  	v6 =	vbroadcast v36, $0x0;
	v16 =	vadd.f32 v42, v15;
	v15 =	vld [tilespmem:s7+$0xFFFFE670];
	v0 =	vmovc v20;
	v1 =	vbroadcast v5, $0xF;
	[tilespmem:$0x1FFD0] =	vst v3  }
0x4a2: {  	v8 =	vmul.f32 v8, v18;
	v48 =	vld [tilespmem:s7+$0xFFFFE620];
	[tilespmem:$0x1FF30] =	vst v0;
	v0 =	vbroadcast v36, $0xD  }
0x4a3: {  	v17 =	vbroadcast v4, $0x2;
	v3 =	vld [tilespmem:s7+$0xFFFFE610];
	[tilespmem:$0x1FF90] =	vst v1;
	v1 =	vbroadcast v5, $0xC  }
0x4a4: {  	v21 =	vbroadcast v5, $0x2;
	v60 =	vmul.f32 v63, v60;
	v63 =	vld [tilespmem:s7+$0xFFFFFE10];
	[tilespmem:$0x1FEF0] =	vst v0  }
0x4a5: {  	v10 =	vbroadcast v34, $0x2;
	v0 =	vbroadcast v34, $0xB;
	[tilespmem:$0x1FF60] =	vst v1;
	v1 =	vld [tilespmem:s7+$0xFFFFFE30]  }
0x4a6: {  	v37 =	vmul.f32 v37, v17;
	v17 =	vld [tilespmem:s7+$0xFFFFFEE0];
	v24 =	vmul.f32 v24, v21  }
0x4a7: {  	v20 =	vld [tilespmem:s7+$0xFFFFE6F0];
	v42 =	vmul.f32 v7, v0;
	v0 =	vbroadcast v5, $0xA  }
0x4a8: {  	v48 =	vmul.f32 v48, v53;
	v7 =	vld [tilespmem:s7+$0xFFFFE680];
	v3 =	vmul.f32 v3, v6  }
0x4a9: {  	v6 =	vld [tilespmem:s7+$0xFFFFFE60];
	v21 =	vmul.f32 v47, v0;
	v47 =	vbroadcast v34, $0x3  }
0x4aa: {  	v18 =	vmul.f32 v63, v32;
	v0 =	vld [tilespmem:s7+$0xFFFFE630];
	v3 =	vadd.f32 v3, v56;
	v1 =	vmul.f32 v1, v10  }
0x4ab: {  	v48 =	vadd.f32 v48, v16;
	v16 =	vld [tilespmem:s7+$0xFFFFFE50];
	v10 =	vbroadcast v4, $0x3;
	v13 =	vmul.f32 v13, v47  }
0x4ac: {  	v46 =	vbroadcast v36, $0xB;
	v56 =	vmul.f32 v54, v31;
	v31 =	vld [tilespmem:s7+$0xFFFFFED0];
	v3 =	vadd.f32 v18, v3  }
0x4ad: {  	v18 =	vld [tilespmem:s7+$0xFFFFE7C0];
	v7 =	vmul.f32 v7, v58;
	v10 =	vmul.f32 v44, v10;
	v2 =	vadd.f32 v13, v2  }
0x4ae: {  	v8 =	vadd.f32 v8, v48;
	v44 =	vmul.f32 v49, v52;
	v13 =	vmul.f32 v20, v26;
	v20 =	vld [tilespmem:s7+$0xFFFFE710]  }
0x4af: {  	v11 =	vbroadcast v36, $0xF;
	v0 =	vmul.f32 v0, v51;
	v2 =	vadd.f32 v7, v2;
	v7 =	vld [tilespmem:$0x1FEF0]  }
0x4b0: {  	v39 =	vbroadcast v36, $0x9;
	v6 =	vmul.f32 v6, v29;
	v8 =	vadd.f32 v44, v8;
	v44 =	vld [tilespmem:$0x1FF30]  }
0x4b1: {  	v36 =	vbroadcast v36, $0x6;
	v0 =	vadd.f32 v0, v62;
	v2 =	vadd.f32 v14, v2;
	v14 =	vld [tilespmem:s7+$0xFFFFFF60]  }
0x4b2: {  	v28 =	vbroadcast v34, $0x8;
	v62 =	vbroadcast v5, $0x7;
	v6 =	vadd.f32 v6, v8;
	v8 =	vld [tilespmem:s7+$0xFFFFFFD0]  }
0x4b3: {  	v46 =	vmul.f32 v30, v46;
	v15 =	vmul.f32 v15, v36;
	v0 =	vadd.f32 v1, v0;
	v1 =	vld [tilespmem:s7+$0xFFFFE6A0]  }
0x4b4: {  	v52 =	vmul.f32 v35, v62;
	v35 =	vmul.f32 v16, v45;
	v16 =	vld [tilespmem:s7+$0xFFFFE6E0]  }
0x4b5: {  	v62 =	vld [tilespmem:s7+$0xFFFFE6D0]  }
0x4b6: {  	v2 =	vadd.f32 v46, v2;
	v0 =	vadd.f32 v15, v0;
	v15 =	vmul.f32 v59, v28;
	v28 =	vld [tilespmem:s7+$0xFFFFE720]  }
0x4b7: {  	v3 =	vadd.f32 v43, v3;
	v59 =	vld [tilespmem:s7+$0xFFFFFF20]  }
0x4b8: {  	v11 =	vmul.f32 v61, v11;
	v33 =	vmul.f32 v57, v33;
	v2 =	vadd.f32 v42, v2;
	v42 =	vld [tilespmem:$0x1FF20]  }
0x4b9: {  	v57 =	vbroadcast v5, $0x6;
	v3 =	vadd.f32 v35, v3;
	v7 =	vmul.f32 v16, v7;
	v16 =	vld [tilespmem:$0x1FF00]  }
0x4ba: {  	v9 =	vmul.f32 v9, v50;
	v0 =	vadd.f32 v12, v0;
	v12 =	vmul.f32 v62, v22;
	v22 =	vld [tilespmem:s7+$0xFFFFFF10]  }
0x4bb: {  	v3 =	vadd.f32 v33, v3;
	v62 =	vmul.f32 v23, v57;
	v23 =	vld [tilespmem:s7+$0xFFFFE750]  }
0x4bc: {  	v2 =	vadd.f32 v11, v2;
	v11 =	vld [tilespmem:s7+$0xFFFFE7D0];
	v0 =	vadd.f32 v9, v0;
	v9 =	vbroadcast v5, $0x1  }
0x4bd: {  	v1 =	vmul.f32 v1, v39;
	v3 =	vadd.f32 v15, v3;
	v15 =	vld [tilespmem:$0x1FF90]  }
0x4be: {  	v26 =	vmul.f32 v28, v9;
	v9 =	vld [tilespmem:s7+$0xFFFFFF50]  }
0x4bf: {  	v50 =	vbroadcast v5, $0x3;
	v1 =	vadd.f32 v1, v6;
	v6 =	vld [tilespmem:$0x1FF40]  }
0x4c0: {  	v25 =	vbroadcast v4, $0x7;
	v41 =	vbroadcast v4, $0x4;
	v0 =	vadd.f32 v19, v0;
	v19 =	vld [tilespmem:s7+$0xFFFFFF80]  }
0x4c1: {  	v50 =	vmul.f32 v27, v50;
	v2 =	vadd.f32 v55, v2;
	v17 =	vmul.f32 v17, v16;
	v16 =	vld [tilespmem:$0x1FF10]  }
0x4c2: {  	v34 =	vbroadcast v4, $0x5;
	v58 =	vbroadcast v5, $0x4;
	v0 =	vadd.f32 v13, v0;
	v13 =	vld [tilespmem:s7+$0xFFFFE790]  }
0x4c3: {  	v40 =	vbroadcast v4, $0x0;
	v2 =	vadd.f32 v50, v2;
	v28 =	vmul.f32 v9, v41;
	v9 =	vld [tilespmem:s7+$0xFFFFFFC0]  }
0x4c4: {  	v27 =	vmul.f32 v23, v58;
	v23 =	vmul.f32 v14, v34;
	v14 =	vld [tilespmem:s7+$0xFFFFFF90];
	v0 =	vadd.f32 v60, v0  }
0x4c5: {  	v30 =	vbroadcast v5, $0xB;
	v38 =	vbroadcast v5, $0x8;
	v2 =	vadd.f32 v10, v2;
	v10 =	vld [tilespmem:$0x1FF80]  }
0x4c6: {  	v63 =	vbroadcast v4, $0x8;
	v0 =	vadd.f32 v24, v0;
	v16 =	vmul.f32 v31, v16;
	v31 =	vld [tilespmem:s7+$0xFFFFE760]  }
0x4c7: {  	v32 =	vmul.f32 v19, v25;
	v25 =	vmul.f32 v13, v38;
	v13 =	vld [tilespmem:s7+$0xFFFFE800]  }
0x4c8: {  	v61 =	vbroadcast v5, $0x0;
	v0 =	vadd.f32 v37, v0;
	v33 =	vmul.f32 v9, v6;
	v6 =	vld [tilespmem:$0x1FF60]  }
0x4c9: {  	s0 =	sadd.s32 $0x2, s0;
	v53 =	vbroadcast v5, $0x5;
	v24 =	vmul.f32 v14, v63;
	v14 =	vld [tilespmem:s7+$0x0]  }
0x4ca: {  	p0 =	slt.u32 s0, $0x16;
	v36 =	vbroadcast v5, $0x9;
	v51 =	vbroadcast v4, $0x1;
	v35 =	vadd.f32 v62, v0;
	v0 =	vld [tilespmem:$0x1FFB0]  }
.Ltmp9:
0x4cb: {  	v30 =	vmul.f32 v18, v30;
	v20 =	vmul.f32 v20, v61;
	v34 =	vadd.f32 v52, v2;
	v52 =	vld [tilespmem:$0x1FFD0];
	(pc) =	sbr.rel @p0 .LBB2_18-.Ltmp9, $4  }
0x4cc: {  	v29 =	vmul.f32 v59, v51;
	v22 =	vmul.f32 v22, v40;
	v37 =	vadd.f32 v12, v3;
	v3 =	vld [tilespmem:$0x1FFA0]  }
0x4cd: {  	v1 =	vadd.f32 v56, v1;
	v9 =	vld [tilespmem:$0x1FF50];
	v18 =	vmul.f32 v11, v6;
	v6 =	vbroadcast v4, $0xF  }
0x4ce: {  	v31 =	vmul.f32 v31, v53;
	v19 =	vmul.f32 v13, v15;
	v11 =	vld [tilespmem:$0x1FF70]  }
0x4cf: {  	s4 =	sadd.s32 $0x20, s4;
	s6 =	sadd.s32 $0x20, s6;
	v51 =	vmovc v21;
	v38 =	vadd.f32 v7, v1;
	s7 =	sadd.s32 $0x200, s7;
	v15 =	vmul.f32 v8, v0;
	v8 =	vld [tilespmem:$0x1FFC0];
	v21 =	vmul.f32 v14, v6  }
0x4d0: {  	_ = 	snop  }
0x4d1: {  	v0 =	vadd.f32 v16, v37;
	v1 =	vadd.f32 v17, v38;
	_ =	sdelay $0x1  }
0x4d2: {  	v0 =	vadd.f32 v20, v0;
	v1 =	vadd.f32 v26, v1;
	_ =	sdelay $0x1  }
0x4d3: {  	v2 =	vbroadcast v4, $0xA;
	v0 =	vadd.f32 v22, v0;
	v1 =	vadd.f32 v29, v1  }
0x4d4: {  	v6 =	vadd.f32 v32, v34;
	v7 =	vbroadcast v4, $0x9;
	v34 =	vbroadcast v5, $0xD  }
0x4d5: {  	v3 =	vmul.f32 v3, v36;
	v0 =	vadd.f32 v27, v0;
	v1 =	vadd.f32 v31, v1  }
0x4d6: {  	v6 =	vadd.f32 v30, v6;
	v7 =	vmul.f32 v9, v7;
	v9 =	vadd.f32 v52, v35  }
0x4d7: {  	v36 =	vbroadcast v4, $0xE;
	v0 =	vadd.f32 v28, v0;
	v1 =	vadd.f32 v23, v1  }
0x4d8: {  	v2 =	vmul.f32 v8, v2;
	v8 =	vbroadcast v5, $0xE;
	v9 =	vadd.f32 v51, v9  }
0x4d9: {  	v35 =	vbroadcast v4, $0xD;
	v0 =	vadd.f32 v25, v0;
	v1 =	vadd.f32 v3, v1  }
0x4da: {  	v6 =	vadd.f32 v33, v6;
	v8 =	vmul.f32 v11, v8;
	v2 =	vadd.f32 v2, v9  }
0x4db: {  	v5 =	vmul.f32 v44, v34;
	v0 =	vadd.f32 v24, v0;
	v1 =	vadd.f32 v7, v1  }
0x4dc: {  	v4 =	vmul.f32 v10, v36;
	v6 =	vadd.f32 v19, v6;
	v2 =	vadd.f32 v8, v2  }
0x4dd: {  	v3 =	vmul.f32 v42, v35;
	v0 =	vadd.f32 v18, v0;
	v1 =	vadd.f32 v5, v1  }
0x4de: {  	v37 =	vadd.f32 v21, v6;
	v2 =	vadd.f32 v4, v2  }
0x4df: {  	v0 =	vadd.f32 v15, v0;
	v1 =	vadd.f32 v3, v1;
	_ =	sdelay $0x1  }
0x4e0: {  	v38 =	vadd.f32 v37, v2;
	v0 =	vadd.f32 v1, v0;
	_ =	sdelay $0x1  }
0x4e1: {  	v0 =	vadd.f32 v38, v0;
	_ =	sdelay $0x1  }
0x4e2: {  	(xrf0) =	vmax.scan.msk.f32 $0xffff, v0;
	_ =	sdelay $0x5  }
0x4e3: {  	v39, _, _ =	vpop (xrf0)  }
0x4e4: {  	v1 =	vbroadcast v39, $0xF;
	_ =	sdelay $0x1  }
0x4e5: {  	v0 =	vsub.f32 v0, v1;
	_ =	sdelay $0x1  }
0x4e6: {  	v0 =	vmul.f32 $1.442695020e+00, v0;
	_ =	sdelay $0x1  }
0x4e7: {  	(erf) = vpow2.f32 v0;
	_ =	sdelay $0x8  }
0x4e8: {  	v0 =	vpop (erf)  }
0x4e9: {  	(xrf2) =	vadd.scan.msk.f32 $0xffff, v0;
	_ =	sdelay $0x9  }
0x4ea: {  	v40, _, _ =	vpop (xrf2)  }
0x4eb: {  	v1 =	vadd.f32 $0.0e+00, v40;
	_ =	sdelay $0x1  }
0x4ec: {  	v1 =	vbroadcast v1, $0xF;
	_ =	sdelay $0x1  }
0x4ed: {  	(erf) = vrcp.f32 v1;
	_ =	sdelay $0x8  }
0x4ee: {  	v41 =	vpop (erf)  }
0x4ef: {  	v42 =	vmul.f32 v41, v1;
	_ =	sdelay $0x1  }
0x4f0: {  	v3 =	vsub.f32 $2.000000000e+00, v42;
	_ =	sdelay $0x1  }
0x4f1: {  	v2 =	vmul.f32 v3, v41;
	_ =	sdelay $0x1  }
0x4f2: {  	v1 =	vmul.f32 v2, v1;
	_ =	sdelay $0x1  }
0x4f3: {  	v1 =	vsub.f32 $2.000000000e+00, v1;
	_ =	sdelay $0x1  }
0x4f4: {  	v1 =	vmul.f32 v1, v2;
	_ =	sdelay $0x1  }
0x4f5: {  	v0 =	vmul.f32 v1, v0;
	_ =	sdelay $0x1  }
0x4f6: {  	v0 =	vmax.f32 v0, $-3.000000000e+01  }
0x4f7: {  	v0 =	vmin.f32 v0, $3.000000000e+01  }
0x4f8: {  	(xrf0) =	vmax.scan.msk.f32 $0xffff, v0;
	_ =	sdelay $0x5  }
0x4f9: {  	v43, _, _ =	vpop (xrf0)  }
0x4fa: {  	v1 =	vbroadcast v43, $0xF;
	_ =	sdelay $0x1  }
0x4fb: {  	v1 =	vsub.f32 v0, v1;
	_ =	sdelay $0x1  }
0x4fc: {  	v1 =	vmul.f32 $1.442695020e+00, v1;
	_ =	sdelay $0x1  }
0x4fd: {  	(erf) = vpow2.f32 v1;
	_ =	sdelay $0x8  }
0x4fe: {  	v1 =	vpop (erf)  }
0x4ff: {  	(xrf2) =	vadd.scan.msk.f32 $0xffff, v1;
	_ =	sdelay $0x9  }
0x500: {  	v44, _, _ =	vpop (xrf2)  }
0x501: {  	v2 =	vadd.f32 $0.0e+00, v44;
	_ =	sdelay $0x1  }
0x502: {  	v2 =	vbroadcast v2, $0xF;
	_ =	sdelay $0x1  }
0x503: {  	(erf) = vrcp.f32 v2;
	_ =	sdelay $0x8  }
0x504: {  	v45 =	vpop (erf)  }
0x505: {  	v46 =	vmul.f32 v45, v2;
	_ =	sdelay $0x1  }
0x506: {  	v4 =	vsub.f32 $2.000000000e+00, v46;
	_ =	sdelay $0x1  }
0x507: {  	v3 =	vmul.f32 v4, v45;
	_ =	sdelay $0x1  }
0x508: {  	v2 =	vmul.f32 v3, v2;
	_ =	sdelay $0x1  }
0x509: {  	v2 =	vsub.f32 $2.000000000e+00, v2;
	_ =	sdelay $0x1  }
0x50a: {  	v2 =	vmul.f32 v2, v3;
	_ =	sdelay $0x1  }
0x50b: {  	v1 =	vmul.f32 v2, v1;
	_ =	sdelay $0x1  }
0x50c: {  	(xrf0) =	vmax.scan.msk.f32 $0xffff, v1;
	_ =	sdelay $0x4  }
0x50d: {  	v49 =	vld [tilespmem:$0x1FFE0]  }
0x50e: {  	v47, _, _ =	vpop (xrf0)  }
0x50f: {  	v48 =	vbroadcast v47, $0xF;
	_ =	sdelay $0x1  }
0x510: {  	vm3 =	veq.f32 v1, v48  }
0x511: {  	v50 =	vnsel vm3, $0x80000010, v49  }
0x512: {  	(xrf0) =	vmin.scan.msk.u32 $0xffff, v50;
	_ =	sdelay $0x5  }
0x513: {  	(v2sf) =	vpush v47, $0xF;
	v51, _, _ =	vpop (xrf0)  }
0x514: {  	(v2sf) =	vpush v51, $0xF;
	_ =	sdelay $0xd  }
0x515: {  	s0 =	spop (v2sf)  }
0x516: {  	s1 =	spop (v2sf)  }
0x517: {  	s1 =	sxor.u32 $0x80000000, s1  }
0x518: {  	v58 =	vlaneseq.u32;
	v52 =	vmov s1  }
0x519: {  	vm3 =	veq.s32 v52, v58  }
0x51a: {  	v2 =	vsel vm3, $0xF149F2CA, v1  }
0x51b: {  	(xrf0) =	vmax.scan.msk.f32 $0xffff, v2;
	_ =	sdelay $0x5  }
0x51c: {  	v53, _, _ =	vpop (xrf0)  }
0x51d: {  	(v2sf) =	vpush v53, $0xF;
	_ =	sdelay $0xa  }
0x51e: {  	v4 =	vbroadcast v53, $0xF;
	_ =	sdelay $0x1  }
0x51f: {  	vm4 =	veq.f32 v2, v4  }
0x520: {  	v2 =	vnsel vm4, $0x80000010, v49  }
0x521: {  	(xrf0) =	vmin.scan.msk.u32 $0xffff, v2;
	s2 =	spop (v2sf)  }
0x522: {  	s0 =	sadd.f32 s2, s0;
	_ =	sdelay $0x1  }
0x523: {  	s0 =	sadd.f32 $9.999999970e-07, s0;
	_ =	sdelay $0x1  }
0x524: {  	v54 =	vmov s0  }
0x525: {  	v55, _, _ =	vpop (xrf0);
	(erf) = vrcp.f32 v54  }
0x526: {  	(v2sf) =	vpush v55, $0xF;
	_ =	sdelay $0x7  }
0x527: {  	v56 =	vpop (erf)  }
0x528: {  	v6 =	vld [tilespmem:$0x1FFF0];
	v57 =	vmul.f32 s0, v56;
	_ =	sdelay $0x1  }
0x529: {  	v5 =	vsub.f32 $2.000000000e+00, v57;
	_ =	sdelay $0x1  }
0x52a: {  	v2 =	vmul.f32 v5, v56  }
0x52b: {  	v8 =	vimm.f32 $0.0e+00;
	vm15 =	veq.s32 v6, v58  }
0x52c: {  	v6 =	vsel vm2, $0x3F800000, v8;
	v7 =	vsel vm15, $0x3F800000, v8;
	s18 =	spop (v2sf);
	v5 =	vmul.f32 s0, v2  }
0x52d: {  	v6 =	vadd.f32 v7, v6;
	v60 =	vsel vm3, $0x3F800000, v8;
	s0 =	sxor.u32 $0x80000000, s18  }
0x52e: {  	vm3 =	veq.s32 v58, $0x0;
	v59 =	vmov s0;
	v5 =	vsub.f32 $2.000000000e+00, v5  }
0x52f: {  	v61 =	vadd.f32 v60, v6;
	v4 =	vnsel vm0, $0x0, v4;
	vm2 =	veq.s32 v59, v58  }
0x530: {  	[tilespmem:$0xF690] =	vst v0;
	v62 =	vnsel vm0, $0x0, v59;
	v63 =	vsel vm2, $0x3F800000, v8;
	v2 =	vmul.f32 v5, v2  }
0x531: {  	[tilespmem:$0xF610] =	vst v1;
	v3 =	vsel vm1, v4, v48;
	v0 =	vsel vm3, s1, v62;
	v1 =	vadd.f32 v63, v61  }
0x532: {  	[tilespmem:$0xF790] =	vst v0;
	v2 =	vmul.f32 v2, v3  }
0x533: {  	[tilespmem:$0xF800] =	vst v1  }
0x534: {  	s19 =	rddreg [dreg:$0x1b];
	s20 =	simm.s32 $0xF600;
	s2 =	simm.s32 $0x5;
	[tilespmem:$0xF710] =	vst v2  }
0x535: {  	[hbm4b:s19+s11] =	stream.linear.scatter [tilespmem:s20], [sflag:$0x5], $0x20, $0x38;
	[tilespmem:$0xF880] =	vst v63  }
0x536: {  	_ =	swait.ge [sflag:s2], $0x20  }
0x537: {  	[sflag:s2] =	ssyncset.done $0x0  }
0x538: {  	s22 =	simm.s32 $0xF680;
	s21 =	rddreg [dreg:$0x1c];
	[sflag:s2] =	ssyncadd.s32 $0xFFFFFFE0  }
0x539: {  	[hbm4b:s21+s11] =	stream.linear.scatter [tilespmem:s22], [sflag:$0x5], $0x20, $0x38;
	[tilespmem:$0xF880] =	vst v63  }
0x53a: {  	_ =	swait.ge [sflag:s2], $0x20  }
0x53b: {  	[sflag:s2] =	ssyncset.done $0x0  }
0x53c: {  	s24 =	simm.s32 $0xF700;
	s23 =	rddreg [dreg:$0x1d];
	[sflag:s2] =	ssyncadd.s32 $0xFFFFFFE0  }
0x53d: {  	[hbm4b:s23+s11] =	stream.linear.scatter [tilespmem:s24], [sflag:$0x5], $0x20, $0x38;
	[tilespmem:$0xF880] =	vst v63  }
0x53e: {  	_ =	swait.ge [sflag:s2], $0x20  }
0x53f: {  	[sflag:s2] =	ssyncset.done $0x0  }
0x540: {  	s26 =	simm.s32 $0xF780;
	s25 =	rddreg [dreg:$0x1e];
	[sflag:s2] =	ssyncadd.s32 $0xFFFFFFE0  }
0x541: {  	[hbm4b:s25+s11] =	stream.linear.scatter [tilespmem:s26], [sflag:$0x5], $0x20, $0x38;
	[tilespmem:$0xF880] =	vst v63  }
0x542: {  	_ =	swait.ge [sflag:s2], $0x20  }
0x543: {  	[sflag:s2] =	ssyncset.done $0x0  }
0x544: {  	s29 =	simm.s32 $0xF800;
	s28 =	rddreg [dreg:$0x1f];
	[sflag:s2] =	ssyncadd.s32 $0xFFFFFFE0  }
0x545: {  	[hbm4b:s28+s11] =	stream.linear.scatter [tilespmem:s29], [sflag:$0x5], $0x10, $0x38;
	[tilespmem:$0xF880] =	vst v63  }
0x546: {  	_ =	swait.ge [sflag:s2], $0x10  }
0x547: {  	s30 =	sld [smem:$0x7FC]  }
0x548: {  	s31 =	sld [smem:$0x7FD];
	_ =	sdelay $0x1  }
0x549: {  	s1 =	sadd.s32 $0x1, s30  }
0x54a: {  	p0 =	sne.s32 s1, s31  }
.Ltmp10:
0x54b: {  	_ = 	snop;
	(pc) =	sbr.rel @p0 .LBB2_1-.Ltmp10, $3  }
0x54c: {  	_ =	sdelay $0x1  }
0x54d: {  	[sflag:s2] =	ssyncset.done $0x0  }
0x54e: {  	[sflag:s2] =	ssyncadd.s32 $0xFFFFFFF0  }
0x54f: {  	_ =	sfence.sel $0x180000  }
0x550: {  	[bflag:$0x0] =	sbarrier.arrive $0xFFFF  }
0x551: {  	_ =	strace $0x90000047  }
0x552: {  	s0 =	stileid.u32;
	[bflag:$0x2] =	sbarrier.arrive $0xFFFF  }
0x553: {  	p0 =	sne.s32 s0, $0x0;
	s0 =	rddreg [dreg:$0x4]  }
0x554: {  	s0 =	sadd.s32 @!p0 $0x100000, s0  }
0x555: {  	[sflag:s0] =	ssyncadd.tile.s32 @!p0 $0x1;
	_ =	shalt  }
.Lfunc_end2:
_tile_overlayer_lowered:
.L_overlay_start_2:
0x556: {  	(tag) =	ssettag $0x2  }
0x557: {  	s0 =	rddreg [dreg:$0x0];
	s2 =	stileid.u32  }
0x558: {  	s1 =	rddreg [dreg:$0x1];
	p0 =	sne.s32 s2, $0x0  }
0x559: {  	s3 =	rddreg [dreg:$0x2];
	[bflag:$0x3] =	sbarrier.arrive $0xFFFF;
	s2 =	simm.s32 @!p0 $0x1C05  }
0x55a: {  	[timem:s3], [sflag:s2] =	dma.local @!p0 [hbm:s0], s1  }
0x55b: {  	s0 =	simm.s32 @!p0 $0x5  }
0x55c: {  	_ =	swait.ge @!p0 [sflag:s0], s1  }
0x55d: {  	s1 =	ssub.s32 @!p0 $0x0, s1;
	[sflag:s0] =	ssyncset.done @!p0 $0x0  }
0x55e: {  	[sflag:s0] =	ssyncadd.s32 @!p0 s1  }
0x55f: {  	[bflag:$0x3] =	sbarrier.arrive $0xFFFF  }
0x560: {  	_ =	shalt  }

</sc_bundles>
